<compile_context>
chip_gen: v7x
topology: tpu7x:2x2x1
jax: 0.10.2.dev20260603
libtpu: 0.0.44.dev20260713+nightly
codegen_flags: <defaults>
</compile_context>

<pallas_src>
import jax
import jax.numpy as jnp
from jax import lax
from jax.experimental import pallas as pl
from jax.experimental.pallas import tpu as pltpu
from jax.experimental.pallas import tpu_sc as plsc

N = 10000
E = 320000
D = 128
H = D // 2
NC = 2
NS = 16
EPW = E // NS
NSUP = 10
S = EPW // NSUP
C = 96
HC = C // 2
SP = 2016
NCHN = SP // C
NROT = NCHN // 3
RPT = N // NS
ZFULL = RPT // C
ZREM = RPT % C


def _sc_body(rows4_hbm, cols4_hbm, vr4_hbm, vi4_hbm, xc_hbm,
             out_hbm,
             acc, rows2, gidx2, vrv, viv,
             xg0, xg1, xg2, sg0, sg1, sg2):
    cid = lax.axis_index("c")
    sid = lax.axis_index("s")

    def _zero_buf(r, _):
        z = jnp.zeros((16,), jnp.float32)
        for j in range(8):
            xg0[r, pl.ds(j * 16, 16)] = z
        return 0

    lax.fori_loop(0, C, _zero_buf, 0)
    zbase = sid * RPT
    for t in range(ZFULL):
        pltpu.sync_copy(xg0, acc.at[pl.ds(zbase + t * C, C)])
    pltpu.sync_copy(xg0.at[pl.ds(0, ZREM)],
                    acc.at[pl.ds(zbase + ZFULL * C, ZREM)])
    plsc.subcore_barrier()

    def _start_gather(jj, buf, sem):
        pltpu.async_copy(xc_hbm.at[gidx2.at[jj]], buf, sem)

    def _wait_gather(jj, buf, sem):
        pltpu.make_async_copy(xc_hbm.at[gidx2.at[jj]], buf, sem).wait()

    def _scatter(jj, buf):
        pltpu.sync_copy(buf, acc.at[rows2.at[jj]], add=True)

    def _compute_half(jj, buf, h):
        def _edge(k, _):
            kk = jnp.full((16,), jj * C + k, jnp.int32)
            av = plsc.load_gather(vrv, [kk])
            bv = plsc.load_gather(viv, [kk])
            for j in range(4):
                slr = pl.ds(j * 16, 16)
                sli = pl.ds(H + j * 16, 16)
                xr = buf[k, slr]
                xi = buf[k, sli]
                buf[k, slr] = av * xr - bv * xi
                buf[k, sli] = av * xi + bv * xr
            return 0

        lax.fori_loop(h * HC, (h + 1) * HC, _edge, 0, unroll=4)

    def _third(jj, buf_a, buf_c, sg_a, sg_c):
        _wait_gather(jj, buf_a, sg_a)
        _compute_half(jj, buf_a, 0)

        @pl.when(jj + 2 < NCHN)
        def _():
            _start_gather(jj + 2, buf_c, sg_c)

        _compute_half(jj, buf_a, 1)
        _scatter(jj, buf_a)

    def _super(s, _):
        pltpu.sync_copy(rows4_hbm.at[sid, s], rows2)
        pltpu.sync_copy(cols4_hbm.at[sid, s], gidx2)
        pltpu.sync_copy(vr4_hbm.at[sid, s], vrv)
        pltpu.sync_copy(vi4_hbm.at[sid, s], viv)

        def _idx(jc, _):
            for i in range(C // 16):
                sl = pl.ds(i * 16, 16)
                gidx2[jc, sl] = gidx2[jc, sl] * 2 + cid
            return 0

        lax.fori_loop(0, NCHN, _idx, 0)

        _start_gather(0, xg0, sg0)
        _start_gather(1, xg1, sg1)

        def _rot(r, _):
            _third(3 * r, xg0, xg2, sg0, sg2)
            _third(3 * r + 1, xg1, xg0, sg1, sg0)
            _third(3 * r + 2, xg2, xg1, sg2, sg1)
            return 0

        lax.fori_loop(0, NROT, _rot, 0)
        return 0

    lax.fori_loop(0, NSUP, _super, 0)
    plsc.subcore_barrier()

    for q in range(2):
        pltpu.sync_copy(
            acc.at[pl.ds(sid * RPT, RPT), pl.ds(q * H, H)],
            out_hbm.at[q, pl.ds(sid * RPT, RPT), pl.ds(cid * H, H)],
        )


@jax.jit
def kernel(L_values_real, L_values_imag, x_real, x_imag, L_indices):
    def _pad3(a):
        return jnp.pad(a.reshape(NS, NSUP, S), ((0, 0), (0, 0), (0, SP - S)))

    rows4 = _pad3(L_indices[0]).reshape(NS, NSUP, NCHN, C)
    cols4 = _pad3(L_indices[1]).reshape(NS, NSUP, NCHN, C)
    vr4 = _pad3(L_values_real)
    vi4 = _pad3(L_values_imag)
    xc = jnp.concatenate(
        [x_real.reshape(2 * N, H), x_imag.reshape(2 * N, H)], axis=1)

    mesh = plsc.VectorSubcoreMesh(
        core_axis_name="c", subcore_axis_name="s", num_cores=NC,
        num_subcores=NS)
    f = pl.kernel(
        _sc_body,
        out_type=jax.ShapeDtypeStruct((2, N, D), jnp.float32),
        mesh=mesh,
        compiler_params=pltpu.CompilerParams(use_tc_tiling_on_sc=False,
                                             needs_layout_passes=False),
        scratch_types=[
            pltpu.VMEM_SHARED((N, D), jnp.float32),
            pltpu.VMEM((NCHN, C), jnp.int32),
            pltpu.VMEM((NCHN, C), jnp.int32),
            pltpu.VMEM((SP,), jnp.float32),
            pltpu.VMEM((SP,), jnp.float32),
            pltpu.VMEM((C, D), jnp.float32),
            pltpu.VMEM((C, D), jnp.float32),
            pltpu.VMEM((C, D), jnp.float32),
            pltpu.SemaphoreType.DMA,
            pltpu.SemaphoreType.DMA,
            pltpu.SemaphoreType.DMA,
        ],
    )
    return f(rows4, cols4, vr4, vi4, xc)

# --- scband reference (transcript-rebuilt; emitter-appended) ---
"""Pipeline reference for scband-sheaf-diffusion-60644938219734 (READ-ONLY COPY).

The authoritative reference and input builder live on the scoring server;
editing this copy changes nothing except your own understanding.
"""

import jax, jax.numpy as jnp
import numpy as np

N = 10000
E = 320000
D = 128


def _spmm(indices, values, x, n):
    # torch_sparse.spmm equivalent: out[r] += values[e] * x[c] for edge e=(r,c)
    rows = indices[0]
    cols = indices[1]
    gathered = jnp.take(x, cols, axis=0) * values[:, None]
    return jnp.zeros((n, x.shape[1]), dtype=x.dtype).at[rows].add(gathered)


def setup_inputs(seed: int = 0) -> dict:
    key = jax.random.key(seed)
    ks = jax.random.split(key, 5)
    L_indices = jax.random.randint(ks[0], (2, E), 0, N, dtype=jnp.int32)
    L_values_real = jax.random.normal(ks[1], (E,), dtype=jnp.float32)
    L_values_imag = jax.random.normal(ks[2], (E,), dtype=jnp.float32)
    x_real = jax.random.normal(ks[3], (N, D), dtype=jnp.float32)
    x_imag = jax.random.normal(ks[4], (N, D), dtype=jnp.float32)
    return {
        "L_values_real": L_values_real,
        "L_values_imag": L_values_imag,
        "x_real": x_real,
        "x_imag": x_imag,
        "L_indices": L_indices,
    }


def reference(L_values_real, L_values_imag, x_real, x_imag, L_indices):
    # Faithful port of SheafDiffusion.complex_sparse_multiplication (constrained_direction=False):
    # out = L @ x for complex sparse Laplacian L and complex dense x,
    # computed with 4 real spmm calls exactly like the torch code.
    n = x_real.shape[0]
    out_real = _spmm(L_indices, L_values_real, x_real, n) - _spmm(L_indices, L_values_imag, x_imag, n)
    out_imag = _spmm(L_indices, L_values_real, x_imag, n) + _spmm(L_indices, L_values_imag, x_real, n)
    return jnp.stack([out_real, out_imag], axis=0)

if __name__ == "__main__":
    import jax
    _d = setup_inputs()
    print(jax.jit(kernel)(*tuple(_d.values())))

</pallas_src>

<mosaic_0001>
#map = affine_map<(d0, d1) -> (0, 0, 0, 0)>
#map1 = affine_map<(d0, d1) -> (0, 0, 0)>
#map2 = affine_map<(d0, d1) -> (0, 0)>
module attributes {stable_mosaic.version = 14 : i64} {
  func.func @_sc_body(%arg0: i32, %arg1: i32, %arg2: memref<16x10x21x96xi32, #tpu.memory_space<hbm>>, %arg3: memref<16x10x21x96xi32, #tpu.memory_space<hbm>>, %arg4: memref<16x10x2016xf32, #tpu.memory_space<hbm>>, %arg5: memref<16x10x2016xf32, #tpu.memory_space<hbm>>, %arg6: memref<20000x128xf32, #tpu.memory_space<hbm>>, %arg7: memref<2x10000x128xf32, #tpu.memory_space<hbm>>, %arg8: memref<10000x128xf32, #tpu.memory_space<vmem_shared>>, %arg9: memref<21x96xi32, #tpu.memory_space<vmem>>, %arg10: memref<21x96xi32, #tpu.memory_space<vmem>>, %arg11: memref<2016xf32, #tpu.memory_space<vmem>>, %arg12: memref<2016xf32, #tpu.memory_space<vmem>>, %arg13: memref<96x128xf32, #tpu.memory_space<vmem>>, %arg14: memref<96x128xf32, #tpu.memory_space<vmem>>, %arg15: memref<96x128xf32, #tpu.memory_space<vmem>>, %arg16: memref<!tpu.dma_semaphore, #tpu.memory_space<semaphore_mem>>, %arg17: memref<!tpu.dma_semaphore, #tpu.memory_space<semaphore_mem>>, %arg18: memref<!tpu.dma_semaphore, #tpu.memory_space<semaphore_mem>>) attributes {dimension_semantics = [#tpu.dimension_semantics<core_parallel>, #tpu.dimension_semantics<subcore_parallel>], iteration_bounds = array<i64: 2, 16>, scalar_prefetch = 0 : i64, scratch_operands = 11 : i64, tpu.core_type = #tpu.core_type<sc_vector_subcore>, window_params = [{transform_indices = #map}, {transform_indices = #map}, {transform_indices = #map1}, {transform_indices = #map1}, {transform_indices = #map2}, {transform_indices = #map1}]} {
    %scan3A = arith.constant 0 : i32
    %scan3A_0 = arith.constant 0 : i32
    %scan3A_1 = arith.constant 96 : i32
    %scan3A_2 = arith.addi %scan3A_0, %scan3A_1 : i32
    %scan3A_3 = arith.constant 1 : i32
    %scan3A_4 = scf.for %scan3A_41 = %scan3A_0 to %scan3A_2 step %scan3A_3 iter_args(%scan3A_42 = %scan3A) -> (i32)  : i32 {
      %broadcast_in_dim3A = arith.constant 0.000000e+00 : f32
      %broadcast_in_dim3A_43 = vector.broadcast %broadcast_in_dim3A : f32 to vector<16xf32>
      %swap3A = arith.index_cast %scan3A_41 : i32 to index
      %swap3A_44 = arith.constant 0 : index
      %swap3A_45 = tpu.vector_load %arg13[%swap3A, %swap3A_44] {strides = array<i32>} : memref<96x128xf32, #tpu.memory_space<vmem>>, vector<16xf32>,
      tpu.vector_store %arg13[%swap3A, %swap3A_44], %broadcast_in_dim3A_43 {strides = array<i32>} : memref<96x128xf32, #tpu.memory_space<vmem>>, vector<16xf32>,
      %swap3A_46 = arith.index_cast %scan3A_41 : i32 to index
      %swap3A_47 = arith.constant 16 : index
      %swap3A_48 = tpu.vector_load %arg13[%swap3A_46, %swap3A_47] {strides = array<i32>} : memref<96x128xf32, #tpu.memory_space<vmem>>, vector<16xf32>,
      tpu.vector_store %arg13[%swap3A_46, %swap3A_47], %broadcast_in_dim3A_43 {strides = array<i32>} : memref<96x128xf32, #tpu.memory_space<vmem>>, vector<16xf32>,
      %swap3A_49 = arith.index_cast %scan3A_41 : i32 to index
      %swap3A_50 = arith.constant 32 : index
      %swap3A_51 = tpu.vector_load %arg13[%swap3A_49, %swap3A_50] {strides = array<i32>} : memref<96x128xf32, #tpu.memory_space<vmem>>, vector<16xf32>,
      tpu.vector_store %arg13[%swap3A_49, %swap3A_50], %broadcast_in_dim3A_43 {strides = array<i32>} : memref<96x128xf32, #tpu.memory_space<vmem>>, vector<16xf32>,
      %swap3A_52 = arith.index_cast %scan3A_41 : i32 to index
      %swap3A_53 = arith.constant 48 : index
      %swap3A_54 = tpu.vector_load %arg13[%swap3A_52, %swap3A_53] {strides = array<i32>} : memref<96x128xf32, #tpu.memory_space<vmem>>, vector<16xf32>,
      tpu.vector_store %arg13[%swap3A_52, %swap3A_53], %broadcast_in_dim3A_43 {strides = array<i32>} : memref<96x128xf32, #tpu.memory_space<vmem>>, vector<16xf32>,
      %swap3A_55 = arith.index_cast %scan3A_41 : i32 to index
      %swap3A_56 = arith.constant 64 : index
      %swap3A_57 = tpu.vector_load %arg13[%swap3A_55, %swap3A_56] {strides = array<i32>} : memref<96x128xf32, #tpu.memory_space<vmem>>, vector<16xf32>,
      tpu.vector_store %arg13[%swap3A_55, %swap3A_56], %broadcast_in_dim3A_43 {strides = array<i32>} : memref<96x128xf32, #tpu.memory_space<vmem>>, vector<16xf32>,
      %swap3A_58 = arith.index_cast %scan3A_41 : i32 to index
      %swap3A_59 = arith.constant 80 : index
      %swap3A_60 = tpu.vector_load %arg13[%swap3A_58, %swap3A_59] {strides = array<i32>} : memref<96x128xf32, #tpu.memory_space<vmem>>, vector<16xf32>,
      tpu.vector_store %arg13[%swap3A_58, %swap3A_59], %broadcast_in_dim3A_43 {strides = array<i32>} : memref<96x128xf32, #tpu.memory_space<vmem>>, vector<16xf32>,
      %swap3A_61 = arith.index_cast %scan3A_41 : i32 to index
      %swap3A_62 = arith.constant 96 : index
      %swap3A_63 = tpu.vector_load %arg13[%swap3A_61, %swap3A_62] {strides = array<i32>} : memref<96x128xf32, #tpu.memory_space<vmem>>, vector<16xf32>,
      tpu.vector_store %arg13[%swap3A_61, %swap3A_62], %broadcast_in_dim3A_43 {strides = array<i32>} : memref<96x128xf32, #tpu.memory_space<vmem>>, vector<16xf32>,
      %swap3A_64 = arith.index_cast %scan3A_41 : i32 to index
      %swap3A_65 = arith.constant 112 : index
      %swap3A_66 = tpu.vector_load %arg13[%swap3A_64, %swap3A_65] {strides = array<i32>} : memref<96x128xf32, #tpu.memory_space<vmem>>, vector<16xf32>,
      tpu.vector_store %arg13[%swap3A_64, %swap3A_65], %broadcast_in_dim3A_43 {strides = array<i32>} : memref<96x128xf32, #tpu.memory_space<vmem>>, vector<16xf32>,
      %scan3A_67 = arith.constant 0 : i32
      scf.yield %scan3A_67 : i32
    }
    %scan3A_5 = arith.constant 96 : i32
    %mul3A = arith.constant 625 : i32
    %mul3A_6 = arith.muli %arg1, %mul3A : i32
    %add3A = arith.constant 0 : i32
    %add3A_7 = arith.addi %mul3A_6, %add3A : i32
    "tpu.region"() ({
      %run_scoped3A_41 = tpu.sem_alloc : memref<!tpu.dma_semaphore, #tpu.memory_space<semaphore_mem>>
      %dma_start3A = arith.constant 0 : i32
      %dma_start3A_42 = tpu.memref_slice %arg8[%add3A_7, %dma_start3A] : memref<10000x128xf32, #tpu.memory_space<vmem_shared>> -> memref<96x128xf32, #tpu.memory_space<vmem_shared>>
      %dma_start3A_43 = arith.constant 0 : i32
      %dma_start3A_44 = tpu.memref_slice %arg8[%add3A_7, %dma_start3A_43] : memref<10000x128xf32, #tpu.memory_space<vmem_shared>> -> memref<96x128xf32, #tpu.memory_space<vmem_shared>>
      tpu.enqueue_dma source(%arg13 : memref<96x128xf32, #tpu.memory_space<vmem>>) target(%dma_start3A_44 : memref<96x128xf32, #tpu.memory_space<vmem_shared>>) target_semaphore(%run_scoped3A_41 : memref<!tpu.dma_semaphore, #tpu.memory_space<semaphore_mem>>)
      %dma_wait3A = arith.constant 0 : i32
      %dma_wait3A_45 = tpu.memref_slice %arg8[%add3A_7, %dma_wait3A] : memref<10000x128xf32, #tpu.memory_space<vmem_shared>> -> memref<96x128xf32, #tpu.memory_space<vmem_shared>>
      %dma_wait3A_46 = arith.constant 0 : i32
      %dma_wait3A_47 = tpu.memref_slice %arg8[%add3A_7, %dma_wait3A_46] : memref<10000x128xf32, #tpu.memory_space<vmem_shared>> -> memref<96x128xf32, #tpu.memory_space<vmem_shared>>
      tpu.wait_dma2 semaphore(%run_scoped3A_41 : memref<!tpu.dma_semaphore, #tpu.memory_space<semaphore_mem>>) src(%arg13 : memref<96x128xf32, #tpu.memory_space<vmem>>) dst(%dma_wait3A_47 : memref<96x128xf32, #tpu.memory_space<vmem_shared>>)
      tpu.yield
    }) : () -> ()
    %add3A_8 = arith.constant 96 : i32
    %add3A_9 = arith.addi %mul3A_6, %add3A_8 : i32
    "tpu.region"() ({
      %run_scoped3A_41 = tpu.sem_alloc : memref<!tpu.dma_semaphore, #tpu.memory_space<semaphore_mem>>
      %dma_start3A = arith.constant 0 : i32
      %dma_start3A_42 = tpu.memref_slice %arg8[%add3A_9, %dma_start3A] : memref<10000x128xf32, #tpu.memory_space<vmem_shared>> -> memref<96x128xf32, #tpu.memory_space<vmem_shared>>
      %dma_start3A_43 = arith.constant 0 : i32
      %dma_start3A_44 = tpu.memref_slice %arg8[%add3A_9, %dma_start3A_43] : memref<10000x128xf32, #tpu.memory_space<vmem_shared>> -> memref<96x128xf32, #tpu.memory_space<vmem_shared>>
      tpu.enqueue_dma source(%arg13 : memref<96x128xf32, #tpu.memory_space<vmem>>) target(%dma_start3A_44 : memref<96x128xf32, #tpu.memory_space<vmem_shared>>) target_semaphore(%run_scoped3A_41 : memref<!tpu.dma_semaphore, #tpu.memory_space<semaphore_mem>>)
      %dma_wait3A = arith.constant 0 : i32
      %dma_wait3A_45 = tpu.memref_slice %arg8[%add3A_9, %dma_wait3A] : memref<10000x128xf32, #tpu.memory_space<vmem_shared>> -> memref<96x128xf32, #tpu.memory_space<vmem_shared>>
      %dma_wait3A_46 = arith.constant 0 : i32
      %dma_wait3A_47 = tpu.memref_slice %arg8[%add3A_9, %dma_wait3A_46] : memref<10000x128xf32, #tpu.memory_space<vmem_shared>> -> memref<96x128xf32, #tpu.memory_space<vmem_shared>>
      tpu.wait_dma2 semaphore(%run_scoped3A_41 : memref<!tpu.dma_semaphore, #tpu.memory_space<semaphore_mem>>) src(%arg13 : memref<96x128xf32, #tpu.memory_space<vmem>>) dst(%dma_wait3A_47 : memref<96x128xf32, #tpu.memory_space<vmem_shared>>)
      tpu.yield
    }) : () -> ()
    %add3A_10 = arith.constant 192 : i32
    %add3A_11 = arith.addi %mul3A_6, %add3A_10 : i32
    "tpu.region"() ({
      %run_scoped3A_41 = tpu.sem_alloc : memref<!tpu.dma_semaphore, #tpu.memory_space<semaphore_mem>>
      %dma_start3A = arith.constant 0 : i32
      %dma_start3A_42 = tpu.memref_slice %arg8[%add3A_11, %dma_start3A] : memref<10000x128xf32, #tpu.memory_space<vmem_shared>> -> memref<96x128xf32, #tpu.memory_space<vmem_shared>>
      %dma_start3A_43 = arith.constant 0 : i32
      %dma_start3A_44 = tpu.memref_slice %arg8[%add3A_11, %dma_start3A_43] : memref<10000x128xf32, #tpu.memory_space<vmem_shared>> -> memref<96x128xf32, #tpu.memory_space<vmem_shared>>
      tpu.enqueue_dma source(%arg13 : memref<96x128xf32, #tpu.memory_space<vmem>>) target(%dma_start3A_44 : memref<96x128xf32, #tpu.memory_space<vmem_shared>>) target_semaphore(%run_scoped3A_41 : memref<!tpu.dma_semaphore, #tpu.memory_space<semaphore_mem>>)
      %dma_wait3A = arith.constant 0 : i32
      %dma_wait3A_45 = tpu.memref_slice %arg8[%add3A_11, %dma_wait3A] : memref<10000x128xf32, #tpu.memory_space<vmem_shared>> -> memref<96x128xf32, #tpu.memory_space<vmem_shared>>
      %dma_wait3A_46 = arith.constant 0 : i32
      %dma_wait3A_47 = tpu.memref_slice %arg8[%add3A_11, %dma_wait3A_46] : memref<10000x128xf32, #tpu.memory_space<vmem_shared>> -> memref<96x128xf32, #tpu.memory_space<vmem_shared>>
      tpu.wait_dma2 semaphore(%run_scoped3A_41 : memref<!tpu.dma_semaphore, #tpu.memory_space<semaphore_mem>>) src(%arg13 : memref<96x128xf32, #tpu.memory_space<vmem>>) dst(%dma_wait3A_47 : memref<96x128xf32, #tpu.memory_space<vmem_shared>>)
      tpu.yield
    }) : () -> ()
    %add3A_12 = arith.constant 288 : i32
    %add3A_13 = arith.addi %mul3A_6, %add3A_12 : i32
    "tpu.region"() ({
      %run_scoped3A_41 = tpu.sem_alloc : memref<!tpu.dma_semaphore, #tpu.memory_space<semaphore_mem>>
      %dma_start3A = arith.constant 0 : i32
      %dma_start3A_42 = tpu.memref_slice %arg8[%add3A_13, %dma_start3A] : memref<10000x128xf32, #tpu.memory_space<vmem_shared>> -> memref<96x128xf32, #tpu.memory_space<vmem_shared>>
      %dma_start3A_43 = arith.constant 0 : i32
      %dma_start3A_44 = tpu.memref_slice %arg8[%add3A_13, %dma_start3A_43] : memref<10000x128xf32, #tpu.memory_space<vmem_shared>> -> memref<96x128xf32, #tpu.memory_space<vmem_shared>>
      tpu.enqueue_dma source(%arg13 : memref<96x128xf32, #tpu.memory_space<vmem>>) target(%dma_start3A_44 : memref<96x128xf32, #tpu.memory_space<vmem_shared>>) target_semaphore(%run_scoped3A_41 : memref<!tpu.dma_semaphore, #tpu.memory_space<semaphore_mem>>)
      %dma_wait3A = arith.constant 0 : i32
      %dma_wait3A_45 = tpu.memref_slice %arg8[%add3A_13, %dma_wait3A] : memref<10000x128xf32, #tpu.memory_space<vmem_shared>> -> memref<96x128xf32, #tpu.memory_space<vmem_shared>>
      %dma_wait3A_46 = arith.constant 0 : i32
      %dma_wait3A_47 = tpu.memref_slice %arg8[%add3A_13, %dma_wait3A_46] : memref<10000x128xf32, #tpu.memory_space<vmem_shared>> -> memref<96x128xf32, #tpu.memory_space<vmem_shared>>
      tpu.wait_dma2 semaphore(%run_scoped3A_41 : memref<!tpu.dma_semaphore, #tpu.memory_space<semaphore_mem>>) src(%arg13 : memref<96x128xf32, #tpu.memory_space<vmem>>) dst(%dma_wait3A_47 : memref<96x128xf32, #tpu.memory_space<vmem_shared>>)
      tpu.yield
    }) : () -> ()
    %add3A_14 = arith.constant 384 : i32
    %add3A_15 = arith.addi %mul3A_6, %add3A_14 : i32
    "tpu.region"() ({
      %run_scoped3A_41 = tpu.sem_alloc : memref<!tpu.dma_semaphore, #tpu.memory_space<semaphore_mem>>
      %dma_start3A = arith.constant 0 : i32
      %dma_start3A_42 = tpu.memref_slice %arg8[%add3A_15, %dma_start3A] : memref<10000x128xf32, #tpu.memory_space<vmem_shared>> -> memref<96x128xf32, #tpu.memory_space<vmem_shared>>
      %dma_start3A_43 = arith.constant 0 : i32
      %dma_start3A_44 = tpu.memref_slice %arg8[%add3A_15, %dma_start3A_43] : memref<10000x128xf32, #tpu.memory_space<vmem_shared>> -> memref<96x128xf32, #tpu.memory_space<vmem_shared>>
      tpu.enqueue_dma source(%arg13 : memref<96x128xf32, #tpu.memory_space<vmem>>) target(%dma_start3A_44 : memref<96x128xf32, #tpu.memory_space<vmem_shared>>) target_semaphore(%run_scoped3A_41 : memref<!tpu.dma_semaphore, #tpu.memory_space<semaphore_mem>>)
      %dma_wait3A = arith.constant 0 : i32
      %dma_wait3A_45 = tpu.memref_slice %arg8[%add3A_15, %dma_wait3A] : memref<10000x128xf32, #tpu.memory_space<vmem_shared>> -> memref<96x128xf32, #tpu.memory_space<vmem_shared>>
      %dma_wait3A_46 = arith.constant 0 : i32
      %dma_wait3A_47 = tpu.memref_slice %arg8[%add3A_15, %dma_wait3A_46] : memref<10000x128xf32, #tpu.memory_space<vmem_shared>> -> memref<96x128xf32, #tpu.memory_space<vmem_shared>>
      tpu.wait_dma2 semaphore(%run_scoped3A_41 : memref<!tpu.dma_semaphore, #tpu.memory_space<semaphore_mem>>) src(%arg13 : memref<96x128xf32, #tpu.memory_space<vmem>>) dst(%dma_wait3A_47 : memref<96x128xf32, #tpu.memory_space<vmem_shared>>)
      tpu.yield
    }) : () -> ()
    %add3A_16 = arith.constant 480 : i32
    %add3A_17 = arith.addi %mul3A_6, %add3A_16 : i32
    "tpu.region"() ({
      %run_scoped3A_41 = tpu.sem_alloc : memref<!tpu.dma_semaphore, #tpu.memory_space<semaphore_mem>>
      %dma_start3A = arith.constant 0 : i32
      %dma_start3A_42 = tpu.memref_slice %arg8[%add3A_17, %dma_start3A] : memref<10000x128xf32, #tpu.memory_space<vmem_shared>> -> memref<96x128xf32, #tpu.memory_space<vmem_shared>>
      %dma_start3A_43 = arith.constant 0 : i32
      %dma_start3A_44 = tpu.memref_slice %arg8[%add3A_17, %dma_start3A_43] : memref<10000x128xf32, #tpu.memory_space<vmem_shared>> -> memref<96x128xf32, #tpu.memory_space<vmem_shared>>
      tpu.enqueue_dma source(%arg13 : memref<96x128xf32, #tpu.memory_space<vmem>>) target(%dma_start3A_44 : memref<96x128xf32, #tpu.memory_space<vmem_shared>>) target_semaphore(%run_scoped3A_41 : memref<!tpu.dma_semaphore, #tpu.memory_space<semaphore_mem>>)
      %dma_wait3A = arith.constant 0 : i32
      %dma_wait3A_45 = tpu.memref_slice %arg8[%add3A_17, %dma_wait3A] : memref<10000x128xf32, #tpu.memory_space<vmem_shared>> -> memref<96x128xf32, #tpu.memory_space<vmem_shared>>
      %dma_wait3A_46 = arith.constant 0 : i32
      %dma_wait3A_47 = tpu.memref_slice %arg8[%add3A_17, %dma_wait3A_46] : memref<10000x128xf32, #tpu.memory_space<vmem_shared>> -> memref<96x128xf32, #tpu.memory_space<vmem_shared>>
      tpu.wait_dma2 semaphore(%run_scoped3A_41 : memref<!tpu.dma_semaphore, #tpu.memory_space<semaphore_mem>>) src(%arg13 : memref<96x128xf32, #tpu.memory_space<vmem>>) dst(%dma_wait3A_47 : memref<96x128xf32, #tpu.memory_space<vmem_shared>>)
      tpu.yield
    }) : () -> ()
    %add3A_18 = arith.constant 576 : i32
    %add3A_19 = arith.addi %mul3A_6, %add3A_18 : i32
    "tpu.region"() ({
      %run_scoped3A_41 = tpu.sem_alloc : memref<!tpu.dma_semaphore, #tpu.memory_space<semaphore_mem>>
      %dma_start3A = arith.constant 0 : i32
      %dma_start3A_42 = arith.constant 0 : i32
      %dma_start3A_43 = tpu.memref_slice %arg13[%dma_start3A, %dma_start3A_42] : memref<96x128xf32, #tpu.memory_space<vmem>> -> memref<49x128xf32, #tpu.memory_space<vmem>>
      %dma_start3A_44 = arith.constant 0 : i32
      %dma_start3A_45 = tpu.memref_slice %arg8[%add3A_19, %dma_start3A_44] : memref<10000x128xf32, #tpu.memory_space<vmem_shared>> -> memref<49x128xf32, #tpu.memory_space<vmem_shared>>
      %dma_start3A_46 = arith.constant 0 : i32
      %dma_start3A_47 = tpu.memref_slice %arg8[%add3A_19, %dma_start3A_46] : memref<10000x128xf32, #tpu.memory_space<vmem_shared>> -> memref<49x128xf32, #tpu.memory_space<vmem_shared>>
      %dma_start3A_48 = arith.constant 0 : i32
      %dma_start3A_49 = arith.constant 0 : i32
      %dma_start3A_50 = tpu.memref_slice %arg13[%dma_start3A_48, %dma_start3A_49] : memref<96x128xf32, #tpu.memory_space<vmem>> -> memref<49x128xf32, #tpu.memory_space<vmem>>
      tpu.enqueue_dma source(%dma_start3A_50 : memref<49x128xf32, #tpu.memory_space<vmem>>) target(%dma_start3A_47 : memref<49x128xf32, #tpu.memory_space<vmem_shared>>) target_semaphore(%run_scoped3A_41 : memref<!tpu.dma_semaphore, #tpu.memory_space<semaphore_mem>>)
      %dma_wait3A = arith.constant 0 : i32
      %dma_wait3A_51 = arith.constant 0 : i32
      %dma_wait3A_52 = tpu.memref_slice %arg13[%dma_wait3A, %dma_wait3A_51] : memref<96x128xf32, #tpu.memory_space<vmem>> -> memref<49x128xf32, #tpu.memory_space<vmem>>
      %dma_wait3A_53 = arith.constant 0 : i32
      %dma_wait3A_54 = tpu.memref_slice %arg8[%add3A_19, %dma_wait3A_53] : memref<10000x128xf32, #tpu.memory_space<vmem_shared>> -> memref<49x128xf32, #tpu.memory_space<vmem_shared>>
      %dma_wait3A_55 = arith.constant 0 : i32
      %dma_wait3A_56 = tpu.memref_slice %arg8[%add3A_19, %dma_wait3A_55] : memref<10000x128xf32, #tpu.memory_space<vmem_shared>> -> memref<49x128xf32, #tpu.memory_space<vmem_shared>>
      %dma_wait3A_57 = arith.constant 0 : i32
      %dma_wait3A_58 = arith.constant 0 : i32
      %dma_wait3A_59 = tpu.memref_slice %arg13[%dma_wait3A_57, %dma_wait3A_58] : memref<96x128xf32, #tpu.memory_space<vmem>> -> memref<49x128xf32, #tpu.memory_space<vmem>>
      tpu.wait_dma2 semaphore(%run_scoped3A_41 : memref<!tpu.dma_semaphore, #tpu.memory_space<semaphore_mem>>) src(%dma_wait3A_59 : memref<49x128xf32, #tpu.memory_space<vmem>>) dst(%dma_wait3A_56 : memref<49x128xf32, #tpu.memory_space<vmem_shared>>)
      tpu.yield
    }) : () -> ()
    %barrier3A = arith.constant 0 : index
    tpu.barrier barrier_id(%barrier3A)
    %scan3A_20 = arith.constant 0 : i32
    %scan3A_21 = arith.constant 0 : i32
    %scan3A_22 = arith.constant 10 : i32
    %scan3A_23 = arith.addi %scan3A_21, %scan3A_22 : i32
    %scan3A_24 = arith.constant 1 : i32
    %scan3A_25 = scf.for %scan3A_41 = %scan3A_21 to %scan3A_23 step %scan3A_24 iter_args(%scan3A_42 = %scan3A_20) -> (i32)  : i32 {
      "tpu.region"() ({
        %run_scoped3A_71 = tpu.sem_alloc : memref<!tpu.dma_semaphore, #tpu.memory_space<semaphore_mem>>
        %dma_start3A_72 = arith.constant 0 : i32
        %dma_start3A_73 = arith.constant 0 : i32
        %dma_start3A_74 = tpu.memref_slice %arg2[%arg1, %scan3A_41, %dma_start3A_72, %dma_start3A_73] : memref<16x10x21x96xi32, #tpu.memory_space<hbm>> -> memref<1x1x21x96xi32, #tpu.memory_space<hbm>>
        %dma_start3A_75 = tpu.memref_squeeze %dma_start3A_74 : memref<1x1x21x96xi32, #tpu.memory_space<hbm>> -> memref<21x96xi32, #tpu.memory_space<hbm>>
        %dma_start3A_76 = arith.constant 0 : i32
        %dma_start3A_77 = arith.constant 0 : i32
        %dma_start3A_78 = tpu.memref_slice %arg2[%arg1, %scan3A_41, %dma_start3A_76, %dma_start3A_77] : memref<16x10x21x96xi32, #tpu.memory_space<hbm>> -> memref<1x1x21x96xi32, #tpu.memory_space<hbm>>
        %dma_start3A_79 = tpu.memref_squeeze %dma_start3A_78 : memref<1x1x21x96xi32, #tpu.memory_space<hbm>> -> memref<21x96xi32, #tpu.memory_space<hbm>>
        tpu.enqueue_dma source(%dma_start3A_79 : memref<21x96xi32, #tpu.memory_space<hbm>>) target(%arg9 : memref<21x96xi32, #tpu.memory_space<vmem>>) target_semaphore(%run_scoped3A_71 : memref<!tpu.dma_semaphore, #tpu.memory_space<semaphore_mem>>)
        %dma_wait3A = arith.constant 0 : i32
        %dma_wait3A_80 = arith.constant 0 : i32
        %dma_wait3A_81 = tpu.memref_slice %arg2[%arg1, %scan3A_41, %dma_wait3A, %dma_wait3A_80] : memref<16x10x21x96xi32, #tpu.memory_space<hbm>> -> memref<1x1x21x96xi32, #tpu.memory_space<hbm>>
        %dma_wait3A_82 = tpu.memref_squeeze %dma_wait3A_81 : memref<1x1x21x96xi32, #tpu.memory_space<hbm>> -> memref<21x96xi32, #tpu.memory_space<hbm>>
        %dma_wait3A_83 = arith.constant 0 : i32
        %dma_wait3A_84 = arith.constant 0 : i32
        %dma_wait3A_85 = tpu.memref_slice %arg2[%arg1, %scan3A_41, %dma_wait3A_83, %dma_wait3A_84] : memref<16x10x21x96xi32, #tpu.memory_space<hbm>> -> memref<1x1x21x96xi32, #tpu.memory_space<hbm>>
        %dma_wait3A_86 = tpu.memref_squeeze %dma_wait3A_85 : memref<1x1x21x96xi32, #tpu.memory_space<hbm>> -> memref<21x96xi32, #tpu.memory_space<hbm>>
        tpu.wait_dma2 semaphore(%run_scoped3A_71 : memref<!tpu.dma_semaphore, #tpu.memory_space<semaphore_mem>>) src(%dma_wait3A_86 : memref<21x96xi32, #tpu.memory_space<hbm>>) dst(%arg9 : memref<21x96xi32, #tpu.memory_space<vmem>>)
        tpu.yield
      }) : () -> ()
      "tpu.region"() ({
        %run_scoped3A_71 = tpu.sem_alloc : memref<!tpu.dma_semaphore, #tpu.memory_space<semaphore_mem>>
        %dma_start3A_72 = arith.constant 0 : i32
        %dma_start3A_73 = arith.constant 0 : i32
        %dma_start3A_74 = tpu.memref_slice %arg3[%arg1, %scan3A_41, %dma_start3A_72, %dma_start3A_73] : memref<16x10x21x96xi32, #tpu.memory_space<hbm>> -> memref<1x1x21x96xi32, #tpu.memory_space<hbm>>
        %dma_start3A_75 = tpu.memref_squeeze %dma_start3A_74 : memref<1x1x21x96xi32, #tpu.memory_space<hbm>> -> memref<21x96xi32, #tpu.memory_space<hbm>>
        %dma_start3A_76 = arith.constant 0 : i32
        %dma_start3A_77 = arith.constant 0 : i32
        %dma_start3A_78 = tpu.memref_slice %arg3[%arg1, %scan3A_41, %dma_start3A_76, %dma_start3A_77] : memref<16x10x21x96xi32, #tpu.memory_space<hbm>> -> memref<1x1x21x96xi32, #tpu.memory_space<hbm>>
        %dma_start3A_79 = tpu.memref_squeeze %dma_start3A_78 : memref<1x1x21x96xi32, #tpu.memory_space<hbm>> -> memref<21x96xi32, #tpu.memory_space<hbm>>
        tpu.enqueue_dma source(%dma_start3A_79 : memref<21x96xi32, #tpu.memory_space<hbm>>) target(%arg10 : memref<21x96xi32, #tpu.memory_space<vmem>>) target_semaphore(%run_scoped3A_71 : memref<!tpu.dma_semaphore, #tpu.memory_space<semaphore_mem>>)
        %dma_wait3A = arith.constant 0 : i32
        %dma_wait3A_80 = arith.constant 0 : i32
        %dma_wait3A_81 = tpu.memref_slice %arg3[%arg1, %scan3A_41, %dma_wait3A, %dma_wait3A_80] : memref<16x10x21x96xi32, #tpu.memory_space<hbm>> -> memref<1x1x21x96xi32, #tpu.memory_space<hbm>>
        %dma_wait3A_82 = tpu.memref_squeeze %dma_wait3A_81 : memref<1x1x21x96xi32, #tpu.memory_space<hbm>> -> memref<21x96xi32, #tpu.memory_space<hbm>>
        %dma_wait3A_83 = arith.constant 0 : i32
        %dma_wait3A_84 = arith.constant 0 : i32
        %dma_wait3A_85 = tpu.memref_slice %arg3[%arg1, %scan3A_41, %dma_wait3A_83, %dma_wait3A_84] : memref<16x10x21x96xi32, #tpu.memory_space<hbm>> -> memref<1x1x21x96xi32, #tpu.memory_space<hbm>>
        %dma_wait3A_86 = tpu.memref_squeeze %dma_wait3A_85 : memref<1x1x21x96xi32, #tpu.memory_space<hbm>> -> memref<21x96xi32, #tpu.memory_space<hbm>>
        tpu.wait_dma2 semaphore(%run_scoped3A_71 : memref<!tpu.dma_semaphore, #tpu.memory_space<semaphore_mem>>) src(%dma_wait3A_86 : memref<21x96xi32, #tpu.memory_space<hbm>>) dst(%arg10 : memref<21x96xi32, #tpu.memory_space<vmem>>)
        tpu.yield
      }) : () -> ()
      "tpu.region"() ({
        %run_scoped3A_71 = tpu.sem_alloc : memref<!tpu.dma_semaphore, #tpu.memory_space<semaphore_mem>>
        %dma_start3A_72 = arith.constant 0 : i32
        %dma_start3A_73 = tpu.memref_slice %arg4[%arg1, %scan3A_41, %dma_start3A_72] : memref<16x10x2016xf32, #tpu.memory_space<hbm>> -> memref<1x1x2016xf32, #tpu.memory_space<hbm>>
        %dma_start3A_74 = tpu.memref_squeeze %dma_start3A_73 : memref<1x1x2016xf32, #tpu.memory_space<hbm>> -> memref<2016xf32, #tpu.memory_space<hbm>>
        %dma_start3A_75 = arith.constant 0 : i32
        %dma_start3A_76 = tpu.memref_slice %arg4[%arg1, %scan3A_41, %dma_start3A_75] : memref<16x10x2016xf32, #tpu.memory_space<hbm>> -> memref<1x1x2016xf32, #tpu.memory_space<hbm>>
        %dma_start3A_77 = tpu.memref_squeeze %dma_start3A_76 : memref<1x1x2016xf32, #tpu.memory_space<hbm>> -> memref<2016xf32, #tpu.memory_space<hbm>>
        tpu.enqueue_dma source(%dma_start3A_77 : memref<2016xf32, #tpu.memory_space<hbm>>) target(%arg11 : memref<2016xf32, #tpu.memory_space<vmem>>) target_semaphore(%run_scoped3A_71 : memref<!tpu.dma_semaphore, #tpu.memory_space<semaphore_mem>>)
        %dma_wait3A = arith.constant 0 : i32
        %dma_wait3A_78 = tpu.memref_slice %arg4[%arg1, %scan3A_41, %dma_wait3A] : memref<16x10x2016xf32, #tpu.memory_space<hbm>> -> memref<1x1x2016xf32, #tpu.memory_space<hbm>>
        %dma_wait3A_79 = tpu.memref_squeeze %dma_wait3A_78 : memref<1x1x2016xf32, #tpu.memory_space<hbm>> -> memref<2016xf32, #tpu.memory_space<hbm>>
        %dma_wait3A_80 = arith.constant 0 : i32
        %dma_wait3A_81 = tpu.memref_slice %arg4[%arg1, %scan3A_41, %dma_wait3A_80] : memref<16x10x2016xf32, #tpu.memory_space<hbm>> -> memref<1x1x2016xf32, #tpu.memory_space<hbm>>
        %dma_wait3A_82 = tpu.memref_squeeze %dma_wait3A_81 : memref<1x1x2016xf32, #tpu.memory_space<hbm>> -> memref<2016xf32, #tpu.memory_space<hbm>>
        tpu.wait_dma2 semaphore(%run_scoped3A_71 : memref<!tpu.dma_semaphore, #tpu.memory_space<semaphore_mem>>) src(%dma_wait3A_82 : memref<2016xf32, #tpu.memory_space<hbm>>) dst(%arg11 : memref<2016xf32, #tpu.memory_space<vmem>>)
        tpu.yield
      }) : () -> ()
      "tpu.region"() ({
        %run_scoped3A_71 = tpu.sem_alloc : memref<!tpu.dma_semaphore, #tpu.memory_space<semaphore_mem>>
        %dma_start3A_72 = arith.constant 0 : i32
        %dma_start3A_73 = tpu.memref_slice %arg5[%arg1, %scan3A_41, %dma_start3A_72] : memref<16x10x2016xf32, #tpu.memory_space<hbm>> -> memref<1x1x2016xf32, #tpu.memory_space<hbm>>
        %dma_start3A_74 = tpu.memref_squeeze %dma_start3A_73 : memref<1x1x2016xf32, #tpu.memory_space<hbm>> -> memref<2016xf32, #tpu.memory_space<hbm>>
        %dma_start3A_75 = arith.constant 0 : i32
        %dma_start3A_76 = tpu.memref_slice %arg5[%arg1, %scan3A_41, %dma_start3A_75] : memref<16x10x2016xf32, #tpu.memory_space<hbm>> -> memref<1x1x2016xf32, #tpu.memory_space<hbm>>
        %dma_start3A_77 = tpu.memref_squeeze %dma_start3A_76 : memref<1x1x2016xf32, #tpu.memory_space<hbm>> -> memref<2016xf32, #tpu.memory_space<hbm>>
        tpu.enqueue_dma source(%dma_start3A_77 : memref<2016xf32, #tpu.memory_space<hbm>>) target(%arg12 : memref<2016xf32, #tpu.memory_space<vmem>>) target_semaphore(%run_scoped3A_71 : memref<!tpu.dma_semaphore, #tpu.memory_space<semaphore_mem>>)
        %dma_wait3A = arith.constant 0 : i32
        %dma_wait3A_78 = tpu.memref_slice %arg5[%arg1, %scan3A_41, %dma_wait3A] : memref<16x10x2016xf32, #tpu.memory_space<hbm>> -> memref<1x1x2016xf32, #tpu.memory_space<hbm>>
        %dma_wait3A_79 = tpu.memref_squeeze %dma_wait3A_78 : memref<1x1x2016xf32, #tpu.memory_space<hbm>> -> memref<2016xf32, #tpu.memory_space<hbm>>
        %dma_wait3A_80 = arith.constant 0 : i32
        %dma_wait3A_81 = tpu.memref_slice %arg5[%arg1, %scan3A_41, %dma_wait3A_80] : memref<16x10x2016xf32, #tpu.memory_space<hbm>> -> memref<1x1x2016xf32, #tpu.memory_space<hbm>>
        %dma_wait3A_82 = tpu.memref_squeeze %dma_wait3A_81 : memref<1x1x2016xf32, #tpu.memory_space<hbm>> -> memref<2016xf32, #tpu.memory_space<hbm>>
        tpu.wait_dma2 semaphore(%run_scoped3A_71 : memref<!tpu.dma_semaphore, #tpu.memory_space<semaphore_mem>>) src(%dma_wait3A_82 : memref<2016xf32, #tpu.memory_space<hbm>>) dst(%arg12 : memref<2016xf32, #tpu.memory_space<vmem>>)
        tpu.yield
      }) : () -> ()
      %scan3A_43 = arith.constant 0 : i32
      %scan3A_44 = arith.constant 0 : i32
      %scan3A_45 = arith.constant 21 : i32
      %scan3A_46 = arith.addi %scan3A_44, %scan3A_45 : i32
      %scan3A_47 = arith.constant 1 : i32
      %scan3A_48 = scf.for %scan3A_71 = %scan3A_44 to %scan3A_46 step %scan3A_47 iter_args(%scan3A_72 = %scan3A_43) -> (i32)  : i32 {
        %get3A = arith.index_cast %scan3A_71 : i32 to index
        %get3A_73 = arith.constant 0 : index
        %get3A_74 = tpu.vector_load %arg10[%get3A, %get3A_73] {strides = array<i32>} : memref<21x96xi32, #tpu.memory_space<vmem>>, vector<16xi32>,
        %mul3A_75 = arith.constant 2 : i32
        %mul3A_76 = vector.broadcast %mul3A_75 : i32 to vector<16xi32>
        %mul3A_77 = arith.muli %get3A_74, %mul3A_76 : vector<16xi32>
        %add3A_78 = vector.broadcast %arg0 : i32 to vector<16xi32>
        %add3A_79 = arith.addi %mul3A_77, %add3A_78 : vector<16xi32>
        %swap3A = arith.index_cast %scan3A_71 : i32 to index
        %swap3A_80 = arith.constant 0 : index
        %swap3A_81 = tpu.vector_load %arg10[%swap3A, %swap3A_80] {strides = array<i32>} : memref<21x96xi32, #tpu.memory_space<vmem>>, vector<16xi32>,
        tpu.vector_store %arg10[%swap3A, %swap3A_80], %add3A_79 {strides = array<i32>} : memref<21x96xi32, #tpu.memory_space<vmem>>, vector<16xi32>,
        %get3A_82 = arith.index_cast %scan3A_71 : i32 to index
        %get3A_83 = arith.constant 16 : index
        %get3A_84 = tpu.vector_load %arg10[%get3A_82, %get3A_83] {strides = array<i32>} : memref<21x96xi32, #tpu.memory_space<vmem>>, vector<16xi32>,
        %mul3A_85 = arith.constant 2 : i32
        %mul3A_86 = vector.broadcast %mul3A_85 : i32 to vector<16xi32>
        %mul3A_87 = arith.muli %get3A_84, %mul3A_86 : vector<16xi32>
        %add3A_88 = vector.broadcast %arg0 : i32 to vector<16xi32>
        %add3A_89 = arith.addi %mul3A_87, %add3A_88 : vector<16xi32>
        %swap3A_90 = arith.index_cast %scan3A_71 : i32 to index
        %swap3A_91 = arith.constant 16 : index
        %swap3A_92 = tpu.vector_load %arg10[%swap3A_90, %swap3A_91] {strides = array<i32>} : memref<21x96xi32, #tpu.memory_space<vmem>>, vector<16xi32>,
        tpu.vector_store %arg10[%swap3A_90, %swap3A_91], %add3A_89 {strides = array<i32>} : memref<21x96xi32, #tpu.memory_space<vmem>>, vector<16xi32>,
        %get3A_93 = arith.index_cast %scan3A_71 : i32 to index
        %get3A_94 = arith.constant 32 : index
        %get3A_95 = tpu.vector_load %arg10[%get3A_93, %get3A_94] {strides = array<i32>} : memref<21x96xi32, #tpu.memory_space<vmem>>, vector<16xi32>,
        %mul3A_96 = arith.constant 2 : i32
        %mul3A_97 = vector.broadcast %mul3A_96 : i32 to vector<16xi32>
        %mul3A_98 = arith.muli %get3A_95, %mul3A_97 : vector<16xi32>
        %add3A_99 = vector.broadcast %arg0 : i32 to vector<16xi32>
        %add3A_100 = arith.addi %mul3A_98, %add3A_99 : vector<16xi32>
        %swap3A_101 = arith.index_cast %scan3A_71 : i32 to index
        %swap3A_102 = arith.constant 32 : index
        %swap3A_103 = tpu.vector_load %arg10[%swap3A_101, %swap3A_102] {strides = array<i32>} : memref<21x96xi32, #tpu.memory_space<vmem>>, vector<16xi32>,
        tpu.vector_store %arg10[%swap3A_101, %swap3A_102], %add3A_100 {strides = array<i32>} : memref<21x96xi32, #tpu.memory_space<vmem>>, vector<16xi32>,
        %get3A_104 = arith.index_cast %scan3A_71 : i32 to index
        %get3A_105 = arith.constant 48 : index
        %get3A_106 = tpu.vector_load %arg10[%get3A_104, %get3A_105] {strides = array<i32>} : memref<21x96xi32, #tpu.memory_space<vmem>>, vector<16xi32>,
        %mul3A_107 = arith.constant 2 : i32
        %mul3A_108 = vector.broadcast %mul3A_107 : i32 to vector<16xi32>
        %mul3A_109 = arith.muli %get3A_106, %mul3A_108 : vector<16xi32>
        %add3A_110 = vector.broadcast %arg0 : i32 to vector<16xi32>
        %add3A_111 = arith.addi %mul3A_109, %add3A_110 : vector<16xi32>
        %swap3A_112 = arith.index_cast %scan3A_71 : i32 to index
        %swap3A_113 = arith.constant 48 : index
        %swap3A_114 = tpu.vector_load %arg10[%swap3A_112, %swap3A_113] {strides = array<i32>} : memref<21x96xi32, #tpu.memory_space<vmem>>, vector<16xi32>,
        tpu.vector_store %arg10[%swap3A_112, %swap3A_113], %add3A_111 {strides = array<i32>} : memref<21x96xi32, #tpu.memory_space<vmem>>, vector<16xi32>,
        %get3A_115 = arith.index_cast %scan3A_71 : i32 to index
        %get3A_116 = arith.constant 64 : index
        %get3A_117 = tpu.vector_load %arg10[%get3A_115, %get3A_116] {strides = array<i32>} : memref<21x96xi32, #tpu.memory_space<vmem>>, vector<16xi32>,
        %mul3A_118 = arith.constant 2 : i32
        %mul3A_119 = vector.broadcast %mul3A_118 : i32 to vector<16xi32>
        %mul3A_120 = arith.muli %get3A_117, %mul3A_119 : vector<16xi32>
        %add3A_121 = vector.broadcast %arg0 : i32 to vector<16xi32>
        %add3A_122 = arith.addi %mul3A_120, %add3A_121 : vector<16xi32>
        %swap3A_123 = arith.index_cast %scan3A_71 : i32 to index
        %swap3A_124 = arith.constant 64 : index
        %swap3A_125 = tpu.vector_load %arg10[%swap3A_123, %swap3A_124] {strides = array<i32>} : memref<21x96xi32, #tpu.memory_space<vmem>>, vector<16xi32>,
        tpu.vector_store %arg10[%swap3A_123, %swap3A_124], %add3A_122 {strides = array<i32>} : memref<21x96xi32, #tpu.memory_space<vmem>>, vector<16xi32>,
        %get3A_126 = arith.index_cast %scan3A_71 : i32 to index
        %get3A_127 = arith.constant 80 : index
        %get3A_128 = tpu.vector_load %arg10[%get3A_126, %get3A_127] {strides = array<i32>} : memref<21x96xi32, #tpu.memory_space<vmem>>, vector<16xi32>,
        %mul3A_129 = arith.constant 2 : i32
        %mul3A_130 = vector.broadcast %mul3A_129 : i32 to vector<16xi32>
        %mul3A_131 = arith.muli %get3A_128, %mul3A_130 : vector<16xi32>
        %add3A_132 = vector.broadcast %arg0 : i32 to vector<16xi32>
        %add3A_133 = arith.addi %mul3A_131, %add3A_132 : vector<16xi32>
        %swap3A_134 = arith.index_cast %scan3A_71 : i32 to index
        %swap3A_135 = arith.constant 80 : index
        %swap3A_136 = tpu.vector_load %arg10[%swap3A_134, %swap3A_135] {strides = array<i32>} : memref<21x96xi32, #tpu.memory_space<vmem>>, vector<16xi32>,
        tpu.vector_store %arg10[%swap3A_134, %swap3A_135], %add3A_133 {strides = array<i32>} : memref<21x96xi32, #tpu.memory_space<vmem>>, vector<16xi32>,
        %scan3A_137 = arith.constant 0 : i32
        scf.yield %scan3A_137 : i32
      }
      %scan3A_49 = arith.constant 21 : i32
      %dma_start3A = arith.constant 0 : i32
      %dma_start3A_50 = arith.constant 0 : i32
      %dma_start3A_51 = tpu.memref_slice %arg10[%dma_start3A, %dma_start3A_50] : memref<21x96xi32, #tpu.memory_space<vmem>> -> memref<1x96xi32, #tpu.memory_space<vmem>>
      %dma_start3A_52 = tpu.memref_squeeze %dma_start3A_51 : memref<1x96xi32, #tpu.memory_space<vmem>> -> memref<96xi32, #tpu.memory_space<vmem>>
      %dma_start3A_53 = arith.constant 0 : i32
      %dma_start3A_54 = arith.constant 0 : i32
      %dma_start3A_55 = tpu.memref_slice %arg6[%dma_start3A_53, %dma_start3A_54] : memref<20000x128xf32, #tpu.memory_space<hbm>> -> memref<20000x128xf32, #tpu.memory_space<hbm>>
      tpu.enqueue_indirect_dma source(%dma_start3A_55 : memref<20000x128xf32, #tpu.memory_space<hbm>>) target(%arg13 : memref<96x128xf32, #tpu.memory_space<vmem>>) offsets(%dma_start3A_52 : memref<96xi32, #tpu.memory_space<vmem>>) semaphore(%arg16 : memref<!tpu.dma_semaphore, #tpu.memory_space<semaphore_mem>>)
      %dma_start3A_56 = arith.constant 1 : i32
      %dma_start3A_57 = arith.constant 0 : i32
      %dma_start3A_58 = tpu.memref_slice %arg10[%dma_start3A_56, %dma_start3A_57] : memref<21x96xi32, #tpu.memory_space<vmem>> -> memref<1x96xi32, #tpu.memory_space<vmem>>
      %dma_start3A_59 = tpu.memref_squeeze %dma_start3A_58 : memref<1x96xi32, #tpu.memory_space<vmem>> -> memref<96xi32, #tpu.memory_space<vmem>>
      %dma_start3A_60 = arith.constant 0 : i32
      %dma_start3A_61 = arith.constant 0 : i32
      %dma_start3A_62 = tpu.memref_slice %arg6[%dma_start3A_60, %dma_start3A_61] : memref<20000x128xf32, #tpu.memory_space<hbm>> -> memref<20000x128xf32, #tpu.memory_space<hbm>>
      tpu.enqueue_indirect_dma source(%dma_start3A_62 : memref<20000x128xf32, #tpu.memory_space<hbm>>) target(%arg14 : memref<96x128xf32, #tpu.memory_space<vmem>>) offsets(%dma_start3A_59 : memref<96xi32, #tpu.memory_space<vmem>>) semaphore(%arg17 : memref<!tpu.dma_semaphore, #tpu.memory_space<semaphore_mem>>)
      %scan3A_63 = arith.constant 0 : i32
      %scan3A_64 = arith.constant 0 : i32
      %scan3A_65 = arith.constant 7 : i32
      %scan3A_66 = arith.addi %scan3A_64, %scan3A_65 : i32
      %scan3A_67 = arith.constant 1 : i32
      %scan3A_68 = scf.for %scan3A_71 = %scan3A_64 to %scan3A_66 step %scan3A_67 iter_args(%scan3A_72 = %scan3A_63) -> (i32)  : i32 {
        %mul3A_73 = arith.constant 3 : i32
        %mul3A_74 = arith.muli %mul3A_73, %scan3A_71 : i32
        %dma_wait3A = arith.constant 0 : i32
        %dma_wait3A_75 = tpu.memref_slice %arg10[%mul3A_74, %dma_wait3A] : memref<21x96xi32, #tpu.memory_space<vmem>> -> memref<1x96xi32, #tpu.memory_space<vmem>>
        %dma_wait3A_76 = tpu.memref_squeeze %dma_wait3A_75 : memref<1x96xi32, #tpu.memory_space<vmem>> -> memref<96xi32, #tpu.memory_space<vmem>>
        %dma_wait3A_77 = arith.constant 0 : i32
        %dma_wait3A_78 = arith.constant 0 : i32
        %dma_wait3A_79 = tpu.memref_slice %arg6[%dma_wait3A_77, %dma_wait3A_78] : memref<20000x128xf32, #tpu.memory_space<hbm>> -> memref<20000x128xf32, #tpu.memory_space<hbm>>
        tpu.wait_indirect_dma semaphore(%arg16 : memref<!tpu.dma_semaphore, #tpu.memory_space<semaphore_mem>>) src(%dma_wait3A_79 : memref<20000x128xf32, #tpu.memory_space<hbm>>) dst(%arg13 : memref<96x128xf32, #tpu.memory_space<vmem>>)
        %scan3A_80 = arith.constant 0 : i32
        %scan3A_81 = arith.constant 0 : i32
        %scan3A_82 = arith.constant 48 : i32
        %scan3A_83 = arith.addi %scan3A_81, %scan3A_82 : i32
        %scan3A_84 = arith.constant 4 : i32
        %scan3A_85 = scf.for %scan3A_161 = %scan3A_81 to %scan3A_83 step %scan3A_84 iter_args(%scan3A_162 = %scan3A_80) -> (i32)  : i32 {
          %mul3A_163 = arith.constant 96 : i32
          %mul3A_164 = arith.muli %mul3A_74, %mul3A_163 : i32
          %add3A_165 = arith.addi %mul3A_164, %scan3A_161 : i32
          %broadcast_in_dim3A = vector.broadcast %add3A_165 : i32 to vector<16xi32>
          %gather3A = tpu.vector_load_idx %arg11[%broadcast_in_dim3A] : memref<2016xf32, #tpu.memory_space<vmem>>[vector<16xi32>], vector<16xf32>,
          %gather3A_166 = tpu.vector_load_idx %arg12[%broadcast_in_dim3A] : memref<2016xf32, #tpu.memory_space<vmem>>[vector<16xi32>], vector<16xf32>,
          %get3A = arith.index_cast %scan3A_161 : i32 to index
          %get3A_167 = arith.constant 0 : index
          %get3A_168 = tpu.vector_load %arg13[%get3A, %get3A_167] {strides = array<i32>} : memref<96x128xf32, #tpu.memory_space<vmem>>, vector<16xf32>,
          %get3A_169 = arith.index_cast %scan3A_161 : i32 to index
          %get3A_170 = arith.constant 64 : index
          %get3A_171 = tpu.vector_load %arg13[%get3A_169, %get3A_170] {strides = array<i32>} : memref<96x128xf32, #tpu.memory_space<vmem>>, vector<16xf32>,
          %mul3A_172 = arith.mulf %gather3A, %get3A_168 : vector<16xf32>
          %mul3A_173 = arith.mulf %gather3A_166, %get3A_171 : vector<16xf32>
          %sub3A = arith.subf %mul3A_172, %mul3A_173 : vector<16xf32>
          %swap3A = arith.index_cast %scan3A_161 : i32 to index
          %swap3A_174 = arith.constant 0 : index
          %swap3A_175 = tpu.vector_load %arg13[%swap3A, %swap3A_174] {strides = array<i32>} : memref<96x128xf32, #tpu.memory_space<vmem>>, vector<16xf32>,
          tpu.vector_store %arg13[%swap3A, %swap3A_174], %sub3A {strides = array<i32>} : memref<96x128xf32, #tpu.memory_space<vmem>>, vector<16xf32>,
          %mul3A_176 = arith.mulf %gather3A, %get3A_171 : vector<16xf32>
          %mul3A_177 = arith.mulf %gather3A_166, %get3A_168 : vector<16xf32>
          %add3A_178 = arith.addf %mul3A_176, %mul3A_177 : vector<16xf32>
          %swap3A_179 = arith.index_cast %scan3A_161 : i32 to index
          %swap3A_180 = arith.constant 64 : index
          %swap3A_181 = tpu.vector_load %arg13[%swap3A_179, %swap3A_180] {strides = array<i32>} : memref<96x128xf32, #tpu.memory_space<vmem>>, vector<16xf32>,
          tpu.vector_store %arg13[%swap3A_179, %swap3A_180], %add3A_178 {strides = array<i32>} : memref<96x128xf32, #tpu.memory_space<vmem>>, vector<16xf32>,
          %get3A_182 = arith.index_cast %scan3A_161 : i32 to index
          %get3A_183 = arith.constant 16 : index
          %get3A_184 = tpu.vector_load %arg13[%get3A_182, %get3A_183] {strides = array<i32>} : memref<96x128xf32, #tpu.memory_space<vmem>>, vector<16xf32>,
          %get3A_185 = arith.index_cast %scan3A_161 : i32 to index
          %get3A_186 = arith.constant 80 : index
          %get3A_187 = tpu.vector_load %arg13[%get3A_185, %get3A_186] {strides = array<i32>} : memref<96x128xf32, #tpu.memory_space<vmem>>, vector<16xf32>,
          %mul3A_188 = arith.mulf %gather3A, %get3A_184 : vector<16xf32>
          %mul3A_189 = arith.mulf %gather3A_166, %get3A_187 : vector<16xf32>
          %sub3A_190 = arith.subf %mul3A_188, %mul3A_189 : vector<16xf32>
          %swap3A_191 = arith.index_cast %scan3A_161 : i32 to index
          %swap3A_192 = arith.constant 16 : index
          %swap3A_193 = tpu.vector_load %arg13[%swap3A_191, %swap3A_192] {strides = array<i32>} : memref<96x128xf32, #tpu.memory_space<vmem>>, vector<16xf32>,
          tpu.vector_store %arg13[%swap3A_191, %swap3A_192], %sub3A_190 {strides = array<i32>} : memref<96x128xf32, #tpu.memory_space<vmem>>, vector<16xf32>,
          %mul3A_194 = arith.mulf %gather3A, %get3A_187 : vector<16xf32>
          %mul3A_195 = arith.mulf %gather3A_166, %get3A_184 : vector<16xf32>
          %add3A_196 = arith.addf %mul3A_194, %mul3A_195 : vector<16xf32>
          %swap3A_197 = arith.index_cast %scan3A_161 : i32 to index
          %swap3A_198 = arith.constant 80 : index
          %swap3A_199 = tpu.vector_load %arg13[%swap3A_197, %swap3A_198] {strides = array<i32>} : memref<96x128xf32, #tpu.memory_space<vmem>>, vector<16xf32>,
          tpu.vector_store %arg13[%swap3A_197, %swap3A_198], %add3A_196 {strides = array<i32>} : memref<96x128xf32, #tpu.memory_space<vmem>>, vector<16xf32>,
          %get3A_200 = arith.index_cast %scan3A_161 : i32 to index
          %get3A_201 = arith.constant 32 : index
          %get3A_202 = tpu.vector_load %arg13[%get3A_200, %get3A_201] {strides = array<i32>} : memref<96x128xf32, #tpu.memory_space<vmem>>, vector<16xf32>,
          %get3A_203 = arith.index_cast %scan3A_161 : i32 to index
          %get3A_204 = arith.constant 96 : index
          %get3A_205 = tpu.vector_load %arg13[%get3A_203, %get3A_204] {strides = array<i32>} : memref<96x128xf32, #tpu.memory_space<vmem>>, vector<16xf32>,
          %mul3A_206 = arith.mulf %gather3A, %get3A_202 : vector<16xf32>
          %mul3A_207 = arith.mulf %gather3A_166, %get3A_205 : vector<16xf32>
          %sub3A_208 = arith.subf %mul3A_206, %mul3A_207 : vector<16xf32>
          %swap3A_209 = arith.index_cast %scan3A_161 : i32 to index
          %swap3A_210 = arith.constant 32 : index
          %swap3A_211 = tpu.vector_load %arg13[%swap3A_209, %swap3A_210] {strides = array<i32>} : memref<96x128xf32, #tpu.memory_space<vmem>>, vector<16xf32>,
          tpu.vector_store %arg13[%swap3A_209, %swap3A_210], %sub3A_208 {strides = array<i32>} : memref<96x128xf32, #tpu.memory_space<vmem>>, vector<16xf32>,
          %mul3A_212 = arith.mulf %gather3A, %get3A_205 : vector<16xf32>
          %mul3A_213 = arith.mulf %gather3A_166, %get3A_202 : vector<16xf32>
          %add3A_214 = arith.addf %mul3A_212, %mul3A_213 : vector<16xf32>
          %swap3A_215 = arith.index_cast %scan3A_161 : i32 to index
          %swap3A_216 = arith.constant 96 : index
          %swap3A_217 = tpu.vector_load %arg13[%swap3A_215, %swap3A_216] {strides = array<i32>} : memref<96x128xf32, #tpu.memory_space<vmem>>, vector<16xf32>,
          tpu.vector_store %arg13[%swap3A_215, %swap3A_216], %add3A_214 {strides = array<i32>} : memref<96x128xf32, #tpu.memory_space<vmem>>, vector<16xf32>,
          %get3A_218 = arith.index_cast %scan3A_161 : i32 to index
          %get3A_219 = arith.constant 48 : index
          %get3A_220 = tpu.vector_load %arg13[%get3A_218, %get3A_219] {strides = array<i32>} : memref<96x128xf32, #tpu.memory_space<vmem>>, vector<16xf32>,
          %get3A_221 = arith.index_cast %scan3A_161 : i32 to index
          %get3A_222 = arith.constant 112 : index
          %get3A_223 = tpu.vector_load %arg13[%get3A_221, %get3A_222] {strides = array<i32>} : memref<96x128xf32, #tpu.memory_space<vmem>>, vector<16xf32>,
          %mul3A_224 = arith.mulf %gather3A, %get3A_220 : vector<16xf32>
          %mul3A_225 = arith.mulf %gather3A_166, %get3A_223 : vector<16xf32>
          %sub3A_226 = arith.subf %mul3A_224, %mul3A_225 : vector<16xf32>
          %swap3A_227 = arith.index_cast %scan3A_161 : i32 to index
          %swap3A_228 = arith.constant 48 : index
          %swap3A_229 = tpu.vector_load %arg13[%swap3A_227, %swap3A_228] {strides = array<i32>} : memref<96x128xf32, #tpu.memory_space<vmem>>, vector<16xf32>,
          tpu.vector_store %arg13[%swap3A_227, %swap3A_228], %sub3A_226 {strides = array<i32>} : memref<96x128xf32, #tpu.memory_space<vmem>>, vector<16xf32>,
          %mul3A_230 = arith.mulf %gather3A, %get3A_223 : vector<16xf32>
          %mul3A_231 = arith.mulf %gather3A_166, %get3A_220 : vector<16xf32>
          %add3A_232 = arith.addf %mul3A_230, %mul3A_231 : vector<16xf32>
          %swap3A_233 = arith.index_cast %scan3A_161 : i32 to index
          %swap3A_234 = arith.constant 112 : index
          %swap3A_235 = tpu.vector_load %arg13[%swap3A_233, %swap3A_234] {strides = array<i32>} : memref<96x128xf32, #tpu.memory_space<vmem>>, vector<16xf32>,
          tpu.vector_store %arg13[%swap3A_233, %swap3A_234], %add3A_232 {strides = array<i32>} : memref<96x128xf32, #tpu.memory_space<vmem>>, vector<16xf32>,
          %scan3A_236 = arith.constant 0 : i32
          %scan3A_237 = arith.constant 1 : i32
          %scan3A_238 = arith.addi %scan3A_161, %scan3A_237 : i32
          %mul3A_239 = arith.constant 96 : i32
          %mul3A_240 = arith.muli %mul3A_74, %mul3A_239 : i32
          %add3A_241 = arith.addi %mul3A_240, %scan3A_238 : i32
          %broadcast_in_dim3A_242 = vector.broadcast %add3A_241 : i32 to vector<16xi32>
          %gather3A_243 = tpu.vector_load_idx %arg11[%broadcast_in_dim3A_242] : memref<2016xf32, #tpu.memory_space<vmem>>[vector<16xi32>], vector<16xf32>,
          %gather3A_244 = tpu.vector_load_idx %arg12[%broadcast_in_dim3A_242] : memref<2016xf32, #tpu.memory_space<vmem>>[vector<16xi32>], vector<16xf32>,
          %get3A_245 = arith.index_cast %scan3A_238 : i32 to index
          %get3A_246 = arith.constant 0 : index
          %get3A_247 = tpu.vector_load %arg13[%get3A_245, %get3A_246] {strides = array<i32>} : memref<96x128xf32, #tpu.memory_space<vmem>>, vector<16xf32>,
          %get3A_248 = arith.index_cast %scan3A_238 : i32 to index
          %get3A_249 = arith.constant 64 : index
          %get3A_250 = tpu.vector_load %arg13[%get3A_248, %get3A_249] {strides = array<i32>} : memref<96x128xf32, #tpu.memory_space<vmem>>, vector<16xf32>,
          %mul3A_251 = arith.mulf %gather3A_243, %get3A_247 : vector<16xf32>
          %mul3A_252 = arith.mulf %gather3A_244, %get3A_250 : vector<16xf32>
          %sub3A_253 = arith.subf %mul3A_251, %mul3A_252 : vector<16xf32>
          %swap3A_254 = arith.index_cast %scan3A_238 : i32 to index
          %swap3A_255 = arith.constant 0 : index
          %swap3A_256 = tpu.vector_load %arg13[%swap3A_254, %swap3A_255] {strides = array<i32>} : memref<96x128xf32, #tpu.memory_space<vmem>>, vector<16xf32>,
          tpu.vector_store %arg13[%swap3A_254, %swap3A_255], %sub3A_253 {strides = array<i32>} : memref<96x128xf32, #tpu.memory_space<vmem>>, vector<16xf32>,
          %mul3A_257 = arith.mulf %gather3A_243, %get3A_250 : vector<16xf32>
          %mul3A_258 = arith.mulf %gather3A_244, %get3A_247 : vector<16xf32>
          %add3A_259 = arith.addf %mul3A_257, %mul3A_258 : vector<16xf32>
          %swap3A_260 = arith.index_cast %scan3A_238 : i32 to index
          %swap3A_261 = arith.constant 64 : index
          %swap3A_262 = tpu.vector_load %arg13[%swap3A_260, %swap3A_261] {strides = array<i32>} : memref<96x128xf32, #tpu.memory_space<vmem>>, vector<16xf32>,
          tpu.vector_store %arg13[%swap3A_260, %swap3A_261], %add3A_259 {strides = array<i32>} : memref<96x128xf32, #tpu.memory_space<vmem>>, vector<16xf32>,
          %get3A_263 = arith.index_cast %scan3A_238 : i32 to index
          %get3A_264 = arith.constant 16 : index
          %get3A_265 = tpu.vector_load %arg13[%get3A_263, %get3A_264] {strides = array<i32>} : memref<96x128xf32, #tpu.memory_space<vmem>>, vector<16xf32>,
          %get3A_266 = arith.index_cast %scan3A_238 : i32 to index
          %get3A_267 = arith.constant 80 : index
          %get3A_268 = tpu.vector_load %arg13[%get3A_266, %get3A_267] {strides = array<i32>} : memref<96x128xf32, #tpu.memory_space<vmem>>, vector<16xf32>,
          %mul3A_269 = arith.mulf %gather3A_243, %get3A_265 : vector<16xf32>
          %mul3A_270 = arith.mulf %gather3A_244, %get3A_268 : vector<16xf32>
          %sub3A_271 = arith.subf %mul3A_269, %mul3A_270 : vector<16xf32>
          %swap3A_272 = arith.index_cast %scan3A_238 : i32 to index
          %swap3A_273 = arith.constant 16 : index
          %swap3A_274 = tpu.vector_load %arg13[%swap3A_272, %swap3A_273] {strides = array<i32>} : memref<96x128xf32, #tpu.memory_space<vmem>>, vector<16xf32>,
          tpu.vector_store %arg13[%swap3A_272, %swap3A_273], %sub3A_271 {strides = array<i32>} : memref<96x128xf32, #tpu.memory_space<vmem>>, vector<16xf32>,
          %mul3A_275 = arith.mulf %gather3A_243, %get3A_268 : vector<16xf32>
          %mul3A_276 = arith.mulf %gather3A_244, %get3A_265 : vector<16xf32>
          %add3A_277 = arith.addf %mul3A_275, %mul3A_276 : vector<16xf32>
          %swap3A_278 = arith.index_cast %scan3A_238 : i32 to index
          %swap3A_279 = arith.constant 80 : index
          %swap3A_280 = tpu.vector_load %arg13[%swap3A_278, %swap3A_279] {strides = array<i32>} : memref<96x128xf32, #tpu.memory_space<vmem>>, vector<16xf32>,
          tpu.vector_store %arg13[%swap3A_278, %swap3A_279], %add3A_277 {strides = array<i32>} : memref<96x128xf32, #tpu.memory_space<vmem>>, vector<16xf32>,
          %get3A_281 = arith.index_cast %scan3A_238 : i32 to index
          %get3A_282 = arith.constant 32 : index
          %get3A_283 = tpu.vector_load %arg13[%get3A_281, %get3A_282] {strides = array<i32>} : memref<96x128xf32, #tpu.memory_space<vmem>>, vector<16xf32>,
          %get3A_284 = arith.index_cast %scan3A_238 : i32 to index
          %get3A_285 = arith.constant 96 : index
          %get3A_286 = tpu.vector_load %arg13[%get3A_284, %get3A_285] {strides = array<i32>} : memref<96x128xf32, #tpu.memory_space<vmem>>, vector<16xf32>,
          %mul3A_287 = arith.mulf %gather3A_243, %get3A_283 : vector<16xf32>
          %mul3A_288 = arith.mulf %gather3A_244, %get3A_286 : vector<16xf32>
          %sub3A_289 = arith.subf %mul3A_287, %mul3A_288 : vector<16xf32>
          %swap3A_290 = arith.index_cast %scan3A_238 : i32 to index
          %swap3A_291 = arith.constant 32 : index
          %swap3A_292 = tpu.vector_load %arg13[%swap3A_290, %swap3A_291] {strides = array<i32>} : memref<96x128xf32, #tpu.memory_space<vmem>>, vector<16xf32>,
          tpu.vector_store %arg13[%swap3A_290, %swap3A_291], %sub3A_289 {strides = array<i32>} : memref<96x128xf32, #tpu.memory_space<vmem>>, vector<16xf32>,
          %mul3A_293 = arith.mulf %gather3A_243, %get3A_286 : vector<16xf32>
          %mul3A_294 = arith.mulf %gather3A_244, %get3A_283 : vector<16xf32>
          %add3A_295 = arith.addf %mul3A_293, %mul3A_294 : vector<16xf32>
          %swap3A_296 = arith.index_cast %scan3A_238 : i32 to index
          %swap3A_297 = arith.constant 96 : index
          %swap3A_298 = tpu.vector_load %arg13[%swap3A_296, %swap3A_297] {strides = array<i32>} : memref<96x128xf32, #tpu.memory_space<vmem>>, vector<16xf32>,
          tpu.vector_store %arg13[%swap3A_296, %swap3A_297], %add3A_295 {strides = array<i32>} : memref<96x128xf32, #tpu.memory_space<vmem>>, vector<16xf32>,
          %get3A_299 = arith.index_cast %scan3A_238 : i32 to index
          %get3A_300 = arith.constant 48 : index
          %get3A_301 = tpu.vector_load %arg13[%get3A_299, %get3A_300] {strides = array<i32>} : memref<96x128xf32, #tpu.memory_space<vmem>>, vector<16xf32>,
          %get3A_302 = arith.index_cast %scan3A_238 : i32 to index
          %get3A_303 = arith.constant 112 : index
          %get3A_304 = tpu.vector_load %arg13[%get3A_302, %get3A_303] {strides = array<i32>} : memref<96x128xf32, #tpu.memory_space<vmem>>, vector<16xf32>,
          %mul3A_305 = arith.mulf %gather3A_243, %get3A_301 : vector<16xf32>
          %mul3A_306 = arith.mulf %gather3A_244, %get3A_304 : vector<16xf32>
          %sub3A_307 = arith.subf %mul3A_305, %mul3A_306 : vector<16xf32>
          %swap3A_308 = arith.index_cast %scan3A_238 : i32 to index
          %swap3A_309 = arith.constant 48 : index
          %swap3A_310 = tpu.vector_load %arg13[%swap3A_308, %swap3A_309] {strides = array<i32>} : memref<96x128xf32, #tpu.memory_space<vmem>>, vector<16xf32>,
          tpu.vector_store %arg13[%swap3A_308, %swap3A_309], %sub3A_307 {strides = array<i32>} : memref<96x128xf32, #tpu.memory_space<vmem>>, vector<16xf32>,
          %mul3A_311 = arith.mulf %gather3A_243, %get3A_304 : vector<16xf32>
          %mul3A_312 = arith.mulf %gather3A_244, %get3A_301 : vector<16xf32>
          %add3A_313 = arith.addf %mul3A_311, %mul3A_312 : vector<16xf32>
          %swap3A_314 = arith.index_cast %scan3A_238 : i32 to index
          %swap3A_315 = arith.constant 112 : index
          %swap3A_316 = tpu.vector_load %arg13[%swap3A_314, %swap3A_315] {strides = array<i32>} : memref<96x128xf32, #tpu.memory_space<vmem>>, vector<16xf32>,
          tpu.vector_store %arg13[%swap3A_314, %swap3A_315], %add3A_313 {strides = array<i32>} : memref<96x128xf32, #tpu.memory_space<vmem>>, vector<16xf32>,
          %scan3A_317 = arith.constant 0 : i32
          %scan3A_318 = arith.constant 2 : i32
          %scan3A_319 = arith.addi %scan3A_161, %scan3A_318 : i32
          %mul3A_320 = arith.constant 96 : i32
          %mul3A_321 = arith.muli %mul3A_74, %mul3A_320 : i32
          %add3A_322 = arith.addi %mul3A_321, %scan3A_319 : i32
          %broadcast_in_dim3A_323 = vector.broadcast %add3A_322 : i32 to vector<16xi32>
          %gather3A_324 = tpu.vector_load_idx %arg11[%broadcast_in_dim3A_323] : memref<2016xf32, #tpu.memory_space<vmem>>[vector<16xi32>], vector<16xf32>,
          %gather3A_325 = tpu.vector_load_idx %arg12[%broadcast_in_dim3A_323] : memref<2016xf32, #tpu.memory_space<vmem>>[vector<16xi32>], vector<16xf32>,
          %get3A_326 = arith.index_cast %scan3A_319 : i32 to index
          %get3A_327 = arith.constant 0 : index
          %get3A_328 = tpu.vector_load %arg13[%get3A_326, %get3A_327] {strides = array<i32>} : memref<96x128xf32, #tpu.memory_space<vmem>>, vector<16xf32>,
          %get3A_329 = arith.index_cast %scan3A_319 : i32 to index
          %get3A_330 = arith.constant 64 : index
          %get3A_331 = tpu.vector_load %arg13[%get3A_329, %get3A_330] {strides = array<i32>} : memref<96x128xf32, #tpu.memory_space<vmem>>, vector<16xf32>,
          %mul3A_332 = arith.mulf %gather3A_324, %get3A_328 : vector<16xf32>
          %mul3A_333 = arith.mulf %gather3A_325, %get3A_331 : vector<16xf32>
          %sub3A_334 = arith.subf %mul3A_332, %mul3A_333 : vector<16xf32>
          %swap3A_335 = arith.index_cast %scan3A_319 : i32 to index
          %swap3A_336 = arith.constant 0 : index
          %swap3A_337 = tpu.vector_load %arg13[%swap3A_335, %swap3A_336] {strides = array<i32>} : memref<96x128xf32, #tpu.memory_space<vmem>>, vector<16xf32>,
          tpu.vector_store %arg13[%swap3A_335, %swap3A_336], %sub3A_334 {strides = array<i32>} : memref<96x128xf32, #tpu.memory_space<vmem>>, vector<16xf32>,
          %mul3A_338 = arith.mulf %gather3A_324, %get3A_331 : vector<16xf32>
          %mul3A_339 = arith.mulf %gather3A_325, %get3A_328 : vector<16xf32>
          %add3A_340 = arith.addf %mul3A_338, %mul3A_339 : vector<16xf32>
          %swap3A_341 = arith.index_cast %scan3A_319 : i32 to index
          %swap3A_342 = arith.constant 64 : index
          %swap3A_343 = tpu.vector_load %arg13[%swap3A_341, %swap3A_342] {strides = array<i32>} : memref<96x128xf32, #tpu.memory_space<vmem>>, vector<16xf32>,
          tpu.vector_store %arg13[%swap3A_341, %swap3A_342], %add3A_340 {strides = array<i32>} : memref<96x128xf32, #tpu.memory_space<vmem>>, vector<16xf32>,
          %get3A_344 = arith.index_cast %scan3A_319 : i32 to index
          %get3A_345 = arith.constant 16 : index
          %get3A_346 = tpu.vector_load %arg13[%get3A_344, %get3A_345] {strides = array<i32>} : memref<96x128xf32, #tpu.memory_space<vmem>>, vector<16xf32>,
          %get3A_347 = arith.index_cast %scan3A_319 : i32 to index
          %get3A_348 = arith.constant 80 : index
          %get3A_349 = tpu.vector_load %arg13[%get3A_347, %get3A_348] {strides = array<i32>} : memref<96x128xf32, #tpu.memory_space<vmem>>, vector<16xf32>,
          %mul3A_350 = arith.mulf %gather3A_324, %get3A_346 : vector<16xf32>
          %mul3A_351 = arith.mulf %gather3A_325, %get3A_349 : vector<16xf32>
          %sub3A_352 = arith.subf %mul3A_350, %mul3A_351 : vector<16xf32>
          %swap3A_353 = arith.index_cast %scan3A_319 : i32 to index
          %swap3A_354 = arith.constant 16 : index
          %swap3A_355 = tpu.vector_load %arg13[%swap3A_353, %swap3A_354] {strides = array<i32>} : memref<96x128xf32, #tpu.memory_space<vmem>>, vector<16xf32>,
          tpu.vector_store %arg13[%swap3A_353, %swap3A_354], %sub3A_352 {strides = array<i32>} : memref<96x128xf32, #tpu.memory_space<vmem>>, vector<16xf32>,
          %mul3A_356 = arith.mulf %gather3A_324, %get3A_349 : vector<16xf32>
          %mul3A_357 = arith.mulf %gather3A_325, %get3A_346 : vector<16xf32>
          %add3A_358 = arith.addf %mul3A_356, %mul3A_357 : vector<16xf32>
          %swap3A_359 = arith.index_cast %scan3A_319 : i32 to index
          %swap3A_360 = arith.constant 80 : index
          %swap3A_361 = tpu.vector_load %arg13[%swap3A_359, %swap3A_360] {strides = array<i32>} : memref<96x128xf32, #tpu.memory_space<vmem>>, vector<16xf32>,
          tpu.vector_store %arg13[%swap3A_359, %swap3A_360], %add3A_358 {strides = array<i32>} : memref<96x128xf32, #tpu.memory_space<vmem>>, vector<16xf32>,
          %get3A_362 = arith.index_cast %scan3A_319 : i32 to index
          %get3A_363 = arith.constant 32 : index
          %get3A_364 = tpu.vector_load %arg13[%get3A_362, %get3A_363] {strides = array<i32>} : memref<96x128xf32, #tpu.memory_space<vmem>>, vector<16xf32>,
          %get3A_365 = arith.index_cast %scan3A_319 : i32 to index
          %get3A_366 = arith.constant 96 : index
          %get3A_367 = tpu.vector_load %arg13[%get3A_365, %get3A_366] {strides = array<i32>} : memref<96x128xf32, #tpu.memory_space<vmem>>, vector<16xf32>,
          %mul3A_368 = arith.mulf %gather3A_324, %get3A_364 : vector<16xf32>
          %mul3A_369 = arith.mulf %gather3A_325, %get3A_367 : vector<16xf32>
          %sub3A_370 = arith.subf %mul3A_368, %mul3A_369 : vector<16xf32>
          %swap3A_371 = arith.index_cast %scan3A_319 : i32 to index
          %swap3A_372 = arith.constant 32 : index
          %swap3A_373 = tpu.vector_load %arg13[%swap3A_371, %swap3A_372] {strides = array<i32>} : memref<96x128xf32, #tpu.memory_space<vmem>>, vector<16xf32>,
          tpu.vector_store %arg13[%swap3A_371, %swap3A_372], %sub3A_370 {strides = array<i32>} : memref<96x128xf32, #tpu.memory_space<vmem>>, vector<16xf32>,
          %mul3A_374 = arith.mulf %gather3A_324, %get3A_367 : vector<16xf32>
          %mul3A_375 = arith.mulf %gather3A_325, %get3A_364 : vector<16xf32>
          %add3A_376 = arith.addf %mul3A_374, %mul3A_375 : vector<16xf32>
          %swap3A_377 = arith.index_cast %scan3A_319 : i32 to index
          %swap3A_378 = arith.constant 96 : index
          %swap3A_379 = tpu.vector_load %arg13[%swap3A_377, %swap3A_378] {strides = array<i32>} : memref<96x128xf32, #tpu.memory_space<vmem>>, vector<16xf32>,
          tpu.vector_store %arg13[%swap3A_377, %swap3A_378], %add3A_376 {strides = array<i32>} : memref<96x128xf32, #tpu.memory_space<vmem>>, vector<16xf32>,
          %get3A_380 = arith.index_cast %scan3A_319 : i32 to index
          %get3A_381 = arith.constant 48 : index
          %get3A_382 = tpu.vector_load %arg13[%get3A_380, %get3A_381] {strides = array<i32>} : memref<96x128xf32, #tpu.memory_space<vmem>>, vector<16xf32>,
          %get3A_383 = arith.index_cast %scan3A_319 : i32 to index
          %get3A_384 = arith.constant 112 : index
          %get3A_385 = tpu.vector_load %arg13[%get3A_383, %get3A_384] {strides = array<i32>} : memref<96x128xf32, #tpu.memory_space<vmem>>, vector<16xf32>,
          %mul3A_386 = arith.mulf %gather3A_324, %get3A_382 : vector<16xf32>
          %mul3A_387 = arith.mulf %gather3A_325, %get3A_385 : vector<16xf32>
          %sub3A_388 = arith.subf %mul3A_386, %mul3A_387 : vector<16xf32>
          %swap3A_389 = arith.index_cast %scan3A_319 : i32 to index
          %swap3A_390 = arith.constant 48 : index
          %swap3A_391 = tpu.vector_load %arg13[%swap3A_389, %swap3A_390] {strides = array<i32>} : memref<96x128xf32, #tpu.memory_space<vmem>>, vector<16xf32>,
          tpu.vector_store %arg13[%swap3A_389, %swap3A_390], %sub3A_388 {strides = array<i32>} : memref<96x128xf32, #tpu.memory_space<vmem>>, vector<16xf32>,
          %mul3A_392 = arith.mulf %gather3A_324, %get3A_385 : vector<16xf32>
          %mul3A_393 = arith.mulf %gather3A_325, %get3A_382 : vector<16xf32>
          %add3A_394 = arith.addf %mul3A_392, %mul3A_393 : vector<16xf32>
          %swap3A_395 = arith.index_cast %scan3A_319 : i32 to index
          %swap3A_396 = arith.constant 112 : index
          %swap3A_397 = tpu.vector_load %arg13[%swap3A_395, %swap3A_396] {strides = array<i32>} : memref<96x128xf32, #tpu.memory_space<vmem>>, vector<16xf32>,
          tpu.vector_store %arg13[%swap3A_395, %swap3A_396], %add3A_394 {strides = array<i32>} : memref<96x128xf32, #tpu.memory_space<vmem>>, vector<16xf32>,
          %scan3A_398 = arith.constant 0 : i32
          %scan3A_399 = arith.constant 3 : i32
          %scan3A_400 = arith.addi %scan3A_161, %scan3A_399 : i32
          %mul3A_401 = arith.constant 96 : i32
          %mul3A_402 = arith.muli %mul3A_74, %mul3A_401 : i32
          %add3A_403 = arith.addi %mul3A_402, %scan3A_400 : i32
          %broadcast_in_dim3A_404 = vector.broadcast %add3A_403 : i32 to vector<16xi32>
          %gather3A_405 = tpu.vector_load_idx %arg11[%broadcast_in_dim3A_404] : memref<2016xf32, #tpu.memory_space<vmem>>[vector<16xi32>], vector<16xf32>,
          %gather3A_406 = tpu.vector_load_idx %arg12[%broadcast_in_dim3A_404] : memref<2016xf32, #tpu.memory_space<vmem>>[vector<16xi32>], vector<16xf32>,
          %get3A_407 = arith.index_cast %scan3A_400 : i32 to index
          %get3A_408 = arith.constant 0 : index
          %get3A_409 = tpu.vector_load %arg13[%get3A_407, %get3A_408] {strides = array<i32>} : memref<96x128xf32, #tpu.memory_space<vmem>>, vector<16xf32>,
          %get3A_410 = arith.index_cast %scan3A_400 : i32 to index
          %get3A_411 = arith.constant 64 : index
          %get3A_412 = tpu.vector_load %arg13[%get3A_410, %get3A_411] {strides = array<i32>} : memref<96x128xf32, #tpu.memory_space<vmem>>, vector<16xf32>,
          %mul3A_413 = arith.mulf %gather3A_405, %get3A_409 : vector<16xf32>
          %mul3A_414 = arith.mulf %gather3A_406, %get3A_412 : vector<16xf32>
          %sub3A_415 = arith.subf %mul3A_413, %mul3A_414 : vector<16xf32>
          %swap3A_416 = arith.index_cast %scan3A_400 : i32 to index
          %swap3A_417 = arith.constant 0 : index
          %swap3A_418 = tpu.vector_load %arg13[%swap3A_416, %swap3A_417] {strides = array<i32>} : memref<96x128xf32, #tpu.memory_space<vmem>>, vector<16xf32>,
          tpu.vector_store %arg13[%swap3A_416, %swap3A_417], %sub3A_415 {strides = array<i32>} : memref<96x128xf32, #tpu.memory_space<vmem>>, vector<16xf32>,
          %mul3A_419 = arith.mulf %gather3A_405, %get3A_412 : vector<16xf32>
          %mul3A_420 = arith.mulf %gather3A_406, %get3A_409 : vector<16xf32>
          %add3A_421 = arith.addf %mul3A_419, %mul3A_420 : vector<16xf32>
          %swap3A_422 = arith.index_cast %scan3A_400 : i32 to index
          %swap3A_423 = arith.constant 64 : index
          %swap3A_424 = tpu.vector_load %arg13[%swap3A_422, %swap3A_423] {strides = array<i32>} : memref<96x128xf32, #tpu.memory_space<vmem>>, vector<16xf32>,
          tpu.vector_store %arg13[%swap3A_422, %swap3A_423], %add3A_421 {strides = array<i32>} : memref<96x128xf32, #tpu.memory_space<vmem>>, vector<16xf32>,
          %get3A_425 = arith.index_cast %scan3A_400 : i32 to index
          %get3A_426 = arith.constant 16 : index
          %get3A_427 = tpu.vector_load %arg13[%get3A_425, %get3A_426] {strides = array<i32>} : memref<96x128xf32, #tpu.memory_space<vmem>>, vector<16xf32>,
          %get3A_428 = arith.index_cast %scan3A_400 : i32 to index
          %get3A_429 = arith.constant 80 : index
          %get3A_430 = tpu.vector_load %arg13[%get3A_428, %get3A_429] {strides = array<i32>} : memref<96x128xf32, #tpu.memory_space<vmem>>, vector<16xf32>,
          %mul3A_431 = arith.mulf %gather3A_405, %get3A_427 : vector<16xf32>
          %mul3A_432 = arith.mulf %gather3A_406, %get3A_430 : vector<16xf32>
          %sub3A_433 = arith.subf %mul3A_431, %mul3A_432 : vector<16xf32>
          %swap3A_434 = arith.index_cast %scan3A_400 : i32 to index
          %swap3A_435 = arith.constant 16 : index
          %swap3A_436 = tpu.vector_load %arg13[%swap3A_434, %swap3A_435] {strides = array<i32>} : memref<96x128xf32, #tpu.memory_space<vmem>>, vector<16xf32>,
          tpu.vector_store %arg13[%swap3A_434, %swap3A_435], %sub3A_433 {strides = array<i32>} : memref<96x128xf32, #tpu.memory_space<vmem>>, vector<16xf32>,
          %mul3A_437 = arith.mulf %gather3A_405, %get3A_430 : vector<16xf32>
          %mul3A_438 = arith.mulf %gather3A_406, %get3A_427 : vector<16xf32>
          %add3A_439 = arith.addf %mul3A_437, %mul3A_438 : vector<16xf32>
          %swap3A_440 = arith.index_cast %scan3A_400 : i32 to index
          %swap3A_441 = arith.constant 80 : index
          %swap3A_442 = tpu.vector_load %arg13[%swap3A_440, %swap3A_441] {strides = array<i32>} : memref<96x128xf32, #tpu.memory_space<vmem>>, vector<16xf32>,
          tpu.vector_store %arg13[%swap3A_440, %swap3A_441], %add3A_439 {strides = array<i32>} : memref<96x128xf32, #tpu.memory_space<vmem>>, vector<16xf32>,
          %get3A_443 = arith.index_cast %scan3A_400 : i32 to index
          %get3A_444 = arith.constant 32 : index
          %get3A_445 = tpu.vector_load %arg13[%get3A_443, %get3A_444] {strides = array<i32>} : memref<96x128xf32, #tpu.memory_space<vmem>>, vector<16xf32>,
          %get3A_446 = arith.index_cast %scan3A_400 : i32 to index
          %get3A_447 = arith.constant 96 : index
          %get3A_448 = tpu.vector_load %arg13[%get3A_446, %get3A_447] {strides = array<i32>} : memref<96x128xf32, #tpu.memory_space<vmem>>, vector<16xf32>,
          %mul3A_449 = arith.mulf %gather3A_405, %get3A_445 : vector<16xf32>
          %mul3A_450 = arith.mulf %gather3A_406, %get3A_448 : vector<16xf32>
          %sub3A_451 = arith.subf %mul3A_449, %mul3A_450 : vector<16xf32>
          %swap3A_452 = arith.index_cast %scan3A_400 : i32 to index
          %swap3A_453 = arith.constant 32 : index
          %swap3A_454 = tpu.vector_load %arg13[%swap3A_452, %swap3A_453] {strides = array<i32>} : memref<96x128xf32, #tpu.memory_space<vmem>>, vector<16xf32>,
          tpu.vector_store %arg13[%swap3A_452, %swap3A_453], %sub3A_451 {strides = array<i32>} : memref<96x128xf32, #tpu.memory_space<vmem>>, vector<16xf32>,
          %mul3A_455 = arith.mulf %gather3A_405, %get3A_448 : vector<16xf32>
          %mul3A_456 = arith.mulf %gather3A_406, %get3A_445 : vector<16xf32>
          %add3A_457 = arith.addf %mul3A_455, %mul3A_456 : vector<16xf32>
          %swap3A_458 = arith.index_cast %scan3A_400 : i32 to index
          %swap3A_459 = arith.constant 96 : index
          %swap3A_460 = tpu.vector_load %arg13[%swap3A_458, %swap3A_459] {strides = array<i32>} : memref<96x128xf32, #tpu.memory_space<vmem>>, vector<16xf32>,
          tpu.vector_store %arg13[%swap3A_458, %swap3A_459], %add3A_457 {strides = array<i32>} : memref<96x128xf32, #tpu.memory_space<vmem>>, vector<16xf32>,
          %get3A_461 = arith.index_cast %scan3A_400 : i32 to index
          %get3A_462 = arith.constant 48 : index
          %get3A_463 = tpu.vector_load %arg13[%get3A_461, %get3A_462] {strides = array<i32>} : memref<96x128xf32, #tpu.memory_space<vmem>>, vector<16xf32>,
          %get3A_464 = arith.index_cast %scan3A_400 : i32 to index
          %get3A_465 = arith.constant 112 : index
          %get3A_466 = tpu.vector_load %arg13[%get3A_464, %get3A_465] {strides = array<i32>} : memref<96x128xf32, #tpu.memory_space<vmem>>, vector<16xf32>,
          %mul3A_467 = arith.mulf %gather3A_405, %get3A_463 : vector<16xf32>
          %mul3A_468 = arith.mulf %gather3A_406, %get3A_466 : vector<16xf32>
          %sub3A_469 = arith.subf %mul3A_467, %mul3A_468 : vector<16xf32>
          %swap3A_470 = arith.index_cast %scan3A_400 : i32 to index
          %swap3A_471 = arith.constant 48 : index
          %swap3A_472 = tpu.vector_load %arg13[%swap3A_470, %swap3A_471] {strides = array<i32>} : memref<96x128xf32, #tpu.memory_space<vmem>>, vector<16xf32>,
          tpu.vector_store %arg13[%swap3A_470, %swap3A_471], %sub3A_469 {strides = array<i32>} : memref<96x128xf32, #tpu.memory_space<vmem>>, vector<16xf32>,
          %mul3A_473 = arith.mulf %gather3A_405, %get3A_466 : vector<16xf32>
          %mul3A_474 = arith.mulf %gather3A_406, %get3A_463 : vector<16xf32>
          %add3A_475 = arith.addf %mul3A_473, %mul3A_474 : vector<16xf32>
          %swap3A_476 = arith.index_cast %scan3A_400 : i32 to index
          %swap3A_477 = arith.constant 112 : index
          %swap3A_478 = tpu.vector_load %arg13[%swap3A_476, %swap3A_477] {strides = array<i32>} : memref<96x128xf32, #tpu.memory_space<vmem>>, vector<16xf32>,
          tpu.vector_store %arg13[%swap3A_476, %swap3A_477], %add3A_475 {strides = array<i32>} : memref<96x128xf32, #tpu.memory_space<vmem>>, vector<16xf32>,
          %scan3A_479 = arith.constant 0 : i32
          scf.yield %scan3A_479 : i32
        }
        %scan3A_86 = arith.constant 48 : i32
        %add3A_87 = arith.constant 2 : i32
        %add3A_88 = arith.addi %mul3A_74, %add3A_87 : i32
        %lt3A = arith.constant 21 : i32
        %lt3A_89 = arith.cmpi slt, %add3A_88, %lt3A : i32
        %convert_element_type3A = arith.extui %lt3A_89 : i1 to i32
        %cond3A = arith.constant 0 : i32
        %cond3A_90 = arith.cmpi ne, %convert_element_type3A, %cond3A : i32
        scf.if %cond3A_90 {
          %add3A_161 = arith.constant 2 : i32
          %add3A_162 = arith.addi %mul3A_74, %add3A_161 : i32
          %dma_start3A_163 = arith.constant 0 : i32
          %dma_start3A_164 = tpu.memref_slice %arg10[%add3A_162, %dma_start3A_163] : memref<21x96xi32, #tpu.memory_space<vmem>> -> memref<1x96xi32, #tpu.memory_space<vmem>>
          %dma_start3A_165 = tpu.memref_squeeze %dma_start3A_164 : memref<1x96xi32, #tpu.memory_space<vmem>> -> memref<96xi32, #tpu.memory_space<vmem>>
          %dma_start3A_166 = arith.constant 0 : i32
          %dma_start3A_167 = arith.constant 0 : i32
          %dma_start3A_168 = tpu.memref_slice %arg6[%dma_start3A_166, %dma_start3A_167] : memref<20000x128xf32, #tpu.memory_space<hbm>> -> memref<20000x128xf32, #tpu.memory_space<hbm>>
          tpu.enqueue_indirect_dma source(%dma_start3A_168 : memref<20000x128xf32, #tpu.memory_space<hbm>>) target(%arg15 : memref<96x128xf32, #tpu.memory_space<vmem>>) offsets(%dma_start3A_165 : memref<96xi32, #tpu.memory_space<vmem>>) semaphore(%arg18 : memref<!tpu.dma_semaphore, #tpu.memory_space<semaphore_mem>>)
        } else {
        }
        %scan3A_91 = arith.constant 0 : i32
        %scan3A_92 = arith.constant 48 : i32
        %scan3A_93 = arith.constant 48 : i32
        %scan3A_94 = arith.addi %scan3A_92, %scan3A_93 : i32
        %scan3A_95 = arith.constant 4 : i32
        %scan3A_96 = scf.for %scan3A_161 = %scan3A_92 to %scan3A_94 step %scan3A_95 iter_args(%scan3A_162 = %scan3A_91) -> (i32)  : i32 {
          %mul3A_163 = arith.constant 96 : i32
          %mul3A_164 = arith.muli %mul3A_74, %mul3A_163 : i32
          %add3A_165 = arith.addi %mul3A_164, %scan3A_161 : i32
          %broadcast_in_dim3A = vector.broadcast %add3A_165 : i32 to vector<16xi32>
          %gather3A = tpu.vector_load_idx %arg11[%broadcast_in_dim3A] : memref<2016xf32, #tpu.memory_space<vmem>>[vector<16xi32>], vector<16xf32>,
          %gather3A_166 = tpu.vector_load_idx %arg12[%broadcast_in_dim3A] : memref<2016xf32, #tpu.memory_space<vmem>>[vector<16xi32>], vector<16xf32>,
          %get3A = arith.index_cast %scan3A_161 : i32 to index
          %get3A_167 = arith.constant 0 : index
          %get3A_168 = tpu.vector_load %arg13[%get3A, %get3A_167] {strides = array<i32>} : memref<96x128xf32, #tpu.memory_space<vmem>>, vector<16xf32>,
          %get3A_169 = arith.index_cast %scan3A_161 : i32 to index
          %get3A_170 = arith.constant 64 : index
          %get3A_171 = tpu.vector_load %arg13[%get3A_169, %get3A_170] {strides = array<i32>} : memref<96x128xf32, #tpu.memory_space<vmem>>, vector<16xf32>,
          %mul3A_172 = arith.mulf %gather3A, %get3A_168 : vector<16xf32>
          %mul3A_173 = arith.mulf %gather3A_166, %get3A_171 : vector<16xf32>
          %sub3A = arith.subf %mul3A_172, %mul3A_173 : vector<16xf32>
          %swap3A = arith.index_cast %scan3A_161 : i32 to index
          %swap3A_174 = arith.constant 0 : index
          %swap3A_175 = tpu.vector_load %arg13[%swap3A, %swap3A_174] {strides = array<i32>} : memref<96x128xf32, #tpu.memory_space<vmem>>, vector<16xf32>,
          tpu.vector_store %arg13[%swap3A, %swap3A_174], %sub3A {strides = array<i32>} : memref<96x128xf32, #tpu.memory_space<vmem>>, vector<16xf32>,
          %mul3A_176 = arith.mulf %gather3A, %get3A_171 : vector<16xf32>
          %mul3A_177 = arith.mulf %gather3A_166, %get3A_168 : vector<16xf32>
          %add3A_178 = arith.addf %mul3A_176, %mul3A_177 : vector<16xf32>
          %swap3A_179 = arith.index_cast %scan3A_161 : i32 to index
          %swap3A_180 = arith.constant 64 : index
          %swap3A_181 = tpu.vector_load %arg13[%swap3A_179, %swap3A_180] {strides = array<i32>} : memref<96x128xf32, #tpu.memory_space<vmem>>, vector<16xf32>,
          tpu.vector_store %arg13[%swap3A_179, %swap3A_180], %add3A_178 {strides = array<i32>} : memref<96x128xf32, #tpu.memory_space<vmem>>, vector<16xf32>,
          %get3A_182 = arith.index_cast %scan3A_161 : i32 to index
          %get3A_183 = arith.constant 16 : index
          %get3A_184 = tpu.vector_load %arg13[%get3A_182, %get3A_183] {strides = array<i32>} : memref<96x128xf32, #tpu.memory_space<vmem>>, vector<16xf32>,
          %get3A_185 = arith.index_cast %scan3A_161 : i32 to index
          %get3A_186 = arith.constant 80 : index
          %get3A_187 = tpu.vector_load %arg13[%get3A_185, %get3A_186] {strides = array<i32>} : memref<96x128xf32, #tpu.memory_space<vmem>>, vector<16xf32>,
          %mul3A_188 = arith.mulf %gather3A, %get3A_184 : vector<16xf32>
          %mul3A_189 = arith.mulf %gather3A_166, %get3A_187 : vector<16xf32>
          %sub3A_190 = arith.subf %mul3A_188, %mul3A_189 : vector<16xf32>
          %swap3A_191 = arith.index_cast %scan3A_161 : i32 to index
          %swap3A_192 = arith.constant 16 : index
          %swap3A_193 = tpu.vector_load %arg13[%swap3A_191, %swap3A_192] {strides = array<i32>} : memref<96x128xf32, #tpu.memory_space<vmem>>, vector<16xf32>,
          tpu.vector_store %arg13[%swap3A_191, %swap3A_192], %sub3A_190 {strides = array<i32>} : memref<96x128xf32, #tpu.memory_space<vmem>>, vector<16xf32>,
          %mul3A_194 = arith.mulf %gather3A, %get3A_187 : vector<16xf32>
          %mul3A_195 = arith.mulf %gather3A_166, %get3A_184 : vector<16xf32>
          %add3A_196 = arith.addf %mul3A_194, %mul3A_195 : vector<16xf32>
          %swap3A_197 = arith.index_cast %scan3A_161 : i32 to index
          %swap3A_198 = arith.constant 80 : index
          %swap3A_199 = tpu.vector_load %arg13[%swap3A_197, %swap3A_198] {strides = array<i32>} : memref<96x128xf32, #tpu.memory_space<vmem>>, vector<16xf32>,
          tpu.vector_store %arg13[%swap3A_197, %swap3A_198], %add3A_196 {strides = array<i32>} : memref<96x128xf32, #tpu.memory_space<vmem>>, vector<16xf32>,
          %get3A_200 = arith.index_cast %scan3A_161 : i32 to index
          %get3A_201 = arith.constant 32 : index
          %get3A_202 = tpu.vector_load %arg13[%get3A_200, %get3A_201] {strides = array<i32>} : memref<96x128xf32, #tpu.memory_space<vmem>>, vector<16xf32>,
          %get3A_203 = arith.index_cast %scan3A_161 : i32 to index
          %get3A_204 = arith.constant 96 : index
          %get3A_205 = tpu.vector_load %arg13[%get3A_203, %get3A_204] {strides = array<i32>} : memref<96x128xf32, #tpu.memory_space<vmem>>, vector<16xf32>,
          %mul3A_206 = arith.mulf %gather3A, %get3A_202 : vector<16xf32>
          %mul3A_207 = arith.mulf %gather3A_166, %get3A_205 : vector<16xf32>
          %sub3A_208 = arith.subf %mul3A_206, %mul3A_207 : vector<16xf32>
          %swap3A_209 = arith.index_cast %scan3A_161 : i32 to index
          %swap3A_210 = arith.constant 32 : index
          %swap3A_211 = tpu.vector_load %arg13[%swap3A_209, %swap3A_210] {strides = array<i32>} : memref<96x128xf32, #tpu.memory_space<vmem>>, vector<16xf32>,
          tpu.vector_store %arg13[%swap3A_209, %swap3A_210], %sub3A_208 {strides = array<i32>} : memref<96x128xf32, #tpu.memory_space<vmem>>, vector<16xf32>,
          %mul3A_212 = arith.mulf %gather3A, %get3A_205 : vector<16xf32>
          %mul3A_213 = arith.mulf %gather3A_166, %get3A_202 : vector<16xf32>
          %add3A_214 = arith.addf %mul3A_212, %mul3A_213 : vector<16xf32>
          %swap3A_215 = arith.index_cast %scan3A_161 : i32 to index
          %swap3A_216 = arith.constant 96 : index
          %swap3A_217 = tpu.vector_load %arg13[%swap3A_215, %swap3A_216] {strides = array<i32>} : memref<96x128xf32, #tpu.memory_space<vmem>>, vector<16xf32>,
          tpu.vector_store %arg13[%swap3A_215, %swap3A_216], %add3A_214 {strides = array<i32>} : memref<96x128xf32, #tpu.memory_space<vmem>>, vector<16xf32>,
          %get3A_218 = arith.index_cast %scan3A_161 : i32 to index
          %get3A_219 = arith.constant 48 : index
          %get3A_220 = tpu.vector_load %arg13[%get3A_218, %get3A_219] {strides = array<i32>} : memref<96x128xf32, #tpu.memory_space<vmem>>, vector<16xf32>,
          %get3A_221 = arith.index_cast %scan3A_161 : i32 to index
          %get3A_222 = arith.constant 112 : index
          %get3A_223 = tpu.vector_load %arg13[%get3A_221, %get3A_222] {strides = array<i32>} : memref<96x128xf32, #tpu.memory_space<vmem>>, vector<16xf32>,
          %mul3A_224 = arith.mulf %gather3A, %get3A_220 : vector<16xf32>
          %mul3A_225 = arith.mulf %gather3A_166, %get3A_223 : vector<16xf32>
          %sub3A_226 = arith.subf %mul3A_224, %mul3A_225 : vector<16xf32>
          %swap3A_227 = arith.index_cast %scan3A_161 : i32 to index
          %swap3A_228 = arith.constant 48 : index
          %swap3A_229 = tpu.vector_load %arg13[%swap3A_227, %swap3A_228] {strides = array<i32>} : memref<96x128xf32, #tpu.memory_space<vmem>>, vector<16xf32>,
          tpu.vector_store %arg13[%swap3A_227, %swap3A_228], %sub3A_226 {strides = array<i32>} : memref<96x128xf32, #tpu.memory_space<vmem>>, vector<16xf32>,
          %mul3A_230 = arith.mulf %gather3A, %get3A_223 : vector<16xf32>
          %mul3A_231 = arith.mulf %gather3A_166, %get3A_220 : vector<16xf32>
          %add3A_232 = arith.addf %mul3A_230, %mul3A_231 : vector<16xf32>
          %swap3A_233 = arith.index_cast %scan3A_161 : i32 to index
          %swap3A_234 = arith.constant 112 : index
          %swap3A_235 = tpu.vector_load %arg13[%swap3A_233, %swap3A_234] {strides = array<i32>} : memref<96x128xf32, #tpu.memory_space<vmem>>, vector<16xf32>,
          tpu.vector_store %arg13[%swap3A_233, %swap3A_234], %add3A_232 {strides = array<i32>} : memref<96x128xf32, #tpu.memory_space<vmem>>, vector<16xf32>,
          %scan3A_236 = arith.constant 0 : i32
          %scan3A_237 = arith.constant 1 : i32
          %scan3A_238 = arith.addi %scan3A_161, %scan3A_237 : i32
          %mul3A_239 = arith.constant 96 : i32
          %mul3A_240 = arith.muli %mul3A_74, %mul3A_239 : i32
          %add3A_241 = arith.addi %mul3A_240, %scan3A_238 : i32
          %broadcast_in_dim3A_242 = vector.broadcast %add3A_241 : i32 to vector<16xi32>
          %gather3A_243 = tpu.vector_load_idx %arg11[%broadcast_in_dim3A_242] : memref<2016xf32, #tpu.memory_space<vmem>>[vector<16xi32>], vector<16xf32>,
          %gather3A_244 = tpu.vector_load_idx %arg12[%broadcast_in_dim3A_242] : memref<2016xf32, #tpu.memory_space<vmem>>[vector<16xi32>], vector<16xf32>,
          %get3A_245 = arith.index_cast %scan3A_238 : i32 to index
          %get3A_246 = arith.constant 0 : index
          %get3A_247 = tpu.vector_load %arg13[%get3A_245, %get3A_246] {strides = array<i32>} : memref<96x128xf32, #tpu.memory_space<vmem>>, vector<16xf32>,
          %get3A_248 = arith.index_cast %scan3A_238 : i32 to index
          %get3A_249 = arith.constant 64 : index
          %get3A_250 = tpu.vector_load %arg13[%get3A_248, %get3A_249] {strides = array<i32>} : memref<96x128xf32, #tpu.memory_space<vmem>>, vector<16xf32>,
          %mul3A_251 = arith.mulf %gather3A_243, %get3A_247 : vector<16xf32>
          %mul3A_252 = arith.mulf %gather3A_244, %get3A_250 : vector<16xf32>
          %sub3A_253 = arith.subf %mul3A_251, %mul3A_252 : vector<16xf32>
          %swap3A_254 = arith.index_cast %scan3A_238 : i32 to index
          %swap3A_255 = arith.constant 0 : index
          %swap3A_256 = tpu.vector_load %arg13[%swap3A_254, %swap3A_255] {strides = array<i32>} : memref<96x128xf32, #tpu.memory_space<vmem>>, vector<16xf32>,
          tpu.vector_store %arg13[%swap3A_254, %swap3A_255], %sub3A_253 {strides = array<i32>} : memref<96x128xf32, #tpu.memory_space<vmem>>, vector<16xf32>,
          %mul3A_257 = arith.mulf %gather3A_243, %get3A_250 : vector<16xf32>
          %mul3A_258 = arith.mulf %gather3A_244, %get3A_247 : vector<16xf32>
          %add3A_259 = arith.addf %mul3A_257, %mul3A_258 : vector<16xf32>
          %swap3A_260 = arith.index_cast %scan3A_238 : i32 to index
          %swap3A_261 = arith.constant 64 : index
          %swap3A_262 = tpu.vector_load %arg13[%swap3A_260, %swap3A_261] {strides = array<i32>} : memref<96x128xf32, #tpu.memory_space<vmem>>, vector<16xf32>,
          tpu.vector_store %arg13[%swap3A_260, %swap3A_261], %add3A_259 {strides = array<i32>} : memref<96x128xf32, #tpu.memory_space<vmem>>, vector<16xf32>,
          %get3A_263 = arith.index_cast %scan3A_238 : i32 to index
          %get3A_264 = arith.constant 16 : index
          %get3A_265 = tpu.vector_load %arg13[%get3A_263, %get3A_264] {strides = array<i32>} : memref<96x128xf32, #tpu.memory_space<vmem>>, vector<16xf32>,
          %get3A_266 = arith.index_cast %scan3A_238 : i32 to index
          %get3A_267 = arith.constant 80 : index
          %get3A_268 = tpu.vector_load %arg13[%get3A_266, %get3A_267] {strides = array<i32>} : memref<96x128xf32, #tpu.memory_space<vmem>>, vector<16xf32>,
          %mul3A_269 = arith.mulf %gather3A_243, %get3A_265 : vector<16xf32>
          %mul3A_270 = arith.mulf %gather3A_244, %get3A_268 : vector<16xf32>
          %sub3A_271 = arith.subf %mul3A_269, %mul3A_270 : vector<16xf32>
          %swap3A_272 = arith.index_cast %scan3A_238 : i32 to index
          %swap3A_273 = arith.constant 16 : index
          %swap3A_274 = tpu.vector_load %arg13[%swap3A_272, %swap3A_273] {strides = array<i32>} : memref<96x128xf32, #tpu.memory_space<vmem>>, vector<16xf32>,
          tpu.vector_store %arg13[%swap3A_272, %swap3A_273], %sub3A_271 {strides = array<i32>} : memref<96x128xf32, #tpu.memory_space<vmem>>, vector<16xf32>,
          %mul3A_275 = arith.mulf %gather3A_243, %get3A_268 : vector<16xf32>
          %mul3A_276 = arith.mulf %gather3A_244, %get3A_265 : vector<16xf32>
          %add3A_277 = arith.addf %mul3A_275, %mul3A_276 : vector<16xf32>
          %swap3A_278 = arith.index_cast %scan3A_238 : i32 to index
          %swap3A_279 = arith.constant 80 : index
          %swap3A_280 = tpu.vector_load %arg13[%swap3A_278, %swap3A_279] {strides = array<i32>} : memref<96x128xf32, #tpu.memory_space<vmem>>, vector<16xf32>,
          tpu.vector_store %arg13[%swap3A_278, %swap3A_279], %add3A_277 {strides = array<i32>} : memref<96x128xf32, #tpu.memory_space<vmem>>, vector<16xf32>,
          %get3A_281 = arith.index_cast %scan3A_238 : i32 to index
          %get3A_282 = arith.constant 32 : index
          %get3A_283 = tpu.vector_load %arg13[%get3A_281, %get3A_282] {strides = array<i32>} : memref<96x128xf32, #tpu.memory_space<vmem>>, vector<16xf32>,
          %get3A_284 = arith.index_cast %scan3A_238 : i32 to index
          %get3A_285 = arith.constant 96 : index
          %get3A_286 = tpu.vector_load %arg13[%get3A_284, %get3A_285] {strides = array<i32>} : memref<96x128xf32, #tpu.memory_space<vmem>>, vector<16xf32>,
          %mul3A_287 = arith.mulf %gather3A_243, %get3A_283 : vector<16xf32>
          %mul3A_288 = arith.mulf %gather3A_244, %get3A_286 : vector<16xf32>
          %sub3A_289 = arith.subf %mul3A_287, %mul3A_288 : vector<16xf32>
          %swap3A_290 = arith.index_cast %scan3A_238 : i32 to index
          %swap3A_291 = arith.constant 32 : index
          %swap3A_292 = tpu.vector_load %arg13[%swap3A_290, %swap3A_291] {strides = array<i32>} : memref<96x128xf32, #tpu.memory_space<vmem>>, vector<16xf32>,
          tpu.vector_store %arg13[%swap3A_290, %swap3A_291], %sub3A_289 {strides = array<i32>} : memref<96x128xf32, #tpu.memory_space<vmem>>, vector<16xf32>,
          %mul3A_293 = arith.mulf %gather3A_243, %get3A_286 : vector<16xf32>
          %mul3A_294 = arith.mulf %gather3A_244, %get3A_283 : vector<16xf32>
          %add3A_295 = arith.addf %mul3A_293, %mul3A_294 : vector<16xf32>
          %swap3A_296 = arith.index_cast %scan3A_238 : i32 to index
          %swap3A_297 = arith.constant 96 : index
          %swap3A_298 = tpu.vector_load %arg13[%swap3A_296, %swap3A_297] {strides = array<i32>} : memref<96x128xf32, #tpu.memory_space<vmem>>, vector<16xf32>,
          tpu.vector_store %arg13[%swap3A_296, %swap3A_297], %add3A_295 {strides = array<i32>} : memref<96x128xf32, #tpu.memory_space<vmem>>, vector<16xf32>,
          %get3A_299 = arith.index_cast %scan3A_238 : i32 to index
          %get3A_300 = arith.constant 48 : index
          %get3A_301 = tpu.vector_load %arg13[%get3A_299, %get3A_300] {strides = array<i32>} : memref<96x128xf32, #tpu.memory_space<vmem>>, vector<16xf32>,
          %get3A_302 = arith.index_cast %scan3A_238 : i32 to index
          %get3A_303 = arith.constant 112 : index
          %get3A_304 = tpu.vector_load %arg13[%get3A_302, %get3A_303] {strides = array<i32>} : memref<96x128xf32, #tpu.memory_space<vmem>>, vector<16xf32>,
          %mul3A_305 = arith.mulf %gather3A_243, %get3A_301 : vector<16xf32>
          %mul3A_306 = arith.mulf %gather3A_244, %get3A_304 : vector<16xf32>
          %sub3A_307 = arith.subf %mul3A_305, %mul3A_306 : vector<16xf32>
          %swap3A_308 = arith.index_cast %scan3A_238 : i32 to index
          %swap3A_309 = arith.constant 48 : index
          %swap3A_310 = tpu.vector_load %arg13[%swap3A_308, %swap3A_309] {strides = array<i32>} : memref<96x128xf32, #tpu.memory_space<vmem>>, vector<16xf32>,
          tpu.vector_store %arg13[%swap3A_308, %swap3A_309], %sub3A_307 {strides = array<i32>} : memref<96x128xf32, #tpu.memory_space<vmem>>, vector<16xf32>,
          %mul3A_311 = arith.mulf %gather3A_243, %get3A_304 : vector<16xf32>
          %mul3A_312 = arith.mulf %gather3A_244, %get3A_301 : vector<16xf32>
          %add3A_313 = arith.addf %mul3A_311, %mul3A_312 : vector<16xf32>
          %swap3A_314 = arith.index_cast %scan3A_238 : i32 to index
          %swap3A_315 = arith.constant 112 : index
          %swap3A_316 = tpu.vector_load %arg13[%swap3A_314, %swap3A_315] {strides = array<i32>} : memref<96x128xf32, #tpu.memory_space<vmem>>, vector<16xf32>,
          tpu.vector_store %arg13[%swap3A_314, %swap3A_315], %add3A_313 {strides = array<i32>} : memref<96x128xf32, #tpu.memory_space<vmem>>, vector<16xf32>,
          %scan3A_317 = arith.constant 0 : i32
          %scan3A_318 = arith.constant 2 : i32
          %scan3A_319 = arith.addi %scan3A_161, %scan3A_318 : i32
          %mul3A_320 = arith.constant 96 : i32
          %mul3A_321 = arith.muli %mul3A_74, %mul3A_320 : i32
          %add3A_322 = arith.addi %mul3A_321, %scan3A_319 : i32
          %broadcast_in_dim3A_323 = vector.broadcast %add3A_322 : i32 to vector<16xi32>
          %gather3A_324 = tpu.vector_load_idx %arg11[%broadcast_in_dim3A_323] : memref<2016xf32, #tpu.memory_space<vmem>>[vector<16xi32>], vector<16xf32>,
          %gather3A_325 = tpu.vector_load_idx %arg12[%broadcast_in_dim3A_323] : memref<2016xf32, #tpu.memory_space<vmem>>[vector<16xi32>], vector<16xf32>,
          %get3A_326 = arith.index_cast %scan3A_319 : i32 to index
          %get3A_327 = arith.constant 0 : index
          %get3A_328 = tpu.vector_load %arg13[%get3A_326, %get3A_327] {strides = array<i32>} : memref<96x128xf32, #tpu.memory_space<vmem>>, vector<16xf32>,
          %get3A_329 = arith.index_cast %scan3A_319 : i32 to index
          %get3A_330 = arith.constant 64 : index
          %get3A_331 = tpu.vector_load %arg13[%get3A_329, %get3A_330] {strides = array<i32>} : memref<96x128xf32, #tpu.memory_space<vmem>>, vector<16xf32>,
          %mul3A_332 = arith.mulf %gather3A_324, %get3A_328 : vector<16xf32>
          %mul3A_333 = arith.mulf %gather3A_325, %get3A_331 : vector<16xf32>
          %sub3A_334 = arith.subf %mul3A_332, %mul3A_333 : vector<16xf32>
          %swap3A_335 = arith.index_cast %scan3A_319 : i32 to index
          %swap3A_336 = arith.constant 0 : index
          %swap3A_337 = tpu.vector_load %arg13[%swap3A_335, %swap3A_336] {strides = array<i32>} : memref<96x128xf32, #tpu.memory_space<vmem>>, vector<16xf32>,
          tpu.vector_store %arg13[%swap3A_335, %swap3A_336], %sub3A_334 {strides = array<i32>} : memref<96x128xf32, #tpu.memory_space<vmem>>, vector<16xf32>,
          %mul3A_338 = arith.mulf %gather3A_324, %get3A_331 : vector<16xf32>
          %mul3A_339 = arith.mulf %gather3A_325, %get3A_328 : vector<16xf32>
          %add3A_340 = arith.addf %mul3A_338, %mul3A_339 : vector<16xf32>
          %swap3A_341 = arith.index_cast %scan3A_319 : i32 to index
          %swap3A_342 = arith.constant 64 : index
          %swap3A_343 = tpu.vector_load %arg13[%swap3A_341, %swap3A_342] {strides = array<i32>} : memref<96x128xf32, #tpu.memory_space<vmem>>, vector<16xf32>,
          tpu.vector_store %arg13[%swap3A_341, %swap3A_342], %add3A_340 {strides = array<i32>} : memref<96x128xf32, #tpu.memory_space<vmem>>, vector<16xf32>,
          %get3A_344 = arith.index_cast %scan3A_319 : i32 to index
          %get3A_345 = arith.constant 16 : index
          %get3A_346 = tpu.vector_load %arg13[%get3A_344, %get3A_345] {strides = array<i32>} : memref<96x128xf32, #tpu.memory_space<vmem>>, vector<16xf32>,
          %get3A_347 = arith.index_cast %scan3A_319 : i32 to index
          %get3A_348 = arith.constant 80 : index
          %get3A_349 = tpu.vector_load %arg13[%get3A_347, %get3A_348] {strides = array<i32>} : memref<96x128xf32, #tpu.memory_space<vmem>>, vector<16xf32>,
          %mul3A_350 = arith.mulf %gather3A_324, %get3A_346 : vector<16xf32>
          %mul3A_351 = arith.mulf %gather3A_325, %get3A_349 : vector<16xf32>
          %sub3A_352 = arith.subf %mul3A_350, %mul3A_351 : vector<16xf32>
          %swap3A_353 = arith.index_cast %scan3A_319 : i32 to index
          %swap3A_354 = arith.constant 16 : index
          %swap3A_355 = tpu.vector_load %arg13[%swap3A_353, %swap3A_354] {strides = array<i32>} : memref<96x128xf32, #tpu.memory_space<vmem>>, vector<16xf32>,
          tpu.vector_store %arg13[%swap3A_353, %swap3A_354], %sub3A_352 {strides = array<i32>} : memref<96x128xf32, #tpu.memory_space<vmem>>, vector<16xf32>,
          %mul3A_356 = arith.mulf %gather3A_324, %get3A_349 : vector<16xf32>
          %mul3A_357 = arith.mulf %gather3A_325, %get3A_346 : vector<16xf32>
          %add3A_358 = arith.addf %mul3A_356, %mul3A_357 : vector<16xf32>
          %swap3A_359 = arith.index_cast %scan3A_319 : i32 to index
          %swap3A_360 = arith.constant 80 : index
          %swap3A_361 = tpu.vector_load %arg13[%swap3A_359, %swap3A_360] {strides = array<i32>} : memref<96x128xf32, #tpu.memory_space<vmem>>, vector<16xf32>,
          tpu.vector_store %arg13[%swap3A_359, %swap3A_360], %add3A_358 {strides = array<i32>} : memref<96x128xf32, #tpu.memory_space<vmem>>, vector<16xf32>,
          %get3A_362 = arith.index_cast %scan3A_319 : i32 to index
          %get3A_363 = arith.constant 32 : index
          %get3A_364 = tpu.vector_load %arg13[%get3A_362, %get3A_363] {strides = array<i32>} : memref<96x128xf32, #tpu.memory_space<vmem>>, vector<16xf32>,
          %get3A_365 = arith.index_cast %scan3A_319 : i32 to index
          %get3A_366 = arith.constant 96 : index
          %get3A_367 = tpu.vector_load %arg13[%get3A_365, %get3A_366] {strides = array<i32>} : memref<96x128xf32, #tpu.memory_space<vmem>>, vector<16xf32>,
          %mul3A_368 = arith.mulf %gather3A_324, %get3A_364 : vector<16xf32>
          %mul3A_369 = arith.mulf %gather3A_325, %get3A_367 : vector<16xf32>
          %sub3A_370 = arith.subf %mul3A_368, %mul3A_369 : vector<16xf32>
          %swap3A_371 = arith.index_cast %scan3A_319 : i32 to index
          %swap3A_372 = arith.constant 32 : index
          %swap3A_373 = tpu.vector_load %arg13[%swap3A_371, %swap3A_372] {strides = array<i32>} : memref<96x128xf32, #tpu.memory_space<vmem>>, vector<16xf32>,
          tpu.vector_store %arg13[%swap3A_371, %swap3A_372], %sub3A_370 {strides = array<i32>} : memref<96x128xf32, #tpu.memory_space<vmem>>, vector<16xf32>,
          %mul3A_374 = arith.mulf %gather3A_324, %get3A_367 : vector<16xf32>
          %mul3A_375 = arith.mulf %gather3A_325, %get3A_364 : vector<16xf32>
          %add3A_376 = arith.addf %mul3A_374, %mul3A_375 : vector<16xf32>
          %swap3A_377 = arith.index_cast %scan3A_319 : i32 to index
          %swap3A_378 = arith.constant 96 : index
          %swap3A_379 = tpu.vector_load %arg13[%swap3A_377, %swap3A_378] {strides = array<i32>} : memref<96x128xf32, #tpu.memory_space<vmem>>, vector<16xf32>,
          tpu.vector_store %arg13[%swap3A_377, %swap3A_378], %add3A_376 {strides = array<i32>} : memref<96x128xf32, #tpu.memory_space<vmem>>, vector<16xf32>,
          %get3A_380 = arith.index_cast %scan3A_319 : i32 to index
          %get3A_381 = arith.constant 48 : index
          %get3A_382 = tpu.vector_load %arg13[%get3A_380, %get3A_381] {strides = array<i32>} : memref<96x128xf32, #tpu.memory_space<vmem>>, vector<16xf32>,
          %get3A_383 = arith.index_cast %scan3A_319 : i32 to index
          %get3A_384 = arith.constant 112 : index
          %get3A_385 = tpu.vector_load %arg13[%get3A_383, %get3A_384] {strides = array<i32>} : memref<96x128xf32, #tpu.memory_space<vmem>>, vector<16xf32>,
          %mul3A_386 = arith.mulf %gather3A_324, %get3A_382 : vector<16xf32>
          %mul3A_387 = arith.mulf %gather3A_325, %get3A_385 : vector<16xf32>
          %sub3A_388 = arith.subf %mul3A_386, %mul3A_387 : vector<16xf32>
          %swap3A_389 = arith.index_cast %scan3A_319 : i32 to index
          %swap3A_390 = arith.constant 48 : index
          %swap3A_391 = tpu.vector_load %arg13[%swap3A_389, %swap3A_390] {strides = array<i32>} : memref<96x128xf32, #tpu.memory_space<vmem>>, vector<16xf32>,
          tpu.vector_store %arg13[%swap3A_389, %swap3A_390], %sub3A_388 {strides = array<i32>} : memref<96x128xf32, #tpu.memory_space<vmem>>, vector<16xf32>,
          %mul3A_392 = arith.mulf %gather3A_324, %get3A_385 : vector<16xf32>
          %mul3A_393 = arith.mulf %gather3A_325, %get3A_382 : vector<16xf32>
          %add3A_394 = arith.addf %mul3A_392, %mul3A_393 : vector<16xf32>
          %swap3A_395 = arith.index_cast %scan3A_319 : i32 to index
          %swap3A_396 = arith.constant 112 : index
          %swap3A_397 = tpu.vector_load %arg13[%swap3A_395, %swap3A_396] {strides = array<i32>} : memref<96x128xf32, #tpu.memory_space<vmem>>, vector<16xf32>,
          tpu.vector_store %arg13[%swap3A_395, %swap3A_396], %add3A_394 {strides = array<i32>} : memref<96x128xf32, #tpu.memory_space<vmem>>, vector<16xf32>,
          %scan3A_398 = arith.constant 0 : i32
          %scan3A_399 = arith.constant 3 : i32
          %scan3A_400 = arith.addi %scan3A_161, %scan3A_399 : i32
          %mul3A_401 = arith.constant 96 : i32
          %mul3A_402 = arith.muli %mul3A_74, %mul3A_401 : i32
          %add3A_403 = arith.addi %mul3A_402, %scan3A_400 : i32
          %broadcast_in_dim3A_404 = vector.broadcast %add3A_403 : i32 to vector<16xi32>
          %gather3A_405 = tpu.vector_load_idx %arg11[%broadcast_in_dim3A_404] : memref<2016xf32, #tpu.memory_space<vmem>>[vector<16xi32>], vector<16xf32>,
          %gather3A_406 = tpu.vector_load_idx %arg12[%broadcast_in_dim3A_404] : memref<2016xf32, #tpu.memory_space<vmem>>[vector<16xi32>], vector<16xf32>,
          %get3A_407 = arith.index_cast %scan3A_400 : i32 to index
          %get3A_408 = arith.constant 0 : index
          %get3A_409 = tpu.vector_load %arg13[%get3A_407, %get3A_408] {strides = array<i32>} : memref<96x128xf32, #tpu.memory_space<vmem>>, vector<16xf32>,
          %get3A_410 = arith.index_cast %scan3A_400 : i32 to index
          %get3A_411 = arith.constant 64 : index
          %get3A_412 = tpu.vector_load %arg13[%get3A_410, %get3A_411] {strides = array<i32>} : memref<96x128xf32, #tpu.memory_space<vmem>>, vector<16xf32>,
          %mul3A_413 = arith.mulf %gather3A_405, %get3A_409 : vector<16xf32>
          %mul3A_414 = arith.mulf %gather3A_406, %get3A_412 : vector<16xf32>
          %sub3A_415 = arith.subf %mul3A_413, %mul3A_414 : vector<16xf32>
          %swap3A_416 = arith.index_cast %scan3A_400 : i32 to index
          %swap3A_417 = arith.constant 0 : index
          %swap3A_418 = tpu.vector_load %arg13[%swap3A_416, %swap3A_417] {strides = array<i32>} : memref<96x128xf32, #tpu.memory_space<vmem>>, vector<16xf32>,
          tpu.vector_store %arg13[%swap3A_416, %swap3A_417], %sub3A_415 {strides = array<i32>} : memref<96x128xf32, #tpu.memory_space<vmem>>, vector<16xf32>,
          %mul3A_419 = arith.mulf %gather3A_405, %get3A_412 : vector<16xf32>
          %mul3A_420 = arith.mulf %gather3A_406, %get3A_409 : vector<16xf32>
          %add3A_421 = arith.addf %mul3A_419, %mul3A_420 : vector<16xf32>
          %swap3A_422 = arith.index_cast %scan3A_400 : i32 to index
          %swap3A_423 = arith.constant 64 : index
          %swap3A_424 = tpu.vector_load %arg13[%swap3A_422, %swap3A_423] {strides = array<i32>} : memref<96x128xf32, #tpu.memory_space<vmem>>, vector<16xf32>,
          tpu.vector_store %arg13[%swap3A_422, %swap3A_423], %add3A_421 {strides = array<i32>} : memref<96x128xf32, #tpu.memory_space<vmem>>, vector<16xf32>,
          %get3A_425 = arith.index_cast %scan3A_400 : i32 to index
          %get3A_426 = arith.constant 16 : index
          %get3A_427 = tpu.vector_load %arg13[%get3A_425, %get3A_426] {strides = array<i32>} : memref<96x128xf32, #tpu.memory_space<vmem>>, vector<16xf32>,
          %get3A_428 = arith.index_cast %scan3A_400 : i32 to index
          %get3A_429 = arith.constant 80 : index
          %get3A_430 = tpu.vector_load %arg13[%get3A_428, %get3A_429] {strides = array<i32>} : memref<96x128xf32, #tpu.memory_space<vmem>>, vector<16xf32>,
          %mul3A_431 = arith.mulf %gather3A_405, %get3A_427 : vector<16xf32>
          %mul3A_432 = arith.mulf %gather3A_406, %get3A_430 : vector<16xf32>
          %sub3A_433 = arith.subf %mul3A_431, %mul3A_432 : vector<16xf32>
          %swap3A_434 = arith.index_cast %scan3A_400 : i32 to index
          %swap3A_435 = arith.constant 16 : index
          %swap3A_436 = tpu.vector_load %arg13[%swap3A_434, %swap3A_435] {strides = array<i32>} : memref<96x128xf32, #tpu.memory_space<vmem>>, vector<16xf32>,
          tpu.vector_store %arg13[%swap3A_434, %swap3A_435], %sub3A_433 {strides = array<i32>} : memref<96x128xf32, #tpu.memory_space<vmem>>, vector<16xf32>,
          %mul3A_437 = arith.mulf %gather3A_405, %get3A_430 : vector<16xf32>
          %mul3A_438 = arith.mulf %gather3A_406, %get3A_427 : vector<16xf32>
          %add3A_439 = arith.addf %mul3A_437, %mul3A_438 : vector<16xf32>
          %swap3A_440 = arith.index_cast %scan3A_400 : i32 to index
          %swap3A_441 = arith.constant 80 : index
          %swap3A_442 = tpu.vector_load %arg13[%swap3A_440, %swap3A_441] {strides = array<i32>} : memref<96x128xf32, #tpu.memory_space<vmem>>, vector<16xf32>,
          tpu.vector_store %arg13[%swap3A_440, %swap3A_441], %add3A_439 {strides = array<i32>} : memref<96x128xf32, #tpu.memory_space<vmem>>, vector<16xf32>,
          %get3A_443 = arith.index_cast %scan3A_400 : i32 to index
          %get3A_444 = arith.constant 32 : index
          %get3A_445 = tpu.vector_load %arg13[%get3A_443, %get3A_444] {strides = array<i32>} : memref<96x128xf32, #tpu.memory_space<vmem>>, vector<16xf32>,
          %get3A_446 = arith.index_cast %scan3A_400 : i32 to index
          %get3A_447 = arith.constant 96 : index
          %get3A_448 = tpu.vector_load %arg13[%get3A_446, %get3A_447] {strides = array<i32>} : memref<96x128xf32, #tpu.memory_space<vmem>>, vector<16xf32>,
          %mul3A_449 = arith.mulf %gather3A_405, %get3A_445 : vector<16xf32>
          %mul3A_450 = arith.mulf %gather3A_406, %get3A_448 : vector<16xf32>
          %sub3A_451 = arith.subf %mul3A_449, %mul3A_450 : vector<16xf32>
          %swap3A_452 = arith.index_cast %scan3A_400 : i32 to index
          %swap3A_453 = arith.constant 32 : index
          %swap3A_454 = tpu.vector_load %arg13[%swap3A_452, %swap3A_453] {strides = array<i32>} : memref<96x128xf32, #tpu.memory_space<vmem>>, vector<16xf32>,
          tpu.vector_store %arg13[%swap3A_452, %swap3A_453], %sub3A_451 {strides = array<i32>} : memref<96x128xf32, #tpu.memory_space<vmem>>, vector<16xf32>,
          %mul3A_455 = arith.mulf %gather3A_405, %get3A_448 : vector<16xf32>
          %mul3A_456 = arith.mulf %gather3A_406, %get3A_445 : vector<16xf32>
          %add3A_457 = arith.addf %mul3A_455, %mul3A_456 : vector<16xf32>
          %swap3A_458 = arith.index_cast %scan3A_400 : i32 to index
          %swap3A_459 = arith.constant 96 : index
          %swap3A_460 = tpu.vector_load %arg13[%swap3A_458, %swap3A_459] {strides = array<i32>} : memref<96x128xf32, #tpu.memory_space<vmem>>, vector<16xf32>,
          tpu.vector_store %arg13[%swap3A_458, %swap3A_459], %add3A_457 {strides = array<i32>} : memref<96x128xf32, #tpu.memory_space<vmem>>, vector<16xf32>,
          %get3A_461 = arith.index_cast %scan3A_400 : i32 to index
          %get3A_462 = arith.constant 48 : index
          %get3A_463 = tpu.vector_load %arg13[%get3A_461, %get3A_462] {strides = array<i32>} : memref<96x128xf32, #tpu.memory_space<vmem>>, vector<16xf32>,
          %get3A_464 = arith.index_cast %scan3A_400 : i32 to index
          %get3A_465 = arith.constant 112 : index
          %get3A_466 = tpu.vector_load %arg13[%get3A_464, %get3A_465] {strides = array<i32>} : memref<96x128xf32, #tpu.memory_space<vmem>>, vector<16xf32>,
          %mul3A_467 = arith.mulf %gather3A_405, %get3A_463 : vector<16xf32>
          %mul3A_468 = arith.mulf %gather3A_406, %get3A_466 : vector<16xf32>
          %sub3A_469 = arith.subf %mul3A_467, %mul3A_468 : vector<16xf32>
          %swap3A_470 = arith.index_cast %scan3A_400 : i32 to index
          %swap3A_471 = arith.constant 48 : index
          %swap3A_472 = tpu.vector_load %arg13[%swap3A_470, %swap3A_471] {strides = array<i32>} : memref<96x128xf32, #tpu.memory_space<vmem>>, vector<16xf32>,
          tpu.vector_store %arg13[%swap3A_470, %swap3A_471], %sub3A_469 {strides = array<i32>} : memref<96x128xf32, #tpu.memory_space<vmem>>, vector<16xf32>,
          %mul3A_473 = arith.mulf %gather3A_405, %get3A_466 : vector<16xf32>
          %mul3A_474 = arith.mulf %gather3A_406, %get3A_463 : vector<16xf32>
          %add3A_475 = arith.addf %mul3A_473, %mul3A_474 : vector<16xf32>
          %swap3A_476 = arith.index_cast %scan3A_400 : i32 to index
          %swap3A_477 = arith.constant 112 : index
          %swap3A_478 = tpu.vector_load %arg13[%swap3A_476, %swap3A_477] {strides = array<i32>} : memref<96x128xf32, #tpu.memory_space<vmem>>, vector<16xf32>,
          tpu.vector_store %arg13[%swap3A_476, %swap3A_477], %add3A_475 {strides = array<i32>} : memref<96x128xf32, #tpu.memory_space<vmem>>, vector<16xf32>,
          %scan3A_479 = arith.constant 0 : i32
          scf.yield %scan3A_479 : i32
        }
        %scan3A_97 = arith.constant 48 : i32
        "tpu.region"() ({
          %run_scoped3A_161 = tpu.sem_alloc : memref<!tpu.dma_semaphore, #tpu.memory_space<semaphore_mem>>
          %dma_start3A_162 = arith.constant 0 : i32
          %dma_start3A_163 = tpu.memref_slice %arg9[%mul3A_74, %dma_start3A_162] : memref<21x96xi32, #tpu.memory_space<vmem>> -> memref<1x96xi32, #tpu.memory_space<vmem>>
          %dma_start3A_164 = tpu.memref_squeeze %dma_start3A_163 : memref<1x96xi32, #tpu.memory_space<vmem>> -> memref<96xi32, #tpu.memory_space<vmem>>
          %dma_start3A_165 = arith.constant 0 : i32
          %dma_start3A_166 = arith.constant 0 : i32
          %dma_start3A_167 = tpu.memref_slice %arg8[%dma_start3A_165, %dma_start3A_166] : memref<10000x128xf32, #tpu.memory_space<vmem_shared>> -> memref<10000x128xf32, #tpu.memory_space<vmem_shared>>
          tpu.enqueue_indirect_dma source(%arg13 : memref<96x128xf32, #tpu.memory_space<vmem>>) target(%dma_start3A_167 : memref<10000x128xf32, #tpu.memory_space<vmem_shared>>) offsets(%dma_start3A_164 : memref<96xi32, #tpu.memory_space<vmem>>) semaphore(%run_scoped3A_161 : memref<!tpu.dma_semaphore, #tpu.memory_space<semaphore_mem>>) {add = true}
          %dma_wait3A_168 = arith.constant 0 : i32
          %dma_wait3A_169 = tpu.memref_slice %arg9[%mul3A_74, %dma_wait3A_168] : memref<21x96xi32, #tpu.memory_space<vmem>> -> memref<1x96xi32, #tpu.memory_space<vmem>>
          %dma_wait3A_170 = tpu.memref_squeeze %dma_wait3A_169 : memref<1x96xi32, #tpu.memory_space<vmem>> -> memref<96xi32, #tpu.memory_space<vmem>>
          %dma_wait3A_171 = arith.constant 0 : i32
          %dma_wait3A_172 = arith.constant 0 : i32
          %dma_wait3A_173 = tpu.memref_slice %arg8[%dma_wait3A_171, %dma_wait3A_172] : memref<10000x128xf32, #tpu.memory_space<vmem_shared>> -> memref<10000x128xf32, #tpu.memory_space<vmem_shared>>
          tpu.wait_indirect_dma semaphore(%run_scoped3A_161 : memref<!tpu.dma_semaphore, #tpu.memory_space<semaphore_mem>>) src(%arg13 : memref<96x128xf32, #tpu.memory_space<vmem>>) dst(%dma_wait3A_173 : memref<10000x128xf32, #tpu.memory_space<vmem_shared>>)
          tpu.yield
        }) : () -> ()
        %mul3A_98 = arith.constant 3 : i32
        %mul3A_99 = arith.muli %mul3A_98, %scan3A_71 : i32
        %add3A_100 = arith.constant 1 : i32
        %add3A_101 = arith.addi %mul3A_99, %add3A_100 : i32
        %dma_wait3A_102 = arith.constant 0 : i32
        %dma_wait3A_103 = tpu.memref_slice %arg10[%add3A_101, %dma_wait3A_102] : memref<21x96xi32, #tpu.memory_space<vmem>> -> memref<1x96xi32, #tpu.memory_space<vmem>>
        %dma_wait3A_104 = tpu.memref_squeeze %dma_wait3A_103 : memref<1x96xi32, #tpu.memory_space<vmem>> -> memref<96xi32, #tpu.memory_space<vmem>>
        %dma_wait3A_105 = arith.constant 0 : i32
        %dma_wait3A_106 = arith.constant 0 : i32
        %dma_wait3A_107 = tpu.memref_slice %arg6[%dma_wait3A_105, %dma_wait3A_106] : memref<20000x128xf32, #tpu.memory_space<hbm>> -> memref<20000x128xf32, #tpu.memory_space<hbm>>
        tpu.wait_indirect_dma semaphore(%arg17 : memref<!tpu.dma_semaphore, #tpu.memory_space<semaphore_mem>>) src(%dma_wait3A_107 : memref<20000x128xf32, #tpu.memory_space<hbm>>) dst(%arg14 : memref<96x128xf32, #tpu.memory_space<vmem>>)
        %scan3A_108 = arith.constant 0 : i32
        %scan3A_109 = arith.constant 0 : i32
        %scan3A_110 = arith.constant 48 : i32
        %scan3A_111 = arith.addi %scan3A_109, %scan3A_110 : i32
        %scan3A_112 = arith.constant 4 : i32
        %scan3A_113 = scf.for %scan3A_161 = %scan3A_109 to %scan3A_111 step %scan3A_112 iter_args(%scan3A_162 = %scan3A_108) -> (i32)  : i32 {
          %mul3A_163 = arith.constant 96 : i32
          %mul3A_164 = arith.muli %add3A_101, %mul3A_163 : i32
          %add3A_165 = arith.addi %mul3A_164, %scan3A_161 : i32
          %broadcast_in_dim3A = vector.broadcast %add3A_165 : i32 to vector<16xi32>
          %gather3A = tpu.vector_load_idx %arg11[%broadcast_in_dim3A] : memref<2016xf32, #tpu.memory_space<vmem>>[vector<16xi32>], vector<16xf32>,
          %gather3A_166 = tpu.vector_load_idx %arg12[%broadcast_in_dim3A] : memref<2016xf32, #tpu.memory_space<vmem>>[vector<16xi32>], vector<16xf32>,
          %get3A = arith.index_cast %scan3A_161 : i32 to index
          %get3A_167 = arith.constant 0 : index
          %get3A_168 = tpu.vector_load %arg14[%get3A, %get3A_167] {strides = array<i32>} : memref<96x128xf32, #tpu.memory_space<vmem>>, vector<16xf32>,
          %get3A_169 = arith.index_cast %scan3A_161 : i32 to index
          %get3A_170 = arith.constant 64 : index
          %get3A_171 = tpu.vector_load %arg14[%get3A_169, %get3A_170] {strides = array<i32>} : memref<96x128xf32, #tpu.memory_space<vmem>>, vector<16xf32>,
          %mul3A_172 = arith.mulf %gather3A, %get3A_168 : vector<16xf32>
          %mul3A_173 = arith.mulf %gather3A_166, %get3A_171 : vector<16xf32>
          %sub3A = arith.subf %mul3A_172, %mul3A_173 : vector<16xf32>
          %swap3A = arith.index_cast %scan3A_161 : i32 to index
          %swap3A_174 = arith.constant 0 : index
          %swap3A_175 = tpu.vector_load %arg14[%swap3A, %swap3A_174] {strides = array<i32>} : memref<96x128xf32, #tpu.memory_space<vmem>>, vector<16xf32>,
          tpu.vector_store %arg14[%swap3A, %swap3A_174], %sub3A {strides = array<i32>} : memref<96x128xf32, #tpu.memory_space<vmem>>, vector<16xf32>,
          %mul3A_176 = arith.mulf %gather3A, %get3A_171 : vector<16xf32>
          %mul3A_177 = arith.mulf %gather3A_166, %get3A_168 : vector<16xf32>
          %add3A_178 = arith.addf %mul3A_176, %mul3A_177 : vector<16xf32>
          %swap3A_179 = arith.index_cast %scan3A_161 : i32 to index
          %swap3A_180 = arith.constant 64 : index
          %swap3A_181 = tpu.vector_load %arg14[%swap3A_179, %swap3A_180] {strides = array<i32>} : memref<96x128xf32, #tpu.memory_space<vmem>>, vector<16xf32>,
          tpu.vector_store %arg14[%swap3A_179, %swap3A_180], %add3A_178 {strides = array<i32>} : memref<96x128xf32, #tpu.memory_space<vmem>>, vector<16xf32>,
          %get3A_182 = arith.index_cast %scan3A_161 : i32 to index
          %get3A_183 = arith.constant 16 : index
          %get3A_184 = tpu.vector_load %arg14[%get3A_182, %get3A_183] {strides = array<i32>} : memref<96x128xf32, #tpu.memory_space<vmem>>, vector<16xf32>,
          %get3A_185 = arith.index_cast %scan3A_161 : i32 to index
          %get3A_186 = arith.constant 80 : index
          %get3A_187 = tpu.vector_load %arg14[%get3A_185, %get3A_186] {strides = array<i32>} : memref<96x128xf32, #tpu.memory_space<vmem>>, vector<16xf32>,
          %mul3A_188 = arith.mulf %gather3A, %get3A_184 : vector<16xf32>
          %mul3A_189 = arith.mulf %gather3A_166, %get3A_187 : vector<16xf32>
          %sub3A_190 = arith.subf %mul3A_188, %mul3A_189 : vector<16xf32>
          %swap3A_191 = arith.index_cast %scan3A_161 : i32 to index
          %swap3A_192 = arith.constant 16 : index
          %swap3A_193 = tpu.vector_load %arg14[%swap3A_191, %swap3A_192] {strides = array<i32>} : memref<96x128xf32, #tpu.memory_space<vmem>>, vector<16xf32>,
          tpu.vector_store %arg14[%swap3A_191, %swap3A_192], %sub3A_190 {strides = array<i32>} : memref<96x128xf32, #tpu.memory_space<vmem>>, vector<16xf32>,
          %mul3A_194 = arith.mulf %gather3A, %get3A_187 : vector<16xf32>
          %mul3A_195 = arith.mulf %gather3A_166, %get3A_184 : vector<16xf32>
          %add3A_196 = arith.addf %mul3A_194, %mul3A_195 : vector<16xf32>
          %swap3A_197 = arith.index_cast %scan3A_161 : i32 to index
          %swap3A_198 = arith.constant 80 : index
          %swap3A_199 = tpu.vector_load %arg14[%swap3A_197, %swap3A_198] {strides = array<i32>} : memref<96x128xf32, #tpu.memory_space<vmem>>, vector<16xf32>,
          tpu.vector_store %arg14[%swap3A_197, %swap3A_198], %add3A_196 {strides = array<i32>} : memref<96x128xf32, #tpu.memory_space<vmem>>, vector<16xf32>,
          %get3A_200 = arith.index_cast %scan3A_161 : i32 to index
          %get3A_201 = arith.constant 32 : index
          %get3A_202 = tpu.vector_load %arg14[%get3A_200, %get3A_201] {strides = array<i32>} : memref<96x128xf32, #tpu.memory_space<vmem>>, vector<16xf32>,
          %get3A_203 = arith.index_cast %scan3A_161 : i32 to index
          %get3A_204 = arith.constant 96 : index
          %get3A_205 = tpu.vector_load %arg14[%get3A_203, %get3A_204] {strides = array<i32>} : memref<96x128xf32, #tpu.memory_space<vmem>>, vector<16xf32>,
          %mul3A_206 = arith.mulf %gather3A, %get3A_202 : vector<16xf32>
          %mul3A_207 = arith.mulf %gather3A_166, %get3A_205 : vector<16xf32>
          %sub3A_208 = arith.subf %mul3A_206, %mul3A_207 : vector<16xf32>
          %swap3A_209 = arith.index_cast %scan3A_161 : i32 to index
          %swap3A_210 = arith.constant 32 : index
          %swap3A_211 = tpu.vector_load %arg14[%swap3A_209, %swap3A_210] {strides = array<i32>} : memref<96x128xf32, #tpu.memory_space<vmem>>, vector<16xf32>,
          tpu.vector_store %arg14[%swap3A_209, %swap3A_210], %sub3A_208 {strides = array<i32>} : memref<96x128xf32, #tpu.memory_space<vmem>>, vector<16xf32>,
          %mul3A_212 = arith.mulf %gather3A, %get3A_205 : vector<16xf32>
          %mul3A_213 = arith.mulf %gather3A_166, %get3A_202 : vector<16xf32>
          %add3A_214 = arith.addf %mul3A_212, %mul3A_213 : vector<16xf32>
          %swap3A_215 = arith.index_cast %scan3A_161 : i32 to index
          %swap3A_216 = arith.constant 96 : index
          %swap3A_217 = tpu.vector_load %arg14[%swap3A_215, %swap3A_216] {strides = array<i32>} : memref<96x128xf32, #tpu.memory_space<vmem>>, vector<16xf32>,
          tpu.vector_store %arg14[%swap3A_215, %swap3A_216], %add3A_214 {strides = array<i32>} : memref<96x128xf32, #tpu.memory_space<vmem>>, vector<16xf32>,
          %get3A_218 = arith.index_cast %scan3A_161 : i32 to index
          %get3A_219 = arith.constant 48 : index
          %get3A_220 = tpu.vector_load %arg14[%get3A_218, %get3A_219] {strides = array<i32>} : memref<96x128xf32, #tpu.memory_space<vmem>>, vector<16xf32>,
          %get3A_221 = arith.index_cast %scan3A_161 : i32 to index
          %get3A_222 = arith.constant 112 : index
          %get3A_223 = tpu.vector_load %arg14[%get3A_221, %get3A_222] {strides = array<i32>} : memref<96x128xf32, #tpu.memory_space<vmem>>, vector<16xf32>,
          %mul3A_224 = arith.mulf %gather3A, %get3A_220 : vector<16xf32>
          %mul3A_225 = arith.mulf %gather3A_166, %get3A_223 : vector<16xf32>
          %sub3A_226 = arith.subf %mul3A_224, %mul3A_225 : vector<16xf32>
          %swap3A_227 = arith.index_cast %scan3A_161 : i32 to index
          %swap3A_228 = arith.constant 48 : index
          %swap3A_229 = tpu.vector_load %arg14[%swap3A_227, %swap3A_228] {strides = array<i32>} : memref<96x128xf32, #tpu.memory_space<vmem>>, vector<16xf32>,
          tpu.vector_store %arg14[%swap3A_227, %swap3A_228], %sub3A_226 {strides = array<i32>} : memref<96x128xf32, #tpu.memory_space<vmem>>, vector<16xf32>,
          %mul3A_230 = arith.mulf %gather3A, %get3A_223 : vector<16xf32>
          %mul3A_231 = arith.mulf %gather3A_166, %get3A_220 : vector<16xf32>
          %add3A_232 = arith.addf %mul3A_230, %mul3A_231 : vector<16xf32>
          %swap3A_233 = arith.index_cast %scan3A_161 : i32 to index
          %swap3A_234 = arith.constant 112 : index
          %swap3A_235 = tpu.vector_load %arg14[%swap3A_233, %swap3A_234] {strides = array<i32>} : memref<96x128xf32, #tpu.memory_space<vmem>>, vector<16xf32>,
          tpu.vector_store %arg14[%swap3A_233, %swap3A_234], %add3A_232 {strides = array<i32>} : memref<96x128xf32, #tpu.memory_space<vmem>>, vector<16xf32>,
          %scan3A_236 = arith.constant 0 : i32
          %scan3A_237 = arith.constant 1 : i32
          %scan3A_238 = arith.addi %scan3A_161, %scan3A_237 : i32
          %mul3A_239 = arith.constant 96 : i32
          %mul3A_240 = arith.muli %add3A_101, %mul3A_239 : i32
          %add3A_241 = arith.addi %mul3A_240, %scan3A_238 : i32
          %broadcast_in_dim3A_242 = vector.broadcast %add3A_241 : i32 to vector<16xi32>
          %gather3A_243 = tpu.vector_load_idx %arg11[%broadcast_in_dim3A_242] : memref<2016xf32, #tpu.memory_space<vmem>>[vector<16xi32>], vector<16xf32>,
          %gather3A_244 = tpu.vector_load_idx %arg12[%broadcast_in_dim3A_242] : memref<2016xf32, #tpu.memory_space<vmem>>[vector<16xi32>], vector<16xf32>,
          %get3A_245 = arith.index_cast %scan3A_238 : i32 to index
          %get3A_246 = arith.constant 0 : index
          %get3A_247 = tpu.vector_load %arg14[%get3A_245, %get3A_246] {strides = array<i32>} : memref<96x128xf32, #tpu.memory_space<vmem>>, vector<16xf32>,
          %get3A_248 = arith.index_cast %scan3A_238 : i32 to index
          %get3A_249 = arith.constant 64 : index
          %get3A_250 = tpu.vector_load %arg14[%get3A_248, %get3A_249] {strides = array<i32>} : memref<96x128xf32, #tpu.memory_space<vmem>>, vector<16xf32>,
          %mul3A_251 = arith.mulf %gather3A_243, %get3A_247 : vector<16xf32>
          %mul3A_252 = arith.mulf %gather3A_244, %get3A_250 : vector<16xf32>
          %sub3A_253 = arith.subf %mul3A_251, %mul3A_252 : vector<16xf32>
          %swap3A_254 = arith.index_cast %scan3A_238 : i32 to index
          %swap3A_255 = arith.constant 0 : index
          %swap3A_256 = tpu.vector_load %arg14[%swap3A_254, %swap3A_255] {strides = array<i32>} : memref<96x128xf32, #tpu.memory_space<vmem>>, vector<16xf32>,
          tpu.vector_store %arg14[%swap3A_254, %swap3A_255], %sub3A_253 {strides = array<i32>} : memref<96x128xf32, #tpu.memory_space<vmem>>, vector<16xf32>,
          %mul3A_257 = arith.mulf %gather3A_243, %get3A_250 : vector<16xf32>
          %mul3A_258 = arith.mulf %gather3A_244, %get3A_247 : vector<16xf32>
          %add3A_259 = arith.addf %mul3A_257, %mul3A_258 : vector<16xf32>
          %swap3A_260 = arith.index_cast %scan3A_238 : i32 to index
          %swap3A_261 = arith.constant 64 : index
          %swap3A_262 = tpu.vector_load %arg14[%swap3A_260, %swap3A_261] {strides = array<i32>} : memref<96x128xf32, #tpu.memory_space<vmem>>, vector<16xf32>,
          tpu.vector_store %arg14[%swap3A_260, %swap3A_261], %add3A_259 {strides = array<i32>} : memref<96x128xf32, #tpu.memory_space<vmem>>, vector<16xf32>,
          %get3A_263 = arith.index_cast %scan3A_238 : i32 to index
          %get3A_264 = arith.constant 16 : index
          %get3A_265 = tpu.vector_load %arg14[%get3A_263, %get3A_264] {strides = array<i32>} : memref<96x128xf32, #tpu.memory_space<vmem>>, vector<16xf32>,
          %get3A_266 = arith.index_cast %scan3A_238 : i32 to index
          %get3A_267 = arith.constant 80 : index
          %get3A_268 = tpu.vector_load %arg14[%get3A_266, %get3A_267] {strides = array<i32>} : memref<96x128xf32, #tpu.memory_space<vmem>>, vector<16xf32>,
          %mul3A_269 = arith.mulf %gather3A_243, %get3A_265 : vector<16xf32>
          %mul3A_270 = arith.mulf %gather3A_244, %get3A_268 : vector<16xf32>
          %sub3A_271 = arith.subf %mul3A_269, %mul3A_270 : vector<16xf32>
          %swap3A_272 = arith.index_cast %scan3A_238 : i32 to index
          %swap3A_273 = arith.constant 16 : index
          %swap3A_274 = tpu.vector_load %arg14[%swap3A_272, %swap3A_273] {strides = array<i32>} : memref<96x128xf32, #tpu.memory_space<vmem>>, vector<16xf32>,
          tpu.vector_store %arg14[%swap3A_272, %swap3A_273], %sub3A_271 {strides = array<i32>} : memref<96x128xf32, #tpu.memory_space<vmem>>, vector<16xf32>,
          %mul3A_275 = arith.mulf %gather3A_243, %get3A_268 : vector<16xf32>
          %mul3A_276 = arith.mulf %gather3A_244, %get3A_265 : vector<16xf32>
          %add3A_277 = arith.addf %mul3A_275, %mul3A_276 : vector<16xf32>
          %swap3A_278 = arith.index_cast %scan3A_238 : i32 to index
          %swap3A_279 = arith.constant 80 : index
          %swap3A_280 = tpu.vector_load %arg14[%swap3A_278, %swap3A_279] {strides = array<i32>} : memref<96x128xf32, #tpu.memory_space<vmem>>, vector<16xf32>,
          tpu.vector_store %arg14[%swap3A_278, %swap3A_279], %add3A_277 {strides = array<i32>} : memref<96x128xf32, #tpu.memory_space<vmem>>, vector<16xf32>,
          %get3A_281 = arith.index_cast %scan3A_238 : i32 to index
          %get3A_282 = arith.constant 32 : index
          %get3A_283 = tpu.vector_load %arg14[%get3A_281, %get3A_282] {strides = array<i32>} : memref<96x128xf32, #tpu.memory_space<vmem>>, vector<16xf32>,
          %get3A_284 = arith.index_cast %scan3A_238 : i32 to index
          %get3A_285 = arith.constant 96 : index
          %get3A_286 = tpu.vector_load %arg14[%get3A_284, %get3A_285] {strides = array<i32>} : memref<96x128xf32, #tpu.memory_space<vmem>>, vector<16xf32>,
          %mul3A_287 = arith.mulf %gather3A_243, %get3A_283 : vector<16xf32>
          %mul3A_288 = arith.mulf %gather3A_244, %get3A_286 : vector<16xf32>
          %sub3A_289 = arith.subf %mul3A_287, %mul3A_288 : vector<16xf32>
          %swap3A_290 = arith.index_cast %scan3A_238 : i32 to index
          %swap3A_291 = arith.constant 32 : index
          %swap3A_292 = tpu.vector_load %arg14[%swap3A_290, %swap3A_291] {strides = array<i32>} : memref<96x128xf32, #tpu.memory_space<vmem>>, vector<16xf32>,
          tpu.vector_store %arg14[%swap3A_290, %swap3A_291], %sub3A_289 {strides = array<i32>} : memref<96x128xf32, #tpu.memory_space<vmem>>, vector<16xf32>,
          %mul3A_293 = arith.mulf %gather3A_243, %get3A_286 : vector<16xf32>
          %mul3A_294 = arith.mulf %gather3A_244, %get3A_283 : vector<16xf32>
          %add3A_295 = arith.addf %mul3A_293, %mul3A_294 : vector<16xf32>
          %swap3A_296 = arith.index_cast %scan3A_238 : i32 to index
          %swap3A_297 = arith.constant 96 : index
          %swap3A_298 = tpu.vector_load %arg14[%swap3A_296, %swap3A_297] {strides = array<i32>} : memref<96x128xf32, #tpu.memory_space<vmem>>, vector<16xf32>,
          tpu.vector_store %arg14[%swap3A_296, %swap3A_297], %add3A_295 {strides = array<i32>} : memref<96x128xf32, #tpu.memory_space<vmem>>, vector<16xf32>,
          %get3A_299 = arith.index_cast %scan3A_238 : i32 to index
          %get3A_300 = arith.constant 48 : index
          %get3A_301 = tpu.vector_load %arg14[%get3A_299, %get3A_300] {strides = array<i32>} : memref<96x128xf32, #tpu.memory_space<vmem>>, vector<16xf32>,
          %get3A_302 = arith.index_cast %scan3A_238 : i32 to index
          %get3A_303 = arith.constant 112 : index
          %get3A_304 = tpu.vector_load %arg14[%get3A_302, %get3A_303] {strides = array<i32>} : memref<96x128xf32, #tpu.memory_space<vmem>>, vector<16xf32>,
          %mul3A_305 = arith.mulf %gather3A_243, %get3A_301 : vector<16xf32>
          %mul3A_306 = arith.mulf %gather3A_244, %get3A_304 : vector<16xf32>
          %sub3A_307 = arith.subf %mul3A_305, %mul3A_306 : vector<16xf32>
          %swap3A_308 = arith.index_cast %scan3A_238 : i32 to index
          %swap3A_309 = arith.constant 48 : index
          %swap3A_310 = tpu.vector_load %arg14[%swap3A_308, %swap3A_309] {strides = array<i32>} : memref<96x128xf32, #tpu.memory_space<vmem>>, vector<16xf32>,
          tpu.vector_store %arg14[%swap3A_308, %swap3A_309], %sub3A_307 {strides = array<i32>} : memref<96x128xf32, #tpu.memory_space<vmem>>, vector<16xf32>,
          %mul3A_311 = arith.mulf %gather3A_243, %get3A_304 : vector<16xf32>
          %mul3A_312 = arith.mulf %gather3A_244, %get3A_301 : vector<16xf32>
          %add3A_313 = arith.addf %mul3A_311, %mul3A_312 : vector<16xf32>
          %swap3A_314 = arith.index_cast %scan3A_238 : i32 to index
          %swap3A_315 = arith.constant 112 : index
          %swap3A_316 = tpu.vector_load %arg14[%swap3A_314, %swap3A_315] {strides = array<i32>} : memref<96x128xf32, #tpu.memory_space<vmem>>, vector<16xf32>,
          tpu.vector_store %arg14[%swap3A_314, %swap3A_315], %add3A_313 {strides = array<i32>} : memref<96x128xf32, #tpu.memory_space<vmem>>, vector<16xf32>,
          %scan3A_317 = arith.constant 0 : i32
          %scan3A_318 = arith.constant 2 : i32
          %scan3A_319 = arith.addi %scan3A_161, %scan3A_318 : i32
          %mul3A_320 = arith.constant 96 : i32
          %mul3A_321 = arith.muli %add3A_101, %mul3A_320 : i32
          %add3A_322 = arith.addi %mul3A_321, %scan3A_319 : i32
          %broadcast_in_dim3A_323 = vector.broadcast %add3A_322 : i32 to vector<16xi32>
          %gather3A_324 = tpu.vector_load_idx %arg11[%broadcast_in_dim3A_323] : memref<2016xf32, #tpu.memory_space<vmem>>[vector<16xi32>], vector<16xf32>,
          %gather3A_325 = tpu.vector_load_idx %arg12[%broadcast_in_dim3A_323] : memref<2016xf32, #tpu.memory_space<vmem>>[vector<16xi32>], vector<16xf32>,
          %get3A_326 = arith.index_cast %scan3A_319 : i32 to index
          %get3A_327 = arith.constant 0 : index
          %get3A_328 = tpu.vector_load %arg14[%get3A_326, %get3A_327] {strides = array<i32>} : memref<96x128xf32, #tpu.memory_space<vmem>>, vector<16xf32>,
          %get3A_329 = arith.index_cast %scan3A_319 : i32 to index
          %get3A_330 = arith.constant 64 : index
          %get3A_331 = tpu.vector_load %arg14[%get3A_329, %get3A_330] {strides = array<i32>} : memref<96x128xf32, #tpu.memory_space<vmem>>, vector<16xf32>,
          %mul3A_332 = arith.mulf %gather3A_324, %get3A_328 : vector<16xf32>
          %mul3A_333 = arith.mulf %gather3A_325, %get3A_331 : vector<16xf32>
          %sub3A_334 = arith.subf %mul3A_332, %mul3A_333 : vector<16xf32>
          %swap3A_335 = arith.index_cast %scan3A_319 : i32 to index
          %swap3A_336 = arith.constant 0 : index
          %swap3A_337 = tpu.vector_load %arg14[%swap3A_335, %swap3A_336] {strides = array<i32>} : memref<96x128xf32, #tpu.memory_space<vmem>>, vector<16xf32>,
          tpu.vector_store %arg14[%swap3A_335, %swap3A_336], %sub3A_334 {strides = array<i32>} : memref<96x128xf32, #tpu.memory_space<vmem>>, vector<16xf32>,
          %mul3A_338 = arith.mulf %gather3A_324, %get3A_331 : vector<16xf32>
          %mul3A_339 = arith.mulf %gather3A_325, %get3A_328 : vector<16xf32>
          %add3A_340 = arith.addf %mul3A_338, %mul3A_339 : vector<16xf32>
          %swap3A_341 = arith.index_cast %scan3A_319 : i32 to index
          %swap3A_342 = arith.constant 64 : index
          %swap3A_343 = tpu.vector_load %arg14[%swap3A_341, %swap3A_342] {strides = array<i32>} : memref<96x128xf32, #tpu.memory_space<vmem>>, vector<16xf32>,
          tpu.vector_store %arg14[%swap3A_341, %swap3A_342], %add3A_340 {strides = array<i32>} : memref<96x128xf32, #tpu.memory_space<vmem>>, vector<16xf32>,
          %get3A_344 = arith.index_cast %scan3A_319 : i32 to index
          %get3A_345 = arith.constant 16 : index
          %get3A_346 = tpu.vector_load %arg14[%get3A_344, %get3A_345] {strides = array<i32>} : memref<96x128xf32, #tpu.memory_space<vmem>>, vector<16xf32>,
          %get3A_347 = arith.index_cast %scan3A_319 : i32 to index
          %get3A_348 = arith.constant 80 : index
          %get3A_349 = tpu.vector_load %arg14[%get3A_347, %get3A_348] {strides = array<i32>} : memref<96x128xf32, #tpu.memory_space<vmem>>, vector<16xf32>,
          %mul3A_350 = arith.mulf %gather3A_324, %get3A_346 : vector<16xf32>
          %mul3A_351 = arith.mulf %gather3A_325, %get3A_349 : vector<16xf32>
          %sub3A_352 = arith.subf %mul3A_350, %mul3A_351 : vector<16xf32>
          %swap3A_353 = arith.index_cast %scan3A_319 : i32 to index
          %swap3A_354 = arith.constant 16 : index
          %swap3A_355 = tpu.vector_load %arg14[%swap3A_353, %swap3A_354] {strides = array<i32>} : memref<96x128xf32, #tpu.memory_space<vmem>>, vector<16xf32>,
          tpu.vector_store %arg14[%swap3A_353, %swap3A_354], %sub3A_352 {strides = array<i32>} : memref<96x128xf32, #tpu.memory_space<vmem>>, vector<16xf32>,
          %mul3A_356 = arith.mulf %gather3A_324, %get3A_349 : vector<16xf32>
          %mul3A_357 = arith.mulf %gather3A_325, %get3A_346 : vector<16xf32>
          %add3A_358 = arith.addf %mul3A_356, %mul3A_357 : vector<16xf32>
          %swap3A_359 = arith.index_cast %scan3A_319 : i32 to index
          %swap3A_360 = arith.constant 80 : index
          %swap3A_361 = tpu.vector_load %arg14[%swap3A_359, %swap3A_360] {strides = array<i32>} : memref<96x128xf32, #tpu.memory_space<vmem>>, vector<16xf32>,
          tpu.vector_store %arg14[%swap3A_359, %swap3A_360], %add3A_358 {strides = array<i32>} : memref<96x128xf32, #tpu.memory_space<vmem>>, vector<16xf32>,
          %get3A_362 = arith.index_cast %scan3A_319 : i32 to index
          %get3A_363 = arith.constant 32 : index
          %get3A_364 = tpu.vector_load %arg14[%get3A_362, %get3A_363] {strides = array<i32>} : memref<96x128xf32, #tpu.memory_space<vmem>>, vector<16xf32>,
          %get3A_365 = arith.index_cast %scan3A_319 : i32 to index
          %get3A_366 = arith.constant 96 : index
          %get3A_367 = tpu.vector_load %arg14[%get3A_365, %get3A_366] {strides = array<i32>} : memref<96x128xf32, #tpu.memory_space<vmem>>, vector<16xf32>,
          %mul3A_368 = arith.mulf %gather3A_324, %get3A_364 : vector<16xf32>
          %mul3A_369 = arith.mulf %gather3A_325, %get3A_367 : vector<16xf32>
          %sub3A_370 = arith.subf %mul3A_368, %mul3A_369 : vector<16xf32>
          %swap3A_371 = arith.index_cast %scan3A_319 : i32 to index
          %swap3A_372 = arith.constant 32 : index
          %swap3A_373 = tpu.vector_load %arg14[%swap3A_371, %swap3A_372] {strides = array<i32>} : memref<96x128xf32, #tpu.memory_space<vmem>>, vector<16xf32>,
          tpu.vector_store %arg14[%swap3A_371, %swap3A_372], %sub3A_370 {strides = array<i32>} : memref<96x128xf32, #tpu.memory_space<vmem>>, vector<16xf32>,
          %mul3A_374 = arith.mulf %gather3A_324, %get3A_367 : vector<16xf32>
          %mul3A_375 = arith.mulf %gather3A_325, %get3A_364 : vector<16xf32>
          %add3A_376 = arith.addf %mul3A_374, %mul3A_375 : vector<16xf32>
          %swap3A_377 = arith.index_cast %scan3A_319 : i32 to index
          %swap3A_378 = arith.constant 96 : index
          %swap3A_379 = tpu.vector_load %arg14[%swap3A_377, %swap3A_378] {strides = array<i32>} : memref<96x128xf32, #tpu.memory_space<vmem>>, vector<16xf32>,
          tpu.vector_store %arg14[%swap3A_377, %swap3A_378], %add3A_376 {strides = array<i32>} : memref<96x128xf32, #tpu.memory_space<vmem>>, vector<16xf32>,
          %get3A_380 = arith.index_cast %scan3A_319 : i32 to index
          %get3A_381 = arith.constant 48 : index
          %get3A_382 = tpu.vector_load %arg14[%get3A_380, %get3A_381] {strides = array<i32>} : memref<96x128xf32, #tpu.memory_space<vmem>>, vector<16xf32>,
          %get3A_383 = arith.index_cast %scan3A_319 : i32 to index
          %get3A_384 = arith.constant 112 : index
          %get3A_385 = tpu.vector_load %arg14[%get3A_383, %get3A_384] {strides = array<i32>} : memref<96x128xf32, #tpu.memory_space<vmem>>, vector<16xf32>,
          %mul3A_386 = arith.mulf %gather3A_324, %get3A_382 : vector<16xf32>
          %mul3A_387 = arith.mulf %gather3A_325, %get3A_385 : vector<16xf32>
          %sub3A_388 = arith.subf %mul3A_386, %mul3A_387 : vector<16xf32>
          %swap3A_389 = arith.index_cast %scan3A_319 : i32 to index
          %swap3A_390 = arith.constant 48 : index
          %swap3A_391 = tpu.vector_load %arg14[%swap3A_389, %swap3A_390] {strides = array<i32>} : memref<96x128xf32, #tpu.memory_space<vmem>>, vector<16xf32>,
          tpu.vector_store %arg14[%swap3A_389, %swap3A_390], %sub3A_388 {strides = array<i32>} : memref<96x128xf32, #tpu.memory_space<vmem>>, vector<16xf32>,
          %mul3A_392 = arith.mulf %gather3A_324, %get3A_385 : vector<16xf32>
          %mul3A_393 = arith.mulf %gather3A_325, %get3A_382 : vector<16xf32>
          %add3A_394 = arith.addf %mul3A_392, %mul3A_393 : vector<16xf32>
          %swap3A_395 = arith.index_cast %scan3A_319 : i32 to index
          %swap3A_396 = arith.constant 112 : index
          %swap3A_397 = tpu.vector_load %arg14[%swap3A_395, %swap3A_396] {strides = array<i32>} : memref<96x128xf32, #tpu.memory_space<vmem>>, vector<16xf32>,
          tpu.vector_store %arg14[%swap3A_395, %swap3A_396], %add3A_394 {strides = array<i32>} : memref<96x128xf32, #tpu.memory_space<vmem>>, vector<16xf32>,
          %scan3A_398 = arith.constant 0 : i32
          %scan3A_399 = arith.constant 3 : i32
          %scan3A_400 = arith.addi %scan3A_161, %scan3A_399 : i32
          %mul3A_401 = arith.constant 96 : i32
          %mul3A_402 = arith.muli %add3A_101, %mul3A_401 : i32
          %add3A_403 = arith.addi %mul3A_402, %scan3A_400 : i32
          %broadcast_in_dim3A_404 = vector.broadcast %add3A_403 : i32 to vector<16xi32>
          %gather3A_405 = tpu.vector_load_idx %arg11[%broadcast_in_dim3A_404] : memref<2016xf32, #tpu.memory_space<vmem>>[vector<16xi32>], vector<16xf32>,
          %gather3A_406 = tpu.vector_load_idx %arg12[%broadcast_in_dim3A_404] : memref<2016xf32, #tpu.memory_space<vmem>>[vector<16xi32>], vector<16xf32>,
          %get3A_407 = arith.index_cast %scan3A_400 : i32 to index
          %get3A_408 = arith.constant 0 : index
          %get3A_409 = tpu.vector_load %arg14[%get3A_407, %get3A_408] {strides = array<i32>} : memref<96x128xf32, #tpu.memory_space<vmem>>, vector<16xf32>,
          %get3A_410 = arith.index_cast %scan3A_400 : i32 to index
          %get3A_411 = arith.constant 64 : index
          %get3A_412 = tpu.vector_load %arg14[%get3A_410, %get3A_411] {strides = array<i32>} : memref<96x128xf32, #tpu.memory_space<vmem>>, vector<16xf32>,
          %mul3A_413 = arith.mulf %gather3A_405, %get3A_409 : vector<16xf32>
          %mul3A_414 = arith.mulf %gather3A_406, %get3A_412 : vector<16xf32>
          %sub3A_415 = arith.subf %mul3A_413, %mul3A_414 : vector<16xf32>
          %swap3A_416 = arith.index_cast %scan3A_400 : i32 to index
          %swap3A_417 = arith.constant 0 : index
          %swap3A_418 = tpu.vector_load %arg14[%swap3A_416, %swap3A_417] {strides = array<i32>} : memref<96x128xf32, #tpu.memory_space<vmem>>, vector<16xf32>,
          tpu.vector_store %arg14[%swap3A_416, %swap3A_417], %sub3A_415 {strides = array<i32>} : memref<96x128xf32, #tpu.memory_space<vmem>>, vector<16xf32>,
          %mul3A_419 = arith.mulf %gather3A_405, %get3A_412 : vector<16xf32>
          %mul3A_420 = arith.mulf %gather3A_406, %get3A_409 : vector<16xf32>
          %add3A_421 = arith.addf %mul3A_419, %mul3A_420 : vector<16xf32>
          %swap3A_422 = arith.index_cast %scan3A_400 : i32 to index
          %swap3A_423 = arith.constant 64 : index
          %swap3A_424 = tpu.vector_load %arg14[%swap3A_422, %swap3A_423] {strides = array<i32>} : memref<96x128xf32, #tpu.memory_space<vmem>>, vector<16xf32>,
          tpu.vector_store %arg14[%swap3A_422, %swap3A_423], %add3A_421 {strides = array<i32>} : memref<96x128xf32, #tpu.memory_space<vmem>>, vector<16xf32>,
          %get3A_425 = arith.index_cast %scan3A_400 : i32 to index
          %get3A_426 = arith.constant 16 : index
          %get3A_427 = tpu.vector_load %arg14[%get3A_425, %get3A_426] {strides = array<i32>} : memref<96x128xf32, #tpu.memory_space<vmem>>, vector<16xf32>,
          %get3A_428 = arith.index_cast %scan3A_400 : i32 to index
          %get3A_429 = arith.constant 80 : index
          %get3A_430 = tpu.vector_load %arg14[%get3A_428, %get3A_429] {strides = array<i32>} : memref<96x128xf32, #tpu.memory_space<vmem>>, vector<16xf32>,
          %mul3A_431 = arith.mulf %gather3A_405, %get3A_427 : vector<16xf32>
          %mul3A_432 = arith.mulf %gather3A_406, %get3A_430 : vector<16xf32>
          %sub3A_433 = arith.subf %mul3A_431, %mul3A_432 : vector<16xf32>
          %swap3A_434 = arith.index_cast %scan3A_400 : i32 to index
          %swap3A_435 = arith.constant 16 : index
          %swap3A_436 = tpu.vector_load %arg14[%swap3A_434, %swap3A_435] {strides = array<i32>} : memref<96x128xf32, #tpu.memory_space<vmem>>, vector<16xf32>,
          tpu.vector_store %arg14[%swap3A_434, %swap3A_435], %sub3A_433 {strides = array<i32>} : memref<96x128xf32, #tpu.memory_space<vmem>>, vector<16xf32>,
          %mul3A_437 = arith.mulf %gather3A_405, %get3A_430 : vector<16xf32>
          %mul3A_438 = arith.mulf %gather3A_406, %get3A_427 : vector<16xf32>
          %add3A_439 = arith.addf %mul3A_437, %mul3A_438 : vector<16xf32>
          %swap3A_440 = arith.index_cast %scan3A_400 : i32 to index
          %swap3A_441 = arith.constant 80 : index
          %swap3A_442 = tpu.vector_load %arg14[%swap3A_440, %swap3A_441] {strides = array<i32>} : memref<96x128xf32, #tpu.memory_space<vmem>>, vector<16xf32>,
          tpu.vector_store %arg14[%swap3A_440, %swap3A_441], %add3A_439 {strides = array<i32>} : memref<96x128xf32, #tpu.memory_space<vmem>>, vector<16xf32>,
          %get3A_443 = arith.index_cast %scan3A_400 : i32 to index
          %get3A_444 = arith.constant 32 : index
          %get3A_445 = tpu.vector_load %arg14[%get3A_443, %get3A_444] {strides = array<i32>} : memref<96x128xf32, #tpu.memory_space<vmem>>, vector<16xf32>,
          %get3A_446 = arith.index_cast %scan3A_400 : i32 to index
          %get3A_447 = arith.constant 96 : index
          %get3A_448 = tpu.vector_load %arg14[%get3A_446, %get3A_447] {strides = array<i32>} : memref<96x128xf32, #tpu.memory_space<vmem>>, vector<16xf32>,
          %mul3A_449 = arith.mulf %gather3A_405, %get3A_445 : vector<16xf32>
          %mul3A_450 = arith.mulf %gather3A_406, %get3A_448 : vector<16xf32>
          %sub3A_451 = arith.subf %mul3A_449, %mul3A_450 : vector<16xf32>
          %swap3A_452 = arith.index_cast %scan3A_400 : i32 to index
          %swap3A_453 = arith.constant 32 : index
          %swap3A_454 = tpu.vector_load %arg14[%swap3A_452, %swap3A_453] {strides = array<i32>} : memref<96x128xf32, #tpu.memory_space<vmem>>, vector<16xf32>,
          tpu.vector_store %arg14[%swap3A_452, %swap3A_453], %sub3A_451 {strides = array<i32>} : memref<96x128xf32, #tpu.memory_space<vmem>>, vector<16xf32>,
          %mul3A_455 = arith.mulf %gather3A_405, %get3A_448 : vector<16xf32>
          %mul3A_456 = arith.mulf %gather3A_406, %get3A_445 : vector<16xf32>
          %add3A_457 = arith.addf %mul3A_455, %mul3A_456 : vector<16xf32>
          %swap3A_458 = arith.index_cast %scan3A_400 : i32 to index
          %swap3A_459 = arith.constant 96 : index
          %swap3A_460 = tpu.vector_load %arg14[%swap3A_458, %swap3A_459] {strides = array<i32>} : memref<96x128xf32, #tpu.memory_space<vmem>>, vector<16xf32>,
          tpu.vector_store %arg14[%swap3A_458, %swap3A_459], %add3A_457 {strides = array<i32>} : memref<96x128xf32, #tpu.memory_space<vmem>>, vector<16xf32>,
          %get3A_461 = arith.index_cast %scan3A_400 : i32 to index
          %get3A_462 = arith.constant 48 : index
          %get3A_463 = tpu.vector_load %arg14[%get3A_461, %get3A_462] {strides = array<i32>} : memref<96x128xf32, #tpu.memory_space<vmem>>, vector<16xf32>,
          %get3A_464 = arith.index_cast %scan3A_400 : i32 to index
          %get3A_465 = arith.constant 112 : index
          %get3A_466 = tpu.vector_load %arg14[%get3A_464, %get3A_465] {strides = array<i32>} : memref<96x128xf32, #tpu.memory_space<vmem>>, vector<16xf32>,
          %mul3A_467 = arith.mulf %gather3A_405, %get3A_463 : vector<16xf32>
          %mul3A_468 = arith.mulf %gather3A_406, %get3A_466 : vector<16xf32>
          %sub3A_469 = arith.subf %mul3A_467, %mul3A_468 : vector<16xf32>
          %swap3A_470 = arith.index_cast %scan3A_400 : i32 to index
          %swap3A_471 = arith.constant 48 : index
          %swap3A_472 = tpu.vector_load %arg14[%swap3A_470, %swap3A_471] {strides = array<i32>} : memref<96x128xf32, #tpu.memory_space<vmem>>, vector<16xf32>,
          tpu.vector_store %arg14[%swap3A_470, %swap3A_471], %sub3A_469 {strides = array<i32>} : memref<96x128xf32, #tpu.memory_space<vmem>>, vector<16xf32>,
          %mul3A_473 = arith.mulf %gather3A_405, %get3A_466 : vector<16xf32>
          %mul3A_474 = arith.mulf %gather3A_406, %get3A_463 : vector<16xf32>
          %add3A_475 = arith.addf %mul3A_473, %mul3A_474 : vector<16xf32>
          %swap3A_476 = arith.index_cast %scan3A_400 : i32 to index
          %swap3A_477 = arith.constant 112 : index
          %swap3A_478 = tpu.vector_load %arg14[%swap3A_476, %swap3A_477] {strides = array<i32>} : memref<96x128xf32, #tpu.memory_space<vmem>>, vector<16xf32>,
          tpu.vector_store %arg14[%swap3A_476, %swap3A_477], %add3A_475 {strides = array<i32>} : memref<96x128xf32, #tpu.memory_space<vmem>>, vector<16xf32>,
          %scan3A_479 = arith.constant 0 : i32
          scf.yield %scan3A_479 : i32
        }
        %scan3A_114 = arith.constant 48 : i32
        %add3A_115 = arith.constant 2 : i32
        %add3A_116 = arith.addi %add3A_101, %add3A_115 : i32
        %lt3A_117 = arith.constant 21 : i32
        %lt3A_118 = arith.cmpi slt, %add3A_116, %lt3A_117 : i32
        %convert_element_type3A_119 = arith.extui %lt3A_118 : i1 to i32
        %cond3A_120 = arith.constant 0 : i32
        %cond3A_121 = arith.cmpi ne, %convert_element_type3A_119, %cond3A_120 : i32
        scf.if %cond3A_121 {
          %add3A_161 = arith.constant 2 : i32
          %add3A_162 = arith.addi %add3A_101, %add3A_161 : i32
          %dma_start3A_163 = arith.constant 0 : i32
          %dma_start3A_164 = tpu.memref_slice %arg10[%add3A_162, %dma_start3A_163] : memref<21x96xi32, #tpu.memory_space<vmem>> -> memref<1x96xi32, #tpu.memory_space<vmem>>
          %dma_start3A_165 = tpu.memref_squeeze %dma_start3A_164 : memref<1x96xi32, #tpu.memory_space<vmem>> -> memref<96xi32, #tpu.memory_space<vmem>>
          %dma_start3A_166 = arith.constant 0 : i32
          %dma_start3A_167 = arith.constant 0 : i32
          %dma_start3A_168 = tpu.memref_slice %arg6[%dma_start3A_166, %dma_start3A_167] : memref<20000x128xf32, #tpu.memory_space<hbm>> -> memref<20000x128xf32, #tpu.memory_space<hbm>>
          tpu.enqueue_indirect_dma source(%dma_start3A_168 : memref<20000x128xf32, #tpu.memory_space<hbm>>) target(%arg13 : memref<96x128xf32, #tpu.memory_space<vmem>>) offsets(%dma_start3A_165 : memref<96xi32, #tpu.memory_space<vmem>>) semaphore(%arg16 : memref<!tpu.dma_semaphore, #tpu.memory_space<semaphore_mem>>)
        } else {
        }
        %scan3A_122 = arith.constant 0 : i32
        %scan3A_123 = arith.constant 48 : i32
        %scan3A_124 = arith.constant 48 : i32
        %scan3A_125 = arith.addi %scan3A_123, %scan3A_124 : i32
        %scan3A_126 = arith.constant 4 : i32
        %scan3A_127 = scf.for %scan3A_161 = %scan3A_123 to %scan3A_125 step %scan3A_126 iter_args(%scan3A_162 = %scan3A_122) -> (i32)  : i32 {
          %mul3A_163 = arith.constant 96 : i32
          %mul3A_164 = arith.muli %add3A_101, %mul3A_163 : i32
          %add3A_165 = arith.addi %mul3A_164, %scan3A_161 : i32
          %broadcast_in_dim3A = vector.broadcast %add3A_165 : i32 to vector<16xi32>
          %gather3A = tpu.vector_load_idx %arg11[%broadcast_in_dim3A] : memref<2016xf32, #tpu.memory_space<vmem>>[vector<16xi32>], vector<16xf32>,
          %gather3A_166 = tpu.vector_load_idx %arg12[%broadcast_in_dim3A] : memref<2016xf32, #tpu.memory_space<vmem>>[vector<16xi32>], vector<16xf32>,
          %get3A = arith.index_cast %scan3A_161 : i32 to index
          %get3A_167 = arith.constant 0 : index
          %get3A_168 = tpu.vector_load %arg14[%get3A, %get3A_167] {strides = array<i32>} : memref<96x128xf32, #tpu.memory_space<vmem>>, vector<16xf32>,
          %get3A_169 = arith.index_cast %scan3A_161 : i32 to index
          %get3A_170 = arith.constant 64 : index
          %get3A_171 = tpu.vector_load %arg14[%get3A_169, %get3A_170] {strides = array<i32>} : memref<96x128xf32, #tpu.memory_space<vmem>>, vector<16xf32>,
          %mul3A_172 = arith.mulf %gather3A, %get3A_168 : vector<16xf32>
          %mul3A_173 = arith.mulf %gather3A_166, %get3A_171 : vector<16xf32>
          %sub3A = arith.subf %mul3A_172, %mul3A_173 : vector<16xf32>
          %swap3A = arith.index_cast %scan3A_161 : i32 to index
          %swap3A_174 = arith.constant 0 : index
          %swap3A_175 = tpu.vector_load %arg14[%swap3A, %swap3A_174] {strides = array<i32>} : memref<96x128xf32, #tpu.memory_space<vmem>>, vector<16xf32>,
          tpu.vector_store %arg14[%swap3A, %swap3A_174], %sub3A {strides = array<i32>} : memref<96x128xf32, #tpu.memory_space<vmem>>, vector<16xf32>,
          %mul3A_176 = arith.mulf %gather3A, %get3A_171 : vector<16xf32>
          %mul3A_177 = arith.mulf %gather3A_166, %get3A_168 : vector<16xf32>
          %add3A_178 = arith.addf %mul3A_176, %mul3A_177 : vector<16xf32>
          %swap3A_179 = arith.index_cast %scan3A_161 : i32 to index
          %swap3A_180 = arith.constant 64 : index
          %swap3A_181 = tpu.vector_load %arg14[%swap3A_179, %swap3A_180] {strides = array<i32>} : memref<96x128xf32, #tpu.memory_space<vmem>>, vector<16xf32>,
          tpu.vector_store %arg14[%swap3A_179, %swap3A_180], %add3A_178 {strides = array<i32>} : memref<96x128xf32, #tpu.memory_space<vmem>>, vector<16xf32>,
          %get3A_182 = arith.index_cast %scan3A_161 : i32 to index
          %get3A_183 = arith.constant 16 : index
          %get3A_184 = tpu.vector_load %arg14[%get3A_182, %get3A_183] {strides = array<i32>} : memref<96x128xf32, #tpu.memory_space<vmem>>, vector<16xf32>,
          %get3A_185 = arith.index_cast %scan3A_161 : i32 to index
          %get3A_186 = arith.constant 80 : index
          %get3A_187 = tpu.vector_load %arg14[%get3A_185, %get3A_186] {strides = array<i32>} : memref<96x128xf32, #tpu.memory_space<vmem>>, vector<16xf32>,
          %mul3A_188 = arith.mulf %gather3A, %get3A_184 : vector<16xf32>
          %mul3A_189 = arith.mulf %gather3A_166, %get3A_187 : vector<16xf32>
          %sub3A_190 = arith.subf %mul3A_188, %mul3A_189 : vector<16xf32>
          %swap3A_191 = arith.index_cast %scan3A_161 : i32 to index
          %swap3A_192 = arith.constant 16 : index
          %swap3A_193 = tpu.vector_load %arg14[%swap3A_191, %swap3A_192] {strides = array<i32>} : memref<96x128xf32, #tpu.memory_space<vmem>>, vector<16xf32>,
          tpu.vector_store %arg14[%swap3A_191, %swap3A_192], %sub3A_190 {strides = array<i32>} : memref<96x128xf32, #tpu.memory_space<vmem>>, vector<16xf32>,
          %mul3A_194 = arith.mulf %gather3A, %get3A_187 : vector<16xf32>
          %mul3A_195 = arith.mulf %gather3A_166, %get3A_184 : vector<16xf32>
          %add3A_196 = arith.addf %mul3A_194, %mul3A_195 : vector<16xf32>
          %swap3A_197 = arith.index_cast %scan3A_161 : i32 to index
          %swap3A_198 = arith.constant 80 : index
          %swap3A_199 = tpu.vector_load %arg14[%swap3A_197, %swap3A_198] {strides = array<i32>} : memref<96x128xf32, #tpu.memory_space<vmem>>, vector<16xf32>,
          tpu.vector_store %arg14[%swap3A_197, %swap3A_198], %add3A_196 {strides = array<i32>} : memref<96x128xf32, #tpu.memory_space<vmem>>, vector<16xf32>,
          %get3A_200 = arith.index_cast %scan3A_161 : i32 to index
          %get3A_201 = arith.constant 32 : index
          %get3A_202 = tpu.vector_load %arg14[%get3A_200, %get3A_201] {strides = array<i32>} : memref<96x128xf32, #tpu.memory_space<vmem>>, vector<16xf32>,
          %get3A_203 = arith.index_cast %scan3A_161 : i32 to index
          %get3A_204 = arith.constant 96 : index
          %get3A_205 = tpu.vector_load %arg14[%get3A_203, %get3A_204] {strides = array<i32>} : memref<96x128xf32, #tpu.memory_space<vmem>>, vector<16xf32>,
          %mul3A_206 = arith.mulf %gather3A, %get3A_202 : vector<16xf32>
          %mul3A_207 = arith.mulf %gather3A_166, %get3A_205 : vector<16xf32>
          %sub3A_208 = arith.subf %mul3A_206, %mul3A_207 : vector<16xf32>
          %swap3A_209 = arith.index_cast %scan3A_161 : i32 to index
          %swap3A_210 = arith.constant 32 : index
          %swap3A_211 = tpu.vector_load %arg14[%swap3A_209, %swap3A_210] {strides = array<i32>} : memref<96x128xf32, #tpu.memory_space<vmem>>, vector<16xf32>,
          tpu.vector_store %arg14[%swap3A_209, %swap3A_210], %sub3A_208 {strides = array<i32>} : memref<96x128xf32, #tpu.memory_space<vmem>>, vector<16xf32>,
          %mul3A_212 = arith.mulf %gather3A, %get3A_205 : vector<16xf32>
          %mul3A_213 = arith.mulf %gather3A_166, %get3A_202 : vector<16xf32>
          %add3A_214 = arith.addf %mul3A_212, %mul3A_213 : vector<16xf32>
          %swap3A_215 = arith.index_cast %scan3A_161 : i32 to index
          %swap3A_216 = arith.constant 96 : index
          %swap3A_217 = tpu.vector_load %arg14[%swap3A_215, %swap3A_216] {strides = array<i32>} : memref<96x128xf32, #tpu.memory_space<vmem>>, vector<16xf32>,
          tpu.vector_store %arg14[%swap3A_215, %swap3A_216], %add3A_214 {strides = array<i32>} : memref<96x128xf32, #tpu.memory_space<vmem>>, vector<16xf32>,
          %get3A_218 = arith.index_cast %scan3A_161 : i32 to index
          %get3A_219 = arith.constant 48 : index
          %get3A_220 = tpu.vector_load %arg14[%get3A_218, %get3A_219] {strides = array<i32>} : memref<96x128xf32, #tpu.memory_space<vmem>>, vector<16xf32>,
          %get3A_221 = arith.index_cast %scan3A_161 : i32 to index
          %get3A_222 = arith.constant 112 : index
          %get3A_223 = tpu.vector_load %arg14[%get3A_221, %get3A_222] {strides = array<i32>} : memref<96x128xf32, #tpu.memory_space<vmem>>, vector<16xf32>,
          %mul3A_224 = arith.mulf %gather3A, %get3A_220 : vector<16xf32>
          %mul3A_225 = arith.mulf %gather3A_166, %get3A_223 : vector<16xf32>
          %sub3A_226 = arith.subf %mul3A_224, %mul3A_225 : vector<16xf32>
          %swap3A_227 = arith.index_cast %scan3A_161 : i32 to index
          %swap3A_228 = arith.constant 48 : index
          %swap3A_229 = tpu.vector_load %arg14[%swap3A_227, %swap3A_228] {strides = array<i32>} : memref<96x128xf32, #tpu.memory_space<vmem>>, vector<16xf32>,
          tpu.vector_store %arg14[%swap3A_227, %swap3A_228], %sub3A_226 {strides = array<i32>} : memref<96x128xf32, #tpu.memory_space<vmem>>, vector<16xf32>,
          %mul3A_230 = arith.mulf %gather3A, %get3A_223 : vector<16xf32>
          %mul3A_231 = arith.mulf %gather3A_166, %get3A_220 : vector<16xf32>
          %add3A_232 = arith.addf %mul3A_230, %mul3A_231 : vector<16xf32>
          %swap3A_233 = arith.index_cast %scan3A_161 : i32 to index
          %swap3A_234 = arith.constant 112 : index
          %swap3A_235 = tpu.vector_load %arg14[%swap3A_233, %swap3A_234] {strides = array<i32>} : memref<96x128xf32, #tpu.memory_space<vmem>>, vector<16xf32>,
          tpu.vector_store %arg14[%swap3A_233, %swap3A_234], %add3A_232 {strides = array<i32>} : memref<96x128xf32, #tpu.memory_space<vmem>>, vector<16xf32>,
          %scan3A_236 = arith.constant 0 : i32
          %scan3A_237 = arith.constant 1 : i32
          %scan3A_238 = arith.addi %scan3A_161, %scan3A_237 : i32
          %mul3A_239 = arith.constant 96 : i32
          %mul3A_240 = arith.muli %add3A_101, %mul3A_239 : i32
          %add3A_241 = arith.addi %mul3A_240, %scan3A_238 : i32
          %broadcast_in_dim3A_242 = vector.broadcast %add3A_241 : i32 to vector<16xi32>
          %gather3A_243 = tpu.vector_load_idx %arg11[%broadcast_in_dim3A_242] : memref<2016xf32, #tpu.memory_space<vmem>>[vector<16xi32>], vector<16xf32>,
          %gather3A_244 = tpu.vector_load_idx %arg12[%broadcast_in_dim3A_242] : memref<2016xf32, #tpu.memory_space<vmem>>[vector<16xi32>], vector<16xf32>,
          %get3A_245 = arith.index_cast %scan3A_238 : i32 to index
          %get3A_246 = arith.constant 0 : index
          %get3A_247 = tpu.vector_load %arg14[%get3A_245, %get3A_246] {strides = array<i32>} : memref<96x128xf32, #tpu.memory_space<vmem>>, vector<16xf32>,
          %get3A_248 = arith.index_cast %scan3A_238 : i32 to index
          %get3A_249 = arith.constant 64 : index
          %get3A_250 = tpu.vector_load %arg14[%get3A_248, %get3A_249] {strides = array<i32>} : memref<96x128xf32, #tpu.memory_space<vmem>>, vector<16xf32>,
          %mul3A_251 = arith.mulf %gather3A_243, %get3A_247 : vector<16xf32>
          %mul3A_252 = arith.mulf %gather3A_244, %get3A_250 : vector<16xf32>
          %sub3A_253 = arith.subf %mul3A_251, %mul3A_252 : vector<16xf32>
          %swap3A_254 = arith.index_cast %scan3A_238 : i32 to index
          %swap3A_255 = arith.constant 0 : index
          %swap3A_256 = tpu.vector_load %arg14[%swap3A_254, %swap3A_255] {strides = array<i32>} : memref<96x128xf32, #tpu.memory_space<vmem>>, vector<16xf32>,
          tpu.vector_store %arg14[%swap3A_254, %swap3A_255], %sub3A_253 {strides = array<i32>} : memref<96x128xf32, #tpu.memory_space<vmem>>, vector<16xf32>,
          %mul3A_257 = arith.mulf %gather3A_243, %get3A_250 : vector<16xf32>
          %mul3A_258 = arith.mulf %gather3A_244, %get3A_247 : vector<16xf32>
          %add3A_259 = arith.addf %mul3A_257, %mul3A_258 : vector<16xf32>
          %swap3A_260 = arith.index_cast %scan3A_238 : i32 to index
          %swap3A_261 = arith.constant 64 : index
          %swap3A_262 = tpu.vector_load %arg14[%swap3A_260, %swap3A_261] {strides = array<i32>} : memref<96x128xf32, #tpu.memory_space<vmem>>, vector<16xf32>,
          tpu.vector_store %arg14[%swap3A_260, %swap3A_261], %add3A_259 {strides = array<i32>} : memref<96x128xf32, #tpu.memory_space<vmem>>, vector<16xf32>,
          %get3A_263 = arith.index_cast %scan3A_238 : i32 to index
          %get3A_264 = arith.constant 16 : index
          %get3A_265 = tpu.vector_load %arg14[%get3A_263, %get3A_264] {strides = array<i32>} : memref<96x128xf32, #tpu.memory_space<vmem>>, vector<16xf32>,
          %get3A_266 = arith.index_cast %scan3A_238 : i32 to index
          %get3A_267 = arith.constant 80 : index
          %get3A_268 = tpu.vector_load %arg14[%get3A_266, %get3A_267] {strides = array<i32>} : memref<96x128xf32, #tpu.memory_space<vmem>>, vector<16xf32>,
          %mul3A_269 = arith.mulf %gather3A_243, %get3A_265 : vector<16xf32>
          %mul3A_270 = arith.mulf %gather3A_244, %get3A_268 : vector<16xf32>
          %sub3A_271 = arith.subf %mul3A_269, %mul3A_270 : vector<16xf32>
          %swap3A_272 = arith.index_cast %scan3A_238 : i32 to index
          %swap3A_273 = arith.constant 16 : index
          %swap3A_274 = tpu.vector_load %arg14[%swap3A_272, %swap3A_273] {strides = array<i32>} : memref<96x128xf32, #tpu.memory_space<vmem>>, vector<16xf32>,
          tpu.vector_store %arg14[%swap3A_272, %swap3A_273], %sub3A_271 {strides = array<i32>} : memref<96x128xf32, #tpu.memory_space<vmem>>, vector<16xf32>,
          %mul3A_275 = arith.mulf %gather3A_243, %get3A_268 : vector<16xf32>
          %mul3A_276 = arith.mulf %gather3A_244, %get3A_265 : vector<16xf32>
          %add3A_277 = arith.addf %mul3A_275, %mul3A_276 : vector<16xf32>
          %swap3A_278 = arith.index_cast %scan3A_238 : i32 to index
          %swap3A_279 = arith.constant 80 : index
          %swap3A_280 = tpu.vector_load %arg14[%swap3A_278, %swap3A_279] {strides = array<i32>} : memref<96x128xf32, #tpu.memory_space<vmem>>, vector<16xf32>,
          tpu.vector_store %arg14[%swap3A_278, %swap3A_279], %add3A_277 {strides = array<i32>} : memref<96x128xf32, #tpu.memory_space<vmem>>, vector<16xf32>,
          %get3A_281 = arith.index_cast %scan3A_238 : i32 to index
          %get3A_282 = arith.constant 32 : index
          %get3A_283 = tpu.vector_load %arg14[%get3A_281, %get3A_282] {strides = array<i32>} : memref<96x128xf32, #tpu.memory_space<vmem>>, vector<16xf32>,
          %get3A_284 = arith.index_cast %scan3A_238 : i32 to index
          %get3A_285 = arith.constant 96 : index
          %get3A_286 = tpu.vector_load %arg14[%get3A_284, %get3A_285] {strides = array<i32>} : memref<96x128xf32, #tpu.memory_space<vmem>>, vector<16xf32>,
          %mul3A_287 = arith.mulf %gather3A_243, %get3A_283 : vector<16xf32>
          %mul3A_288 = arith.mulf %gather3A_244, %get3A_286 : vector<16xf32>
          %sub3A_289 = arith.subf %mul3A_287, %mul3A_288 : vector<16xf32>
          %swap3A_290 = arith.index_cast %scan3A_238 : i32 to index
          %swap3A_291 = arith.constant 32 : index
          %swap3A_292 = tpu.vector_load %arg14[%swap3A_290, %swap3A_291] {strides = array<i32>} : memref<96x128xf32, #tpu.memory_space<vmem>>, vector<16xf32>,
          tpu.vector_store %arg14[%swap3A_290, %swap3A_291], %sub3A_289 {strides = array<i32>} : memref<96x128xf32, #tpu.memory_space<vmem>>, vector<16xf32>,
          %mul3A_293 = arith.mulf %gather3A_243, %get3A_286 : vector<16xf32>
          %mul3A_294 = arith.mulf %gather3A_244, %get3A_283 : vector<16xf32>
          %add3A_295 = arith.addf %mul3A_293, %mul3A_294 : vector<16xf32>
          %swap3A_296 = arith.index_cast %scan3A_238 : i32 to index
          %swap3A_297 = arith.constant 96 : index
          %swap3A_298 = tpu.vector_load %arg14[%swap3A_296, %swap3A_297] {strides = array<i32>} : memref<96x128xf32, #tpu.memory_space<vmem>>, vector<16xf32>,
          tpu.vector_store %arg14[%swap3A_296, %swap3A_297], %add3A_295 {strides = array<i32>} : memref<96x128xf32, #tpu.memory_space<vmem>>, vector<16xf32>,
          %get3A_299 = arith.index_cast %scan3A_238 : i32 to index
          %get3A_300 = arith.constant 48 : index
          %get3A_301 = tpu.vector_load %arg14[%get3A_299, %get3A_300] {strides = array<i32>} : memref<96x128xf32, #tpu.memory_space<vmem>>, vector<16xf32>,
          %get3A_302 = arith.index_cast %scan3A_238 : i32 to index
          %get3A_303 = arith.constant 112 : index
          %get3A_304 = tpu.vector_load %arg14[%get3A_302, %get3A_303] {strides = array<i32>} : memref<96x128xf32, #tpu.memory_space<vmem>>, vector<16xf32>,
          %mul3A_305 = arith.mulf %gather3A_243, %get3A_301 : vector<16xf32>
          %mul3A_306 = arith.mulf %gather3A_244, %get3A_304 : vector<16xf32>
          %sub3A_307 = arith.subf %mul3A_305, %mul3A_306 : vector<16xf32>
          %swap3A_308 = arith.index_cast %scan3A_238 : i32 to index
          %swap3A_309 = arith.constant 48 : index
          %swap3A_310 = tpu.vector_load %arg14[%swap3A_308, %swap3A_309] {strides = array<i32>} : memref<96x128xf32, #tpu.memory_space<vmem>>, vector<16xf32>,
          tpu.vector_store %arg14[%swap3A_308, %swap3A_309], %sub3A_307 {strides = array<i32>} : memref<96x128xf32, #tpu.memory_space<vmem>>, vector<16xf32>,
          %mul3A_311 = arith.mulf %gather3A_243, %get3A_304 : vector<16xf32>
          %mul3A_312 = arith.mulf %gather3A_244, %get3A_301 : vector<16xf32>
          %add3A_313 = arith.addf %mul3A_311, %mul3A_312 : vector<16xf32>
          %swap3A_314 = arith.index_cast %scan3A_238 : i32 to index
          %swap3A_315 = arith.constant 112 : index
          %swap3A_316 = tpu.vector_load %arg14[%swap3A_314, %swap3A_315] {strides = array<i32>} : memref<96x128xf32, #tpu.memory_space<vmem>>, vector<16xf32>,
          tpu.vector_store %arg14[%swap3A_314, %swap3A_315], %add3A_313 {strides = array<i32>} : memref<96x128xf32, #tpu.memory_space<vmem>>, vector<16xf32>,
          %scan3A_317 = arith.constant 0 : i32
          %scan3A_318 = arith.constant 2 : i32
          %scan3A_319 = arith.addi %scan3A_161, %scan3A_318 : i32
          %mul3A_320 = arith.constant 96 : i32
          %mul3A_321 = arith.muli %add3A_101, %mul3A_320 : i32
          %add3A_322 = arith.addi %mul3A_321, %scan3A_319 : i32
          %broadcast_in_dim3A_323 = vector.broadcast %add3A_322 : i32 to vector<16xi32>
          %gather3A_324 = tpu.vector_load_idx %arg11[%broadcast_in_dim3A_323] : memref<2016xf32, #tpu.memory_space<vmem>>[vector<16xi32>], vector<16xf32>,
          %gather3A_325 = tpu.vector_load_idx %arg12[%broadcast_in_dim3A_323] : memref<2016xf32, #tpu.memory_space<vmem>>[vector<16xi32>], vector<16xf32>,
          %get3A_326 = arith.index_cast %scan3A_319 : i32 to index
          %get3A_327 = arith.constant 0 : index
          %get3A_328 = tpu.vector_load %arg14[%get3A_326, %get3A_327] {strides = array<i32>} : memref<96x128xf32, #tpu.memory_space<vmem>>, vector<16xf32>,
          %get3A_329 = arith.index_cast %scan3A_319 : i32 to index
          %get3A_330 = arith.constant 64 : index
          %get3A_331 = tpu.vector_load %arg14[%get3A_329, %get3A_330] {strides = array<i32>} : memref<96x128xf32, #tpu.memory_space<vmem>>, vector<16xf32>,
          %mul3A_332 = arith.mulf %gather3A_324, %get3A_328 : vector<16xf32>
          %mul3A_333 = arith.mulf %gather3A_325, %get3A_331 : vector<16xf32>
          %sub3A_334 = arith.subf %mul3A_332, %mul3A_333 : vector<16xf32>
          %swap3A_335 = arith.index_cast %scan3A_319 : i32 to index
          %swap3A_336 = arith.constant 0 : index
          %swap3A_337 = tpu.vector_load %arg14[%swap3A_335, %swap3A_336] {strides = array<i32>} : memref<96x128xf32, #tpu.memory_space<vmem>>, vector<16xf32>,
          tpu.vector_store %arg14[%swap3A_335, %swap3A_336], %sub3A_334 {strides = array<i32>} : memref<96x128xf32, #tpu.memory_space<vmem>>, vector<16xf32>,
          %mul3A_338 = arith.mulf %gather3A_324, %get3A_331 : vector<16xf32>
          %mul3A_339 = arith.mulf %gather3A_325, %get3A_328 : vector<16xf32>
          %add3A_340 = arith.addf %mul3A_338, %mul3A_339 : vector<16xf32>
          %swap3A_341 = arith.index_cast %scan3A_319 : i32 to index
          %swap3A_342 = arith.constant 64 : index
          %swap3A_343 = tpu.vector_load %arg14[%swap3A_341, %swap3A_342] {strides = array<i32>} : memref<96x128xf32, #tpu.memory_space<vmem>>, vector<16xf32>,
          tpu.vector_store %arg14[%swap3A_341, %swap3A_342], %add3A_340 {strides = array<i32>} : memref<96x128xf32, #tpu.memory_space<vmem>>, vector<16xf32>,
          %get3A_344 = arith.index_cast %scan3A_319 : i32 to index
          %get3A_345 = arith.constant 16 : index
          %get3A_346 = tpu.vector_load %arg14[%get3A_344, %get3A_345] {strides = array<i32>} : memref<96x128xf32, #tpu.memory_space<vmem>>, vector<16xf32>,
          %get3A_347 = arith.index_cast %scan3A_319 : i32 to index
          %get3A_348 = arith.constant 80 : index
          %get3A_349 = tpu.vector_load %arg14[%get3A_347, %get3A_348] {strides = array<i32>} : memref<96x128xf32, #tpu.memory_space<vmem>>, vector<16xf32>,
          %mul3A_350 = arith.mulf %gather3A_324, %get3A_346 : vector<16xf32>
          %mul3A_351 = arith.mulf %gather3A_325, %get3A_349 : vector<16xf32>
          %sub3A_352 = arith.subf %mul3A_350, %mul3A_351 : vector<16xf32>
          %swap3A_353 = arith.index_cast %scan3A_319 : i32 to index
          %swap3A_354 = arith.constant 16 : index
          %swap3A_355 = tpu.vector_load %arg14[%swap3A_353, %swap3A_354] {strides = array<i32>} : memref<96x128xf32, #tpu.memory_space<vmem>>, vector<16xf32>,
          tpu.vector_store %arg14[%swap3A_353, %swap3A_354], %sub3A_352 {strides = array<i32>} : memref<96x128xf32, #tpu.memory_space<vmem>>, vector<16xf32>,
          %mul3A_356 = arith.mulf %gather3A_324, %get3A_349 : vector<16xf32>
          %mul3A_357 = arith.mulf %gather3A_325, %get3A_346 : vector<16xf32>
          %add3A_358 = arith.addf %mul3A_356, %mul3A_357 : vector<16xf32>
          %swap3A_359 = arith.index_cast %scan3A_319 : i32 to index
          %swap3A_360 = arith.constant 80 : index
          %swap3A_361 = tpu.vector_load %arg14[%swap3A_359, %swap3A_360] {strides = array<i32>} : memref<96x128xf32, #tpu.memory_space<vmem>>, vector<16xf32>,
          tpu.vector_store %arg14[%swap3A_359, %swap3A_360], %add3A_358 {strides = array<i32>} : memref<96x128xf32, #tpu.memory_space<vmem>>, vector<16xf32>,
          %get3A_362 = arith.index_cast %scan3A_319 : i32 to index
          %get3A_363 = arith.constant 32 : index
          %get3A_364 = tpu.vector_load %arg14[%get3A_362, %get3A_363] {strides = array<i32>} : memref<96x128xf32, #tpu.memory_space<vmem>>, vector<16xf32>,
          %get3A_365 = arith.index_cast %scan3A_319 : i32 to index
          %get3A_366 = arith.constant 96 : index
          %get3A_367 = tpu.vector_load %arg14[%get3A_365, %get3A_366] {strides = array<i32>} : memref<96x128xf32, #tpu.memory_space<vmem>>, vector<16xf32>,
          %mul3A_368 = arith.mulf %gather3A_324, %get3A_364 : vector<16xf32>
          %mul3A_369 = arith.mulf %gather3A_325, %get3A_367 : vector<16xf32>
          %sub3A_370 = arith.subf %mul3A_368, %mul3A_369 : vector<16xf32>
          %swap3A_371 = arith.index_cast %scan3A_319 : i32 to index
          %swap3A_372 = arith.constant 32 : index
          %swap3A_373 = tpu.vector_load %arg14[%swap3A_371, %swap3A_372] {strides = array<i32>} : memref<96x128xf32, #tpu.memory_space<vmem>>, vector<16xf32>,
          tpu.vector_store %arg14[%swap3A_371, %swap3A_372], %sub3A_370 {strides = array<i32>} : memref<96x128xf32, #tpu.memory_space<vmem>>, vector<16xf32>,
          %mul3A_374 = arith.mulf %gather3A_324, %get3A_367 : vector<16xf32>
          %mul3A_375 = arith.mulf %gather3A_325, %get3A_364 : vector<16xf32>
          %add3A_376 = arith.addf %mul3A_374, %mul3A_375 : vector<16xf32>
          %swap3A_377 = arith.index_cast %scan3A_319 : i32 to index
          %swap3A_378 = arith.constant 96 : index
          %swap3A_379 = tpu.vector_load %arg14[%swap3A_377, %swap3A_378] {strides = array<i32>} : memref<96x128xf32, #tpu.memory_space<vmem>>, vector<16xf32>,
          tpu.vector_store %arg14[%swap3A_377, %swap3A_378], %add3A_376 {strides = array<i32>} : memref<96x128xf32, #tpu.memory_space<vmem>>, vector<16xf32>,
          %get3A_380 = arith.index_cast %scan3A_319 : i32 to index
          %get3A_381 = arith.constant 48 : index
          %get3A_382 = tpu.vector_load %arg14[%get3A_380, %get3A_381] {strides = array<i32>} : memref<96x128xf32, #tpu.memory_space<vmem>>, vector<16xf32>,
          %get3A_383 = arith.index_cast %scan3A_319 : i32 to index
          %get3A_384 = arith.constant 112 : index
          %get3A_385 = tpu.vector_load %arg14[%get3A_383, %get3A_384] {strides = array<i32>} : memref<96x128xf32, #tpu.memory_space<vmem>>, vector<16xf32>,
          %mul3A_386 = arith.mulf %gather3A_324, %get3A_382 : vector<16xf32>
          %mul3A_387 = arith.mulf %gather3A_325, %get3A_385 : vector<16xf32>
          %sub3A_388 = arith.subf %mul3A_386, %mul3A_387 : vector<16xf32>
          %swap3A_389 = arith.index_cast %scan3A_319 : i32 to index
          %swap3A_390 = arith.constant 48 : index
          %swap3A_391 = tpu.vector_load %arg14[%swap3A_389, %swap3A_390] {strides = array<i32>} : memref<96x128xf32, #tpu.memory_space<vmem>>, vector<16xf32>,
          tpu.vector_store %arg14[%swap3A_389, %swap3A_390], %sub3A_388 {strides = array<i32>} : memref<96x128xf32, #tpu.memory_space<vmem>>, vector<16xf32>,
          %mul3A_392 = arith.mulf %gather3A_324, %get3A_385 : vector<16xf32>
          %mul3A_393 = arith.mulf %gather3A_325, %get3A_382 : vector<16xf32>
          %add3A_394 = arith.addf %mul3A_392, %mul3A_393 : vector<16xf32>
          %swap3A_395 = arith.index_cast %scan3A_319 : i32 to index
          %swap3A_396 = arith.constant 112 : index
          %swap3A_397 = tpu.vector_load %arg14[%swap3A_395, %swap3A_396] {strides = array<i32>} : memref<96x128xf32, #tpu.memory_space<vmem>>, vector<16xf32>,
          tpu.vector_store %arg14[%swap3A_395, %swap3A_396], %add3A_394 {strides = array<i32>} : memref<96x128xf32, #tpu.memory_space<vmem>>, vector<16xf32>,
          %scan3A_398 = arith.constant 0 : i32
          %scan3A_399 = arith.constant 3 : i32
          %scan3A_400 = arith.addi %scan3A_161, %scan3A_399 : i32
          %mul3A_401 = arith.constant 96 : i32
          %mul3A_402 = arith.muli %add3A_101, %mul3A_401 : i32
          %add3A_403 = arith.addi %mul3A_402, %scan3A_400 : i32
          %broadcast_in_dim3A_404 = vector.broadcast %add3A_403 : i32 to vector<16xi32>
          %gather3A_405 = tpu.vector_load_idx %arg11[%broadcast_in_dim3A_404] : memref<2016xf32, #tpu.memory_space<vmem>>[vector<16xi32>], vector<16xf32>,
          %gather3A_406 = tpu.vector_load_idx %arg12[%broadcast_in_dim3A_404] : memref<2016xf32, #tpu.memory_space<vmem>>[vector<16xi32>], vector<16xf32>,
          %get3A_407 = arith.index_cast %scan3A_400 : i32 to index
          %get3A_408 = arith.constant 0 : index
          %get3A_409 = tpu.vector_load %arg14[%get3A_407, %get3A_408] {strides = array<i32>} : memref<96x128xf32, #tpu.memory_space<vmem>>, vector<16xf32>,
          %get3A_410 = arith.index_cast %scan3A_400 : i32 to index
          %get3A_411 = arith.constant 64 : index
          %get3A_412 = tpu.vector_load %arg14[%get3A_410, %get3A_411] {strides = array<i32>} : memref<96x128xf32, #tpu.memory_space<vmem>>, vector<16xf32>,
          %mul3A_413 = arith.mulf %gather3A_405, %get3A_409 : vector<16xf32>
          %mul3A_414 = arith.mulf %gather3A_406, %get3A_412 : vector<16xf32>
          %sub3A_415 = arith.subf %mul3A_413, %mul3A_414 : vector<16xf32>
          %swap3A_416 = arith.index_cast %scan3A_400 : i32 to index
          %swap3A_417 = arith.constant 0 : index
          %swap3A_418 = tpu.vector_load %arg14[%swap3A_416, %swap3A_417] {strides = array<i32>} : memref<96x128xf32, #tpu.memory_space<vmem>>, vector<16xf32>,
          tpu.vector_store %arg14[%swap3A_416, %swap3A_417], %sub3A_415 {strides = array<i32>} : memref<96x128xf32, #tpu.memory_space<vmem>>, vector<16xf32>,
          %mul3A_419 = arith.mulf %gather3A_405, %get3A_412 : vector<16xf32>
          %mul3A_420 = arith.mulf %gather3A_406, %get3A_409 : vector<16xf32>
          %add3A_421 = arith.addf %mul3A_419, %mul3A_420 : vector<16xf32>
          %swap3A_422 = arith.index_cast %scan3A_400 : i32 to index
          %swap3A_423 = arith.constant 64 : index
          %swap3A_424 = tpu.vector_load %arg14[%swap3A_422, %swap3A_423] {strides = array<i32>} : memref<96x128xf32, #tpu.memory_space<vmem>>, vector<16xf32>,
          tpu.vector_store %arg14[%swap3A_422, %swap3A_423], %add3A_421 {strides = array<i32>} : memref<96x128xf32, #tpu.memory_space<vmem>>, vector<16xf32>,
          %get3A_425 = arith.index_cast %scan3A_400 : i32 to index
          %get3A_426 = arith.constant 16 : index
          %get3A_427 = tpu.vector_load %arg14[%get3A_425, %get3A_426] {strides = array<i32>} : memref<96x128xf32, #tpu.memory_space<vmem>>, vector<16xf32>,
          %get3A_428 = arith.index_cast %scan3A_400 : i32 to index
          %get3A_429 = arith.constant 80 : index
          %get3A_430 = tpu.vector_load %arg14[%get3A_428, %get3A_429] {strides = array<i32>} : memref<96x128xf32, #tpu.memory_space<vmem>>, vector<16xf32>,
          %mul3A_431 = arith.mulf %gather3A_405, %get3A_427 : vector<16xf32>
          %mul3A_432 = arith.mulf %gather3A_406, %get3A_430 : vector<16xf32>
          %sub3A_433 = arith.subf %mul3A_431, %mul3A_432 : vector<16xf32>
          %swap3A_434 = arith.index_cast %scan3A_400 : i32 to index
          %swap3A_435 = arith.constant 16 : index
          %swap3A_436 = tpu.vector_load %arg14[%swap3A_434, %swap3A_435] {strides = array<i32>} : memref<96x128xf32, #tpu.memory_space<vmem>>, vector<16xf32>,
          tpu.vector_store %arg14[%swap3A_434, %swap3A_435], %sub3A_433 {strides = array<i32>} : memref<96x128xf32, #tpu.memory_space<vmem>>, vector<16xf32>,
          %mul3A_437 = arith.mulf %gather3A_405, %get3A_430 : vector<16xf32>
          %mul3A_438 = arith.mulf %gather3A_406, %get3A_427 : vector<16xf32>
          %add3A_439 = arith.addf %mul3A_437, %mul3A_438 : vector<16xf32>
          %swap3A_440 = arith.index_cast %scan3A_400 : i32 to index
          %swap3A_441 = arith.constant 80 : index
          %swap3A_442 = tpu.vector_load %arg14[%swap3A_440, %swap3A_441] {strides = array<i32>} : memref<96x128xf32, #tpu.memory_space<vmem>>, vector<16xf32>,
          tpu.vector_store %arg14[%swap3A_440, %swap3A_441], %add3A_439 {strides = array<i32>} : memref<96x128xf32, #tpu.memory_space<vmem>>, vector<16xf32>,
          %get3A_443 = arith.index_cast %scan3A_400 : i32 to index
          %get3A_444 = arith.constant 32 : index
          %get3A_445 = tpu.vector_load %arg14[%get3A_443, %get3A_444] {strides = array<i32>} : memref<96x128xf32, #tpu.memory_space<vmem>>, vector<16xf32>,
          %get3A_446 = arith.index_cast %scan3A_400 : i32 to index
          %get3A_447 = arith.constant 96 : index
          %get3A_448 = tpu.vector_load %arg14[%get3A_446, %get3A_447] {strides = array<i32>} : memref<96x128xf32, #tpu.memory_space<vmem>>, vector<16xf32>,
          %mul3A_449 = arith.mulf %gather3A_405, %get3A_445 : vector<16xf32>
          %mul3A_450 = arith.mulf %gather3A_406, %get3A_448 : vector<16xf32>
          %sub3A_451 = arith.subf %mul3A_449, %mul3A_450 : vector<16xf32>
          %swap3A_452 = arith.index_cast %scan3A_400 : i32 to index
          %swap3A_453 = arith.constant 32 : index
          %swap3A_454 = tpu.vector_load %arg14[%swap3A_452, %swap3A_453] {strides = array<i32>} : memref<96x128xf32, #tpu.memory_space<vmem>>, vector<16xf32>,
          tpu.vector_store %arg14[%swap3A_452, %swap3A_453], %sub3A_451 {strides = array<i32>} : memref<96x128xf32, #tpu.memory_space<vmem>>, vector<16xf32>,
          %mul3A_455 = arith.mulf %gather3A_405, %get3A_448 : vector<16xf32>
          %mul3A_456 = arith.mulf %gather3A_406, %get3A_445 : vector<16xf32>
          %add3A_457 = arith.addf %mul3A_455, %mul3A_456 : vector<16xf32>
          %swap3A_458 = arith.index_cast %scan3A_400 : i32 to index
          %swap3A_459 = arith.constant 96 : index
          %swap3A_460 = tpu.vector_load %arg14[%swap3A_458, %swap3A_459] {strides = array<i32>} : memref<96x128xf32, #tpu.memory_space<vmem>>, vector<16xf32>,
          tpu.vector_store %arg14[%swap3A_458, %swap3A_459], %add3A_457 {strides = array<i32>} : memref<96x128xf32, #tpu.memory_space<vmem>>, vector<16xf32>,
          %get3A_461 = arith.index_cast %scan3A_400 : i32 to index
          %get3A_462 = arith.constant 48 : index
          %get3A_463 = tpu.vector_load %arg14[%get3A_461, %get3A_462] {strides = array<i32>} : memref<96x128xf32, #tpu.memory_space<vmem>>, vector<16xf32>,
          %get3A_464 = arith.index_cast %scan3A_400 : i32 to index
          %get3A_465 = arith.constant 112 : index
          %get3A_466 = tpu.vector_load %arg14[%get3A_464, %get3A_465] {strides = array<i32>} : memref<96x128xf32, #tpu.memory_space<vmem>>, vector<16xf32>,
          %mul3A_467 = arith.mulf %gather3A_405, %get3A_463 : vector<16xf32>
          %mul3A_468 = arith.mulf %gather3A_406, %get3A_466 : vector<16xf32>
          %sub3A_469 = arith.subf %mul3A_467, %mul3A_468 : vector<16xf32>
          %swap3A_470 = arith.index_cast %scan3A_400 : i32 to index
          %swap3A_471 = arith.constant 48 : index
          %swap3A_472 = tpu.vector_load %arg14[%swap3A_470, %swap3A_471] {strides = array<i32>} : memref<96x128xf32, #tpu.memory_space<vmem>>, vector<16xf32>,
          tpu.vector_store %arg14[%swap3A_470, %swap3A_471], %sub3A_469 {strides = array<i32>} : memref<96x128xf32, #tpu.memory_space<vmem>>, vector<16xf32>,
          %mul3A_473 = arith.mulf %gather3A_405, %get3A_466 : vector<16xf32>
          %mul3A_474 = arith.mulf %gather3A_406, %get3A_463 : vector<16xf32>
          %add3A_475 = arith.addf %mul3A_473, %mul3A_474 : vector<16xf32>
          %swap3A_476 = arith.index_cast %scan3A_400 : i32 to index
          %swap3A_477 = arith.constant 112 : index
          %swap3A_478 = tpu.vector_load %arg14[%swap3A_476, %swap3A_477] {strides = array<i32>} : memref<96x128xf32, #tpu.memory_space<vmem>>, vector<16xf32>,
          tpu.vector_store %arg14[%swap3A_476, %swap3A_477], %add3A_475 {strides = array<i32>} : memref<96x128xf32, #tpu.memory_space<vmem>>, vector<16xf32>,
          %scan3A_479 = arith.constant 0 : i32
          scf.yield %scan3A_479 : i32
        }
        %scan3A_128 = arith.constant 48 : i32
        "tpu.region"() ({
          %run_scoped3A_161 = tpu.sem_alloc : memref<!tpu.dma_semaphore, #tpu.memory_space<semaphore_mem>>
          %dma_start3A_162 = arith.constant 0 : i32
          %dma_start3A_163 = tpu.memref_slice %arg9[%add3A_101, %dma_start3A_162] : memref<21x96xi32, #tpu.memory_space<vmem>> -> memref<1x96xi32, #tpu.memory_space<vmem>>
          %dma_start3A_164 = tpu.memref_squeeze %dma_start3A_163 : memref<1x96xi32, #tpu.memory_space<vmem>> -> memref<96xi32, #tpu.memory_space<vmem>>
          %dma_start3A_165 = arith.constant 0 : i32
          %dma_start3A_166 = arith.constant 0 : i32
          %dma_start3A_167 = tpu.memref_slice %arg8[%dma_start3A_165, %dma_start3A_166] : memref<10000x128xf32, #tpu.memory_space<vmem_shared>> -> memref<10000x128xf32, #tpu.memory_space<vmem_shared>>
          tpu.enqueue_indirect_dma source(%arg14 : memref<96x128xf32, #tpu.memory_space<vmem>>) target(%dma_start3A_167 : memref<10000x128xf32, #tpu.memory_space<vmem_shared>>) offsets(%dma_start3A_164 : memref<96xi32, #tpu.memory_space<vmem>>) semaphore(%run_scoped3A_161 : memref<!tpu.dma_semaphore, #tpu.memory_space<semaphore_mem>>) {add = true}
          %dma_wait3A_168 = arith.constant 0 : i32
          %dma_wait3A_169 = tpu.memref_slice %arg9[%add3A_101, %dma_wait3A_168] : memref<21x96xi32, #tpu.memory_space<vmem>> -> memref<1x96xi32, #tpu.memory_space<vmem>>
          %dma_wait3A_170 = tpu.memref_squeeze %dma_wait3A_169 : memref<1x96xi32, #tpu.memory_space<vmem>> -> memref<96xi32, #tpu.memory_space<vmem>>
          %dma_wait3A_171 = arith.constant 0 : i32
          %dma_wait3A_172 = arith.constant 0 : i32
          %dma_wait3A_173 = tpu.memref_slice %arg8[%dma_wait3A_171, %dma_wait3A_172] : memref<10000x128xf32, #tpu.memory_space<vmem_shared>> -> memref<10000x128xf32, #tpu.memory_space<vmem_shared>>
          tpu.wait_indirect_dma semaphore(%run_scoped3A_161 : memref<!tpu.dma_semaphore, #tpu.memory_space<semaphore_mem>>) src(%arg14 : memref<96x128xf32, #tpu.memory_space<vmem>>) dst(%dma_wait3A_173 : memref<10000x128xf32, #tpu.memory_space<vmem_shared>>)
          tpu.yield
        }) : () -> ()
        %mul3A_129 = arith.constant 3 : i32
        %mul3A_130 = arith.muli %mul3A_129, %scan3A_71 : i32
        %add3A_131 = arith.constant 2 : i32
        %add3A_132 = arith.addi %mul3A_130, %add3A_131 : i32
        %dma_wait3A_133 = arith.constant 0 : i32
        %dma_wait3A_134 = tpu.memref_slice %arg10[%add3A_132, %dma_wait3A_133] : memref<21x96xi32, #tpu.memory_space<vmem>> -> memref<1x96xi32, #tpu.memory_space<vmem>>
        %dma_wait3A_135 = tpu.memref_squeeze %dma_wait3A_134 : memref<1x96xi32, #tpu.memory_space<vmem>> -> memref<96xi32, #tpu.memory_space<vmem>>
        %dma_wait3A_136 = arith.constant 0 : i32
        %dma_wait3A_137 = arith.constant 0 : i32
        %dma_wait3A_138 = tpu.memref_slice %arg6[%dma_wait3A_136, %dma_wait3A_137] : memref<20000x128xf32, #tpu.memory_space<hbm>> -> memref<20000x128xf32, #tpu.memory_space<hbm>>
        tpu.wait_indirect_dma semaphore(%arg18 : memref<!tpu.dma_semaphore, #tpu.memory_space<semaphore_mem>>) src(%dma_wait3A_138 : memref<20000x128xf32, #tpu.memory_space<hbm>>) dst(%arg15 : memref<96x128xf32, #tpu.memory_space<vmem>>)
        %scan3A_139 = arith.constant 0 : i32
        %scan3A_140 = arith.constant 0 : i32
        %scan3A_141 = arith.constant 48 : i32
        %scan3A_142 = arith.addi %scan3A_140, %scan3A_141 : i32
        %scan3A_143 = arith.constant 4 : i32
        %scan3A_144 = scf.for %scan3A_161 = %scan3A_140 to %scan3A_142 step %scan3A_143 iter_args(%scan3A_162 = %scan3A_139) -> (i32)  : i32 {
          %mul3A_163 = arith.constant 96 : i32
          %mul3A_164 = arith.muli %add3A_132, %mul3A_163 : i32
          %add3A_165 = arith.addi %mul3A_164, %scan3A_161 : i32
          %broadcast_in_dim3A = vector.broadcast %add3A_165 : i32 to vector<16xi32>
          %gather3A = tpu.vector_load_idx %arg11[%broadcast_in_dim3A] : memref<2016xf32, #tpu.memory_space<vmem>>[vector<16xi32>], vector<16xf32>,
          %gather3A_166 = tpu.vector_load_idx %arg12[%broadcast_in_dim3A] : memref<2016xf32, #tpu.memory_space<vmem>>[vector<16xi32>], vector<16xf32>,
          %get3A = arith.index_cast %scan3A_161 : i32 to index
          %get3A_167 = arith.constant 0 : index
          %get3A_168 = tpu.vector_load %arg15[%get3A, %get3A_167] {strides = array<i32>} : memref<96x128xf32, #tpu.memory_space<vmem>>, vector<16xf32>,
          %get3A_169 = arith.index_cast %scan3A_161 : i32 to index
          %get3A_170 = arith.constant 64 : index
          %get3A_171 = tpu.vector_load %arg15[%get3A_169, %get3A_170] {strides = array<i32>} : memref<96x128xf32, #tpu.memory_space<vmem>>, vector<16xf32>,
          %mul3A_172 = arith.mulf %gather3A, %get3A_168 : vector<16xf32>
          %mul3A_173 = arith.mulf %gather3A_166, %get3A_171 : vector<16xf32>
          %sub3A = arith.subf %mul3A_172, %mul3A_173 : vector<16xf32>
          %swap3A = arith.index_cast %scan3A_161 : i32 to index
          %swap3A_174 = arith.constant 0 : index
          %swap3A_175 = tpu.vector_load %arg15[%swap3A, %swap3A_174] {strides = array<i32>} : memref<96x128xf32, #tpu.memory_space<vmem>>, vector<16xf32>,
          tpu.vector_store %arg15[%swap3A, %swap3A_174], %sub3A {strides = array<i32>} : memref<96x128xf32, #tpu.memory_space<vmem>>, vector<16xf32>,
          %mul3A_176 = arith.mulf %gather3A, %get3A_171 : vector<16xf32>
          %mul3A_177 = arith.mulf %gather3A_166, %get3A_168 : vector<16xf32>
          %add3A_178 = arith.addf %mul3A_176, %mul3A_177 : vector<16xf32>
          %swap3A_179 = arith.index_cast %scan3A_161 : i32 to index
          %swap3A_180 = arith.constant 64 : index
          %swap3A_181 = tpu.vector_load %arg15[%swap3A_179, %swap3A_180] {strides = array<i32>} : memref<96x128xf32, #tpu.memory_space<vmem>>, vector<16xf32>,
          tpu.vector_store %arg15[%swap3A_179, %swap3A_180], %add3A_178 {strides = array<i32>} : memref<96x128xf32, #tpu.memory_space<vmem>>, vector<16xf32>,
          %get3A_182 = arith.index_cast %scan3A_161 : i32 to index
          %get3A_183 = arith.constant 16 : index
          %get3A_184 = tpu.vector_load %arg15[%get3A_182, %get3A_183] {strides = array<i32>} : memref<96x128xf32, #tpu.memory_space<vmem>>, vector<16xf32>,
          %get3A_185 = arith.index_cast %scan3A_161 : i32 to index
          %get3A_186 = arith.constant 80 : index
          %get3A_187 = tpu.vector_load %arg15[%get3A_185, %get3A_186] {strides = array<i32>} : memref<96x128xf32, #tpu.memory_space<vmem>>, vector<16xf32>,
          %mul3A_188 = arith.mulf %gather3A, %get3A_184 : vector<16xf32>
          %mul3A_189 = arith.mulf %gather3A_166, %get3A_187 : vector<16xf32>
          %sub3A_190 = arith.subf %mul3A_188, %mul3A_189 : vector<16xf32>
          %swap3A_191 = arith.index_cast %scan3A_161 : i32 to index
          %swap3A_192 = arith.constant 16 : index
          %swap3A_193 = tpu.vector_load %arg15[%swap3A_191, %swap3A_192] {strides = array<i32>} : memref<96x128xf32, #tpu.memory_space<vmem>>, vector<16xf32>,
          tpu.vector_store %arg15[%swap3A_191, %swap3A_192], %sub3A_190 {strides = array<i32>} : memref<96x128xf32, #tpu.memory_space<vmem>>, vector<16xf32>,
          %mul3A_194 = arith.mulf %gather3A, %get3A_187 : vector<16xf32>
          %mul3A_195 = arith.mulf %gather3A_166, %get3A_184 : vector<16xf32>
          %add3A_196 = arith.addf %mul3A_194, %mul3A_195 : vector<16xf32>
          %swap3A_197 = arith.index_cast %scan3A_161 : i32 to index
          %swap3A_198 = arith.constant 80 : index
          %swap3A_199 = tpu.vector_load %arg15[%swap3A_197, %swap3A_198] {strides = array<i32>} : memref<96x128xf32, #tpu.memory_space<vmem>>, vector<16xf32>,
          tpu.vector_store %arg15[%swap3A_197, %swap3A_198], %add3A_196 {strides = array<i32>} : memref<96x128xf32, #tpu.memory_space<vmem>>, vector<16xf32>,
          %get3A_200 = arith.index_cast %scan3A_161 : i32 to index
          %get3A_201 = arith.constant 32 : index
          %get3A_202 = tpu.vector_load %arg15[%get3A_200, %get3A_201] {strides = array<i32>} : memref<96x128xf32, #tpu.memory_space<vmem>>, vector<16xf32>,
          %get3A_203 = arith.index_cast %scan3A_161 : i32 to index
          %get3A_204 = arith.constant 96 : index
          %get3A_205 = tpu.vector_load %arg15[%get3A_203, %get3A_204] {strides = array<i32>} : memref<96x128xf32, #tpu.memory_space<vmem>>, vector<16xf32>,
          %mul3A_206 = arith.mulf %gather3A, %get3A_202 : vector<16xf32>
          %mul3A_207 = arith.mulf %gather3A_166, %get3A_205 : vector<16xf32>
          %sub3A_208 = arith.subf %mul3A_206, %mul3A_207 : vector<16xf32>
          %swap3A_209 = arith.index_cast %scan3A_161 : i32 to index
          %swap3A_210 = arith.constant 32 : index
          %swap3A_211 = tpu.vector_load %arg15[%swap3A_209, %swap3A_210] {strides = array<i32>} : memref<96x128xf32, #tpu.memory_space<vmem>>, vector<16xf32>,
          tpu.vector_store %arg15[%swap3A_209, %swap3A_210], %sub3A_208 {strides = array<i32>} : memref<96x128xf32, #tpu.memory_space<vmem>>, vector<16xf32>,
          %mul3A_212 = arith.mulf %gather3A, %get3A_205 : vector<16xf32>
          %mul3A_213 = arith.mulf %gather3A_166, %get3A_202 : vector<16xf32>
          %add3A_214 = arith.addf %mul3A_212, %mul3A_213 : vector<16xf32>
          %swap3A_215 = arith.index_cast %scan3A_161 : i32 to index
          %swap3A_216 = arith.constant 96 : index
          %swap3A_217 = tpu.vector_load %arg15[%swap3A_215, %swap3A_216] {strides = array<i32>} : memref<96x128xf32, #tpu.memory_space<vmem>>, vector<16xf32>,
          tpu.vector_store %arg15[%swap3A_215, %swap3A_216], %add3A_214 {strides = array<i32>} : memref<96x128xf32, #tpu.memory_space<vmem>>, vector<16xf32>,
          %get3A_218 = arith.index_cast %scan3A_161 : i32 to index
          %get3A_219 = arith.constant 48 : index
          %get3A_220 = tpu.vector_load %arg15[%get3A_218, %get3A_219] {strides = array<i32>} : memref<96x128xf32, #tpu.memory_space<vmem>>, vector<16xf32>,
          %get3A_221 = arith.index_cast %scan3A_161 : i32 to index
          %get3A_222 = arith.constant 112 : index
          %get3A_223 = tpu.vector_load %arg15[%get3A_221, %get3A_222] {strides = array<i32>} : memref<96x128xf32, #tpu.memory_space<vmem>>, vector<16xf32>,
          %mul3A_224 = arith.mulf %gather3A, %get3A_220 : vector<16xf32>
          %mul3A_225 = arith.mulf %gather3A_166, %get3A_223 : vector<16xf32>
          %sub3A_226 = arith.subf %mul3A_224, %mul3A_225 : vector<16xf32>
          %swap3A_227 = arith.index_cast %scan3A_161 : i32 to index
          %swap3A_228 = arith.constant 48 : index
          %swap3A_229 = tpu.vector_load %arg15[%swap3A_227, %swap3A_228] {strides = array<i32>} : memref<96x128xf32, #tpu.memory_space<vmem>>, vector<16xf32>,
          tpu.vector_store %arg15[%swap3A_227, %swap3A_228], %sub3A_226 {strides = array<i32>} : memref<96x128xf32, #tpu.memory_space<vmem>>, vector<16xf32>,
          %mul3A_230 = arith.mulf %gather3A, %get3A_223 : vector<16xf32>
          %mul3A_231 = arith.mulf %gather3A_166, %get3A_220 : vector<16xf32>
          %add3A_232 = arith.addf %mul3A_230, %mul3A_231 : vector<16xf32>
          %swap3A_233 = arith.index_cast %scan3A_161 : i32 to index
          %swap3A_234 = arith.constant 112 : index
          %swap3A_235 = tpu.vector_load %arg15[%swap3A_233, %swap3A_234] {strides = array<i32>} : memref<96x128xf32, #tpu.memory_space<vmem>>, vector<16xf32>,
          tpu.vector_store %arg15[%swap3A_233, %swap3A_234], %add3A_232 {strides = array<i32>} : memref<96x128xf32, #tpu.memory_space<vmem>>, vector<16xf32>,
          %scan3A_236 = arith.constant 0 : i32
          %scan3A_237 = arith.constant 1 : i32
          %scan3A_238 = arith.addi %scan3A_161, %scan3A_237 : i32
          %mul3A_239 = arith.constant 96 : i32
          %mul3A_240 = arith.muli %add3A_132, %mul3A_239 : i32
          %add3A_241 = arith.addi %mul3A_240, %scan3A_238 : i32
          %broadcast_in_dim3A_242 = vector.broadcast %add3A_241 : i32 to vector<16xi32>
          %gather3A_243 = tpu.vector_load_idx %arg11[%broadcast_in_dim3A_242] : memref<2016xf32, #tpu.memory_space<vmem>>[vector<16xi32>], vector<16xf32>,
          %gather3A_244 = tpu.vector_load_idx %arg12[%broadcast_in_dim3A_242] : memref<2016xf32, #tpu.memory_space<vmem>>[vector<16xi32>], vector<16xf32>,
          %get3A_245 = arith.index_cast %scan3A_238 : i32 to index
          %get3A_246 = arith.constant 0 : index
          %get3A_247 = tpu.vector_load %arg15[%get3A_245, %get3A_246] {strides = array<i32>} : memref<96x128xf32, #tpu.memory_space<vmem>>, vector<16xf32>,
          %get3A_248 = arith.index_cast %scan3A_238 : i32 to index
          %get3A_249 = arith.constant 64 : index
          %get3A_250 = tpu.vector_load %arg15[%get3A_248, %get3A_249] {strides = array<i32>} : memref<96x128xf32, #tpu.memory_space<vmem>>, vector<16xf32>,
          %mul3A_251 = arith.mulf %gather3A_243, %get3A_247 : vector<16xf32>
          %mul3A_252 = arith.mulf %gather3A_244, %get3A_250 : vector<16xf32>
          %sub3A_253 = arith.subf %mul3A_251, %mul3A_252 : vector<16xf32>
          %swap3A_254 = arith.index_cast %scan3A_238 : i32 to index
          %swap3A_255 = arith.constant 0 : index
          %swap3A_256 = tpu.vector_load %arg15[%swap3A_254, %swap3A_255] {strides = array<i32>} : memref<96x128xf32, #tpu.memory_space<vmem>>, vector<16xf32>,
          tpu.vector_store %arg15[%swap3A_254, %swap3A_255], %sub3A_253 {strides = array<i32>} : memref<96x128xf32, #tpu.memory_space<vmem>>, vector<16xf32>,
          %mul3A_257 = arith.mulf %gather3A_243, %get3A_250 : vector<16xf32>
          %mul3A_258 = arith.mulf %gather3A_244, %get3A_247 : vector<16xf32>
          %add3A_259 = arith.addf %mul3A_257, %mul3A_258 : vector<16xf32>
          %swap3A_260 = arith.index_cast %scan3A_238 : i32 to index
          %swap3A_261 = arith.constant 64 : index
          %swap3A_262 = tpu.vector_load %arg15[%swap3A_260, %swap3A_261] {strides = array<i32>} : memref<96x128xf32, #tpu.memory_space<vmem>>, vector<16xf32>,
          tpu.vector_store %arg15[%swap3A_260, %swap3A_261], %add3A_259 {strides = array<i32>} : memref<96x128xf32, #tpu.memory_space<vmem>>, vector<16xf32>,
          %get3A_263 = arith.index_cast %scan3A_238 : i32 to index
          %get3A_264 = arith.constant 16 : index
          %get3A_265 = tpu.vector_load %arg15[%get3A_263, %get3A_264] {strides = array<i32>} : memref<96x128xf32, #tpu.memory_space<vmem>>, vector<16xf32>,
          %get3A_266 = arith.index_cast %scan3A_238 : i32 to index
          %get3A_267 = arith.constant 80 : index
          %get3A_268 = tpu.vector_load %arg15[%get3A_266, %get3A_267] {strides = array<i32>} : memref<96x128xf32, #tpu.memory_space<vmem>>, vector<16xf32>,
          %mul3A_269 = arith.mulf %gather3A_243, %get3A_265 : vector<16xf32>
          %mul3A_270 = arith.mulf %gather3A_244, %get3A_268 : vector<16xf32>
          %sub3A_271 = arith.subf %mul3A_269, %mul3A_270 : vector<16xf32>
          %swap3A_272 = arith.index_cast %scan3A_238 : i32 to index
          %swap3A_273 = arith.constant 16 : index
          %swap3A_274 = tpu.vector_load %arg15[%swap3A_272, %swap3A_273] {strides = array<i32>} : memref<96x128xf32, #tpu.memory_space<vmem>>, vector<16xf32>,
          tpu.vector_store %arg15[%swap3A_272, %swap3A_273], %sub3A_271 {strides = array<i32>} : memref<96x128xf32, #tpu.memory_space<vmem>>, vector<16xf32>,
          %mul3A_275 = arith.mulf %gather3A_243, %get3A_268 : vector<16xf32>
          %mul3A_276 = arith.mulf %gather3A_244, %get3A_265 : vector<16xf32>
          %add3A_277 = arith.addf %mul3A_275, %mul3A_276 : vector<16xf32>
          %swap3A_278 = arith.index_cast %scan3A_238 : i32 to index
          %swap3A_279 = arith.constant 80 : index
          %swap3A_280 = tpu.vector_load %arg15[%swap3A_278, %swap3A_279] {strides = array<i32>} : memref<96x128xf32, #tpu.memory_space<vmem>>, vector<16xf32>,
          tpu.vector_store %arg15[%swap3A_278, %swap3A_279], %add3A_277 {strides = array<i32>} : memref<96x128xf32, #tpu.memory_space<vmem>>, vector<16xf32>,
          %get3A_281 = arith.index_cast %scan3A_238 : i32 to index
          %get3A_282 = arith.constant 32 : index
          %get3A_283 = tpu.vector_load %arg15[%get3A_281, %get3A_282] {strides = array<i32>} : memref<96x128xf32, #tpu.memory_space<vmem>>, vector<16xf32>,
          %get3A_284 = arith.index_cast %scan3A_238 : i32 to index
          %get3A_285 = arith.constant 96 : index
          %get3A_286 = tpu.vector_load %arg15[%get3A_284, %get3A_285] {strides = array<i32>} : memref<96x128xf32, #tpu.memory_space<vmem>>, vector<16xf32>,
          %mul3A_287 = arith.mulf %gather3A_243, %get3A_283 : vector<16xf32>
          %mul3A_288 = arith.mulf %gather3A_244, %get3A_286 : vector<16xf32>
          %sub3A_289 = arith.subf %mul3A_287, %mul3A_288 : vector<16xf32>
          %swap3A_290 = arith.index_cast %scan3A_238 : i32 to index
          %swap3A_291 = arith.constant 32 : index
          %swap3A_292 = tpu.vector_load %arg15[%swap3A_290, %swap3A_291] {strides = array<i32>} : memref<96x128xf32, #tpu.memory_space<vmem>>, vector<16xf32>,
          tpu.vector_store %arg15[%swap3A_290, %swap3A_291], %sub3A_289 {strides = array<i32>} : memref<96x128xf32, #tpu.memory_space<vmem>>, vector<16xf32>,
          %mul3A_293 = arith.mulf %gather3A_243, %get3A_286 : vector<16xf32>
          %mul3A_294 = arith.mulf %gather3A_244, %get3A_283 : vector<16xf32>
          %add3A_295 = arith.addf %mul3A_293, %mul3A_294 : vector<16xf32>
          %swap3A_296 = arith.index_cast %scan3A_238 : i32 to index
          %swap3A_297 = arith.constant 96 : index
          %swap3A_298 = tpu.vector_load %arg15[%swap3A_296, %swap3A_297] {strides = array<i32>} : memref<96x128xf32, #tpu.memory_space<vmem>>, vector<16xf32>,
          tpu.vector_store %arg15[%swap3A_296, %swap3A_297], %add3A_295 {strides = array<i32>} : memref<96x128xf32, #tpu.memory_space<vmem>>, vector<16xf32>,
          %get3A_299 = arith.index_cast %scan3A_238 : i32 to index
          %get3A_300 = arith.constant 48 : index
          %get3A_301 = tpu.vector_load %arg15[%get3A_299, %get3A_300] {strides = array<i32>} : memref<96x128xf32, #tpu.memory_space<vmem>>, vector<16xf32>,
          %get3A_302 = arith.index_cast %scan3A_238 : i32 to index
          %get3A_303 = arith.constant 112 : index
          %get3A_304 = tpu.vector_load %arg15[%get3A_302, %get3A_303] {strides = array<i32>} : memref<96x128xf32, #tpu.memory_space<vmem>>, vector<16xf32>,
          %mul3A_305 = arith.mulf %gather3A_243, %get3A_301 : vector<16xf32>
          %mul3A_306 = arith.mulf %gather3A_244, %get3A_304 : vector<16xf32>
          %sub3A_307 = arith.subf %mul3A_305, %mul3A_306 : vector<16xf32>
          %swap3A_308 = arith.index_cast %scan3A_238 : i32 to index
          %swap3A_309 = arith.constant 48 : index
          %swap3A_310 = tpu.vector_load %arg15[%swap3A_308, %swap3A_309] {strides = array<i32>} : memref<96x128xf32, #tpu.memory_space<vmem>>, vector<16xf32>,
          tpu.vector_store %arg15[%swap3A_308, %swap3A_309], %sub3A_307 {strides = array<i32>} : memref<96x128xf32, #tpu.memory_space<vmem>>, vector<16xf32>,
          %mul3A_311 = arith.mulf %gather3A_243, %get3A_304 : vector<16xf32>
          %mul3A_312 = arith.mulf %gather3A_244, %get3A_301 : vector<16xf32>
          %add3A_313 = arith.addf %mul3A_311, %mul3A_312 : vector<16xf32>
          %swap3A_314 = arith.index_cast %scan3A_238 : i32 to index
          %swap3A_315 = arith.constant 112 : index
          %swap3A_316 = tpu.vector_load %arg15[%swap3A_314, %swap3A_315] {strides = array<i32>} : memref<96x128xf32, #tpu.memory_space<vmem>>, vector<16xf32>,
          tpu.vector_store %arg15[%swap3A_314, %swap3A_315], %add3A_313 {strides = array<i32>} : memref<96x128xf32, #tpu.memory_space<vmem>>, vector<16xf32>,
          %scan3A_317 = arith.constant 0 : i32
          %scan3A_318 = arith.constant 2 : i32
          %scan3A_319 = arith.addi %scan3A_161, %scan3A_318 : i32
          %mul3A_320 = arith.constant 96 : i32
          %mul3A_321 = arith.muli %add3A_132, %mul3A_320 : i32
          %add3A_322 = arith.addi %mul3A_321, %scan3A_319 : i32
          %broadcast_in_dim3A_323 = vector.broadcast %add3A_322 : i32 to vector<16xi32>
          %gather3A_324 = tpu.vector_load_idx %arg11[%broadcast_in_dim3A_323] : memref<2016xf32, #tpu.memory_space<vmem>>[vector<16xi32>], vector<16xf32>,
          %gather3A_325 = tpu.vector_load_idx %arg12[%broadcast_in_dim3A_323] : memref<2016xf32, #tpu.memory_space<vmem>>[vector<16xi32>], vector<16xf32>,
          %get3A_326 = arith.index_cast %scan3A_319 : i32 to index
          %get3A_327 = arith.constant 0 : index
          %get3A_328 = tpu.vector_load %arg15[%get3A_326, %get3A_327] {strides = array<i32>} : memref<96x128xf32, #tpu.memory_space<vmem>>, vector<16xf32>,
          %get3A_329 = arith.index_cast %scan3A_319 : i32 to index
          %get3A_330 = arith.constant 64 : index
          %get3A_331 = tpu.vector_load %arg15[%get3A_329, %get3A_330] {strides = array<i32>} : memref<96x128xf32, #tpu.memory_space<vmem>>, vector<16xf32>,
          %mul3A_332 = arith.mulf %gather3A_324, %get3A_328 : vector<16xf32>
          %mul3A_333 = arith.mulf %gather3A_325, %get3A_331 : vector<16xf32>
          %sub3A_334 = arith.subf %mul3A_332, %mul3A_333 : vector<16xf32>
          %swap3A_335 = arith.index_cast %scan3A_319 : i32 to index
          %swap3A_336 = arith.constant 0 : index
          %swap3A_337 = tpu.vector_load %arg15[%swap3A_335, %swap3A_336] {strides = array<i32>} : memref<96x128xf32, #tpu.memory_space<vmem>>, vector<16xf32>,
          tpu.vector_store %arg15[%swap3A_335, %swap3A_336], %sub3A_334 {strides = array<i32>} : memref<96x128xf32, #tpu.memory_space<vmem>>, vector<16xf32>,
          %mul3A_338 = arith.mulf %gather3A_324, %get3A_331 : vector<16xf32>
          %mul3A_339 = arith.mulf %gather3A_325, %get3A_328 : vector<16xf32>
          %add3A_340 = arith.addf %mul3A_338, %mul3A_339 : vector<16xf32>
          %swap3A_341 = arith.index_cast %scan3A_319 : i32 to index
          %swap3A_342 = arith.constant 64 : index
          %swap3A_343 = tpu.vector_load %arg15[%swap3A_341, %swap3A_342] {strides = array<i32>} : memref<96x128xf32, #tpu.memory_space<vmem>>, vector<16xf32>,
          tpu.vector_store %arg15[%swap3A_341, %swap3A_342], %add3A_340 {strides = array<i32>} : memref<96x128xf32, #tpu.memory_space<vmem>>, vector<16xf32>,
          %get3A_344 = arith.index_cast %scan3A_319 : i32 to index
          %get3A_345 = arith.constant 16 : index
          %get3A_346 = tpu.vector_load %arg15[%get3A_344, %get3A_345] {strides = array<i32>} : memref<96x128xf32, #tpu.memory_space<vmem>>, vector<16xf32>,
          %get3A_347 = arith.index_cast %scan3A_319 : i32 to index
          %get3A_348 = arith.constant 80 : index
          %get3A_349 = tpu.vector_load %arg15[%get3A_347, %get3A_348] {strides = array<i32>} : memref<96x128xf32, #tpu.memory_space<vmem>>, vector<16xf32>,
          %mul3A_350 = arith.mulf %gather3A_324, %get3A_346 : vector<16xf32>
          %mul3A_351 = arith.mulf %gather3A_325, %get3A_349 : vector<16xf32>
          %sub3A_352 = arith.subf %mul3A_350, %mul3A_351 : vector<16xf32>
          %swap3A_353 = arith.index_cast %scan3A_319 : i32 to index
          %swap3A_354 = arith.constant 16 : index
          %swap3A_355 = tpu.vector_load %arg15[%swap3A_353, %swap3A_354] {strides = array<i32>} : memref<96x128xf32, #tpu.memory_space<vmem>>, vector<16xf32>,
          tpu.vector_store %arg15[%swap3A_353, %swap3A_354], %sub3A_352 {strides = array<i32>} : memref<96x128xf32, #tpu.memory_space<vmem>>, vector<16xf32>,
          %mul3A_356 = arith.mulf %gather3A_324, %get3A_349 : vector<16xf32>
          %mul3A_357 = arith.mulf %gather3A_325, %get3A_346 : vector<16xf32>
          %add3A_358 = arith.addf %mul3A_356, %mul3A_357 : vector<16xf32>
          %swap3A_359 = arith.index_cast %scan3A_319 : i32 to index
          %swap3A_360 = arith.constant 80 : index
          %swap3A_361 = tpu.vector_load %arg15[%swap3A_359, %swap3A_360] {strides = array<i32>} : memref<96x128xf32, #tpu.memory_space<vmem>>, vector<16xf32>,
          tpu.vector_store %arg15[%swap3A_359, %swap3A_360], %add3A_358 {strides = array<i32>} : memref<96x128xf32, #tpu.memory_space<vmem>>, vector<16xf32>,
          %get3A_362 = arith.index_cast %scan3A_319 : i32 to index
          %get3A_363 = arith.constant 32 : index
          %get3A_364 = tpu.vector_load %arg15[%get3A_362, %get3A_363] {strides = array<i32>} : memref<96x128xf32, #tpu.memory_space<vmem>>, vector<16xf32>,
          %get3A_365 = arith.index_cast %scan3A_319 : i32 to index
          %get3A_366 = arith.constant 96 : index
          %get3A_367 = tpu.vector_load %arg15[%get3A_365, %get3A_366] {strides = array<i32>} : memref<96x128xf32, #tpu.memory_space<vmem>>, vector<16xf32>,
          %mul3A_368 = arith.mulf %gather3A_324, %get3A_364 : vector<16xf32>
          %mul3A_369 = arith.mulf %gather3A_325, %get3A_367 : vector<16xf32>
          %sub3A_370 = arith.subf %mul3A_368, %mul3A_369 : vector<16xf32>
          %swap3A_371 = arith.index_cast %scan3A_319 : i32 to index
          %swap3A_372 = arith.constant 32 : index
          %swap3A_373 = tpu.vector_load %arg15[%swap3A_371, %swap3A_372] {strides = array<i32>} : memref<96x128xf32, #tpu.memory_space<vmem>>, vector<16xf32>,
          tpu.vector_store %arg15[%swap3A_371, %swap3A_372], %sub3A_370 {strides = array<i32>} : memref<96x128xf32, #tpu.memory_space<vmem>>, vector<16xf32>,
          %mul3A_374 = arith.mulf %gather3A_324, %get3A_367 : vector<16xf32>
          %mul3A_375 = arith.mulf %gather3A_325, %get3A_364 : vector<16xf32>
          %add3A_376 = arith.addf %mul3A_374, %mul3A_375 : vector<16xf32>
          %swap3A_377 = arith.index_cast %scan3A_319 : i32 to index
          %swap3A_378 = arith.constant 96 : index
          %swap3A_379 = tpu.vector_load %arg15[%swap3A_377, %swap3A_378] {strides = array<i32>} : memref<96x128xf32, #tpu.memory_space<vmem>>, vector<16xf32>,
          tpu.vector_store %arg15[%swap3A_377, %swap3A_378], %add3A_376 {strides = array<i32>} : memref<96x128xf32, #tpu.memory_space<vmem>>, vector<16xf32>,
          %get3A_380 = arith.index_cast %scan3A_319 : i32 to index
          %get3A_381 = arith.constant 48 : index
          %get3A_382 = tpu.vector_load %arg15[%get3A_380, %get3A_381] {strides = array<i32>} : memref<96x128xf32, #tpu.memory_space<vmem>>, vector<16xf32>,
          %get3A_383 = arith.index_cast %scan3A_319 : i32 to index
          %get3A_384 = arith.constant 112 : index
          %get3A_385 = tpu.vector_load %arg15[%get3A_383, %get3A_384] {strides = array<i32>} : memref<96x128xf32, #tpu.memory_space<vmem>>, vector<16xf32>,
          %mul3A_386 = arith.mulf %gather3A_324, %get3A_382 : vector<16xf32>
          %mul3A_387 = arith.mulf %gather3A_325, %get3A_385 : vector<16xf32>
          %sub3A_388 = arith.subf %mul3A_386, %mul3A_387 : vector<16xf32>
          %swap3A_389 = arith.index_cast %scan3A_319 : i32 to index
          %swap3A_390 = arith.constant 48 : index
          %swap3A_391 = tpu.vector_load %arg15[%swap3A_389, %swap3A_390] {strides = array<i32>} : memref<96x128xf32, #tpu.memory_space<vmem>>, vector<16xf32>,
          tpu.vector_store %arg15[%swap3A_389, %swap3A_390], %sub3A_388 {strides = array<i32>} : memref<96x128xf32, #tpu.memory_space<vmem>>, vector<16xf32>,
          %mul3A_392 = arith.mulf %gather3A_324, %get3A_385 : vector<16xf32>
          %mul3A_393 = arith.mulf %gather3A_325, %get3A_382 : vector<16xf32>
          %add3A_394 = arith.addf %mul3A_392, %mul3A_393 : vector<16xf32>
          %swap3A_395 = arith.index_cast %scan3A_319 : i32 to index
          %swap3A_396 = arith.constant 112 : index
          %swap3A_397 = tpu.vector_load %arg15[%swap3A_395, %swap3A_396] {strides = array<i32>} : memref<96x128xf32, #tpu.memory_space<vmem>>, vector<16xf32>,
          tpu.vector_store %arg15[%swap3A_395, %swap3A_396], %add3A_394 {strides = array<i32>} : memref<96x128xf32, #tpu.memory_space<vmem>>, vector<16xf32>,
          %scan3A_398 = arith.constant 0 : i32
          %scan3A_399 = arith.constant 3 : i32
          %scan3A_400 = arith.addi %scan3A_161, %scan3A_399 : i32
          %mul3A_401 = arith.constant 96 : i32
          %mul3A_402 = arith.muli %add3A_132, %mul3A_401 : i32
          %add3A_403 = arith.addi %mul3A_402, %scan3A_400 : i32
          %broadcast_in_dim3A_404 = vector.broadcast %add3A_403 : i32 to vector<16xi32>
          %gather3A_405 = tpu.vector_load_idx %arg11[%broadcast_in_dim3A_404] : memref<2016xf32, #tpu.memory_space<vmem>>[vector<16xi32>], vector<16xf32>,
          %gather3A_406 = tpu.vector_load_idx %arg12[%broadcast_in_dim3A_404] : memref<2016xf32, #tpu.memory_space<vmem>>[vector<16xi32>], vector<16xf32>,
          %get3A_407 = arith.index_cast %scan3A_400 : i32 to index
          %get3A_408 = arith.constant 0 : index
          %get3A_409 = tpu.vector_load %arg15[%get3A_407, %get3A_408] {strides = array<i32>} : memref<96x128xf32, #tpu.memory_space<vmem>>, vector<16xf32>,
          %get3A_410 = arith.index_cast %scan3A_400 : i32 to index
          %get3A_411 = arith.constant 64 : index
          %get3A_412 = tpu.vector_load %arg15[%get3A_410, %get3A_411] {strides = array<i32>} : memref<96x128xf32, #tpu.memory_space<vmem>>, vector<16xf32>,
          %mul3A_413 = arith.mulf %gather3A_405, %get3A_409 : vector<16xf32>
          %mul3A_414 = arith.mulf %gather3A_406, %get3A_412 : vector<16xf32>
          %sub3A_415 = arith.subf %mul3A_413, %mul3A_414 : vector<16xf32>
          %swap3A_416 = arith.index_cast %scan3A_400 : i32 to index
          %swap3A_417 = arith.constant 0 : index
          %swap3A_418 = tpu.vector_load %arg15[%swap3A_416, %swap3A_417] {strides = array<i32>} : memref<96x128xf32, #tpu.memory_space<vmem>>, vector<16xf32>,
          tpu.vector_store %arg15[%swap3A_416, %swap3A_417], %sub3A_415 {strides = array<i32>} : memref<96x128xf32, #tpu.memory_space<vmem>>, vector<16xf32>,
          %mul3A_419 = arith.mulf %gather3A_405, %get3A_412 : vector<16xf32>
          %mul3A_420 = arith.mulf %gather3A_406, %get3A_409 : vector<16xf32>
          %add3A_421 = arith.addf %mul3A_419, %mul3A_420 : vector<16xf32>
          %swap3A_422 = arith.index_cast %scan3A_400 : i32 to index
          %swap3A_423 = arith.constant 64 : index
          %swap3A_424 = tpu.vector_load %arg15[%swap3A_422, %swap3A_423] {strides = array<i32>} : memref<96x128xf32, #tpu.memory_space<vmem>>, vector<16xf32>,
          tpu.vector_store %arg15[%swap3A_422, %swap3A_423], %add3A_421 {strides = array<i32>} : memref<96x128xf32, #tpu.memory_space<vmem>>, vector<16xf32>,
          %get3A_425 = arith.index_cast %scan3A_400 : i32 to index
          %get3A_426 = arith.constant 16 : index
          %get3A_427 = tpu.vector_load %arg15[%get3A_425, %get3A_426] {strides = array<i32>} : memref<96x128xf32, #tpu.memory_space<vmem>>, vector<16xf32>,
          %get3A_428 = arith.index_cast %scan3A_400 : i32 to index
          %get3A_429 = arith.constant 80 : index
          %get3A_430 = tpu.vector_load %arg15[%get3A_428, %get3A_429] {strides = array<i32>} : memref<96x128xf32, #tpu.memory_space<vmem>>, vector<16xf32>,
          %mul3A_431 = arith.mulf %gather3A_405, %get3A_427 : vector<16xf32>
          %mul3A_432 = arith.mulf %gather3A_406, %get3A_430 : vector<16xf32>
          %sub3A_433 = arith.subf %mul3A_431, %mul3A_432 : vector<16xf32>
          %swap3A_434 = arith.index_cast %scan3A_400 : i32 to index
          %swap3A_435 = arith.constant 16 : index
          %swap3A_436 = tpu.vector_load %arg15[%swap3A_434, %swap3A_435] {strides = array<i32>} : memref<96x128xf32, #tpu.memory_space<vmem>>, vector<16xf32>,
          tpu.vector_store %arg15[%swap3A_434, %swap3A_435], %sub3A_433 {strides = array<i32>} : memref<96x128xf32, #tpu.memory_space<vmem>>, vector<16xf32>,
          %mul3A_437 = arith.mulf %gather3A_405, %get3A_430 : vector<16xf32>
          %mul3A_438 = arith.mulf %gather3A_406, %get3A_427 : vector<16xf32>
          %add3A_439 = arith.addf %mul3A_437, %mul3A_438 : vector<16xf32>
          %swap3A_440 = arith.index_cast %scan3A_400 : i32 to index
          %swap3A_441 = arith.constant 80 : index
          %swap3A_442 = tpu.vector_load %arg15[%swap3A_440, %swap3A_441] {strides = array<i32>} : memref<96x128xf32, #tpu.memory_space<vmem>>, vector<16xf32>,
          tpu.vector_store %arg15[%swap3A_440, %swap3A_441], %add3A_439 {strides = array<i32>} : memref<96x128xf32, #tpu.memory_space<vmem>>, vector<16xf32>,
          %get3A_443 = arith.index_cast %scan3A_400 : i32 to index
          %get3A_444 = arith.constant 32 : index
          %get3A_445 = tpu.vector_load %arg15[%get3A_443, %get3A_444] {strides = array<i32>} : memref<96x128xf32, #tpu.memory_space<vmem>>, vector<16xf32>,
          %get3A_446 = arith.index_cast %scan3A_400 : i32 to index
          %get3A_447 = arith.constant 96 : index
          %get3A_448 = tpu.vector_load %arg15[%get3A_446, %get3A_447] {strides = array<i32>} : memref<96x128xf32, #tpu.memory_space<vmem>>, vector<16xf32>,
          %mul3A_449 = arith.mulf %gather3A_405, %get3A_445 : vector<16xf32>
          %mul3A_450 = arith.mulf %gather3A_406, %get3A_448 : vector<16xf32>
          %sub3A_451 = arith.subf %mul3A_449, %mul3A_450 : vector<16xf32>
          %swap3A_452 = arith.index_cast %scan3A_400 : i32 to index
          %swap3A_453 = arith.constant 32 : index
          %swap3A_454 = tpu.vector_load %arg15[%swap3A_452, %swap3A_453] {strides = array<i32>} : memref<96x128xf32, #tpu.memory_space<vmem>>, vector<16xf32>,
          tpu.vector_store %arg15[%swap3A_452, %swap3A_453], %sub3A_451 {strides = array<i32>} : memref<96x128xf32, #tpu.memory_space<vmem>>, vector<16xf32>,
          %mul3A_455 = arith.mulf %gather3A_405, %get3A_448 : vector<16xf32>
          %mul3A_456 = arith.mulf %gather3A_406, %get3A_445 : vector<16xf32>
          %add3A_457 = arith.addf %mul3A_455, %mul3A_456 : vector<16xf32>
          %swap3A_458 = arith.index_cast %scan3A_400 : i32 to index
          %swap3A_459 = arith.constant 96 : index
          %swap3A_460 = tpu.vector_load %arg15[%swap3A_458, %swap3A_459] {strides = array<i32>} : memref<96x128xf32, #tpu.memory_space<vmem>>, vector<16xf32>,
          tpu.vector_store %arg15[%swap3A_458, %swap3A_459], %add3A_457 {strides = array<i32>} : memref<96x128xf32, #tpu.memory_space<vmem>>, vector<16xf32>,
          %get3A_461 = arith.index_cast %scan3A_400 : i32 to index
          %get3A_462 = arith.constant 48 : index
          %get3A_463 = tpu.vector_load %arg15[%get3A_461, %get3A_462] {strides = array<i32>} : memref<96x128xf32, #tpu.memory_space<vmem>>, vector<16xf32>,
          %get3A_464 = arith.index_cast %scan3A_400 : i32 to index
          %get3A_465 = arith.constant 112 : index
          %get3A_466 = tpu.vector_load %arg15[%get3A_464, %get3A_465] {strides = array<i32>} : memref<96x128xf32, #tpu.memory_space<vmem>>, vector<16xf32>,
          %mul3A_467 = arith.mulf %gather3A_405, %get3A_463 : vector<16xf32>
          %mul3A_468 = arith.mulf %gather3A_406, %get3A_466 : vector<16xf32>
          %sub3A_469 = arith.subf %mul3A_467, %mul3A_468 : vector<16xf32>
          %swap3A_470 = arith.index_cast %scan3A_400 : i32 to index
          %swap3A_471 = arith.constant 48 : index
          %swap3A_472 = tpu.vector_load %arg15[%swap3A_470, %swap3A_471] {strides = array<i32>} : memref<96x128xf32, #tpu.memory_space<vmem>>, vector<16xf32>,
          tpu.vector_store %arg15[%swap3A_470, %swap3A_471], %sub3A_469 {strides = array<i32>} : memref<96x128xf32, #tpu.memory_space<vmem>>, vector<16xf32>,
          %mul3A_473 = arith.mulf %gather3A_405, %get3A_466 : vector<16xf32>
          %mul3A_474 = arith.mulf %gather3A_406, %get3A_463 : vector<16xf32>
          %add3A_475 = arith.addf %mul3A_473, %mul3A_474 : vector<16xf32>
          %swap3A_476 = arith.index_cast %scan3A_400 : i32 to index
          %swap3A_477 = arith.constant 112 : index
          %swap3A_478 = tpu.vector_load %arg15[%swap3A_476, %swap3A_477] {strides = array<i32>} : memref<96x128xf32, #tpu.memory_space<vmem>>, vector<16xf32>,
          tpu.vector_store %arg15[%swap3A_476, %swap3A_477], %add3A_475 {strides = array<i32>} : memref<96x128xf32, #tpu.memory_space<vmem>>, vector<16xf32>,
          %scan3A_479 = arith.constant 0 : i32
          scf.yield %scan3A_479 : i32
        }
        %scan3A_145 = arith.constant 48 : i32
        %add3A_146 = arith.constant 2 : i32
        %add3A_147 = arith.addi %add3A_132, %add3A_146 : i32
        %lt3A_148 = arith.constant 21 : i32
        %lt3A_149 = arith.cmpi slt, %add3A_147, %lt3A_148 : i32
        %convert_element_type3A_150 = arith.extui %lt3A_149 : i1 to i32
        %cond3A_151 = arith.constant 0 : i32
        %cond3A_152 = arith.cmpi ne, %convert_element_type3A_150, %cond3A_151 : i32
        scf.if %cond3A_152 {
          %add3A_161 = arith.constant 2 : i32
          %add3A_162 = arith.addi %add3A_132, %add3A_161 : i32
          %dma_start3A_163 = arith.constant 0 : i32
          %dma_start3A_164 = tpu.memref_slice %arg10[%add3A_162, %dma_start3A_163] : memref<21x96xi32, #tpu.memory_space<vmem>> -> memref<1x96xi32, #tpu.memory_space<vmem>>
          %dma_start3A_165 = tpu.memref_squeeze %dma_start3A_164 : memref<1x96xi32, #tpu.memory_space<vmem>> -> memref<96xi32, #tpu.memory_space<vmem>>
          %dma_start3A_166 = arith.constant 0 : i32
          %dma_start3A_167 = arith.constant 0 : i32
          %dma_start3A_168 = tpu.memref_slice %arg6[%dma_start3A_166, %dma_start3A_167] : memref<20000x128xf32, #tpu.memory_space<hbm>> -> memref<20000x128xf32, #tpu.memory_space<hbm>>
          tpu.enqueue_indirect_dma source(%dma_start3A_168 : memref<20000x128xf32, #tpu.memory_space<hbm>>) target(%arg14 : memref<96x128xf32, #tpu.memory_space<vmem>>) offsets(%dma_start3A_165 : memref<96xi32, #tpu.memory_space<vmem>>) semaphore(%arg17 : memref<!tpu.dma_semaphore, #tpu.memory_space<semaphore_mem>>)
        } else {
        }
        %scan3A_153 = arith.constant 0 : i32
        %scan3A_154 = arith.constant 48 : i32
        %scan3A_155 = arith.constant 48 : i32
        %scan3A_156 = arith.addi %scan3A_154, %scan3A_155 : i32
        %scan3A_157 = arith.constant 4 : i32
        %scan3A_158 = scf.for %scan3A_161 = %scan3A_154 to %scan3A_156 step %scan3A_157 iter_args(%scan3A_162 = %scan3A_153) -> (i32)  : i32 {
          %mul3A_163 = arith.constant 96 : i32
          %mul3A_164 = arith.muli %add3A_132, %mul3A_163 : i32
          %add3A_165 = arith.addi %mul3A_164, %scan3A_161 : i32
          %broadcast_in_dim3A = vector.broadcast %add3A_165 : i32 to vector<16xi32>
          %gather3A = tpu.vector_load_idx %arg11[%broadcast_in_dim3A] : memref<2016xf32, #tpu.memory_space<vmem>>[vector<16xi32>], vector<16xf32>,
          %gather3A_166 = tpu.vector_load_idx %arg12[%broadcast_in_dim3A] : memref<2016xf32, #tpu.memory_space<vmem>>[vector<16xi32>], vector<16xf32>,
          %get3A = arith.index_cast %scan3A_161 : i32 to index
          %get3A_167 = arith.constant 0 : index
          %get3A_168 = tpu.vector_load %arg15[%get3A, %get3A_167] {strides = array<i32>} : memref<96x128xf32, #tpu.memory_space<vmem>>, vector<16xf32>,
          %get3A_169 = arith.index_cast %scan3A_161 : i32 to index
          %get3A_170 = arith.constant 64 : index
          %get3A_171 = tpu.vector_load %arg15[%get3A_169, %get3A_170] {strides = array<i32>} : memref<96x128xf32, #tpu.memory_space<vmem>>, vector<16xf32>,
          %mul3A_172 = arith.mulf %gather3A, %get3A_168 : vector<16xf32>
          %mul3A_173 = arith.mulf %gather3A_166, %get3A_171 : vector<16xf32>
          %sub3A = arith.subf %mul3A_172, %mul3A_173 : vector<16xf32>
          %swap3A = arith.index_cast %scan3A_161 : i32 to index
          %swap3A_174 = arith.constant 0 : index
          %swap3A_175 = tpu.vector_load %arg15[%swap3A, %swap3A_174] {strides = array<i32>} : memref<96x128xf32, #tpu.memory_space<vmem>>, vector<16xf32>,
          tpu.vector_store %arg15[%swap3A, %swap3A_174], %sub3A {strides = array<i32>} : memref<96x128xf32, #tpu.memory_space<vmem>>, vector<16xf32>,
          %mul3A_176 = arith.mulf %gather3A, %get3A_171 : vector<16xf32>
          %mul3A_177 = arith.mulf %gather3A_166, %get3A_168 : vector<16xf32>
          %add3A_178 = arith.addf %mul3A_176, %mul3A_177 : vector<16xf32>
          %swap3A_179 = arith.index_cast %scan3A_161 : i32 to index
          %swap3A_180 = arith.constant 64 : index
          %swap3A_181 = tpu.vector_load %arg15[%swap3A_179, %swap3A_180] {strides = array<i32>} : memref<96x128xf32, #tpu.memory_space<vmem>>, vector<16xf32>,
          tpu.vector_store %arg15[%swap3A_179, %swap3A_180], %add3A_178 {strides = array<i32>} : memref<96x128xf32, #tpu.memory_space<vmem>>, vector<16xf32>,
          %get3A_182 = arith.index_cast %scan3A_161 : i32 to index
          %get3A_183 = arith.constant 16 : index
          %get3A_184 = tpu.vector_load %arg15[%get3A_182, %get3A_183] {strides = array<i32>} : memref<96x128xf32, #tpu.memory_space<vmem>>, vector<16xf32>,
          %get3A_185 = arith.index_cast %scan3A_161 : i32 to index
          %get3A_186 = arith.constant 80 : index
          %get3A_187 = tpu.vector_load %arg15[%get3A_185, %get3A_186] {strides = array<i32>} : memref<96x128xf32, #tpu.memory_space<vmem>>, vector<16xf32>,
          %mul3A_188 = arith.mulf %gather3A, %get3A_184 : vector<16xf32>
          %mul3A_189 = arith.mulf %gather3A_166, %get3A_187 : vector<16xf32>
          %sub3A_190 = arith.subf %mul3A_188, %mul3A_189 : vector<16xf32>
          %swap3A_191 = arith.index_cast %scan3A_161 : i32 to index
          %swap3A_192 = arith.constant 16 : index
          %swap3A_193 = tpu.vector_load %arg15[%swap3A_191, %swap3A_192] {strides = array<i32>} : memref<96x128xf32, #tpu.memory_space<vmem>>, vector<16xf32>,
          tpu.vector_store %arg15[%swap3A_191, %swap3A_192], %sub3A_190 {strides = array<i32>} : memref<96x128xf32, #tpu.memory_space<vmem>>, vector<16xf32>,
          %mul3A_194 = arith.mulf %gather3A, %get3A_187 : vector<16xf32>
          %mul3A_195 = arith.mulf %gather3A_166, %get3A_184 : vector<16xf32>
          %add3A_196 = arith.addf %mul3A_194, %mul3A_195 : vector<16xf32>
          %swap3A_197 = arith.index_cast %scan3A_161 : i32 to index
          %swap3A_198 = arith.constant 80 : index
          %swap3A_199 = tpu.vector_load %arg15[%swap3A_197, %swap3A_198] {strides = array<i32>} : memref<96x128xf32, #tpu.memory_space<vmem>>, vector<16xf32>,
          tpu.vector_store %arg15[%swap3A_197, %swap3A_198], %add3A_196 {strides = array<i32>} : memref<96x128xf32, #tpu.memory_space<vmem>>, vector<16xf32>,
          %get3A_200 = arith.index_cast %scan3A_161 : i32 to index
          %get3A_201 = arith.constant 32 : index
          %get3A_202 = tpu.vector_load %arg15[%get3A_200, %get3A_201] {strides = array<i32>} : memref<96x128xf32, #tpu.memory_space<vmem>>, vector<16xf32>,
          %get3A_203 = arith.index_cast %scan3A_161 : i32 to index
          %get3A_204 = arith.constant 96 : index
          %get3A_205 = tpu.vector_load %arg15[%get3A_203, %get3A_204] {strides = array<i32>} : memref<96x128xf32, #tpu.memory_space<vmem>>, vector<16xf32>,
          %mul3A_206 = arith.mulf %gather3A, %get3A_202 : vector<16xf32>
          %mul3A_207 = arith.mulf %gather3A_166, %get3A_205 : vector<16xf32>
          %sub3A_208 = arith.subf %mul3A_206, %mul3A_207 : vector<16xf32>
          %swap3A_209 = arith.index_cast %scan3A_161 : i32 to index
          %swap3A_210 = arith.constant 32 : index
          %swap3A_211 = tpu.vector_load %arg15[%swap3A_209, %swap3A_210] {strides = array<i32>} : memref<96x128xf32, #tpu.memory_space<vmem>>, vector<16xf32>,
          tpu.vector_store %arg15[%swap3A_209, %swap3A_210], %sub3A_208 {strides = array<i32>} : memref<96x128xf32, #tpu.memory_space<vmem>>, vector<16xf32>,
          %mul3A_212 = arith.mulf %gather3A, %get3A_205 : vector<16xf32>
          %mul3A_213 = arith.mulf %gather3A_166, %get3A_202 : vector<16xf32>
          %add3A_214 = arith.addf %mul3A_212, %mul3A_213 : vector<16xf32>
          %swap3A_215 = arith.index_cast %scan3A_161 : i32 to index
          %swap3A_216 = arith.constant 96 : index
          %swap3A_217 = tpu.vector_load %arg15[%swap3A_215, %swap3A_216] {strides = array<i32>} : memref<96x128xf32, #tpu.memory_space<vmem>>, vector<16xf32>,
          tpu.vector_store %arg15[%swap3A_215, %swap3A_216], %add3A_214 {strides = array<i32>} : memref<96x128xf32, #tpu.memory_space<vmem>>, vector<16xf32>,
          %get3A_218 = arith.index_cast %scan3A_161 : i32 to index
          %get3A_219 = arith.constant 48 : index
          %get3A_220 = tpu.vector_load %arg15[%get3A_218, %get3A_219] {strides = array<i32>} : memref<96x128xf32, #tpu.memory_space<vmem>>, vector<16xf32>,
          %get3A_221 = arith.index_cast %scan3A_161 : i32 to index
          %get3A_222 = arith.constant 112 : index
          %get3A_223 = tpu.vector_load %arg15[%get3A_221, %get3A_222] {strides = array<i32>} : memref<96x128xf32, #tpu.memory_space<vmem>>, vector<16xf32>,
          %mul3A_224 = arith.mulf %gather3A, %get3A_220 : vector<16xf32>
          %mul3A_225 = arith.mulf %gather3A_166, %get3A_223 : vector<16xf32>
          %sub3A_226 = arith.subf %mul3A_224, %mul3A_225 : vector<16xf32>
          %swap3A_227 = arith.index_cast %scan3A_161 : i32 to index
          %swap3A_228 = arith.constant 48 : index
          %swap3A_229 = tpu.vector_load %arg15[%swap3A_227, %swap3A_228] {strides = array<i32>} : memref<96x128xf32, #tpu.memory_space<vmem>>, vector<16xf32>,
          tpu.vector_store %arg15[%swap3A_227, %swap3A_228], %sub3A_226 {strides = array<i32>} : memref<96x128xf32, #tpu.memory_space<vmem>>, vector<16xf32>,
          %mul3A_230 = arith.mulf %gather3A, %get3A_223 : vector<16xf32>
          %mul3A_231 = arith.mulf %gather3A_166, %get3A_220 : vector<16xf32>
          %add3A_232 = arith.addf %mul3A_230, %mul3A_231 : vector<16xf32>
          %swap3A_233 = arith.index_cast %scan3A_161 : i32 to index
          %swap3A_234 = arith.constant 112 : index
          %swap3A_235 = tpu.vector_load %arg15[%swap3A_233, %swap3A_234] {strides = array<i32>} : memref<96x128xf32, #tpu.memory_space<vmem>>, vector<16xf32>,
          tpu.vector_store %arg15[%swap3A_233, %swap3A_234], %add3A_232 {strides = array<i32>} : memref<96x128xf32, #tpu.memory_space<vmem>>, vector<16xf32>,
          %scan3A_236 = arith.constant 0 : i32
          %scan3A_237 = arith.constant 1 : i32
          %scan3A_238 = arith.addi %scan3A_161, %scan3A_237 : i32
          %mul3A_239 = arith.constant 96 : i32
          %mul3A_240 = arith.muli %add3A_132, %mul3A_239 : i32
          %add3A_241 = arith.addi %mul3A_240, %scan3A_238 : i32
          %broadcast_in_dim3A_242 = vector.broadcast %add3A_241 : i32 to vector<16xi32>
          %gather3A_243 = tpu.vector_load_idx %arg11[%broadcast_in_dim3A_242] : memref<2016xf32, #tpu.memory_space<vmem>>[vector<16xi32>], vector<16xf32>,
          %gather3A_244 = tpu.vector_load_idx %arg12[%broadcast_in_dim3A_242] : memref<2016xf32, #tpu.memory_space<vmem>>[vector<16xi32>], vector<16xf32>,
          %get3A_245 = arith.index_cast %scan3A_238 : i32 to index
          %get3A_246 = arith.constant 0 : index
          %get3A_247 = tpu.vector_load %arg15[%get3A_245, %get3A_246] {strides = array<i32>} : memref<96x128xf32, #tpu.memory_space<vmem>>, vector<16xf32>,
          %get3A_248 = arith.index_cast %scan3A_238 : i32 to index
          %get3A_249 = arith.constant 64 : index
          %get3A_250 = tpu.vector_load %arg15[%get3A_248, %get3A_249] {strides = array<i32>} : memref<96x128xf32, #tpu.memory_space<vmem>>, vector<16xf32>,
          %mul3A_251 = arith.mulf %gather3A_243, %get3A_247 : vector<16xf32>
          %mul3A_252 = arith.mulf %gather3A_244, %get3A_250 : vector<16xf32>
          %sub3A_253 = arith.subf %mul3A_251, %mul3A_252 : vector<16xf32>
          %swap3A_254 = arith.index_cast %scan3A_238 : i32 to index
          %swap3A_255 = arith.constant 0 : index
          %swap3A_256 = tpu.vector_load %arg15[%swap3A_254, %swap3A_255] {strides = array<i32>} : memref<96x128xf32, #tpu.memory_space<vmem>>, vector<16xf32>,
          tpu.vector_store %arg15[%swap3A_254, %swap3A_255], %sub3A_253 {strides = array<i32>} : memref<96x128xf32, #tpu.memory_space<vmem>>, vector<16xf32>,
          %mul3A_257 = arith.mulf %gather3A_243, %get3A_250 : vector<16xf32>
          %mul3A_258 = arith.mulf %gather3A_244, %get3A_247 : vector<16xf32>
          %add3A_259 = arith.addf %mul3A_257, %mul3A_258 : vector<16xf32>
          %swap3A_260 = arith.index_cast %scan3A_238 : i32 to index
          %swap3A_261 = arith.constant 64 : index
          %swap3A_262 = tpu.vector_load %arg15[%swap3A_260, %swap3A_261] {strides = array<i32>} : memref<96x128xf32, #tpu.memory_space<vmem>>, vector<16xf32>,
          tpu.vector_store %arg15[%swap3A_260, %swap3A_261], %add3A_259 {strides = array<i32>} : memref<96x128xf32, #tpu.memory_space<vmem>>, vector<16xf32>,
          %get3A_263 = arith.index_cast %scan3A_238 : i32 to index
          %get3A_264 = arith.constant 16 : index
          %get3A_265 = tpu.vector_load %arg15[%get3A_263, %get3A_264] {strides = array<i32>} : memref<96x128xf32, #tpu.memory_space<vmem>>, vector<16xf32>,
          %get3A_266 = arith.index_cast %scan3A_238 : i32 to index
          %get3A_267 = arith.constant 80 : index
          %get3A_268 = tpu.vector_load %arg15[%get3A_266, %get3A_267] {strides = array<i32>} : memref<96x128xf32, #tpu.memory_space<vmem>>, vector<16xf32>,
          %mul3A_269 = arith.mulf %gather3A_243, %get3A_265 : vector<16xf32>
          %mul3A_270 = arith.mulf %gather3A_244, %get3A_268 : vector<16xf32>
          %sub3A_271 = arith.subf %mul3A_269, %mul3A_270 : vector<16xf32>
          %swap3A_272 = arith.index_cast %scan3A_238 : i32 to index
          %swap3A_273 = arith.constant 16 : index
          %swap3A_274 = tpu.vector_load %arg15[%swap3A_272, %swap3A_273] {strides = array<i32>} : memref<96x128xf32, #tpu.memory_space<vmem>>, vector<16xf32>,
          tpu.vector_store %arg15[%swap3A_272, %swap3A_273], %sub3A_271 {strides = array<i32>} : memref<96x128xf32, #tpu.memory_space<vmem>>, vector<16xf32>,
          %mul3A_275 = arith.mulf %gather3A_243, %get3A_268 : vector<16xf32>
          %mul3A_276 = arith.mulf %gather3A_244, %get3A_265 : vector<16xf32>
          %add3A_277 = arith.addf %mul3A_275, %mul3A_276 : vector<16xf32>
          %swap3A_278 = arith.index_cast %scan3A_238 : i32 to index
          %swap3A_279 = arith.constant 80 : index
          %swap3A_280 = tpu.vector_load %arg15[%swap3A_278, %swap3A_279] {strides = array<i32>} : memref<96x128xf32, #tpu.memory_space<vmem>>, vector<16xf32>,
          tpu.vector_store %arg15[%swap3A_278, %swap3A_279], %add3A_277 {strides = array<i32>} : memref<96x128xf32, #tpu.memory_space<vmem>>, vector<16xf32>,
          %get3A_281 = arith.index_cast %scan3A_238 : i32 to index
          %get3A_282 = arith.constant 32 : index
          %get3A_283 = tpu.vector_load %arg15[%get3A_281, %get3A_282] {strides = array<i32>} : memref<96x128xf32, #tpu.memory_space<vmem>>, vector<16xf32>,
          %get3A_284 = arith.index_cast %scan3A_238 : i32 to index
          %get3A_285 = arith.constant 96 : index
          %get3A_286 = tpu.vector_load %arg15[%get3A_284, %get3A_285] {strides = array<i32>} : memref<96x128xf32, #tpu.memory_space<vmem>>, vector<16xf32>,
          %mul3A_287 = arith.mulf %gather3A_243, %get3A_283 : vector<16xf32>
          %mul3A_288 = arith.mulf %gather3A_244, %get3A_286 : vector<16xf32>
          %sub3A_289 = arith.subf %mul3A_287, %mul3A_288 : vector<16xf32>
          %swap3A_290 = arith.index_cast %scan3A_238 : i32 to index
          %swap3A_291 = arith.constant 32 : index
          %swap3A_292 = tpu.vector_load %arg15[%swap3A_290, %swap3A_291] {strides = array<i32>} : memref<96x128xf32, #tpu.memory_space<vmem>>, vector<16xf32>,
          tpu.vector_store %arg15[%swap3A_290, %swap3A_291], %sub3A_289 {strides = array<i32>} : memref<96x128xf32, #tpu.memory_space<vmem>>, vector<16xf32>,
          %mul3A_293 = arith.mulf %gather3A_243, %get3A_286 : vector<16xf32>
          %mul3A_294 = arith.mulf %gather3A_244, %get3A_283 : vector<16xf32>
          %add3A_295 = arith.addf %mul3A_293, %mul3A_294 : vector<16xf32>
          %swap3A_296 = arith.index_cast %scan3A_238 : i32 to index
          %swap3A_297 = arith.constant 96 : index
          %swap3A_298 = tpu.vector_load %arg15[%swap3A_296, %swap3A_297] {strides = array<i32>} : memref<96x128xf32, #tpu.memory_space<vmem>>, vector<16xf32>,
          tpu.vector_store %arg15[%swap3A_296, %swap3A_297], %add3A_295 {strides = array<i32>} : memref<96x128xf32, #tpu.memory_space<vmem>>, vector<16xf32>,
          %get3A_299 = arith.index_cast %scan3A_238 : i32 to index
          %get3A_300 = arith.constant 48 : index
          %get3A_301 = tpu.vector_load %arg15[%get3A_299, %get3A_300] {strides = array<i32>} : memref<96x128xf32, #tpu.memory_space<vmem>>, vector<16xf32>,
          %get3A_302 = arith.index_cast %scan3A_238 : i32 to index
          %get3A_303 = arith.constant 112 : index
          %get3A_304 = tpu.vector_load %arg15[%get3A_302, %get3A_303] {strides = array<i32>} : memref<96x128xf32, #tpu.memory_space<vmem>>, vector<16xf32>,
          %mul3A_305 = arith.mulf %gather3A_243, %get3A_301 : vector<16xf32>
          %mul3A_306 = arith.mulf %gather3A_244, %get3A_304 : vector<16xf32>
          %sub3A_307 = arith.subf %mul3A_305, %mul3A_306 : vector<16xf32>
          %swap3A_308 = arith.index_cast %scan3A_238 : i32 to index
          %swap3A_309 = arith.constant 48 : index
          %swap3A_310 = tpu.vector_load %arg15[%swap3A_308, %swap3A_309] {strides = array<i32>} : memref<96x128xf32, #tpu.memory_space<vmem>>, vector<16xf32>,
          tpu.vector_store %arg15[%swap3A_308, %swap3A_309], %sub3A_307 {strides = array<i32>} : memref<96x128xf32, #tpu.memory_space<vmem>>, vector<16xf32>,
          %mul3A_311 = arith.mulf %gather3A_243, %get3A_304 : vector<16xf32>
          %mul3A_312 = arith.mulf %gather3A_244, %get3A_301 : vector<16xf32>
          %add3A_313 = arith.addf %mul3A_311, %mul3A_312 : vector<16xf32>
          %swap3A_314 = arith.index_cast %scan3A_238 : i32 to index
          %swap3A_315 = arith.constant 112 : index
          %swap3A_316 = tpu.vector_load %arg15[%swap3A_314, %swap3A_315] {strides = array<i32>} : memref<96x128xf32, #tpu.memory_space<vmem>>, vector<16xf32>,
          tpu.vector_store %arg15[%swap3A_314, %swap3A_315], %add3A_313 {strides = array<i32>} : memref<96x128xf32, #tpu.memory_space<vmem>>, vector<16xf32>,
          %scan3A_317 = arith.constant 0 : i32
          %scan3A_318 = arith.constant 2 : i32
          %scan3A_319 = arith.addi %scan3A_161, %scan3A_318 : i32
          %mul3A_320 = arith.constant 96 : i32
          %mul3A_321 = arith.muli %add3A_132, %mul3A_320 : i32
          %add3A_322 = arith.addi %mul3A_321, %scan3A_319 : i32
          %broadcast_in_dim3A_323 = vector.broadcast %add3A_322 : i32 to vector<16xi32>
          %gather3A_324 = tpu.vector_load_idx %arg11[%broadcast_in_dim3A_323] : memref<2016xf32, #tpu.memory_space<vmem>>[vector<16xi32>], vector<16xf32>,
          %gather3A_325 = tpu.vector_load_idx %arg12[%broadcast_in_dim3A_323] : memref<2016xf32, #tpu.memory_space<vmem>>[vector<16xi32>], vector<16xf32>,
          %get3A_326 = arith.index_cast %scan3A_319 : i32 to index
          %get3A_327 = arith.constant 0 : index
          %get3A_328 = tpu.vector_load %arg15[%get3A_326, %get3A_327] {strides = array<i32>} : memref<96x128xf32, #tpu.memory_space<vmem>>, vector<16xf32>,
          %get3A_329 = arith.index_cast %scan3A_319 : i32 to index
          %get3A_330 = arith.constant 64 : index
          %get3A_331 = tpu.vector_load %arg15[%get3A_329, %get3A_330] {strides = array<i32>} : memref<96x128xf32, #tpu.memory_space<vmem>>, vector<16xf32>,
          %mul3A_332 = arith.mulf %gather3A_324, %get3A_328 : vector<16xf32>
          %mul3A_333 = arith.mulf %gather3A_325, %get3A_331 : vector<16xf32>
          %sub3A_334 = arith.subf %mul3A_332, %mul3A_333 : vector<16xf32>
          %swap3A_335 = arith.index_cast %scan3A_319 : i32 to index
          %swap3A_336 = arith.constant 0 : index
          %swap3A_337 = tpu.vector_load %arg15[%swap3A_335, %swap3A_336] {strides = array<i32>} : memref<96x128xf32, #tpu.memory_space<vmem>>, vector<16xf32>,
          tpu.vector_store %arg15[%swap3A_335, %swap3A_336], %sub3A_334 {strides = array<i32>} : memref<96x128xf32, #tpu.memory_space<vmem>>, vector<16xf32>,
          %mul3A_338 = arith.mulf %gather3A_324, %get3A_331 : vector<16xf32>
          %mul3A_339 = arith.mulf %gather3A_325, %get3A_328 : vector<16xf32>
          %add3A_340 = arith.addf %mul3A_338, %mul3A_339 : vector<16xf32>
          %swap3A_341 = arith.index_cast %scan3A_319 : i32 to index
          %swap3A_342 = arith.constant 64 : index
          %swap3A_343 = tpu.vector_load %arg15[%swap3A_341, %swap3A_342] {strides = array<i32>} : memref<96x128xf32, #tpu.memory_space<vmem>>, vector<16xf32>,
          tpu.vector_store %arg15[%swap3A_341, %swap3A_342], %add3A_340 {strides = array<i32>} : memref<96x128xf32, #tpu.memory_space<vmem>>, vector<16xf32>,
          %get3A_344 = arith.index_cast %scan3A_319 : i32 to index
          %get3A_345 = arith.constant 16 : index
          %get3A_346 = tpu.vector_load %arg15[%get3A_344, %get3A_345] {strides = array<i32>} : memref<96x128xf32, #tpu.memory_space<vmem>>, vector<16xf32>,
          %get3A_347 = arith.index_cast %scan3A_319 : i32 to index
          %get3A_348 = arith.constant 80 : index
          %get3A_349 = tpu.vector_load %arg15[%get3A_347, %get3A_348] {strides = array<i32>} : memref<96x128xf32, #tpu.memory_space<vmem>>, vector<16xf32>,
          %mul3A_350 = arith.mulf %gather3A_324, %get3A_346 : vector<16xf32>
          %mul3A_351 = arith.mulf %gather3A_325, %get3A_349 : vector<16xf32>
          %sub3A_352 = arith.subf %mul3A_350, %mul3A_351 : vector<16xf32>
          %swap3A_353 = arith.index_cast %scan3A_319 : i32 to index
          %swap3A_354 = arith.constant 16 : index
          %swap3A_355 = tpu.vector_load %arg15[%swap3A_353, %swap3A_354] {strides = array<i32>} : memref<96x128xf32, #tpu.memory_space<vmem>>, vector<16xf32>,
          tpu.vector_store %arg15[%swap3A_353, %swap3A_354], %sub3A_352 {strides = array<i32>} : memref<96x128xf32, #tpu.memory_space<vmem>>, vector<16xf32>,
          %mul3A_356 = arith.mulf %gather3A_324, %get3A_349 : vector<16xf32>
          %mul3A_357 = arith.mulf %gather3A_325, %get3A_346 : vector<16xf32>
          %add3A_358 = arith.addf %mul3A_356, %mul3A_357 : vector<16xf32>
          %swap3A_359 = arith.index_cast %scan3A_319 : i32 to index
          %swap3A_360 = arith.constant 80 : index
          %swap3A_361 = tpu.vector_load %arg15[%swap3A_359, %swap3A_360] {strides = array<i32>} : memref<96x128xf32, #tpu.memory_space<vmem>>, vector<16xf32>,
          tpu.vector_store %arg15[%swap3A_359, %swap3A_360], %add3A_358 {strides = array<i32>} : memref<96x128xf32, #tpu.memory_space<vmem>>, vector<16xf32>,
          %get3A_362 = arith.index_cast %scan3A_319 : i32 to index
          %get3A_363 = arith.constant 32 : index
          %get3A_364 = tpu.vector_load %arg15[%get3A_362, %get3A_363] {strides = array<i32>} : memref<96x128xf32, #tpu.memory_space<vmem>>, vector<16xf32>,
          %get3A_365 = arith.index_cast %scan3A_319 : i32 to index
          %get3A_366 = arith.constant 96 : index
          %get3A_367 = tpu.vector_load %arg15[%get3A_365, %get3A_366] {strides = array<i32>} : memref<96x128xf32, #tpu.memory_space<vmem>>, vector<16xf32>,
          %mul3A_368 = arith.mulf %gather3A_324, %get3A_364 : vector<16xf32>
          %mul3A_369 = arith.mulf %gather3A_325, %get3A_367 : vector<16xf32>
          %sub3A_370 = arith.subf %mul3A_368, %mul3A_369 : vector<16xf32>
          %swap3A_371 = arith.index_cast %scan3A_319 : i32 to index
          %swap3A_372 = arith.constant 32 : index
          %swap3A_373 = tpu.vector_load %arg15[%swap3A_371, %swap3A_372] {strides = array<i32>} : memref<96x128xf32, #tpu.memory_space<vmem>>, vector<16xf32>,
          tpu.vector_store %arg15[%swap3A_371, %swap3A_372], %sub3A_370 {strides = array<i32>} : memref<96x128xf32, #tpu.memory_space<vmem>>, vector<16xf32>,
          %mul3A_374 = arith.mulf %gather3A_324, %get3A_367 : vector<16xf32>
          %mul3A_375 = arith.mulf %gather3A_325, %get3A_364 : vector<16xf32>
          %add3A_376 = arith.addf %mul3A_374, %mul3A_375 : vector<16xf32>
          %swap3A_377 = arith.index_cast %scan3A_319 : i32 to index
          %swap3A_378 = arith.constant 96 : index
          %swap3A_379 = tpu.vector_load %arg15[%swap3A_377, %swap3A_378] {strides = array<i32>} : memref<96x128xf32, #tpu.memory_space<vmem>>, vector<16xf32>,
          tpu.vector_store %arg15[%swap3A_377, %swap3A_378], %add3A_376 {strides = array<i32>} : memref<96x128xf32, #tpu.memory_space<vmem>>, vector<16xf32>,
          %get3A_380 = arith.index_cast %scan3A_319 : i32 to index
          %get3A_381 = arith.constant 48 : index
          %get3A_382 = tpu.vector_load %arg15[%get3A_380, %get3A_381] {strides = array<i32>} : memref<96x128xf32, #tpu.memory_space<vmem>>, vector<16xf32>,
          %get3A_383 = arith.index_cast %scan3A_319 : i32 to index
          %get3A_384 = arith.constant 112 : index
          %get3A_385 = tpu.vector_load %arg15[%get3A_383, %get3A_384] {strides = array<i32>} : memref<96x128xf32, #tpu.memory_space<vmem>>, vector<16xf32>,
          %mul3A_386 = arith.mulf %gather3A_324, %get3A_382 : vector<16xf32>
          %mul3A_387 = arith.mulf %gather3A_325, %get3A_385 : vector<16xf32>
          %sub3A_388 = arith.subf %mul3A_386, %mul3A_387 : vector<16xf32>
          %swap3A_389 = arith.index_cast %scan3A_319 : i32 to index
          %swap3A_390 = arith.constant 48 : index
          %swap3A_391 = tpu.vector_load %arg15[%swap3A_389, %swap3A_390] {strides = array<i32>} : memref<96x128xf32, #tpu.memory_space<vmem>>, vector<16xf32>,
          tpu.vector_store %arg15[%swap3A_389, %swap3A_390], %sub3A_388 {strides = array<i32>} : memref<96x128xf32, #tpu.memory_space<vmem>>, vector<16xf32>,
          %mul3A_392 = arith.mulf %gather3A_324, %get3A_385 : vector<16xf32>
          %mul3A_393 = arith.mulf %gather3A_325, %get3A_382 : vector<16xf32>
          %add3A_394 = arith.addf %mul3A_392, %mul3A_393 : vector<16xf32>
          %swap3A_395 = arith.index_cast %scan3A_319 : i32 to index
          %swap3A_396 = arith.constant 112 : index
          %swap3A_397 = tpu.vector_load %arg15[%swap3A_395, %swap3A_396] {strides = array<i32>} : memref<96x128xf32, #tpu.memory_space<vmem>>, vector<16xf32>,
          tpu.vector_store %arg15[%swap3A_395, %swap3A_396], %add3A_394 {strides = array<i32>} : memref<96x128xf32, #tpu.memory_space<vmem>>, vector<16xf32>,
          %scan3A_398 = arith.constant 0 : i32
          %scan3A_399 = arith.constant 3 : i32
          %scan3A_400 = arith.addi %scan3A_161, %scan3A_399 : i32
          %mul3A_401 = arith.constant 96 : i32
          %mul3A_402 = arith.muli %add3A_132, %mul3A_401 : i32
          %add3A_403 = arith.addi %mul3A_402, %scan3A_400 : i32
          %broadcast_in_dim3A_404 = vector.broadcast %add3A_403 : i32 to vector<16xi32>
          %gather3A_405 = tpu.vector_load_idx %arg11[%broadcast_in_dim3A_404] : memref<2016xf32, #tpu.memory_space<vmem>>[vector<16xi32>], vector<16xf32>,
          %gather3A_406 = tpu.vector_load_idx %arg12[%broadcast_in_dim3A_404] : memref<2016xf32, #tpu.memory_space<vmem>>[vector<16xi32>], vector<16xf32>,
          %get3A_407 = arith.index_cast %scan3A_400 : i32 to index
          %get3A_408 = arith.constant 0 : index
          %get3A_409 = tpu.vector_load %arg15[%get3A_407, %get3A_408] {strides = array<i32>} : memref<96x128xf32, #tpu.memory_space<vmem>>, vector<16xf32>,
          %get3A_410 = arith.index_cast %scan3A_400 : i32 to index
          %get3A_411 = arith.constant 64 : index
          %get3A_412 = tpu.vector_load %arg15[%get3A_410, %get3A_411] {strides = array<i32>} : memref<96x128xf32, #tpu.memory_space<vmem>>, vector<16xf32>,
          %mul3A_413 = arith.mulf %gather3A_405, %get3A_409 : vector<16xf32>
          %mul3A_414 = arith.mulf %gather3A_406, %get3A_412 : vector<16xf32>
          %sub3A_415 = arith.subf %mul3A_413, %mul3A_414 : vector<16xf32>
          %swap3A_416 = arith.index_cast %scan3A_400 : i32 to index
          %swap3A_417 = arith.constant 0 : index
          %swap3A_418 = tpu.vector_load %arg15[%swap3A_416, %swap3A_417] {strides = array<i32>} : memref<96x128xf32, #tpu.memory_space<vmem>>, vector<16xf32>,
          tpu.vector_store %arg15[%swap3A_416, %swap3A_417], %sub3A_415 {strides = array<i32>} : memref<96x128xf32, #tpu.memory_space<vmem>>, vector<16xf32>,
          %mul3A_419 = arith.mulf %gather3A_405, %get3A_412 : vector<16xf32>
          %mul3A_420 = arith.mulf %gather3A_406, %get3A_409 : vector<16xf32>
          %add3A_421 = arith.addf %mul3A_419, %mul3A_420 : vector<16xf32>
          %swap3A_422 = arith.index_cast %scan3A_400 : i32 to index
          %swap3A_423 = arith.constant 64 : index
          %swap3A_424 = tpu.vector_load %arg15[%swap3A_422, %swap3A_423] {strides = array<i32>} : memref<96x128xf32, #tpu.memory_space<vmem>>, vector<16xf32>,
          tpu.vector_store %arg15[%swap3A_422, %swap3A_423], %add3A_421 {strides = array<i32>} : memref<96x128xf32, #tpu.memory_space<vmem>>, vector<16xf32>,
          %get3A_425 = arith.index_cast %scan3A_400 : i32 to index
          %get3A_426 = arith.constant 16 : index
          %get3A_427 = tpu.vector_load %arg15[%get3A_425, %get3A_426] {strides = array<i32>} : memref<96x128xf32, #tpu.memory_space<vmem>>, vector<16xf32>,
          %get3A_428 = arith.index_cast %scan3A_400 : i32 to index
          %get3A_429 = arith.constant 80 : index
          %get3A_430 = tpu.vector_load %arg15[%get3A_428, %get3A_429] {strides = array<i32>} : memref<96x128xf32, #tpu.memory_space<vmem>>, vector<16xf32>,
          %mul3A_431 = arith.mulf %gather3A_405, %get3A_427 : vector<16xf32>
          %mul3A_432 = arith.mulf %gather3A_406, %get3A_430 : vector<16xf32>
          %sub3A_433 = arith.subf %mul3A_431, %mul3A_432 : vector<16xf32>
          %swap3A_434 = arith.index_cast %scan3A_400 : i32 to index
          %swap3A_435 = arith.constant 16 : index
          %swap3A_436 = tpu.vector_load %arg15[%swap3A_434, %swap3A_435] {strides = array<i32>} : memref<96x128xf32, #tpu.memory_space<vmem>>, vector<16xf32>,
          tpu.vector_store %arg15[%swap3A_434, %swap3A_435], %sub3A_433 {strides = array<i32>} : memref<96x128xf32, #tpu.memory_space<vmem>>, vector<16xf32>,
          %mul3A_437 = arith.mulf %gather3A_405, %get3A_430 : vector<16xf32>
          %mul3A_438 = arith.mulf %gather3A_406, %get3A_427 : vector<16xf32>
          %add3A_439 = arith.addf %mul3A_437, %mul3A_438 : vector<16xf32>
          %swap3A_440 = arith.index_cast %scan3A_400 : i32 to index
          %swap3A_441 = arith.constant 80 : index
          %swap3A_442 = tpu.vector_load %arg15[%swap3A_440, %swap3A_441] {strides = array<i32>} : memref<96x128xf32, #tpu.memory_space<vmem>>, vector<16xf32>,
          tpu.vector_store %arg15[%swap3A_440, %swap3A_441], %add3A_439 {strides = array<i32>} : memref<96x128xf32, #tpu.memory_space<vmem>>, vector<16xf32>,
          %get3A_443 = arith.index_cast %scan3A_400 : i32 to index
          %get3A_444 = arith.constant 32 : index
          %get3A_445 = tpu.vector_load %arg15[%get3A_443, %get3A_444] {strides = array<i32>} : memref<96x128xf32, #tpu.memory_space<vmem>>, vector<16xf32>,
          %get3A_446 = arith.index_cast %scan3A_400 : i32 to index
          %get3A_447 = arith.constant 96 : index
          %get3A_448 = tpu.vector_load %arg15[%get3A_446, %get3A_447] {strides = array<i32>} : memref<96x128xf32, #tpu.memory_space<vmem>>, vector<16xf32>,
          %mul3A_449 = arith.mulf %gather3A_405, %get3A_445 : vector<16xf32>
          %mul3A_450 = arith.mulf %gather3A_406, %get3A_448 : vector<16xf32>
          %sub3A_451 = arith.subf %mul3A_449, %mul3A_450 : vector<16xf32>
          %swap3A_452 = arith.index_cast %scan3A_400 : i32 to index
          %swap3A_453 = arith.constant 32 : index
          %swap3A_454 = tpu.vector_load %arg15[%swap3A_452, %swap3A_453] {strides = array<i32>} : memref<96x128xf32, #tpu.memory_space<vmem>>, vector<16xf32>,
          tpu.vector_store %arg15[%swap3A_452, %swap3A_453], %sub3A_451 {strides = array<i32>} : memref<96x128xf32, #tpu.memory_space<vmem>>, vector<16xf32>,
          %mul3A_455 = arith.mulf %gather3A_405, %get3A_448 : vector<16xf32>
          %mul3A_456 = arith.mulf %gather3A_406, %get3A_445 : vector<16xf32>
          %add3A_457 = arith.addf %mul3A_455, %mul3A_456 : vector<16xf32>
          %swap3A_458 = arith.index_cast %scan3A_400 : i32 to index
          %swap3A_459 = arith.constant 96 : index
          %swap3A_460 = tpu.vector_load %arg15[%swap3A_458, %swap3A_459] {strides = array<i32>} : memref<96x128xf32, #tpu.memory_space<vmem>>, vector<16xf32>,
          tpu.vector_store %arg15[%swap3A_458, %swap3A_459], %add3A_457 {strides = array<i32>} : memref<96x128xf32, #tpu.memory_space<vmem>>, vector<16xf32>,
          %get3A_461 = arith.index_cast %scan3A_400 : i32 to index
          %get3A_462 = arith.constant 48 : index
          %get3A_463 = tpu.vector_load %arg15[%get3A_461, %get3A_462] {strides = array<i32>} : memref<96x128xf32, #tpu.memory_space<vmem>>, vector<16xf32>,
          %get3A_464 = arith.index_cast %scan3A_400 : i32 to index
          %get3A_465 = arith.constant 112 : index
          %get3A_466 = tpu.vector_load %arg15[%get3A_464, %get3A_465] {strides = array<i32>} : memref<96x128xf32, #tpu.memory_space<vmem>>, vector<16xf32>,
          %mul3A_467 = arith.mulf %gather3A_405, %get3A_463 : vector<16xf32>
          %mul3A_468 = arith.mulf %gather3A_406, %get3A_466 : vector<16xf32>
          %sub3A_469 = arith.subf %mul3A_467, %mul3A_468 : vector<16xf32>
          %swap3A_470 = arith.index_cast %scan3A_400 : i32 to index
          %swap3A_471 = arith.constant 48 : index
          %swap3A_472 = tpu.vector_load %arg15[%swap3A_470, %swap3A_471] {strides = array<i32>} : memref<96x128xf32, #tpu.memory_space<vmem>>, vector<16xf32>,
          tpu.vector_store %arg15[%swap3A_470, %swap3A_471], %sub3A_469 {strides = array<i32>} : memref<96x128xf32, #tpu.memory_space<vmem>>, vector<16xf32>,
          %mul3A_473 = arith.mulf %gather3A_405, %get3A_466 : vector<16xf32>
          %mul3A_474 = arith.mulf %gather3A_406, %get3A_463 : vector<16xf32>
          %add3A_475 = arith.addf %mul3A_473, %mul3A_474 : vector<16xf32>
          %swap3A_476 = arith.index_cast %scan3A_400 : i32 to index
          %swap3A_477 = arith.constant 112 : index
          %swap3A_478 = tpu.vector_load %arg15[%swap3A_476, %swap3A_477] {strides = array<i32>} : memref<96x128xf32, #tpu.memory_space<vmem>>, vector<16xf32>,
          tpu.vector_store %arg15[%swap3A_476, %swap3A_477], %add3A_475 {strides = array<i32>} : memref<96x128xf32, #tpu.memory_space<vmem>>, vector<16xf32>,
          %scan3A_479 = arith.constant 0 : i32
          scf.yield %scan3A_479 : i32
        }
        %scan3A_159 = arith.constant 48 : i32
        "tpu.region"() ({
          %run_scoped3A_161 = tpu.sem_alloc : memref<!tpu.dma_semaphore, #tpu.memory_space<semaphore_mem>>
          %dma_start3A_162 = arith.constant 0 : i32
          %dma_start3A_163 = tpu.memref_slice %arg9[%add3A_132, %dma_start3A_162] : memref<21x96xi32, #tpu.memory_space<vmem>> -> memref<1x96xi32, #tpu.memory_space<vmem>>
          %dma_start3A_164 = tpu.memref_squeeze %dma_start3A_163 : memref<1x96xi32, #tpu.memory_space<vmem>> -> memref<96xi32, #tpu.memory_space<vmem>>
          %dma_start3A_165 = arith.constant 0 : i32
          %dma_start3A_166 = arith.constant 0 : i32
          %dma_start3A_167 = tpu.memref_slice %arg8[%dma_start3A_165, %dma_start3A_166] : memref<10000x128xf32, #tpu.memory_space<vmem_shared>> -> memref<10000x128xf32, #tpu.memory_space<vmem_shared>>
          tpu.enqueue_indirect_dma source(%arg15 : memref<96x128xf32, #tpu.memory_space<vmem>>) target(%dma_start3A_167 : memref<10000x128xf32, #tpu.memory_space<vmem_shared>>) offsets(%dma_start3A_164 : memref<96xi32, #tpu.memory_space<vmem>>) semaphore(%run_scoped3A_161 : memref<!tpu.dma_semaphore, #tpu.memory_space<semaphore_mem>>) {add = true}
          %dma_wait3A_168 = arith.constant 0 : i32
          %dma_wait3A_169 = tpu.memref_slice %arg9[%add3A_132, %dma_wait3A_168] : memref<21x96xi32, #tpu.memory_space<vmem>> -> memref<1x96xi32, #tpu.memory_space<vmem>>
          %dma_wait3A_170 = tpu.memref_squeeze %dma_wait3A_169 : memref<1x96xi32, #tpu.memory_space<vmem>> -> memref<96xi32, #tpu.memory_space<vmem>>
          %dma_wait3A_171 = arith.constant 0 : i32
          %dma_wait3A_172 = arith.constant 0 : i32
          %dma_wait3A_173 = tpu.memref_slice %arg8[%dma_wait3A_171, %dma_wait3A_172] : memref<10000x128xf32, #tpu.memory_space<vmem_shared>> -> memref<10000x128xf32, #tpu.memory_space<vmem_shared>>
          tpu.wait_indirect_dma semaphore(%run_scoped3A_161 : memref<!tpu.dma_semaphore, #tpu.memory_space<semaphore_mem>>) src(%arg15 : memref<96x128xf32, #tpu.memory_space<vmem>>) dst(%dma_wait3A_173 : memref<10000x128xf32, #tpu.memory_space<vmem_shared>>)
          tpu.yield
        }) : () -> ()
        %scan3A_160 = arith.constant 0 : i32
        scf.yield %scan3A_160 : i32
      }
      %scan3A_69 = arith.constant 7 : i32
      %scan3A_70 = arith.constant 0 : i32
      scf.yield %scan3A_70 : i32
    }
    %scan3A_26 = arith.constant 10 : i32
    %barrier3A_27 = arith.constant 0 : index
    tpu.barrier barrier_id(%barrier3A_27)
    %mul3A_28 = arith.constant 625 : i32
    %mul3A_29 = arith.muli %arg1, %mul3A_28 : i32
    %mul3A_30 = arith.constant 625 : i32
    %mul3A_31 = arith.muli %arg1, %mul3A_30 : i32
    %mul3A_32 = arith.constant 64 : i32
    %mul3A_33 = arith.muli %arg0, %mul3A_32 : i32
    %run_scoped3A = arith.constant 0 : i32
    "tpu.region"() ({
      %run_scoped3A_41 = tpu.sem_alloc : memref<!tpu.dma_semaphore, #tpu.memory_space<semaphore_mem>>
      %dma_start3A = tpu.memref_slice %arg7[%run_scoped3A, %mul3A_31, %mul3A_33] : memref<2x10000x128xf32, #tpu.memory_space<hbm>> -> memref<1x625x64xf32, #tpu.memory_space<hbm>>
      %dma_start3A_42 = tpu.memref_squeeze %dma_start3A : memref<1x625x64xf32, #tpu.memory_space<hbm>> -> memref<625x64xf32, #tpu.memory_space<hbm>>
      %dma_start3A_43 = arith.constant 0 : i32
      %dma_start3A_44 = tpu.memref_slice %arg8[%mul3A_29, %dma_start3A_43] : memref<10000x128xf32, #tpu.memory_space<vmem_shared>> -> memref<625x64xf32, #tpu.memory_space<vmem_shared>>
      tpu.enqueue_dma source(%dma_start3A_44 : memref<625x64xf32, #tpu.memory_space<vmem_shared>>) target(%dma_start3A_42 : memref<625x64xf32, #tpu.memory_space<hbm>>) target_semaphore(%run_scoped3A_41 : memref<!tpu.dma_semaphore, #tpu.memory_space<semaphore_mem>>)
      %dma_wait3A = tpu.memref_slice %arg7[%run_scoped3A, %mul3A_31, %mul3A_33] : memref<2x10000x128xf32, #tpu.memory_space<hbm>> -> memref<1x625x64xf32, #tpu.memory_space<hbm>>
      %dma_wait3A_45 = tpu.memref_squeeze %dma_wait3A : memref<1x625x64xf32, #tpu.memory_space<hbm>> -> memref<625x64xf32, #tpu.memory_space<hbm>>
      %dma_wait3A_46 = arith.constant 0 : i32
      %dma_wait3A_47 = tpu.memref_slice %arg8[%mul3A_29, %dma_wait3A_46] : memref<10000x128xf32, #tpu.memory_space<vmem_shared>> -> memref<625x64xf32, #tpu.memory_space<vmem_shared>>
      tpu.wait_dma2 semaphore(%run_scoped3A_41 : memref<!tpu.dma_semaphore, #tpu.memory_space<semaphore_mem>>) src(%dma_wait3A_47 : memref<625x64xf32, #tpu.memory_space<vmem_shared>>) dst(%dma_wait3A_45 : memref<625x64xf32, #tpu.memory_space<hbm>>)
      tpu.yield
    }) : () -> ()
    %mul3A_34 = arith.constant 625 : i32
    %mul3A_35 = arith.muli %arg1, %mul3A_34 : i32
    %mul3A_36 = arith.constant 625 : i32
    %mul3A_37 = arith.muli %arg1, %mul3A_36 : i32
    %mul3A_38 = arith.constant 64 : i32
    %mul3A_39 = arith.muli %arg0, %mul3A_38 : i32
    %run_scoped3A_40 = arith.constant 1 : i32
    "tpu.region"() ({
      %run_scoped3A_41 = tpu.sem_alloc : memref<!tpu.dma_semaphore, #tpu.memory_space<semaphore_mem>>
      %dma_start3A = tpu.memref_slice %arg7[%run_scoped3A_40, %mul3A_37, %mul3A_39] : memref<2x10000x128xf32, #tpu.memory_space<hbm>> -> memref<1x625x64xf32, #tpu.memory_space<hbm>>
      %dma_start3A_42 = tpu.memref_squeeze %dma_start3A : memref<1x625x64xf32, #tpu.memory_space<hbm>> -> memref<625x64xf32, #tpu.memory_space<hbm>>
      %dma_start3A_43 = arith.constant 64 : i32
      %dma_start3A_44 = tpu.memref_slice %arg8[%mul3A_35, %dma_start3A_43] : memref<10000x128xf32, #tpu.memory_space<vmem_shared>> -> memref<625x64xf32, #tpu.memory_space<vmem_shared>>
      tpu.enqueue_dma source(%dma_start3A_44 : memref<625x64xf32, #tpu.memory_space<vmem_shared>>) target(%dma_start3A_42 : memref<625x64xf32, #tpu.memory_space<hbm>>) target_semaphore(%run_scoped3A_41 : memref<!tpu.dma_semaphore, #tpu.memory_space<semaphore_mem>>)
      %dma_wait3A = tpu.memref_slice %arg7[%run_scoped3A_40, %mul3A_37, %mul3A_39] : memref<2x10000x128xf32, #tpu.memory_space<hbm>> -> memref<1x625x64xf32, #tpu.memory_space<hbm>>
      %dma_wait3A_45 = tpu.memref_squeeze %dma_wait3A : memref<1x625x64xf32, #tpu.memory_space<hbm>> -> memref<625x64xf32, #tpu.memory_space<hbm>>
      %dma_wait3A_46 = arith.constant 64 : i32
      %dma_wait3A_47 = tpu.memref_slice %arg8[%mul3A_35, %dma_wait3A_46] : memref<10000x128xf32, #tpu.memory_space<vmem_shared>> -> memref<625x64xf32, #tpu.memory_space<vmem_shared>>
      tpu.wait_dma2 semaphore(%run_scoped3A_41 : memref<!tpu.dma_semaphore, #tpu.memory_space<semaphore_mem>>) src(%dma_wait3A_47 : memref<625x64xf32, #tpu.memory_space<vmem_shared>>) dst(%dma_wait3A_45 : memref<625x64xf32, #tpu.memory_space<hbm>>)
      tpu.yield
    }) : () -> ()
    return
  }
}

</mosaic_0001>

<sc_bundles>
// kernel: kernel.3.cloned.1.call-start
scs
__scs_entry_jumppad:
0x0: {  	(pc) =	sbr.rel $0x88, $3  }
0x1: {  	(tag) =	ssettag $0x0;
	lr =	simm.s32 $0x1  }
0x2: {  	[smem:$0x3F9C] =	sst lr;
	_ =	strace $0xD0000000  }
0x3: {  	_ = 	snop  }
0x4: {  	_ = 	snop  }
0x5: {  	_ = 	snop  }
0x6: {  	_ = 	snop  }
0x7: {  	_ = 	snop  }
__scs_overlays_trampoline_lowered:
0x8: {  	[smem:$0x3FAB] =	sst s0  }
0x9: {  	[smem:$0x3FAC] =	sst s1  }
0xa: {  	[smem:$0x3FAD] =	sst s2  }
0xb: {  	[smem:$0x3FAE] =	sst s3  }
0xc: {  	[smem:$0x3FAF] =	sst s4  }
0xd: {  	[smem:$0x3FB0] =	sst s5  }
0xe: {  	[smem:$0x3FB1] =	sst s6  }
0xf: {  	[smem:$0x3FB2] =	sst s7  }
0x10: {  	[smem:$0x3FB3] =	sst s8  }
0x11: {  	[smem:$0x3FB4] =	sst s9;
	s0 =	simm.s32 @!p0 $0x0  }
0x12: {  	s1 =	sld [smem:$0x3F9A];
	s0 =	simm.s32 @p0 $0x1  }
0x13: {  	[smem:$0x3FB5] =	sst s0;
	s0 =	simm.s32 @!p1 $0x0  }
0x14: {  	s2 =	sld [smem:$0x3F99];
	s0 =	simm.s32 @p1 $0x1  }
0x15: {  	[smem:$0x3FB6] =	sst s0;
	s0 =	simm.s32 @!p2 $0x0  }
0x16: {  	s3 =	sld [smem:$0x3FDB];
	s0 =	simm.s32 @p2 $0x1  }
0x17: {  	s4 =	simm.s32 $0x1BF5;
	[smem:$0x3FB8] =	sst s0  }
0x18: {  	s0 =	sld [smem:$0x3F9B];
	_ =	swait.ge [sflag:s4], $0x0  }
0x19: {  	s7 =	sld [smem:$0x3F9C]  }
0x1a: {  	s8 =	sadd.s32 $0xFFFFE003, lr  }
0x1b: {  	s9 =	sadd.s32 $0xFFFFFEF7, lr;
	s5 =	simm.s32 $0xFFFFFFFF;
	p2 =	slt.u32 s8, $0xFFFFF086  }
0x1c: {  	p1 =	slt.u32 s9, $0xF7A;
	s5 =	simm.s32 @!p2 $0x0  }
0x1d: {  	s5 =	simm.s32 @p1 $0x1;
	p0 =	seq.s32 s7, s2  }
0x1e: {  	s7 =	smul.u32 @!p0 $0xF7A, s2;
	p2 =	seq.s32 @!p0 s5, $0x0  }
0x1f: {  	s9 =	smul.u32 $0xF7A, s1;
	s8 =	simm.s32 @!p0 $0x1BF5;
	p2 =	por !p2, p0  }
0x20: {  	[sflag:s8] =	ssyncset.s32 @!p0 $0xFFFFF086;
	s6 =	sadd.s32 @!p0 s3, s7;
	s7 =	simm.s32 @!p0 $0x108  }
0x21: {  	s3 =	sadd.s32 s3, s9;
	s6 =	sadd.s32 @!p0 $0x88, s6;
	s7 =	simm.s32 @p2 $0x1082  }
0x22: {  	[simem:s7], [sflag:s8] =	dma.local @!p0 [hbm:s6], $0xF7A  }
0x23: {  	s9 =	sor.u32 $0xD0000000, s2;
	s6 =	simm.s32 $0x108;
	_ =	swait.ge @!p0 [sflag:s8], $0x0  }
0x24: {  	s3 =	sadd.s32 $0x88, s3;
	s6 =	simm.s32 @!p1 $0x1082;
	[sflag:s4] =	ssyncset.s32 $0xFFFFF086  }
0x25: {  	[simem:s6], [sflag:s4] =	dma.local [hbm:s3], $0xF7A  }
0x26: {  	[smem:$0x3F9C] =	sst s1;
	(tag) =	ssettag s2;
	_ =	strace s9  }
0x27: {  	s1 =	sld [smem:$0x3FAC]  }
0x28: {  	s2 =	sld [smem:$0x3FAD]  }
0x29: {  	s4 =	sld [smem:$0x3FAF]  }
0x2a: {  	p0 =	seq.s32 s5, $0x0;
	s5 =	sld [smem:$0x3FB0]  }
0x2b: {  	s6 =	sld [smem:$0x3FB1]  }
0x2c: {  	s7 =	sld [smem:$0x3FB2]  }
0x2d: {  	s3 =	simm.s32 $0x108;
	s8 =	sld [smem:$0x3FB3]  }
0x2e: {  	s3 =	simm.s32 @!p0 $0x1082;
	s9 =	sld [smem:$0x3FB4]  }
0x2f: {  	lr =	sadd.s32 s0, s3;
	s0 =	sld [smem:$0x3FAB]  }
0x30: {  	s3 =	sld [smem:$0x3FAE]  }
0x31: {  	[smem:$0x3FB7] =	sst s10  }
0x32: {  	s10 =	sld [smem:$0x3FB5];
	_ =	sdelay $0x3  }
0x33: {  	p0 =	seq.s32 s10, $0x1;
	s10 =	sld [smem:$0x3FB7];
	_ =	sdelay $0x3  }
0x34: {  	[smem:$0x3FB7] =	sst s10  }
0x35: {  	s10 =	sld [smem:$0x3FB6];
	_ =	sdelay $0x3  }
0x36: {  	p1 =	seq.s32 s10, $0x1;
	s10 =	sld [smem:$0x3FB7];
	_ =	sdelay $0x3  }
0x37: {  	[smem:$0x3FB7] =	sst s10  }
0x38: {  	s10 =	sld [smem:$0x3FB8]  }
0x39: {  	_ = 	snop;
	(pc) =	sbr.ind lr, $3  }
0x3a: {  	_ = 	snop  }
0x3b: {  	_ = 	snop  }
0x3c: {  	p2 =	seq.s32 s10, $0x1;
	s10 =	sld [smem:$0x3FB7]  }
0x3d: {  	_ =	shalt  }
0x3e: {  	_ =	shalt  }
0x3f: {  	_ =	shalt  }
0x40: {  	_ =	shalt  }
0x41: {  	_ =	shalt  }
0x42: {  	_ =	shalt  }
0x43: {  	_ =	shalt  }
0x44: {  	_ =	shalt  }
0x45: {  	_ =	shalt  }
0x46: {  	_ =	shalt  }
0x47: {  	_ =	shalt  }
0x48: {  	_ =	shalt  }
0x49: {  	_ =	shalt  }
0x4a: {  	_ =	shalt  }
0x4b: {  	_ =	shalt  }
0x4c: {  	_ =	shalt  }
0x4d: {  	_ =	shalt  }
0x4e: {  	_ =	shalt  }
0x4f: {  	_ =	shalt  }
0x50: {  	_ =	shalt  }
0x51: {  	_ =	shalt  }
0x52: {  	_ =	shalt  }
0x53: {  	_ =	shalt  }
0x54: {  	_ =	shalt  }
0x55: {  	_ =	shalt  }
0x56: {  	_ =	shalt  }
0x57: {  	_ =	shalt  }
0x58: {  	_ =	shalt  }
0x59: {  	_ =	shalt  }
0x5a: {  	_ =	shalt  }
0x5b: {  	_ =	shalt  }
0x5c: {  	_ =	shalt  }
0x5d: {  	_ =	shalt  }
0x5e: {  	_ =	shalt  }
0x5f: {  	_ =	shalt  }
0x60: {  	_ =	shalt  }
0x61: {  	_ =	shalt  }
0x62: {  	_ =	shalt  }
0x63: {  	_ =	shalt  }
0x64: {  	_ =	shalt  }
0x65: {  	_ =	shalt  }
0x66: {  	_ =	shalt  }
0x67: {  	_ =	shalt  }
0x68: {  	_ =	shalt  }
0x69: {  	_ =	shalt  }
0x6a: {  	_ =	shalt  }
0x6b: {  	_ =	shalt  }
0x6c: {  	_ =	shalt  }
0x6d: {  	_ =	shalt  }
0x6e: {  	_ =	shalt  }
0x6f: {  	_ =	shalt  }
0x70: {  	_ =	shalt  }
0x71: {  	_ =	shalt  }
0x72: {  	_ =	shalt  }
0x73: {  	_ =	shalt  }
0x74: {  	_ =	shalt  }
0x75: {  	_ =	shalt  }
0x76: {  	_ =	shalt  }
0x77: {  	_ =	shalt  }
0x78: {  	_ =	shalt  }
0x79: {  	_ =	shalt  }
0x7a: {  	_ =	shalt  }
0x7b: {  	_ =	shalt  }
0x7c: {  	_ =	shalt  }
0x7d: {  	_ =	shalt  }
0x7e: {  	_ =	shalt  }
0x7f: {  	_ =	shalt  }
0x80: {  	_ =	shalt  }
0x81: {  	_ =	shalt  }
0x82: {  	_ =	shalt  }
0x83: {  	_ =	shalt  }
0x84: {  	_ =	shalt  }
0x85: {  	_ =	shalt  }
0x86: {  	_ =	shalt  }
0x87: {  	_ =	shalt  }
.Lfunc_end0:
.L_simem_size_0:
called_computation_lowered:
.L_overlay_start_0:
0x88: {  	s2 =	sld [smem:$0x3FD9]  }
0x89: {  	s3 =	sld [smem:$0x3FFE];
	_ =	sdelay $0x1  }
0x8a: {  	s1 =	srdreg.scid  }
0x8b: {  	s0 =	sand.u32 $0x1, s1  }
0x8c: {  	s17 =	sshll.u32 s0, $0xA;
	s2 =	sadd.s32 s3, s2  }
0x8d: {  	s2 =	sadd.s32 s2, s17  }
0x8e: {  	[smem:$0x3FC3] =	sst s2  }
0x8f: {  	_ = 	snop  }
0x90: {  	s2 =	sld [smem:$0x3FD0];
	(tm) =	ssettm $0x1  }
0x91: {  	s18 =	sld [smem:$0x3FFB];
	_ =	sdelay $0x3  }
0x92: {  	_ =	strace s18  }
0x93: {  	s3 =	sld [smem:$0x3FFC];
	_ =	sdelay $0x3  }
0x94: {  	_ =	strace s3  }
0x95: {  	s3 =	sld [smem:$0x3FFD];
	_ =	sdelay $0x3  }
0x96: {  	_ =	strace s3  }
0x97: {  	_ =	strace $0x8FFFFFFF  }
0x98: {  	s19 =	sld [smem:$0x3FDB];
	_ =	sdelay $0x1  }
0x99: {  	s4 =	simm.s32 $_scs_section_size  }
0x9a: {  	s5 =	simm.s32 $_size__tile_overlayer_lowered;
	s6 =	simm.s32 $_tile_overlayer_lowered  }
0x9b: {  	s22 =	simm.s32 $0x1BFF;
	s21 =	sshll.u32 s6, $0x1;
	s3 =	sadd.s32 s4, s19  }
0x9c: {  	s7 =	simm.s32 $0x0;
	s20 =	sshll.u32 s5, $0x1;
	s5 =	sadd.s32 s21, s3  }
0x9d: {  	[timem:s7], [sflag:s22] =	dma.local [hbm:s5], s20  }
0x9e: {  	_ =	swait.ge [sflag:s22], s20  }
0x9f: {  	s4 =	ssub.s32 $0x0, s20;
	[sflag:s22] =	ssyncset.done $0x0  }
0xa0: {  	[sflag:s22] =	ssyncadd.s32 s4;
	_ =	sdelay $0x1  }
0xa1: {  	s23 =	simm.s32 $0x1B8B  }
0xa2: {  	_ =	swait.ge [sflag:s23], $0x1  }
0xa3: {  	[sflag:s23] =	ssyncset.done $0x0  }
0xa4: {  	s25 =	simm.s32 $0x1B8E;
	s24 =	sld [smem:$0x3FFE];
	[sflag:s23] =	ssyncadd.s32 $0xFFFFFFFF  }
0xa5: {  	s26 =	simm.s32 $execute0_lowered;
	[smem:$0x3FD2] =	sst s25  }
0xa6: {  	s5 =	sshll.u32 s26, $0x1;
	_ =	strace $0x80000046;
	[dreg:$0x1] =	wrdreg $0xFFFFFFFF  }
0xa7: {  	s28 =	simm.s32 $_size_execute0_lowered;
	s3 =	sadd.s32 s3, s5;
	[dreg:$0x0] =	wrdreg $0x0  }
0xa8: {  	s5 =	sshll.u32 s28, $0x1;
	[dreg:$0x2] =	wrdreg s3  }
0xa9: {  	[dreg:$0x3] =	wrdreg s5  }
0xaa: {  	[dreg:$0x4] =	wrdreg $0xC0  }
0xab: {  	_ =	task [dreg:s7], $0x5FFFF  }
0xac: {  	[dreg:$0x1] =	wrdreg $0xFFFFFFFF  }
0xad: {  	[dreg:$0x0] =	wrdreg $0x60  }
0xae: {  	[dreg:$0x2] =	wrdreg s24  }
0xaf: {  	[dreg:$0x3] =	wrdreg s2  }
0xb0: {  	[dreg:$0x4] =	wrdreg $0x0  }
0xb1: {  	[dreg:$0x5] =	wrdreg $0x9  }
0xb2: {  	_ =	task.clear_ibuf [dreg:s7], $0x6FFFF;
	_ =	strace $0x90000046  }
0xb3: {  	s29 =	simm.s32 $0x9;
	_ =	strace $0x80000048  }
0xb4: {  	_ =	swait.ge [sflag:s29], $0x1  }
0xb5: {  	[sflag:s29] =	ssyncadd.s32 $0xFFFFFFFF  }
0xb6: {  	_ =	strace $0x90000048  }
0xb7: {  	_ =	sfence  }
0xb8: {  	s30 =	sld [smem:$0x0];
	_ =	sdelay $0x2  }
0xb9: {  	s31 =	sshll.u32 s1, $0xD;
	s1 =	sshrl.u32 s1, $0x2  }
0xba: {  	s3 =	sand.u32 $0x4000, s31;
	s1 =	sadd.s32 s1, s30  }
0xbb: {  	s0 =	sor.u32 s3, s0;
	s1 =	sshll.u32 s1, $0x11  }
0xbc: {  	s0 =	sor.u32 s1, s0  }
0xbd: {  	s0 =	sadd.s32 $0x8F2B, s0  }
0xbe: {  	[sflag:s0] =	ssyncadd.remote.s32 $0x1  }
0xbf: {  	_ =	sfence.sel $0xFFFF  }
0xc0: {  	[dreg:$0x0] =	wrdreg $0xFFFFFFFF;
	(pc) =	sbr.abs _section_cstart, $3  }
0xc1: {  	[dreg:$0x1] =	wrdreg $0xFFFFFFFF  }
0xc2: {  	_ =	task.clear_ibuf [dreg:s7], $0x2FFFF;
	_ =	strace $0x9FFFFFFF  }
0xc3: {  	(tm) =	ssettm $0x7FFFFFFF  }
tec
execute0_lowered:
.L_overlay_start_1:
0x0: {  	(tag) =	ssettag $0x1  }
0x1: {  	s0 =	rddreg [dreg:$0x0]  }
0x2: {  	s2 =	rddreg [dreg:$0x1]  }
0x3: {  	s1 =	rddreg [dreg:$0x2]  }
0x4: {  	s4 =	simm.s32 $0x0;
	s18 =	srdreg.scid;
	s13 =	stileid.u32  }
0x5: {  	s28 =	simm.s32 $0x60;
	s30 =	simm.s32 $0x18800;
	s31 =	simm.s32 $0x1  }
0x6: {  	[smem:$0x7FF] =	sst s4;
	s3 =	sadd.s32 $0xAE00, s0;
	s8 =	smul.u32 $0x4E200, s13  }
0x7: {  	s5 =	sadd.s32 $0x1000, s0;
	s6 =	sadd.s32 $0x1EA00, s0;
	s11 =	smul.u32 $0x13880, s13  }
0x8: {  	_ =	strace $0x80000047;
	[dreg:$0x5] =	wrdreg s3;
	s3 =	sand.u32 $0x1, s18  }
0x9: {  	s7 =	sadd.s32 $0x14C00, s0;
	s16 =	smul.u32 $0x4EC0, s13;
	s9 =	ssub.s32 $0x2, s3  }
0xa: {  	s12 =	sshrl.u32 s8, $0x2;
	s8 =	sadd.s32 $0x28800, s0;
	s22 =	sshll.u32 s3, $0x6  }
0xb: {  	v0 =	vmov s3;
	s3 =	simm.s32 $0x2;
	s20 =	sadd.s32 s12, s1;
	s12 =	sadd.s32 s11, s1  }
0xc: {  	s10 =	sshrl.u32 s9, $0x1;
	s21 =	sadd.s32 $0x3000, s20;
	[dreg:$0x6] =	wrdreg s12  }
0xd: {  	s19 =	ssub.s32 s9, s10;
	s14 =	sadd.s32 $0x6000, s20;
	[dreg:$0x7] =	wrdreg s21  }
0xe: {  	s23 =	sadd.s32 $0x9000, s20;
	s10 =	sor.u32 s22, s11;
	[dreg:$0x8] =	wrdreg s14  }
0xf: {  	s24 =	sadd.s32 $0xC000, s20;
	s25 =	sadd.s32 $0xF000, s20;
	[dreg:$0x9] =	wrdreg s23  }
0x10: {  	s9 =	sadd.s32 $0x12000, s20;
	s26 =	sadd.s32 $0x40, s12;
	[dreg:$0xa] =	wrdreg s24  }
0x11: {  	s20 =	simm.s32 $0x15800;
	[dreg:$0xb] =	wrdreg s25;
	s10 =	sshrl.u32 s10, $0x3  }
0x12: {  	[dreg:$0xc] =	wrdreg s9;
	s0 =	smax.u32 s19, $0x1;
	s21 =	simm.s32 $0x4  }
0x13: {  	s23 =	simm.s32 $0x14060;
	s29 =	sshrl.u32 s26, $0x3;
	[dreg:$0xf] =	wrdreg s0  }
0x14: {  	s25 =	simm.s32 $0x14840;
	s2 =	sadd.s32 s2, s10;
	[dreg:$0x10] =	wrdreg s29  }
0x15: {  	s26 =	simm.s32 $0x15020;
	[dreg:$0xd] =	wrdreg s2;
	s2 =	sadd.s32 $0x27100, s2  }
0x16: {  	v1 =	vimm.f32 $0.0e+00;
	s0 =	simm.s32 $0x1B800;
	s10 =	simm.s32 $0x3;
	[dreg:$0xe] =	wrdreg s2  }
.LBB2_1:
0x17: {  	s2 =	simm.s32 $0x0;
	s9 =	simm.s32 $0x200  }
.LBB2_2:
0x18: {  	p0 =	sne.s32 s9, $0xBE00;
	[tilespmem:s2+$0x15870] =	vst v1  }
0x19: {  	[tilespmem:s2+$0x15800] =	vst v1  }
0x1a: {  	[tilespmem:s2+$0x15810] =	vst v1  }
.Ltmp0:
0x1b: {  	[tilespmem:s2+$0x15820] =	vst v1;
	(pc) =	sbr.rel @p0 .LBB2_2-.Ltmp0, $4  }
0x1c: {  	[tilespmem:s2+$0x15830] =	vst v1  }
0x1d: {  	[tilespmem:s2+$0x15840] =	vst v1  }
0x1e: {  	[tilespmem:s2+$0x15850] =	vst v1  }
0x1f: {  	[tilespmem:s2+$0x15860] =	vst v1;
	s2 =	sshra.s32 s9, $0x2;
	s9 =	sadd.s32 $0x200, s9  }
0x20: {  	[tilespmem:s2+$0x15870] =	vst v1  }
0x21: {  	[tilespmem:s2+$0x15800] =	vst v1  }
0x22: {  	[tilespmem:s2+$0x15810] =	vst v1  }
0x23: {  	[tilespmem:s2+$0x15820] =	vst v1  }
0x24: {  	[tilespmem:s2+$0x15830] =	vst v1  }
0x25: {  	[tilespmem:s2+$0x15840] =	vst v1  }
0x26: {  	[tilespmem:s2+$0x15850] =	vst v1  }
0x27: {  	[dreg:$0x4] =	wrdreg s4;
	[tilespmem:s2+$0x15860] =	vst v1  }
0x28: {  	[spmem:s12] =	stream.linear.scatter [tilespmem:s20], [sflag:$0x4], $0x3000, $0x38;
	[tilespmem:$0x1E800] =	vst v63  }
0x29: {  	_ =	swait.ge [sflag:s21], $0x3000  }
0x2a: {  	[sflag:s21] =	ssyncset.done $0x0  }
0x2b: {  	s17 =	rddreg [dreg:$0x7];
	[sflag:s21] =	ssyncadd.s32 $0xFFFFD000  }
0x2c: {  	[spmem:s17] =	stream.linear.scatter [tilespmem:s20], [sflag:$0x4], $0x3000, $0x38;
	[tilespmem:$0x1E800] =	vst v63  }
0x2d: {  	_ =	swait.ge [sflag:s21], $0x3000  }
0x2e: {  	[sflag:s21] =	ssyncset.done $0x0  }
0x2f: {  	s18 =	rddreg [dreg:$0x8];
	[sflag:s21] =	ssyncadd.s32 $0xFFFFD000  }
0x30: {  	[spmem:s18] =	stream.linear.scatter [tilespmem:s20], [sflag:$0x4], $0x3000, $0x38;
	[tilespmem:$0x1E800] =	vst v63  }
0x31: {  	_ =	swait.ge [sflag:s21], $0x3000  }
0x32: {  	[sflag:s21] =	ssyncset.done $0x0  }
0x33: {  	s19 =	rddreg [dreg:$0x9];
	[sflag:s21] =	ssyncadd.s32 $0xFFFFD000  }
0x34: {  	[spmem:s19] =	stream.linear.scatter [tilespmem:s20], [sflag:$0x4], $0x3000, $0x38;
	[tilespmem:$0x1E800] =	vst v63  }
0x35: {  	_ =	swait.ge [sflag:s21], $0x3000  }
0x36: {  	[sflag:s21] =	ssyncset.done $0x0  }
0x37: {  	s22 =	rddreg [dreg:$0xa];
	[sflag:s21] =	ssyncadd.s32 $0xFFFFD000  }
0x38: {  	[spmem:s22] =	stream.linear.scatter [tilespmem:s20], [sflag:$0x4], $0x3000, $0x38;
	[tilespmem:$0x1E800] =	vst v63  }
0x39: {  	_ =	swait.ge [sflag:s21], $0x3000  }
0x3a: {  	[sflag:s21] =	ssyncset.done $0x0  }
0x3b: {  	s24 =	rddreg [dreg:$0xb];
	[sflag:s21] =	ssyncadd.s32 $0xFFFFD000  }
0x3c: {  	[spmem:s24] =	stream.linear.scatter [tilespmem:s20], [sflag:$0x4], $0x3000, $0x38;
	[tilespmem:$0x1E800] =	vst v63  }
0x3d: {  	_ =	swait.ge [sflag:s21], $0x3000  }
0x3e: {  	[sflag:s21] =	ssyncset.done $0x0  }
0x3f: {  	s29 =	rddreg [dreg:$0xc];
	[sflag:s21] =	ssyncadd.s32 $0xFFFFD000  }
0x40: {  	[spmem:s29] =	stream.linear.scatter [tilespmem:s20], [sflag:$0x4], $0x1880, $0x38;
	[tilespmem:$0x1E800] =	vst v63  }
0x41: {  	_ =	swait.ge [sflag:s21], $0x1880  }
0x42: {  	[sflag:s21] =	ssyncset.done $0x0  }
0x43: {  	[sflag:s21] =	ssyncadd.s32 $0xFFFFE780  }
0x44: {  	s11 =	simm.s32 $0x0;
	s12 =	simm.s32 $0x0;
	[bflag:$0x0] =	sbarrier.arrive $0xFFFF  }
.LBB2_4:
0x45: {  	s2 =	smul.u32 $0x7E0, s12;
	_ =	sdelay $0x1  }
0x46: {  	s2 =	sadd.s32 s16, s2  }
0x47: {  	s4 =	rddreg [dreg:$0x5];
	s2 =	sshrl.u32 s2, $0x3  }
0x48: {  	s22 =	simm.s32 $0x13880;
	s9 =	sadd.s32 s4, s2  }
0x49: {  	[tilespmem:s22], [sflag:$0x4] =	stream.linear.gather [hbm4b:s9+s11], $0x7E0, $0x38;
	[tilespmem:$0x1E800] =	vst v63  }
0x4a: {  	_ =	swait.ge [sflag:s21], $0x7E0  }
0x4b: {  	[sflag:s21] =	ssyncset.done $0x0  }
0x4c: {  	s24 =	sadd.s32 s5, s2;
	[sflag:s21] =	ssyncadd.s32 $0xFFFFF820  }
0x4d: {  	[tilespmem:s23], [sflag:$0x4] =	stream.linear.gather [hbm4b:s24+s11], $0x7E0, $0x38;
	[tilespmem:$0x1E800] =	vst v63  }
0x4e: {  	_ =	swait.ge [sflag:s21], $0x7E0  }
0x4f: {  	[sflag:s21] =	ssyncset.done $0x0  }
0x50: {  	s29 =	sadd.s32 s6, s2;
	[sflag:s21] =	ssyncadd.s32 $0xFFFFF820  }
0x51: {  	[tilespmem:s25], [sflag:$0x4] =	stream.linear.gather [hbm4b:s29+s11], $0x7E0, $0x38;
	[tilespmem:$0x1E800] =	vst v63  }
0x52: {  	_ =	swait.ge [sflag:s21], $0x7E0  }
0x53: {  	[sflag:s21] =	ssyncset.done $0x0  }
0x54: {  	s2 =	sadd.s32 s7, s2;
	[sflag:s21] =	ssyncadd.s32 $0xFFFFF820  }
0x55: {  	[tilespmem:s26], [sflag:$0x4] =	stream.linear.gather [hbm4b:s2+s11], $0x7E0, $0x38;
	[tilespmem:$0x1E800] =	vst v63  }
0x56: {  	_ =	swait.ge [sflag:s21], $0x7E0  }
0x57: {  	[sflag:s21] =	ssyncset.done $0x0  }
0x58: {  	s2 =	simm.s32 $0x0;
	[sflag:s21] =	ssyncadd.s32 $0xFFFFF820  }
0x59: {  	v6 =	vld [tilespmem:s2+$0x14060]  }
0x5a: {  	v5 =	vld [tilespmem:s2+$0x14070]  }
0x5b: {  	v4 =	vld [tilespmem:s2+$0x14080]  }
0x5c: {  	v3 =	vld [tilespmem:s2+$0x14090]  }
0x5d: {  	s9 =	simm.s32 $0x180;
	v2 =	vld [tilespmem:s2+$0x140A0]  }
.LBB2_5:
0x5e: {  	p0 =	sne.s32 s9, $0x1E00;
	v6 =	vshll.u32 v6, $0x1;
	v7 =	vld [tilespmem:s2+$0x140B0]  }
0x5f: {  	v6 =	vor.u32 v0, v6;
	v5 =	vshll.u32 v5, $0x1  }
0x60: {  	s13 =	sshra.s32 s9, $0x2;
	[tilespmem:s2+$0x14060] =	vst v6;
	v5 =	vor.u32 v0, v5;
	v4 =	vshll.u32 v4, $0x1  }
.Ltmp1:
0x61: {  	v6 =	vld [tilespmem:s13+$0x14060];
	[tilespmem:s2+$0x14070] =	vst v5;
	v4 =	vor.u32 v0, v4;
	v3 =	vshll.u32 v3, $0x1;
	(pc) =	sbr.rel @p0 .LBB2_5-.Ltmp1, $4  }
0x62: {  	v5 =	vld [tilespmem:s13+$0x14070];
	[tilespmem:s2+$0x14080] =	vst v4;
	v3 =	vor.u32 v0, v3;
	v2 =	vshll.u32 v2, $0x1  }
0x63: {  	v4 =	vld [tilespmem:s13+$0x14080];
	[tilespmem:s2+$0x14090] =	vst v3;
	v2 =	vor.u32 v0, v2;
	v7 =	vshll.u32 v7, $0x1  }
0x64: {  	v3 =	vld [tilespmem:s13+$0x14090];
	[tilespmem:s2+$0x140A0] =	vst v2;
	v7 =	vor.u32 v0, v7  }
0x65: {  	s9 =	sadd.s32 $0x180, s9;
	v2 =	vld [tilespmem:s13+$0x140A0];
	[tilespmem:s2+$0x140B0] =	vst v7;
	s2 =	smov.u32 s13  }
0x66: {  	v6 =	vshll.u32 v6, $0x1;
	v7 =	vld [tilespmem:s2+$0x140B0]  }
0x67: {  	v6 =	vor.u32 v0, v6;
	v5 =	vshll.u32 v5, $0x1  }
0x68: {  	[tilespmem:s2+$0x14060] =	vst v6;
	v5 =	vor.u32 v0, v5;
	v4 =	vshll.u32 v4, $0x1  }
0x69: {  	[tilespmem:s2+$0x14070] =	vst v5;
	v4 =	vor.u32 v0, v4;
	v3 =	vshll.u32 v3, $0x1  }
0x6a: {  	[tilespmem:s2+$0x14080] =	vst v4;
	v3 =	vor.u32 v0, v3;
	v2 =	vshll.u32 v2, $0x1  }
0x6b: {  	[tilespmem:s2+$0x14090] =	vst v3;
	v2 =	vor.u32 v0, v2;
	v3 =	vshll.u32 v7, $0x1  }
0x6c: {  	[tilespmem:s2+$0x140A0] =	vst v2;
	v2 =	vor.u32 v0, v3  }
0x6d: {  	[tilespmem:s2+$0x140B0] =	vst v2  }
0x6e: {  	[tilespmem:s20], [sflag:$0x1] =	stream.indirect.gather [hbm4b:s8+s28], $0x80, s23, s28, $0xb8;
	[tilespmem:$0x1E800] =	vst v63  }
0x6f: {  	s29 =	simm.s32 $0x140C0;
	s13 =	simm.s32 $0x0;
	s14 =	simm.s32 $0x0  }
0x70: {  	[tilespmem:s30], [sflag:$0x2] =	stream.indirect.gather [hbm4b:s8+s28], $0x80, s29, s28, $0xb8;
	[tilespmem:$0x1E800] =	vst v63  }
.LBB2_7:
0x71: {  	s2 =	sadd.s32 $0xFFFFFFFC, s13  }
0x72: {  	s9 =	sadd.s32 $0x4, s2  }
0x73: {  	v2 =	vmov s9  }
0x74: {  	_ =	swait.ge [sflag:s31], $0x3000;
	v2 =	vand.u32 $0xFFFFFFFC, v2  }
0x75: {  	[sflag:s31] =	ssyncset.done $0x0;
	v2 =	vbroadcast v2, $0x0  }
0x76: {  	s15 =	simm.s32 $0x15900;
	[sflag:s31] =	ssyncadd.s32 $0xFFFFD000  }
0x77: {  	v3 =	vld [tilespmem:s15+$0xFFFFFF70]  }
0x78: {  	v4 =	vld [tilespmem:s15+$0xFFFFFF40]  }
0x79: {  	v5 =	vld [tilespmem:s15+$0xFFFFFF00]  }
0x7a: {  	v7 =	vld [tilespmem:s15+$0xFFFFFF50]  }
0x7b: {  	v6 =	vld.idx.msk [tilespmem:v2+s25+$0x0], $0xffff  }
0x7c: {  	v2 =	vld.idx.msk [tilespmem:v2+s26+$0x0], $0xffff  }
0x7d: {  	v8 =	vld [tilespmem:s15+$0xFFFFFF30]  }
0x7e: {  	v9 =	vld [tilespmem:s15+$0xFFFFFF10]  }
0x7f: {  	v10 =	vld [tilespmem:s15+$0xFFFFFF20]  }
0x80: {  	v11 =	vld [tilespmem:s15+$0xFFFFFF60];
	v12 =	vmul.f32 v5, v6  }
0x81: {  	v14 =	vmul.f32 v4, v6;
	v4 =	vmul.f32 v4, v2  }
0x82: {  	v15 =	vmul.f32 v8, v6;
	v16 =	vmul.f32 v3, v2  }
0x83: {  	s24 =	sadd.s32 $0x5, s2;
	v17 =	vmul.f32 v7, v2;
	v46 =	vmul.f32 v9, v6  }
0x84: {  	v13 =	vmov s24;
	v18 =	vmul.f32 v10, v6;
	v5 =	vmul.f32 v5, v2  }
0x85: {  	v47 =	vmul.f32 v11, v2;
	v11 =	vmul.f32 v11, v6;
	v4 =	vsub.f32 v12, v4  }
0x86: {  	v9 =	vmul.f32 v9, v2;
	v10 =	vmul.f32 v10, v2;
	v15 =	vsub.f32 v15, v16  }
0x87: {  	v3 =	vmul.f32 v3, v6;
	v2 =	vmul.f32 v8, v2;
	v5 =	vadd.f32 v14, v5;
	[tilespmem:s15+$0xFFFFFF00] =	vst v4  }
0x88: {  	v13 =	vand.u32 $0xFFFFFFFD, v13;
	v7 =	vmul.f32 v7, v6;
	v6 =	vadd.f32 v11, v10;
	[tilespmem:s15+$0xFFFFFF30] =	vst v15  }
0x89: {  	v48 =	vbroadcast v13, $0x0;
	v2 =	vadd.f32 v3, v2;
	[tilespmem:s15+$0xFFFFFF40] =	vst v5  }
0x8a: {  	v4 =	vsub.f32 v46, v17;
	[tilespmem:s15+$0xFFFFFF60] =	vst v6  }
0x8b: {  	v49 =	vld [tilespmem:s15+$0xFFFFFF90];
	v5 =	vadd.f32 v7, v9;
	[tilespmem:s15+$0xFFFFFF70] =	vst v2  }
0x8c: {  	v50 =	vld [tilespmem:s15+$0xFFFFFFE0];
	[tilespmem:s15+$0xFFFFFF10] =	vst v4;
	v4 =	vsub.f32 v18, v47  }
0x8d: {  	v8 =	vld [tilespmem:s15+$0xFFFFFF80];
	[tilespmem:s15+$0xFFFFFF50] =	vst v5  }
0x8e: {  	v6 =	vld [tilespmem:s15+$0xFFFFFFC0];
	[tilespmem:s15+$0xFFFFFF20] =	vst v4  }
0x8f: {  	v5 =	vld.idx.msk [tilespmem:v48+s25+$0x0], $0xffff  }
0x90: {  	v7 =	vld.idx.msk [tilespmem:v48+s26+$0x0], $0xffff  }
0x91: {  	s29 =	sadd.s32 $0x6, s2;
	v4 =	vld [tilespmem:s15+$0xFFFFFFD0]  }
0x92: {  	v53 =	vmov s29;
	v3 =	vld [tilespmem:s15+$0xFFFFFFA0]  }
0x93: {  	v52 =	vld [tilespmem:s15+$0xFFFFFFB0];
	v13 =	vand.u32 $0xFFFFFFFE, v53  }
0x94: {  	v63 =	vbroadcast v13, $0x0;
	v2 =	vld [tilespmem:s15+$0xFFFFFFF0]  }
0x95: {  	v51 =	vmul.f32 v6, v5;
	v55 =	vmul.f32 v8, v7  }
0x96: {  	v56 =	vmul.f32 v4, v5;
	v57 =	vmul.f32 v49, v7  }
0x97: {  	v58 =	vmul.f32 v50, v5;
	v59 =	vmul.f32 v3, v7;
	v11 =	vadd.f32 v51, v55  }
0x98: {  	v8 =	vmul.f32 v8, v5;
	v6 =	vmul.f32 v6, v7;
	v16 =	vadd.f32 v56, v57  }
0x99: {  	v54 =	vmul.f32 v2, v5;
	v61 =	vmul.f32 v52, v7;
	v60 =	vadd.f32 v58, v59;
	[tilespmem:s15+$0xFFFFFFC0] =	vst v11  }
0x9a: {  	v4 =	vmul.f32 v4, v7;
	v6 =	vsub.f32 v8, v6;
	v8 =	vmul.f32 v49, v5;
	[tilespmem:s15+$0xFFFFFFD0] =	vst v16  }
0x9b: {  	v12 =	vmul.f32 v52, v5;
	v2 =	vmul.f32 v2, v7;
	v62 =	vadd.f32 v54, v61;
	[tilespmem:s15+$0xFFFFFFE0] =	vst v60  }
0x9c: {  	v7 =	vmul.f32 v50, v7;
	v5 =	vmul.f32 v3, v5;
	[tilespmem:s15+$0xFFFFFF80] =	vst v6;
	v4 =	vsub.f32 v8, v4  }
0x9d: {  	v3 =	vld [tilespmem:s15+$0x40];
	v6 =	vsub.f32 v12, v2;
	[tilespmem:s15+$0xFFFFFFF0] =	vst v62  }
0x9e: {  	v2 =	vld [tilespmem:s15+$0x60];
	v5 =	vsub.f32 v5, v7;
	[tilespmem:s15+$0xFFFFFF90] =	vst v4  }
0x9f: {  	v7 =	vld [tilespmem:s15+$0x0];
	[tilespmem:s15+$0xFFFFFFB0] =	vst v6  }
0xa0: {  	[tilespmem:s15+$0xFFFFFFA0] =	vst v5;
	v6 =	vld [tilespmem:s15+$0x20]  }
0xa1: {  	v4 =	vld.idx.msk [tilespmem:v63+s25+$0x0], $0xffff  }
0xa2: {  	s17 =	simm.s32 $0x0;
	s19 =	simm.s32 $0x15900;
	s9 =	sadd.s32 $0x7, s2;
	v5 =	vld.idx.msk [tilespmem:v63+s26+$0x0], $0xffff  }
.LBB2_8:
0xa3: {  	s15 =	sadd.s32 $0x200, s15;
	s2 =	smov.u32 s17;
	s17 =	sadd.s32 $0x4, s17  }
0xa4: {  	p0 =	slt.u32 s17, $0x2C;
	v8 =	vld [tilespmem:s19+$0x10]  }
0xa5: {  	v9 =	vld [tilespmem:s19+$0x70]  }
0xa6: {  	v10 =	vld [tilespmem:s19+$0x50]  }
0xa7: {  	v11 =	vmul.f32 v7, v4;
	v12 =	vmul.f32 v6, v4;
	v13 =	vld [tilespmem:s19+$0x30]  }
0xa8: {  	v15 =	vmul.f32 v2, v4;
	v14 =	vmul.f32 v3, v5  }
0xa9: {  	v7 =	vmul.f32 v7, v5;
	v16 =	vmul.f32 v8, v4  }
0xaa: {  	v6 =	vmul.f32 v6, v5;
	v11 =	vsub.f32 v11, v14;
	v8 =	vmul.f32 v8, v5  }
0xab: {  	v17 =	vmul.f32 v9, v5;
	v14 =	vmul.f32 v10, v5  }
0xac: {  	v3 =	vmul.f32 v3, v4;
	[tilespmem:s19+$0x0] =	vst v11;
	v11 =	vmul.f32 v13, v5  }
0xad: {  	v2 =	vmul.f32 v2, v5;
	v5 =	vmul.f32 v13, v4  }
0xae: {  	v3 =	vadd.f32 v3, v7;
	v10 =	vmul.f32 v10, v4;
	v7 =	vsub.f32 v16, v14  }
0xaf: {  	v12 =	vsub.f32 v12, v2;
	v4 =	vmul.f32 v9, v4;
	v2 =	vsub.f32 v5, v17  }
0xb0: {  	v6 =	vadd.f32 v15, v6;
	v5 =	vadd.f32 v10, v8;
	[tilespmem:s19+$0x40] =	vst v3  }
0xb1: {  	v4 =	vadd.f32 v4, v11;
	[tilespmem:s19+$0x30] =	vst v2;
	v8 =	vld [tilespmem:s19+$0x80]  }
0xb2: {  	v3 =	vld [tilespmem:s15+$0x40];
	[tilespmem:s19+$0x60] =	vst v6;
	v6 =	vmov s9  }
0xb3: {  	v2 =	vld [tilespmem:s15+$0x60];
	[tilespmem:s19+$0x70] =	vst v4  }
0xb4: {  	[tilespmem:s19+$0x10] =	vst v7;
	v4 =	vld [tilespmem:s19+$0xD0]  }
0xb5: {  	[tilespmem:s19+$0x50] =	vst v5;
	v5 =	vld [tilespmem:s19+$0xC0]  }
0xb6: {  	[tilespmem:s19+$0x20] =	vst v12;
	v7 =	vld [tilespmem:s19+$0xA0]  }
0xb7: {  	v9 =	vld.idx.msk [tilespmem:v6+s25+$0x0], $0xffff  }
0xb8: {  	v6 =	vld.idx.msk [tilespmem:v6+s26+$0x0], $0xffff  }
0xb9: {  	v10 =	vld [tilespmem:s19+$0xF0]  }
0xba: {  	v11 =	vld [tilespmem:s19+$0x90];
	_ =	sdelay $0x1  }
0xbb: {  	v12 =	vld [tilespmem:s19+$0xB0]  }
0xbc: {  	v13 =	vmul.f32 v8, v9;
	v15 =	vmul.f32 v7, v9;
	v14 =	vld [tilespmem:s19+$0xE0]  }
0xbd: {  	v16 =	vmul.f32 v5, v6;
	v17 =	vmul.f32 v10, v6  }
0xbe: {  	v19 =	vmul.f32 v4, v6;
	v18 =	vmul.f32 v11, v9  }
0xbf: {  	v8 =	vmul.f32 v8, v6;
	v4 =	vmul.f32 v4, v9;
	v13 =	vsub.f32 v13, v16  }
0xc0: {  	v11 =	vmul.f32 v11, v6;
	v16 =	vsub.f32 v18, v19;
	v18 =	vmul.f32 v12, v6  }
0xc1: {  	s2 =	sadd.s32 s2, s13;
	v5 =	vmul.f32 v5, v9;
	[tilespmem:s19+$0x80] =	vst v13;
	v13 =	vmul.f32 v14, v6  }
0xc2: {  	s18 =	sadd.s32 $0x5, s2;
	s22 =	sadd.s32 $0x6, s2;
	s9 =	sadd.s32 $0x4, s2;
	v4 =	vadd.f32 v4, v11;
	v11 =	vmul.f32 v14, v9;
	v6 =	vmul.f32 v7, v6  }
0xc3: {  	v12 =	vmul.f32 v12, v9;
	v7 =	vmov s9;
	s9 =	sadd.s32 $0x7, s2;
	v13 =	vsub.f32 v15, v13  }
0xc4: {  	v9 =	vmul.f32 v10, v9;
	v7 =	vand.u32 $0xFFFFFFFC, v7;
	v6 =	vadd.f32 v11, v6;
	[tilespmem:s19+$0x90] =	vst v16  }
0xc5: {  	v5 =	vadd.f32 v5, v8;
	v7 =	vbroadcast v7, $0x0;
	[tilespmem:s19+$0xD0] =	vst v4;
	v4 =	vsub.f32 v12, v17  }
0xc6: {  	v8 =	vmov s18;
	v10 =	vmov s22;
	[tilespmem:s19+$0xE0] =	vst v6;
	v6 =	vadd.f32 v9, v18  }
0xc7: {  	v8 =	vand.u32 $0xFFFFFFFD, v8;
	v10 =	vand.u32 $0xFFFFFFFE, v10;
	v9 =	vld [tilespmem:s15+$0xFFFFFF60];
	[tilespmem:s19+$0xC0] =	vst v5  }
0xc8: {  	v5 =	vld [tilespmem:s15+$0xFFFFFF70];
	[tilespmem:s19+$0xF0] =	vst v6  }
0xc9: {  	v6 =	vld [tilespmem:s15+$0xFFFFFF40];
	[tilespmem:s19+$0xB0] =	vst v4  }
0xca: {  	v4 =	vld [tilespmem:s15+$0xFFFFFF00];
	[tilespmem:s19+$0xA0] =	vst v13;
	s19 =	smov.u32 s15  }
0xcb: {  	v11 =	vld.idx.msk [tilespmem:v7+s25+$0x0], $0xffff  }
0xcc: {  	v7 =	vld.idx.msk [tilespmem:v7+s26+$0x0], $0xffff  }
0xcd: {  	v12 =	vld [tilespmem:s15+$0xFFFFFF20]  }
0xce: {  	v13 =	vld [tilespmem:s15+$0xFFFFFF50]  }
0xcf: {  	v14 =	vld [tilespmem:s15+$0xFFFFFF30]  }
0xd0: {  	v15 =	vld [tilespmem:s15+$0xFFFFFF10]  }
0xd1: {  	v16 =	vmul.f32 v4, v11;
	v17 =	vmul.f32 v6, v11  }
0xd2: {  	v6 =	vmul.f32 v6, v7;
	v18 =	vmul.f32 v12, v11  }
0xd3: {  	v19 =	vmul.f32 v13, v7;
	v13 =	vmul.f32 v13, v11  }
0xd4: {  	v20 =	vmul.f32 v5, v7;
	v6 =	vsub.f32 v16, v6;
	v16 =	vmul.f32 v14, v11  }
0xd5: {  	v22 =	vmul.f32 v9, v11;
	v21 =	vmul.f32 v15, v11  }
0xd6: {  	v4 =	vmul.f32 v4, v7;
	[tilespmem:s15+$0xFFFFFF00] =	vst v6;
	v6 =	vmul.f32 v15, v7;
	v15 =	vsub.f32 v16, v20  }
0xd7: {  	v9 =	vmul.f32 v9, v7;
	v12 =	vmul.f32 v12, v7;
	v16 =	vsub.f32 v21, v19  }
0xd8: {  	v5 =	vmul.f32 v5, v11;
	v4 =	vadd.f32 v17, v4;
	v7 =	vmul.f32 v14, v7;
	[tilespmem:s15+$0xFFFFFF30] =	vst v15  }
0xd9: {  	v8 =	vbroadcast v8, $0x0;
	v9 =	vsub.f32 v18, v9;
	v11 =	vadd.f32 v22, v12;
	[tilespmem:s15+$0xFFFFFF10] =	vst v16  }
0xda: {  	v5 =	vadd.f32 v5, v7;
	[tilespmem:s15+$0xFFFFFF40] =	vst v4;
	v4 =	vadd.f32 v13, v6  }
0xdb: {  	[tilespmem:s15+$0xFFFFFF20] =	vst v9;
	v6 =	vld [tilespmem:s15+$0xFFFFFFE0]  }
0xdc: {  	[tilespmem:s15+$0xFFFFFF50] =	vst v4;
	v4 =	vld [tilespmem:s15+$0xFFFFFFA0]  }
0xdd: {  	[tilespmem:s15+$0xFFFFFF60] =	vst v11;
	v7 =	vld [tilespmem:s15+$0xFFFFFFD0]  }
0xde: {  	[tilespmem:s15+$0xFFFFFF70] =	vst v5;
	v5 =	vld [tilespmem:s15+$0xFFFFFFF0]  }
0xdf: {  	v9 =	vld.idx.msk [tilespmem:v8+s25+$0x0], $0xffff  }
0xe0: {  	v11 =	vld [tilespmem:s15+$0xFFFFFFC0]  }
0xe1: {  	v8 =	vld.idx.msk [tilespmem:v8+s26+$0x0], $0xffff  }
0xe2: {  	v12 =	vld [tilespmem:s15+$0xFFFFFF80]  }
0xe3: {  	v13 =	vld [tilespmem:s15+$0xFFFFFF90];
	_ =	sdelay $0x1  }
0xe4: {  	v15 =	vmul.f32 v5, v9;
	v14 =	vmul.f32 v11, v9  }
0xe5: {  	v16 =	vmul.f32 v7, v9;
	v17 =	vmul.f32 v4, v9;
	v18 =	vld [tilespmem:s15+$0xFFFFFFB0]  }
0xe6: {  	v19 =	vmul.f32 v12, v9;
	v12 =	vmul.f32 v12, v8  }
0xe7: {  	v21 =	vmul.f32 v6, v8;
	v20 =	vmul.f32 v13, v8  }
0xe8: {  	v7 =	vmul.f32 v7, v8;
	v6 =	vmul.f32 v6, v9;
	v12 =	vadd.f32 v14, v12  }
0xe9: {  	v11 =	vmul.f32 v11, v8;
	v4 =	vmul.f32 v4, v8;
	v14 =	vadd.f32 v16, v20  }
0xea: {  	v5 =	vmul.f32 v5, v8;
	[tilespmem:s15+$0xFFFFFFC0] =	vst v12;
	v12 =	vmul.f32 v18, v9  }
0xeb: {  	v4 =	vadd.f32 v6, v4;
	v11 =	vsub.f32 v19, v11;
	v6 =	vmul.f32 v18, v8;
	[tilespmem:s15+$0xFFFFFFD0] =	vst v14  }
0xec: {  	v8 =	vmul.f32 v13, v9;
	v9 =	vsub.f32 v17, v21;
	v5 =	vsub.f32 v12, v5  }
0xed: {  	v10 =	vbroadcast v10, $0x0;
	[tilespmem:s15+$0xFFFFFFE0] =	vst v4;
	v4 =	vadd.f32 v15, v6  }
0xee: {  	v6 =	vsub.f32 v8, v7;
	[tilespmem:s15+$0xFFFFFF80] =	vst v11  }
0xef: {  	[tilespmem:s15+$0xFFFFFFF0] =	vst v4  }
.Ltmp2:
0xf0: {  	[tilespmem:s15+$0xFFFFFF90] =	vst v6;
	(pc) =	sbr.rel @p0 .LBB2_8-.Ltmp2, $4  }
0xf1: {  	[tilespmem:s15+$0xFFFFFFB0] =	vst v5;
	v7 =	vld [tilespmem:s15+$0x0]  }
0xf2: {  	[tilespmem:s15+$0xFFFFFFA0] =	vst v9;
	v6 =	vld [tilespmem:s15+$0x20]  }
0xf3: {  	v4 =	vld.idx.msk [tilespmem:v10+s25+$0x0], $0xffff  }
0xf4: {  	v5 =	vld.idx.msk [tilespmem:v10+s26+$0x0], $0xffff  }
0xf5: {  	_ =	sdelay $0x1  }
0xf6: {  	v8 =	vld [tilespmem:s19+$0x70]  }
0xf7: {  	v9 =	vld [tilespmem:s19+$0x30];
	v11 =	vmul.f32 v7, v4  }
0xf8: {  	v10 =	vld [tilespmem:s19+$0x10];
	v13 =	vmul.f32 v6, v4;
	v14 =	vmul.f32 v3, v5  }
0xf9: {  	v12 =	vld [tilespmem:s19+$0x50];
	v7 =	vmul.f32 v7, v5;
	v3 =	vmul.f32 v3, v4  }
0xfa: {  	v16 =	vmul.f32 v2, v4;
	v2 =	vmul.f32 v2, v5;
	v11 =	vsub.f32 v11, v14  }
0xfb: {  	v6 =	vmul.f32 v6, v5;
	v22 =	vmul.f32 v8, v5;
	v3 =	vadd.f32 v3, v7  }
0xfc: {  	v15 =	vmul.f32 v9, v4;
	v8 =	vmul.f32 v8, v4;
	v2 =	vsub.f32 v13, v2;
	[tilespmem:s19+$0x0] =	vst v11  }
0xfd: {  	v24 =	vmul.f32 v10, v4;
	v7 =	vmul.f32 v9, v5;
	[tilespmem:s19+$0x40] =	vst v3;
	v3 =	vadd.f32 v16, v6  }
0xfe: {  	v25 =	vmul.f32 v12, v5;
	v4 =	vmul.f32 v12, v4;
	v23 =	vsub.f32 v15, v22;
	[tilespmem:s19+$0x20] =	vst v2  }
0xff: {  	v6 =	vmul.f32 v10, v5;
	v7 =	vadd.f32 v8, v7;
	[tilespmem:s19+$0x60] =	vst v3;
	v3 =	vmov s9  }
0x100: {  	v5 =	vsub.f32 v24, v25;
	[tilespmem:s19+$0x30] =	vst v23  }
0x101: {  	v8 =	vld [tilespmem:s19+$0x80];
	v4 =	vadd.f32 v4, v6;
	[tilespmem:s19+$0x70] =	vst v7  }
0x102: {  	[tilespmem:s19+$0x10] =	vst v5;
	v5 =	vld [tilespmem:s19+$0xD0]  }
0x103: {  	[tilespmem:s19+$0x50] =	vst v4;
	v4 =	vld [tilespmem:s19+$0xC0]  }
0x104: {  	v2 =	vld.idx.msk [tilespmem:v3+s25+$0x0], $0xffff  }
0x105: {  	v3 =	vld.idx.msk [tilespmem:v3+s26+$0x0], $0xffff  }
0x106: {  	v6 =	vld [tilespmem:s19+$0x90]  }
0x107: {  	v26 =	vld [tilespmem:s19+$0xE0]  }
0x108: {  	v7 =	vld [tilespmem:s19+$0xA0]  }
0x109: {  	v27 =	vld [tilespmem:s19+$0xF0]  }
0x10a: {  	v28 =	vld [tilespmem:s19+$0xB0];
	v29 =	vmul.f32 v8, v2;
	v30 =	vmul.f32 v4, v3  }
0x10b: {  	v31 =	vmul.f32 v6, v2;
	v32 =	vmul.f32 v5, v3  }
0x10c: {  	v5 =	vmul.f32 v5, v2;
	v6 =	vmul.f32 v6, v3;
	v12 =	vsub.f32 v29, v30  }
0x10d: {  	v34 =	vmul.f32 v26, v2;
	v35 =	vmul.f32 v7, v3;
	v33 =	vsub.f32 v31, v32  }
0x10e: {  	v8 =	vmul.f32 v8, v3;
	v4 =	vmul.f32 v4, v2;
	v5 =	vadd.f32 v5, v6;
	[tilespmem:s19+$0x80] =	vst v12  }
0x10f: {  	v37 =	vmul.f32 v27, v2;
	v6 =	vmul.f32 v28, v3;
	v36 =	vadd.f32 v34, v35;
	[tilespmem:s19+$0x90] =	vst v33  }
0x110: {  	v10 =	vmul.f32 v27, v3;
	v11 =	vmul.f32 v28, v2;
	v4 =	vadd.f32 v4, v8;
	[tilespmem:s19+$0xD0] =	vst v5  }
0x111: {  	s18 =	smul.u32 $0x480, s14;
	s2 =	sadd.s32 $0x2C, s13;
	v2 =	vmul.f32 v7, v2;
	v3 =	vmul.f32 v26, v3;
	[tilespmem:s19+$0xE0] =	vst v36;
	v5 =	vadd.f32 v37, v6  }
0x112: {  	s17 =	sadd.s32 $0x4, s2;
	v6 =	vsub.f32 v11, v10;
	[tilespmem:s19+$0xC0] =	vst v4  }
0x113: {  	s15 =	sadd.s32 $0x300, s18;
	v2 =	vsub.f32 v2, v3;
	v3 =	vmov s17;
	[tilespmem:s19+$0xF0] =	vst v5  }
0x114: {  	s15 =	sshra.s32 s15, $0x2;
	v3 =	vand.u32 $0xFFFFFFFC, v3;
	[tilespmem:s19+$0xB0] =	vst v6  }
0x115: {  	s24 =	simm.s32 $0x171F0;
	[tilespmem:s19+$0xA0] =	vst v2;
	s19 =	sadd.s32 $0x14060, s15;
	v2 =	vbroadcast v3, $0x0  }
0x116: {  	[tilespmem:s0], [sflag:$0x3] =	stream.indirect.gather [hbm4b:s8+s28], $0x80, s19, s28, $0xb8;
	[tilespmem:$0x1E800] =	vst v63  }
0x117: {  	v3 =	vld [tilespmem:s24+$0xFFFFFE80]  }
0x118: {  	v4 =	vld [tilespmem:s24+$0xFFFFFE50]  }
0x119: {  	v5 =	vld [tilespmem:s24+$0xFFFFFE10]  }
0x11a: {  	v8 =	vld [tilespmem:s24+$0xFFFFFE40]  }
0x11b: {  	v6 =	vld.idx.msk [tilespmem:v2+s25+$0x0], $0xffff  }
0x11c: {  	v2 =	vld.idx.msk [tilespmem:v2+s26+$0x0], $0xffff  }
0x11d: {  	v7 =	vld [tilespmem:s24+$0xFFFFFE60]  }
0x11e: {  	v38 =	vld [tilespmem:s24+$0xFFFFFE20]  }
0x11f: {  	v40 =	vld [tilespmem:s24+$0xFFFFFE70]  }
0x120: {  	v39 =	vld [tilespmem:s24+$0xFFFFFE30];
	v41 =	vmul.f32 v5, v6;
	v43 =	vmul.f32 v4, v6  }
0x121: {  	s22 =	sadd.s32 $0x5, s2;
	v4 =	vmul.f32 v4, v2;
	v44 =	vmul.f32 v8, v6  }
0x122: {  	v42 =	vmov s22;
	v45 =	vmul.f32 v3, v2;
	v17 =	vmul.f32 v7, v2  }
0x123: {  	v13 =	vand.u32 $0xFFFFFFFD, v42;
	v46 =	vmul.f32 v38, v6;
	v5 =	vmul.f32 v5, v2  }
0x124: {  	v47 =	vmul.f32 v40, v2;
	v11 =	vmul.f32 v40, v6;
	v4 =	vsub.f32 v41, v4  }
0x125: {  	v9 =	vmul.f32 v38, v2;
	v10 =	vmul.f32 v39, v2;
	v15 =	vsub.f32 v44, v45  }
0x126: {  	v3 =	vmul.f32 v3, v6;
	v2 =	vmul.f32 v8, v2;
	v5 =	vadd.f32 v43, v5;
	[tilespmem:s24+$0xFFFFFE10] =	vst v4  }
0x127: {  	v18 =	vmul.f32 v39, v6;
	v7 =	vmul.f32 v7, v6;
	v6 =	vadd.f32 v11, v10;
	[tilespmem:s24+$0xFFFFFE40] =	vst v15  }
0x128: {  	v48 =	vbroadcast v13, $0x0;
	v2 =	vadd.f32 v3, v2;
	[tilespmem:s24+$0xFFFFFE50] =	vst v5  }
0x129: {  	v4 =	vsub.f32 v46, v17;
	[tilespmem:s24+$0xFFFFFE70] =	vst v6  }
0x12a: {  	v49 =	vld [tilespmem:s24+$0xFFFFFEA0];
	v5 =	vadd.f32 v7, v9;
	[tilespmem:s24+$0xFFFFFE80] =	vst v2  }
0x12b: {  	v50 =	vld [tilespmem:s24+$0xFFFFFEF0];
	[tilespmem:s24+$0xFFFFFE20] =	vst v4;
	v4 =	vsub.f32 v18, v47  }
0x12c: {  	v8 =	vld [tilespmem:s24+$0xFFFFFE90];
	[tilespmem:s24+$0xFFFFFE60] =	vst v5  }
0x12d: {  	v6 =	vld [tilespmem:s24+$0xFFFFFED0];
	[tilespmem:s24+$0xFFFFFE30] =	vst v4  }
0x12e: {  	v5 =	vld.idx.msk [tilespmem:v48+s25+$0x0], $0xffff  }
0x12f: {  	v7 =	vld.idx.msk [tilespmem:v48+s26+$0x0], $0xffff  }
0x130: {  	s29 =	sadd.s32 $0x6, s2;
	v4 =	vld [tilespmem:s24+$0xFFFFFEE0]  }
0x131: {  	v53 =	vmov s29;
	v3 =	vld [tilespmem:s24+$0xFFFFFEB0]  }
0x132: {  	v13 =	vand.u32 $0xFFFFFFFE, v53;
	v52 =	vld [tilespmem:s24+$0xFFFFFEC0]  }
0x133: {  	v63 =	vbroadcast v13, $0x0;
	v2 =	vld [tilespmem:s24+$0xFFFFFF00]  }
0x134: {  	v51 =	vmul.f32 v6, v5;
	v55 =	vmul.f32 v8, v7  }
0x135: {  	v56 =	vmul.f32 v4, v5;
	v57 =	vmul.f32 v49, v7  }
0x136: {  	v58 =	vmul.f32 v50, v5;
	v59 =	vmul.f32 v3, v7;
	v11 =	vadd.f32 v51, v55  }
0x137: {  	v8 =	vmul.f32 v8, v5;
	v6 =	vmul.f32 v6, v7;
	v16 =	vadd.f32 v56, v57  }
0x138: {  	v54 =	vmul.f32 v2, v5;
	v61 =	vmul.f32 v52, v7;
	v60 =	vadd.f32 v58, v59;
	[tilespmem:s24+$0xFFFFFED0] =	vst v11  }
0x139: {  	v4 =	vmul.f32 v4, v7;
	v6 =	vsub.f32 v8, v6;
	v8 =	vmul.f32 v49, v5;
	[tilespmem:s24+$0xFFFFFEE0] =	vst v16  }
0x13a: {  	v12 =	vmul.f32 v52, v5;
	v2 =	vmul.f32 v2, v7;
	v62 =	vadd.f32 v54, v61;
	[tilespmem:s24+$0xFFFFFEF0] =	vst v60  }
0x13b: {  	v7 =	vmul.f32 v50, v7;
	v5 =	vmul.f32 v3, v5;
	[tilespmem:s24+$0xFFFFFE90] =	vst v6;
	v4 =	vsub.f32 v8, v4  }
0x13c: {  	v3 =	vld [tilespmem:s24+$0xFFFFFF50];
	v6 =	vsub.f32 v12, v2;
	[tilespmem:s24+$0xFFFFFF00] =	vst v62  }
0x13d: {  	v2 =	vld [tilespmem:s24+$0xFFFFFF70];
	v5 =	vsub.f32 v5, v7;
	[tilespmem:s24+$0xFFFFFEA0] =	vst v4  }
0x13e: {  	v7 =	vld [tilespmem:s24+$0xFFFFFF10];
	[tilespmem:s24+$0xFFFFFEC0] =	vst v6  }
0x13f: {  	[tilespmem:s24+$0xFFFFFEB0] =	vst v5;
	v6 =	vld [tilespmem:s24+$0xFFFFFF30]  }
0x140: {  	s2 =	sadd.s32 $0x7, s2;
	v4 =	vld.idx.msk [tilespmem:v63+s25+$0x0], $0xffff  }
0x141: {  	s9 =	simm.s32 $0x30;
	s17 =	simm.s32 $0x171F0;
	s19 =	smul.u32 $0x3, s14;
	v5 =	vld.idx.msk [tilespmem:v63+s26+$0x0], $0xffff  }
.LBB2_10:
0x142: {  	s24 =	sadd.s32 $0x200, s24;
	s22 =	smov.u32 s9;
	s9 =	sadd.s32 $0x4, s9  }
0x143: {  	p0 =	slt.u32 s9, $0x5C;
	v8 =	vld [tilespmem:s17+$0xFFFFFF20]  }
0x144: {  	v9 =	vld [tilespmem:s17+$0xFFFFFF80]  }
0x145: {  	v10 =	vld [tilespmem:s17+$0xFFFFFF60]  }
0x146: {  	v11 =	vmul.f32 v7, v4;
	v12 =	vmul.f32 v6, v4;
	v13 =	vld [tilespmem:s17+$0xFFFFFF40]  }
0x147: {  	v15 =	vmul.f32 v2, v4;
	v14 =	vmul.f32 v3, v5  }
0x148: {  	v7 =	vmul.f32 v7, v5;
	v16 =	vmul.f32 v8, v4  }
0x149: {  	v6 =	vmul.f32 v6, v5;
	v11 =	vsub.f32 v11, v14;
	v8 =	vmul.f32 v8, v5  }
0x14a: {  	v17 =	vmul.f32 v9, v5;
	v14 =	vmul.f32 v10, v5  }
0x14b: {  	v3 =	vmul.f32 v3, v4;
	[tilespmem:s17+$0xFFFFFF10] =	vst v11;
	v11 =	vmul.f32 v13, v5  }
0x14c: {  	v2 =	vmul.f32 v2, v5;
	v5 =	vmul.f32 v13, v4  }
0x14d: {  	v3 =	vadd.f32 v3, v7;
	v10 =	vmul.f32 v10, v4;
	v7 =	vsub.f32 v16, v14  }
0x14e: {  	v12 =	vsub.f32 v12, v2;
	v4 =	vmul.f32 v9, v4;
	v2 =	vsub.f32 v5, v17  }
0x14f: {  	v6 =	vadd.f32 v15, v6;
	v5 =	vadd.f32 v10, v8;
	[tilespmem:s17+$0xFFFFFF50] =	vst v3  }
0x150: {  	v4 =	vadd.f32 v4, v11;
	[tilespmem:s17+$0xFFFFFF40] =	vst v2;
	v8 =	vld [tilespmem:s17+$0xFFFFFF90]  }
0x151: {  	v3 =	vld [tilespmem:s24+$0xFFFFFF50];
	[tilespmem:s17+$0xFFFFFF70] =	vst v6;
	v6 =	vmov s2  }
0x152: {  	v2 =	vld [tilespmem:s24+$0xFFFFFF70];
	[tilespmem:s17+$0xFFFFFF80] =	vst v4  }
0x153: {  	[tilespmem:s17+$0xFFFFFF20] =	vst v7;
	v4 =	vld [tilespmem:s17+$0xFFFFFFE0]  }
0x154: {  	[tilespmem:s17+$0xFFFFFF60] =	vst v5;
	v5 =	vld [tilespmem:s17+$0xFFFFFFD0]  }
0x155: {  	[tilespmem:s17+$0xFFFFFF30] =	vst v12;
	v7 =	vld [tilespmem:s17+$0xFFFFFFB0]  }
0x156: {  	v9 =	vld.idx.msk [tilespmem:v6+s25+$0x0], $0xffff  }
0x157: {  	v6 =	vld.idx.msk [tilespmem:v6+s26+$0x0], $0xffff  }
0x158: {  	v10 =	vld [tilespmem:s17+$0x0]  }
0x159: {  	v11 =	vld [tilespmem:s17+$0xFFFFFFA0];
	_ =	sdelay $0x1  }
0x15a: {  	v12 =	vld [tilespmem:s17+$0xFFFFFFC0]  }
0x15b: {  	v13 =	vmul.f32 v8, v9;
	v15 =	vmul.f32 v7, v9;
	v14 =	vld [tilespmem:s17+$0xFFFFFFF0]  }
0x15c: {  	v16 =	vmul.f32 v5, v6;
	v17 =	vmul.f32 v10, v6  }
0x15d: {  	v19 =	vmul.f32 v4, v6;
	v18 =	vmul.f32 v11, v9  }
0x15e: {  	v8 =	vmul.f32 v8, v6;
	v4 =	vmul.f32 v4, v9;
	v13 =	vsub.f32 v13, v16  }
0x15f: {  	v11 =	vmul.f32 v11, v6;
	v16 =	vsub.f32 v18, v19;
	v18 =	vmul.f32 v12, v6  }
0x160: {  	s2 =	sadd.s32 s22, s13;
	v5 =	vmul.f32 v5, v9;
	[tilespmem:s17+$0xFFFFFF90] =	vst v13;
	v13 =	vmul.f32 v14, v6  }
0x161: {  	s22 =	sadd.s32 $0x4, s2;
	s29 =	sadd.s32 $0x5, s2;
	s4 =	sadd.s32 $0x6, s2;
	v4 =	vadd.f32 v4, v11;
	v11 =	vmul.f32 v14, v9;
	v6 =	vmul.f32 v7, v6  }
0x162: {  	s2 =	sadd.s32 $0x7, s2;
	v12 =	vmul.f32 v12, v9;
	v7 =	vmov s22;
	v13 =	vsub.f32 v15, v13  }
0x163: {  	v9 =	vmul.f32 v10, v9;
	v7 =	vand.u32 $0xFFFFFFFC, v7;
	v6 =	vadd.f32 v11, v6;
	[tilespmem:s17+$0xFFFFFFA0] =	vst v16  }
0x164: {  	v5 =	vadd.f32 v5, v8;
	v7 =	vbroadcast v7, $0x0;
	[tilespmem:s17+$0xFFFFFFE0] =	vst v4;
	v4 =	vsub.f32 v12, v17  }
0x165: {  	v8 =	vmov s29;
	v10 =	vmov s4;
	[tilespmem:s17+$0xFFFFFFF0] =	vst v6;
	v6 =	vadd.f32 v9, v18  }
0x166: {  	v8 =	vand.u32 $0xFFFFFFFD, v8;
	v10 =	vand.u32 $0xFFFFFFFE, v10;
	v9 =	vld [tilespmem:s24+$0xFFFFFE70];
	[tilespmem:s17+$0xFFFFFFD0] =	vst v5  }
0x167: {  	v5 =	vld [tilespmem:s24+$0xFFFFFE80];
	[tilespmem:s17+$0x0] =	vst v6  }
0x168: {  	v6 =	vld [tilespmem:s24+$0xFFFFFE50];
	[tilespmem:s17+$0xFFFFFFC0] =	vst v4  }
0x169: {  	v4 =	vld [tilespmem:s24+$0xFFFFFE10];
	[tilespmem:s17+$0xFFFFFFB0] =	vst v13;
	s17 =	smov.u32 s24  }
0x16a: {  	v11 =	vld.idx.msk [tilespmem:v7+s25+$0x0], $0xffff  }
0x16b: {  	v7 =	vld.idx.msk [tilespmem:v7+s26+$0x0], $0xffff  }
0x16c: {  	v12 =	vld [tilespmem:s24+$0xFFFFFE30]  }
0x16d: {  	v13 =	vld [tilespmem:s24+$0xFFFFFE60]  }
0x16e: {  	v14 =	vld [tilespmem:s24+$0xFFFFFE40]  }
0x16f: {  	v15 =	vld [tilespmem:s24+$0xFFFFFE20]  }
0x170: {  	v16 =	vmul.f32 v4, v11;
	v17 =	vmul.f32 v6, v11  }
0x171: {  	v6 =	vmul.f32 v6, v7;
	v18 =	vmul.f32 v12, v11  }
0x172: {  	v19 =	vmul.f32 v13, v7;
	v13 =	vmul.f32 v13, v11  }
0x173: {  	v20 =	vmul.f32 v5, v7;
	v6 =	vsub.f32 v16, v6;
	v16 =	vmul.f32 v14, v11  }
0x174: {  	v22 =	vmul.f32 v9, v11;
	v21 =	vmul.f32 v15, v11  }
0x175: {  	v4 =	vmul.f32 v4, v7;
	[tilespmem:s24+$0xFFFFFE10] =	vst v6;
	v6 =	vmul.f32 v15, v7;
	v15 =	vsub.f32 v16, v20  }
0x176: {  	v9 =	vmul.f32 v9, v7;
	v12 =	vmul.f32 v12, v7;
	v16 =	vsub.f32 v21, v19  }
0x177: {  	v5 =	vmul.f32 v5, v11;
	v4 =	vadd.f32 v17, v4;
	v7 =	vmul.f32 v14, v7;
	[tilespmem:s24+$0xFFFFFE40] =	vst v15  }
0x178: {  	v8 =	vbroadcast v8, $0x0;
	v9 =	vsub.f32 v18, v9;
	v11 =	vadd.f32 v22, v12;
	[tilespmem:s24+$0xFFFFFE20] =	vst v16  }
0x179: {  	v5 =	vadd.f32 v5, v7;
	[tilespmem:s24+$0xFFFFFE50] =	vst v4;
	v4 =	vadd.f32 v13, v6  }
0x17a: {  	[tilespmem:s24+$0xFFFFFE30] =	vst v9;
	v6 =	vld [tilespmem:s24+$0xFFFFFEF0]  }
0x17b: {  	[tilespmem:s24+$0xFFFFFE60] =	vst v4;
	v4 =	vld [tilespmem:s24+$0xFFFFFEB0]  }
0x17c: {  	[tilespmem:s24+$0xFFFFFE70] =	vst v11;
	v7 =	vld [tilespmem:s24+$0xFFFFFEE0]  }
0x17d: {  	[tilespmem:s24+$0xFFFFFE80] =	vst v5;
	v5 =	vld [tilespmem:s24+$0xFFFFFF00]  }
0x17e: {  	v9 =	vld.idx.msk [tilespmem:v8+s25+$0x0], $0xffff  }
0x17f: {  	v11 =	vld [tilespmem:s24+$0xFFFFFED0]  }
0x180: {  	v8 =	vld.idx.msk [tilespmem:v8+s26+$0x0], $0xffff  }
0x181: {  	v12 =	vld [tilespmem:s24+$0xFFFFFE90]  }
0x182: {  	v13 =	vld [tilespmem:s24+$0xFFFFFEA0];
	_ =	sdelay $0x1  }
0x183: {  	v15 =	vmul.f32 v5, v9;
	v14 =	vmul.f32 v11, v9  }
0x184: {  	v16 =	vmul.f32 v7, v9;
	v17 =	vmul.f32 v4, v9;
	v18 =	vld [tilespmem:s24+$0xFFFFFEC0]  }
0x185: {  	v19 =	vmul.f32 v12, v9;
	v12 =	vmul.f32 v12, v8  }
0x186: {  	v21 =	vmul.f32 v6, v8;
	v20 =	vmul.f32 v13, v8  }
0x187: {  	v7 =	vmul.f32 v7, v8;
	v6 =	vmul.f32 v6, v9;
	v12 =	vadd.f32 v14, v12  }
0x188: {  	v11 =	vmul.f32 v11, v8;
	v4 =	vmul.f32 v4, v8;
	v14 =	vadd.f32 v16, v20  }
0x189: {  	v5 =	vmul.f32 v5, v8;
	[tilespmem:s24+$0xFFFFFED0] =	vst v12;
	v12 =	vmul.f32 v18, v9  }
0x18a: {  	v4 =	vadd.f32 v6, v4;
	v11 =	vsub.f32 v19, v11;
	v6 =	vmul.f32 v18, v8;
	[tilespmem:s24+$0xFFFFFEE0] =	vst v14  }
0x18b: {  	v8 =	vmul.f32 v13, v9;
	v9 =	vsub.f32 v17, v21;
	v5 =	vsub.f32 v12, v5  }
0x18c: {  	v10 =	vbroadcast v10, $0x0;
	[tilespmem:s24+$0xFFFFFEF0] =	vst v4;
	v4 =	vadd.f32 v15, v6  }
0x18d: {  	v6 =	vsub.f32 v8, v7;
	[tilespmem:s24+$0xFFFFFE90] =	vst v11  }
0x18e: {  	[tilespmem:s24+$0xFFFFFF00] =	vst v4  }
.Ltmp3:
0x18f: {  	[tilespmem:s24+$0xFFFFFEA0] =	vst v6;
	(pc) =	sbr.rel @p0 .LBB2_10-.Ltmp3, $4  }
0x190: {  	[tilespmem:s24+$0xFFFFFEC0] =	vst v5;
	v7 =	vld [tilespmem:s24+$0xFFFFFF10]  }
0x191: {  	[tilespmem:s24+$0xFFFFFEB0] =	vst v9;
	v6 =	vld [tilespmem:s24+$0xFFFFFF30]  }
0x192: {  	v4 =	vld.idx.msk [tilespmem:v10+s25+$0x0], $0xffff  }
0x193: {  	v5 =	vld.idx.msk [tilespmem:v10+s26+$0x0], $0xffff  }
0x194: {  	_ =	sdelay $0x1  }
0x195: {  	v8 =	vld [tilespmem:s17+$0xFFFFFF80]  }
0x196: {  	v9 =	vld [tilespmem:s17+$0xFFFFFF40];
	v11 =	vmul.f32 v7, v4  }
0x197: {  	v10 =	vld [tilespmem:s17+$0xFFFFFF20];
	v13 =	vmul.f32 v6, v4;
	v14 =	vmul.f32 v3, v5  }
0x198: {  	v12 =	vld [tilespmem:s17+$0xFFFFFF60];
	v7 =	vmul.f32 v7, v5;
	v3 =	vmul.f32 v3, v4  }
0x199: {  	v16 =	vmul.f32 v2, v4;
	v2 =	vmul.f32 v2, v5;
	v11 =	vsub.f32 v11, v14  }
0x19a: {  	v6 =	vmul.f32 v6, v5;
	v22 =	vmul.f32 v8, v5;
	v3 =	vadd.f32 v3, v7  }
0x19b: {  	v15 =	vmul.f32 v9, v4;
	v8 =	vmul.f32 v8, v4;
	v2 =	vsub.f32 v13, v2;
	[tilespmem:s17+$0xFFFFFF10] =	vst v11  }
0x19c: {  	v24 =	vmul.f32 v10, v4;
	v7 =	vmul.f32 v9, v5;
	[tilespmem:s17+$0xFFFFFF50] =	vst v3;
	v3 =	vadd.f32 v16, v6  }
0x19d: {  	v25 =	vmul.f32 v12, v5;
	v4 =	vmul.f32 v12, v4;
	v23 =	vsub.f32 v15, v22;
	[tilespmem:s17+$0xFFFFFF30] =	vst v2  }
0x19e: {  	v6 =	vmul.f32 v10, v5;
	v7 =	vadd.f32 v8, v7;
	[tilespmem:s17+$0xFFFFFF70] =	vst v3;
	v3 =	vmov s2  }
0x19f: {  	v5 =	vsub.f32 v24, v25;
	[tilespmem:s17+$0xFFFFFF40] =	vst v23  }
0x1a0: {  	v8 =	vld [tilespmem:s17+$0xFFFFFF90];
	v4 =	vadd.f32 v4, v6;
	[tilespmem:s17+$0xFFFFFF80] =	vst v7  }
0x1a1: {  	[tilespmem:s17+$0xFFFFFF20] =	vst v5;
	v5 =	vld [tilespmem:s17+$0xFFFFFFE0]  }
0x1a2: {  	[tilespmem:s17+$0xFFFFFF60] =	vst v4;
	v4 =	vld [tilespmem:s17+$0xFFFFFFD0]  }
0x1a3: {  	v2 =	vld.idx.msk [tilespmem:v3+s25+$0x0], $0xffff  }
0x1a4: {  	v3 =	vld.idx.msk [tilespmem:v3+s26+$0x0], $0xffff  }
0x1a5: {  	v6 =	vld [tilespmem:s17+$0xFFFFFFA0]  }
0x1a6: {  	v26 =	vld [tilespmem:s17+$0xFFFFFFF0]  }
0x1a7: {  	v7 =	vld [tilespmem:s17+$0xFFFFFFB0]  }
0x1a8: {  	v27 =	vld [tilespmem:s17+$0x0]  }
0x1a9: {  	v28 =	vld [tilespmem:s17+$0xFFFFFFC0];
	v29 =	vmul.f32 v8, v2;
	v30 =	vmul.f32 v4, v3  }
0x1aa: {  	v31 =	vmul.f32 v6, v2;
	v32 =	vmul.f32 v5, v3  }
0x1ab: {  	v5 =	vmul.f32 v5, v2;
	v6 =	vmul.f32 v6, v3;
	v12 =	vsub.f32 v29, v30  }
0x1ac: {  	v34 =	vmul.f32 v26, v2;
	v35 =	vmul.f32 v7, v3;
	v33 =	vsub.f32 v31, v32  }
0x1ad: {  	v8 =	vmul.f32 v8, v3;
	v4 =	vmul.f32 v4, v2;
	v5 =	vadd.f32 v5, v6;
	[tilespmem:s17+$0xFFFFFF90] =	vst v12  }
0x1ae: {  	v37 =	vmul.f32 v27, v2;
	v6 =	vmul.f32 v28, v3;
	v36 =	vadd.f32 v34, v35;
	[tilespmem:s17+$0xFFFFFFA0] =	vst v33  }
0x1af: {  	v10 =	vmul.f32 v27, v3;
	v11 =	vmul.f32 v28, v2;
	v4 =	vadd.f32 v4, v8;
	[tilespmem:s17+$0xFFFFFFE0] =	vst v5  }
0x1b0: {  	v2 =	vmul.f32 v7, v2;
	v3 =	vmul.f32 v26, v3;
	[tilespmem:s17+$0xFFFFFFF0] =	vst v36;
	v5 =	vadd.f32 v37, v6  }
0x1b1: {  	v6 =	vsub.f32 v11, v10;
	[tilespmem:s17+$0xFFFFFFD0] =	vst v4  }
0x1b2: {  	v2 =	vsub.f32 v2, v3;
	[tilespmem:s17+$0x0] =	vst v5  }
0x1b3: {  	s9 =	sshra.s32 s18, $0x2;
	[tilespmem:s17+$0xFFFFFFC0] =	vst v6  }
0x1b4: {  	s2 =	sadd.s32 $0x13880, s9;
	[tilespmem:s17+$0xFFFFFFB0] =	vst v2  }
0x1b5: {  	[spmem:s1] =	stream.indirect.scatter.add.f32 [tilespmem:s20], [sflag:$0x4], $0x80, s2, s28, $0xb8;
	[tilespmem:$0x1E800] =	vst v63  }
0x1b6: {  	s17 =	sadd.s32 $0xFFFFFFFC, s13;
	_ =	swait.ge [sflag:s21], $0x3000  }
0x1b7: {  	s4 =	sadd.s32 $0x64, s17;
	[sflag:s21] =	ssyncset.done $0x0  }
0x1b8: {  	v2 =	vmov s4;
	[sflag:s21] =	ssyncadd.s32 $0xFFFFD000  }
0x1b9: {  	v2 =	vand.u32 $0xFFFFFFFC, v2;
	_ =	swait.ge [sflag:s3], $0x3000  }
0x1ba: {  	v2 =	vbroadcast v2, $0x0;
	[sflag:s3] =	ssyncset.done $0x0  }
0x1bb: {  	s24 =	simm.s32 $0x18900;
	[sflag:s3] =	ssyncadd.s32 $0xFFFFD000  }
0x1bc: {  	v3 =	vld [tilespmem:s24+$0xFFFFFF70]  }
0x1bd: {  	v4 =	vld [tilespmem:s24+$0xFFFFFF40]  }
0x1be: {  	v5 =	vld [tilespmem:s24+$0xFFFFFF00]  }
0x1bf: {  	v8 =	vld [tilespmem:s24+$0xFFFFFF30]  }
0x1c0: {  	v6 =	vld.idx.msk [tilespmem:v2+s25+$0x0], $0xffff  }
0x1c1: {  	v2 =	vld.idx.msk [tilespmem:v2+s26+$0x0], $0xffff  }
0x1c2: {  	v7 =	vld [tilespmem:s24+$0xFFFFFF50]  }
0x1c3: {  	v38 =	vld [tilespmem:s24+$0xFFFFFF10]  }
0x1c4: {  	v40 =	vld [tilespmem:s24+$0xFFFFFF60]  }
0x1c5: {  	v39 =	vld [tilespmem:s24+$0xFFFFFF20];
	v41 =	vmul.f32 v5, v6;
	v43 =	vmul.f32 v4, v6  }
0x1c6: {  	s22 =	sadd.s32 $0x65, s17;
	v4 =	vmul.f32 v4, v2;
	v44 =	vmul.f32 v8, v6  }
0x1c7: {  	v42 =	vmov s22;
	v45 =	vmul.f32 v3, v2;
	v17 =	vmul.f32 v7, v2  }
0x1c8: {  	v13 =	vand.u32 $0xFFFFFFFD, v42;
	v46 =	vmul.f32 v38, v6;
	v5 =	vmul.f32 v5, v2  }
0x1c9: {  	v47 =	vmul.f32 v40, v2;
	v11 =	vmul.f32 v40, v6;
	v4 =	vsub.f32 v41, v4  }
0x1ca: {  	v9 =	vmul.f32 v38, v2;
	v10 =	vmul.f32 v39, v2;
	v15 =	vsub.f32 v44, v45  }
0x1cb: {  	v3 =	vmul.f32 v3, v6;
	v2 =	vmul.f32 v8, v2;
	v5 =	vadd.f32 v43, v5;
	[tilespmem:s24+$0xFFFFFF00] =	vst v4  }
0x1cc: {  	v18 =	vmul.f32 v39, v6;
	v7 =	vmul.f32 v7, v6;
	v6 =	vadd.f32 v11, v10;
	[tilespmem:s24+$0xFFFFFF30] =	vst v15  }
0x1cd: {  	v48 =	vbroadcast v13, $0x0;
	v2 =	vadd.f32 v3, v2;
	[tilespmem:s24+$0xFFFFFF40] =	vst v5  }
0x1ce: {  	v4 =	vsub.f32 v46, v17;
	[tilespmem:s24+$0xFFFFFF60] =	vst v6  }
0x1cf: {  	v49 =	vld [tilespmem:s24+$0xFFFFFF90];
	v5 =	vadd.f32 v7, v9;
	[tilespmem:s24+$0xFFFFFF70] =	vst v2  }
0x1d0: {  	v50 =	vld [tilespmem:s24+$0xFFFFFFE0];
	[tilespmem:s24+$0xFFFFFF10] =	vst v4;
	v4 =	vsub.f32 v18, v47  }
0x1d1: {  	v8 =	vld [tilespmem:s24+$0xFFFFFF80];
	[tilespmem:s24+$0xFFFFFF50] =	vst v5  }
0x1d2: {  	v6 =	vld [tilespmem:s24+$0xFFFFFFC0];
	[tilespmem:s24+$0xFFFFFF20] =	vst v4  }
0x1d3: {  	v5 =	vld.idx.msk [tilespmem:v48+s25+$0x0], $0xffff  }
0x1d4: {  	v7 =	vld.idx.msk [tilespmem:v48+s26+$0x0], $0xffff  }
0x1d5: {  	s29 =	sadd.s32 $0x66, s17;
	v4 =	vld [tilespmem:s24+$0xFFFFFFD0]  }
0x1d6: {  	v53 =	vmov s29;
	v3 =	vld [tilespmem:s24+$0xFFFFFFA0]  }
0x1d7: {  	v13 =	vand.u32 $0xFFFFFFFE, v53;
	v52 =	vld [tilespmem:s24+$0xFFFFFFB0]  }
0x1d8: {  	v63 =	vbroadcast v13, $0x0;
	v2 =	vld [tilespmem:s24+$0xFFFFFFF0]  }
0x1d9: {  	v51 =	vmul.f32 v6, v5;
	v55 =	vmul.f32 v8, v7  }
0x1da: {  	v56 =	vmul.f32 v4, v5;
	v57 =	vmul.f32 v49, v7  }
0x1db: {  	v58 =	vmul.f32 v50, v5;
	v59 =	vmul.f32 v3, v7;
	v11 =	vadd.f32 v51, v55  }
0x1dc: {  	v8 =	vmul.f32 v8, v5;
	v6 =	vmul.f32 v6, v7;
	v16 =	vadd.f32 v56, v57  }
0x1dd: {  	v54 =	vmul.f32 v2, v5;
	v61 =	vmul.f32 v52, v7;
	v60 =	vadd.f32 v58, v59;
	[tilespmem:s24+$0xFFFFFFC0] =	vst v11  }
0x1de: {  	v4 =	vmul.f32 v4, v7;
	v6 =	vsub.f32 v8, v6;
	v8 =	vmul.f32 v49, v5;
	[tilespmem:s24+$0xFFFFFFD0] =	vst v16  }
0x1df: {  	v12 =	vmul.f32 v52, v5;
	v2 =	vmul.f32 v2, v7;
	v62 =	vadd.f32 v54, v61;
	[tilespmem:s24+$0xFFFFFFE0] =	vst v60  }
0x1e0: {  	v7 =	vmul.f32 v50, v7;
	v5 =	vmul.f32 v3, v5;
	[tilespmem:s24+$0xFFFFFF80] =	vst v6;
	v4 =	vsub.f32 v8, v4  }
0x1e1: {  	v3 =	vld [tilespmem:s24+$0x40];
	v6 =	vsub.f32 v12, v2;
	[tilespmem:s24+$0xFFFFFFF0] =	vst v62  }
0x1e2: {  	v2 =	vld [tilespmem:s24+$0x60];
	v5 =	vsub.f32 v5, v7;
	[tilespmem:s24+$0xFFFFFF90] =	vst v4  }
0x1e3: {  	v7 =	vld [tilespmem:s24+$0x0];
	[tilespmem:s24+$0xFFFFFFB0] =	vst v6  }
0x1e4: {  	[tilespmem:s24+$0xFFFFFFA0] =	vst v5;
	v6 =	vld [tilespmem:s24+$0x20]  }
0x1e5: {  	s19 =	sadd.s32 $0x1, s19;
	v4 =	vld.idx.msk [tilespmem:v63+s25+$0x0], $0xffff  }
0x1e6: {  	s9 =	simm.s32 $0x0;
	s2 =	sadd.s32 $0x67, s17;
	s17 =	simm.s32 $0x18900;
	v5 =	vld.idx.msk [tilespmem:v63+s26+$0x0], $0xffff  }
.LBB2_12:
0x1e7: {  	s24 =	sadd.s32 $0x200, s24;
	s22 =	smov.u32 s9;
	s9 =	sadd.s32 $0x4, s9  }
0x1e8: {  	p0 =	slt.u32 s9, $0x2C;
	v8 =	vld [tilespmem:s17+$0x10]  }
0x1e9: {  	v9 =	vld [tilespmem:s17+$0x70]  }
0x1ea: {  	v10 =	vld [tilespmem:s17+$0x50]  }
0x1eb: {  	v11 =	vmul.f32 v7, v4;
	v12 =	vmul.f32 v6, v4;
	v13 =	vld [tilespmem:s17+$0x30]  }
0x1ec: {  	v15 =	vmul.f32 v2, v4;
	v14 =	vmul.f32 v3, v5  }
0x1ed: {  	v7 =	vmul.f32 v7, v5;
	v16 =	vmul.f32 v8, v4  }
0x1ee: {  	v6 =	vmul.f32 v6, v5;
	v11 =	vsub.f32 v11, v14;
	v8 =	vmul.f32 v8, v5  }
0x1ef: {  	v17 =	vmul.f32 v9, v5;
	v14 =	vmul.f32 v10, v5  }
0x1f0: {  	v3 =	vmul.f32 v3, v4;
	[tilespmem:s17+$0x0] =	vst v11;
	v11 =	vmul.f32 v13, v5  }
0x1f1: {  	v2 =	vmul.f32 v2, v5;
	v5 =	vmul.f32 v13, v4  }
0x1f2: {  	v3 =	vadd.f32 v3, v7;
	v10 =	vmul.f32 v10, v4;
	v7 =	vsub.f32 v16, v14  }
0x1f3: {  	v12 =	vsub.f32 v12, v2;
	v4 =	vmul.f32 v9, v4;
	v2 =	vsub.f32 v5, v17  }
0x1f4: {  	v6 =	vadd.f32 v15, v6;
	v5 =	vadd.f32 v10, v8;
	[tilespmem:s17+$0x40] =	vst v3  }
0x1f5: {  	v4 =	vadd.f32 v4, v11;
	[tilespmem:s17+$0x30] =	vst v2;
	v8 =	vld [tilespmem:s17+$0x80]  }
0x1f6: {  	v3 =	vld [tilespmem:s24+$0x40];
	[tilespmem:s17+$0x60] =	vst v6;
	v6 =	vmov s2  }
0x1f7: {  	v2 =	vld [tilespmem:s24+$0x60];
	[tilespmem:s17+$0x70] =	vst v4  }
0x1f8: {  	[tilespmem:s17+$0x10] =	vst v7;
	v4 =	vld [tilespmem:s17+$0xD0]  }
0x1f9: {  	[tilespmem:s17+$0x50] =	vst v5;
	v5 =	vld [tilespmem:s17+$0xC0]  }
0x1fa: {  	[tilespmem:s17+$0x20] =	vst v12;
	v7 =	vld [tilespmem:s17+$0xA0]  }
0x1fb: {  	v9 =	vld.idx.msk [tilespmem:v6+s25+$0x0], $0xffff  }
0x1fc: {  	v6 =	vld.idx.msk [tilespmem:v6+s26+$0x0], $0xffff  }
0x1fd: {  	v10 =	vld [tilespmem:s17+$0xF0]  }
0x1fe: {  	v11 =	vld [tilespmem:s17+$0x90];
	_ =	sdelay $0x1  }
0x1ff: {  	v12 =	vld [tilespmem:s17+$0xB0]  }
0x200: {  	v13 =	vmul.f32 v8, v9;
	v15 =	vmul.f32 v7, v9;
	v14 =	vld [tilespmem:s17+$0xE0]  }
0x201: {  	v16 =	vmul.f32 v5, v6;
	v17 =	vmul.f32 v10, v6  }
0x202: {  	v19 =	vmul.f32 v4, v6;
	v18 =	vmul.f32 v11, v9  }
0x203: {  	v8 =	vmul.f32 v8, v6;
	v4 =	vmul.f32 v4, v9;
	v13 =	vsub.f32 v13, v16  }
0x204: {  	v11 =	vmul.f32 v11, v6;
	v16 =	vsub.f32 v18, v19;
	v18 =	vmul.f32 v12, v6  }
0x205: {  	s2 =	sadd.s32 s22, s13;
	v5 =	vmul.f32 v5, v9;
	[tilespmem:s17+$0x80] =	vst v13;
	v13 =	vmul.f32 v14, v6  }
0x206: {  	s4 =	sadd.s32 $0x64, s2;
	s22 =	sadd.s32 $0x65, s2;
	s29 =	sadd.s32 $0x66, s2;
	v4 =	vadd.f32 v4, v11;
	v11 =	vmul.f32 v14, v9;
	v6 =	vmul.f32 v7, v6  }
0x207: {  	s2 =	sadd.s32 $0x67, s2;
	v12 =	vmul.f32 v12, v9;
	v7 =	vmov s4;
	v13 =	vsub.f32 v15, v13  }
0x208: {  	v9 =	vmul.f32 v10, v9;
	v7 =	vand.u32 $0xFFFFFFFC, v7;
	v6 =	vadd.f32 v11, v6;
	[tilespmem:s17+$0x90] =	vst v16  }
0x209: {  	v5 =	vadd.f32 v5, v8;
	v7 =	vbroadcast v7, $0x0;
	[tilespmem:s17+$0xD0] =	vst v4;
	v4 =	vsub.f32 v12, v17  }
0x20a: {  	v8 =	vmov s22;
	v10 =	vmov s29;
	[tilespmem:s17+$0xE0] =	vst v6;
	v6 =	vadd.f32 v9, v18  }
0x20b: {  	v8 =	vand.u32 $0xFFFFFFFD, v8;
	v10 =	vand.u32 $0xFFFFFFFE, v10;
	v9 =	vld [tilespmem:s24+$0xFFFFFF60];
	[tilespmem:s17+$0xC0] =	vst v5  }
0x20c: {  	v5 =	vld [tilespmem:s24+$0xFFFFFF70];
	[tilespmem:s17+$0xF0] =	vst v6  }
0x20d: {  	v6 =	vld [tilespmem:s24+$0xFFFFFF40];
	[tilespmem:s17+$0xB0] =	vst v4  }
0x20e: {  	v4 =	vld [tilespmem:s24+$0xFFFFFF00];
	[tilespmem:s17+$0xA0] =	vst v13;
	s17 =	smov.u32 s24  }
0x20f: {  	v11 =	vld.idx.msk [tilespmem:v7+s25+$0x0], $0xffff  }
0x210: {  	v7 =	vld.idx.msk [tilespmem:v7+s26+$0x0], $0xffff  }
0x211: {  	v12 =	vld [tilespmem:s24+$0xFFFFFF20]  }
0x212: {  	v13 =	vld [tilespmem:s24+$0xFFFFFF50]  }
0x213: {  	v14 =	vld [tilespmem:s24+$0xFFFFFF30]  }
0x214: {  	v15 =	vld [tilespmem:s24+$0xFFFFFF10]  }
0x215: {  	v16 =	vmul.f32 v4, v11;
	v17 =	vmul.f32 v6, v11  }
0x216: {  	v6 =	vmul.f32 v6, v7;
	v18 =	vmul.f32 v12, v11  }
0x217: {  	v19 =	vmul.f32 v13, v7;
	v13 =	vmul.f32 v13, v11  }
0x218: {  	v20 =	vmul.f32 v5, v7;
	v6 =	vsub.f32 v16, v6;
	v16 =	vmul.f32 v14, v11  }
0x219: {  	v22 =	vmul.f32 v9, v11;
	v21 =	vmul.f32 v15, v11  }
0x21a: {  	v4 =	vmul.f32 v4, v7;
	[tilespmem:s24+$0xFFFFFF00] =	vst v6;
	v6 =	vmul.f32 v15, v7;
	v15 =	vsub.f32 v16, v20  }
0x21b: {  	v9 =	vmul.f32 v9, v7;
	v12 =	vmul.f32 v12, v7;
	v16 =	vsub.f32 v21, v19  }
0x21c: {  	v5 =	vmul.f32 v5, v11;
	v4 =	vadd.f32 v17, v4;
	v7 =	vmul.f32 v14, v7;
	[tilespmem:s24+$0xFFFFFF30] =	vst v15  }
0x21d: {  	v8 =	vbroadcast v8, $0x0;
	v9 =	vsub.f32 v18, v9;
	v11 =	vadd.f32 v22, v12;
	[tilespmem:s24+$0xFFFFFF10] =	vst v16  }
0x21e: {  	v5 =	vadd.f32 v5, v7;
	[tilespmem:s24+$0xFFFFFF40] =	vst v4;
	v4 =	vadd.f32 v13, v6  }
0x21f: {  	[tilespmem:s24+$0xFFFFFF20] =	vst v9;
	v6 =	vld [tilespmem:s24+$0xFFFFFFE0]  }
0x220: {  	[tilespmem:s24+$0xFFFFFF50] =	vst v4;
	v4 =	vld [tilespmem:s24+$0xFFFFFFA0]  }
0x221: {  	[tilespmem:s24+$0xFFFFFF60] =	vst v11;
	v7 =	vld [tilespmem:s24+$0xFFFFFFD0]  }
0x222: {  	[tilespmem:s24+$0xFFFFFF70] =	vst v5;
	v5 =	vld [tilespmem:s24+$0xFFFFFFF0]  }
0x223: {  	v9 =	vld.idx.msk [tilespmem:v8+s25+$0x0], $0xffff  }
0x224: {  	v11 =	vld [tilespmem:s24+$0xFFFFFFC0]  }
0x225: {  	v8 =	vld.idx.msk [tilespmem:v8+s26+$0x0], $0xffff  }
0x226: {  	v12 =	vld [tilespmem:s24+$0xFFFFFF80]  }
0x227: {  	v13 =	vld [tilespmem:s24+$0xFFFFFF90];
	_ =	sdelay $0x1  }
0x228: {  	v15 =	vmul.f32 v5, v9;
	v14 =	vmul.f32 v11, v9  }
0x229: {  	v16 =	vmul.f32 v7, v9;
	v17 =	vmul.f32 v4, v9;
	v18 =	vld [tilespmem:s24+$0xFFFFFFB0]  }
0x22a: {  	v19 =	vmul.f32 v12, v9;
	v12 =	vmul.f32 v12, v8  }
0x22b: {  	v21 =	vmul.f32 v6, v8;
	v20 =	vmul.f32 v13, v8  }
0x22c: {  	v7 =	vmul.f32 v7, v8;
	v6 =	vmul.f32 v6, v9;
	v12 =	vadd.f32 v14, v12  }
0x22d: {  	v11 =	vmul.f32 v11, v8;
	v4 =	vmul.f32 v4, v8;
	v14 =	vadd.f32 v16, v20  }
0x22e: {  	v5 =	vmul.f32 v5, v8;
	[tilespmem:s24+$0xFFFFFFC0] =	vst v12;
	v12 =	vmul.f32 v18, v9  }
0x22f: {  	v4 =	vadd.f32 v6, v4;
	v11 =	vsub.f32 v19, v11;
	v6 =	vmul.f32 v18, v8;
	[tilespmem:s24+$0xFFFFFFD0] =	vst v14  }
0x230: {  	v8 =	vmul.f32 v13, v9;
	v9 =	vsub.f32 v17, v21;
	v5 =	vsub.f32 v12, v5  }
0x231: {  	v10 =	vbroadcast v10, $0x0;
	[tilespmem:s24+$0xFFFFFFE0] =	vst v4;
	v4 =	vadd.f32 v15, v6  }
0x232: {  	v6 =	vsub.f32 v8, v7;
	[tilespmem:s24+$0xFFFFFF80] =	vst v11  }
0x233: {  	[tilespmem:s24+$0xFFFFFFF0] =	vst v4  }
.Ltmp4:
0x234: {  	[tilespmem:s24+$0xFFFFFF90] =	vst v6;
	(pc) =	sbr.rel @p0 .LBB2_12-.Ltmp4, $4  }
0x235: {  	[tilespmem:s24+$0xFFFFFFB0] =	vst v5;
	v7 =	vld [tilespmem:s24+$0x0]  }
0x236: {  	[tilespmem:s24+$0xFFFFFFA0] =	vst v9;
	v6 =	vld [tilespmem:s24+$0x20]  }
0x237: {  	v4 =	vld.idx.msk [tilespmem:v10+s25+$0x0], $0xffff  }
0x238: {  	v5 =	vld.idx.msk [tilespmem:v10+s26+$0x0], $0xffff  }
0x239: {  	_ =	sdelay $0x1  }
0x23a: {  	v8 =	vld [tilespmem:s17+$0x70]  }
0x23b: {  	v9 =	vld [tilespmem:s17+$0x30];
	v11 =	vmul.f32 v7, v4  }
0x23c: {  	v10 =	vld [tilespmem:s17+$0x10];
	v13 =	vmul.f32 v6, v4;
	v14 =	vmul.f32 v3, v5  }
0x23d: {  	v12 =	vld [tilespmem:s17+$0x50];
	v34 =	vmul.f32 v7, v5;
	v3 =	vmul.f32 v3, v4  }
0x23e: {  	v16 =	vmul.f32 v2, v4;
	v2 =	vmul.f32 v2, v5;
	v11 =	vsub.f32 v11, v14  }
0x23f: {  	v36 =	vmul.f32 v6, v5;
	v35 =	vmul.f32 v8, v5;
	v3 =	vadd.f32 v3, v34  }
0x240: {  	v15 =	vmul.f32 v9, v4;
	v37 =	vmul.f32 v9, v5;
	v2 =	vsub.f32 v13, v2;
	[tilespmem:s17+$0x0] =	vst v11  }
0x241: {  	v8 =	vmul.f32 v8, v4;
	v39 =	vmul.f32 v10, v4;
	[tilespmem:s17+$0x40] =	vst v3;
	v3 =	vadd.f32 v16, v36  }
0x242: {  	v40 =	vmul.f32 v12, v5;
	v41 =	vmul.f32 v10, v5;
	v38 =	vsub.f32 v15, v35;
	[tilespmem:s17+$0x20] =	vst v2  }
0x243: {  	v42 =	vmul.f32 v12, v4;
	v7 =	vadd.f32 v8, v37;
	[tilespmem:s17+$0x60] =	vst v3;
	v3 =	vmov s2  }
0x244: {  	v44 =	vsub.f32 v39, v40;
	[tilespmem:s17+$0x30] =	vst v38  }
0x245: {  	v43 =	vld [tilespmem:s17+$0x80];
	v4 =	vadd.f32 v42, v41;
	[tilespmem:s17+$0x70] =	vst v7  }
0x246: {  	v45 =	vld [tilespmem:s17+$0xD0];
	[tilespmem:s17+$0x10] =	vst v44  }
0x247: {  	v46 =	vld [tilespmem:s17+$0xC0];
	[tilespmem:s17+$0x50] =	vst v4  }
0x248: {  	v2 =	vld.idx.msk [tilespmem:v3+s25+$0x0], $0xffff  }
0x249: {  	v3 =	vld.idx.msk [tilespmem:v3+s26+$0x0], $0xffff  }
0x24a: {  	v47 =	vld [tilespmem:s17+$0x90]  }
0x24b: {  	v48 =	vld [tilespmem:s17+$0xA0]  }
0x24c: {  	v49 =	vld [tilespmem:s17+$0xE0]  }
0x24d: {  	v50 =	vld [tilespmem:s17+$0xF0]  }
0x24e: {  	v51 =	vld [tilespmem:s17+$0xB0];
	v52 =	vmul.f32 v43, v2;
	v53 =	vmul.f32 v46, v3  }
0x24f: {  	v54 =	vmul.f32 v47, v2;
	v55 =	vmul.f32 v45, v3  }
0x250: {  	v5 =	vmul.f32 v45, v2;
	v6 =	vmul.f32 v47, v3;
	v12 =	vsub.f32 v52, v53  }
0x251: {  	v57 =	vmul.f32 v49, v2;
	v58 =	vmul.f32 v48, v3;
	v56 =	vsub.f32 v54, v55  }
0x252: {  	v8 =	vmul.f32 v43, v3;
	v4 =	vmul.f32 v46, v2;
	v5 =	vadd.f32 v5, v6;
	[tilespmem:s17+$0x80] =	vst v12  }
0x253: {  	v59 =	vmul.f32 v51, v3;
	v61 =	vmul.f32 v50, v2;
	v60 =	vadd.f32 v57, v58;
	[tilespmem:s17+$0x90] =	vst v56  }
0x254: {  	v10 =	vmul.f32 v50, v3;
	v11 =	vmul.f32 v51, v2;
	v4 =	vadd.f32 v4, v8;
	[tilespmem:s17+$0xD0] =	vst v5  }
0x255: {  	v2 =	vmul.f32 v48, v2;
	v3 =	vmul.f32 v49, v3;
	v62 =	vadd.f32 v61, v59;
	[tilespmem:s17+$0xE0] =	vst v60  }
0x256: {  	v63 =	vsub.f32 v11, v10;
	[tilespmem:s17+$0xC0] =	vst v4  }
0x257: {  	p0 =	seq.s32 s14, $0x6;
	v2 =	vsub.f32 v2, v3;
	[tilespmem:s17+$0xF0] =	vst v62  }
0x258: {  	s18 =	sshra.s32 @!p0 s18, $0x2;
	[tilespmem:s17+$0xB0] =	vst v63  }
0x259: {  	s4 =	simm.s32 @!p0 $0x60;
	s9 =	simm.s32 @!p0 $0x15800;
	s2 =	sadd.s32 @!p0 $0x14180, s18;
	[tilespmem:s17+$0xA0] =	vst v2  }
0x25a: {  	[tilespmem:s9], [sflag:$0x1] =	stream.indirect.gather @!p0 [hbm4b:s8+s4], $0x80, s2, s4, $0xb8;
	[tilespmem:$0x1E800] =	vst v63  }
0x25b: {  	s9 =	simm.s32 $0x93;
	s2 =	simm.s32 $0x1A1F0  }
.LBB2_14:
0x25c: {  	s17 =	sadd.s32 s9, s13  }
0x25d: {  	s4 =	sadd.s32 $0xFFFFFFFD, s17  }
0x25e: {  	v2 =	vmov s4  }
0x25f: {  	v2 =	vand.u32 $0xFFFFFFFC, v2  }
0x260: {  	v2 =	vbroadcast v2, $0x0;
	_ =	sdelay $0x3  }
0x261: {  	v4 =	vld [tilespmem:s2+$0xFFFFFE10]  }
0x262: {  	v5 =	vld [tilespmem:s2+$0xFFFFFE50]  }
0x263: {  	v3 =	vld.idx.msk [tilespmem:v2+s25+$0x0], $0xffff  }
0x264: {  	v2 =	vld.idx.msk [tilespmem:v2+s26+$0x0], $0xffff  }
0x265: {  	v52 =	vld [tilespmem:s2+$0xFFFFFE20]  }
0x266: {  	v53 =	vld [tilespmem:s2+$0xFFFFFE60]  }
0x267: {  	v56 =	vld [tilespmem:s2+$0xFFFFFE30]  }
0x268: {  	v57 =	vld [tilespmem:s2+$0xFFFFFE70]  }
0x269: {  	v6 =	vmul.f32 v4, v3;
	v7 =	vmul.f32 v5, v2  }
0x26a: {  	v5 =	vmul.f32 v5, v3;
	v4 =	vmul.f32 v4, v2  }
0x26b: {  	v60 =	vld [tilespmem:s2+$0xFFFFFE40];
	v54 =	vmul.f32 v52, v3;
	v55 =	vmul.f32 v53, v2;
	v6 =	vsub.f32 v6, v7  }
0x26c: {  	v61 =	vld [tilespmem:s2+$0xFFFFFE80];
	v4 =	vadd.f32 v5, v4  }
0x26d: {  	v58 =	vmul.f32 v56, v3;
	v59 =	vmul.f32 v57, v2;
	[tilespmem:s2+$0xFFFFFE10] =	vst v6;
	v6 =	vsub.f32 v54, v55  }
0x26e: {  	v5 =	vmul.f32 v53, v3;
	[tilespmem:s2+$0xFFFFFE50] =	vst v4;
	v4 =	vmul.f32 v52, v2  }
0x26f: {  	s22 =	sadd.s32 $0xFFFFFFFE, s17;
	[tilespmem:s2+$0xFFFFFE20] =	vst v6;
	v6 =	vsub.f32 v58, v59  }
0x270: {  	v62 =	vmov s22;
	v63 =	vmul.f32 v60, v3;
	v4 =	vadd.f32 v5, v4  }
0x271: {  	v8 =	vmul.f32 v61, v2;
	v5 =	vmul.f32 v57, v3;
	[tilespmem:s2+$0xFFFFFE30] =	vst v6;
	v6 =	vand.u32 $0xFFFFFFFD, v62  }
0x272: {  	[tilespmem:s2+$0xFFFFFE60] =	vst v4;
	v4 =	vmul.f32 v56, v2;
	v6 =	vbroadcast v6, $0x0  }
0x273: {  	v10 =	vsub.f32 v63, v8;
	v3 =	vmul.f32 v61, v3;
	v2 =	vmul.f32 v60, v2  }
0x274: {  	v4 =	vadd.f32 v5, v4  }
0x275: {  	[tilespmem:s2+$0xFFFFFE40] =	vst v10;
	v2 =	vadd.f32 v3, v2  }
0x276: {  	v11 =	vld [tilespmem:s2+$0xFFFFFE90];
	[tilespmem:s2+$0xFFFFFE70] =	vst v4  }
0x277: {  	v12 =	vld [tilespmem:s2+$0xFFFFFED0];
	[tilespmem:s2+$0xFFFFFE80] =	vst v2  }
0x278: {  	v2 =	vld.idx.msk [tilespmem:v6+s25+$0x0], $0xffff  }
0x279: {  	v3 =	vld.idx.msk [tilespmem:v6+s26+$0x0], $0xffff  }
0x27a: {  	v15 =	vld [tilespmem:s2+$0xFFFFFEA0]  }
0x27b: {  	v16 =	vld [tilespmem:s2+$0xFFFFFEE0]  }
0x27c: {  	v19 =	vld [tilespmem:s2+$0xFFFFFEB0]  }
0x27d: {  	v20 =	vld [tilespmem:s2+$0xFFFFFEF0]  }
0x27e: {  	v13 =	vmul.f32 v11, v2;
	v14 =	vmul.f32 v12, v3  }
0x27f: {  	v5 =	vmul.f32 v12, v2;
	v4 =	vmul.f32 v11, v3  }
0x280: {  	v23 =	vld [tilespmem:s2+$0xFFFFFEC0];
	v17 =	vmul.f32 v15, v2;
	v18 =	vmul.f32 v16, v3;
	v6 =	vsub.f32 v13, v14  }
0x281: {  	v24 =	vld [tilespmem:s2+$0xFFFFFF00];
	v4 =	vadd.f32 v5, v4  }
0x282: {  	v21 =	vmul.f32 v19, v2;
	v22 =	vmul.f32 v20, v3;
	[tilespmem:s2+$0xFFFFFE90] =	vst v6;
	v6 =	vsub.f32 v17, v18  }
0x283: {  	v5 =	vmul.f32 v16, v2;
	[tilespmem:s2+$0xFFFFFED0] =	vst v4;
	v4 =	vmul.f32 v15, v3  }
0x284: {  	s24 =	sadd.s32 $0xFFFFFFFF, s17;
	[tilespmem:s2+$0xFFFFFEA0] =	vst v6;
	v6 =	vsub.f32 v21, v22  }
0x285: {  	v25 =	vmov s24;
	v26 =	vmul.f32 v23, v2;
	v4 =	vadd.f32 v5, v4  }
0x286: {  	v27 =	vmul.f32 v24, v3;
	v5 =	vmul.f32 v20, v2;
	[tilespmem:s2+$0xFFFFFEB0] =	vst v6;
	v6 =	vand.u32 $0xFFFFFFFE, v25  }
0x287: {  	[tilespmem:s2+$0xFFFFFEE0] =	vst v4;
	v4 =	vmul.f32 v19, v3;
	v6 =	vbroadcast v6, $0x0  }
0x288: {  	v28 =	vsub.f32 v26, v27;
	v2 =	vmul.f32 v24, v2;
	v3 =	vmul.f32 v23, v3  }
0x289: {  	v4 =	vadd.f32 v5, v4  }
0x28a: {  	[tilespmem:s2+$0xFFFFFEC0] =	vst v28;
	v2 =	vadd.f32 v2, v3  }
0x28b: {  	v29 =	vld [tilespmem:s2+$0xFFFFFF10];
	[tilespmem:s2+$0xFFFFFEF0] =	vst v4  }
0x28c: {  	v30 =	vld [tilespmem:s2+$0xFFFFFF50];
	[tilespmem:s2+$0xFFFFFF00] =	vst v2  }
0x28d: {  	v2 =	vld.idx.msk [tilespmem:v6+s25+$0x0], $0xffff  }
0x28e: {  	v3 =	vld.idx.msk [tilespmem:v6+s26+$0x0], $0xffff;
	_ =	sdelay $0x1  }
0x28f: {  	v33 =	vld [tilespmem:s2+$0xFFFFFF20]  }
0x290: {  	v34 =	vld [tilespmem:s2+$0xFFFFFF60]  }
0x291: {  	v37 =	vld [tilespmem:s2+$0xFFFFFF30]  }
0x292: {  	v41 =	vld [tilespmem:s2+$0xFFFFFF40];
	v5 =	vmul.f32 v30, v2;
	v4 =	vmul.f32 v29, v3  }
0x293: {  	v42 =	vld [tilespmem:s2+$0xFFFFFF80]  }
0x294: {  	v38 =	vld [tilespmem:s2+$0xFFFFFF70];
	v4 =	vadd.f32 v5, v4  }
0x295: {  	v31 =	vmul.f32 v29, v2;
	v32 =	vmul.f32 v30, v3  }
0x296: {  	v45 =	vmov s17;
	v5 =	vmul.f32 v34, v2;
	[tilespmem:s2+$0xFFFFFF50] =	vst v4;
	v4 =	vmul.f32 v33, v3  }
0x297: {  	v35 =	vmul.f32 v33, v2;
	v36 =	vmul.f32 v34, v3;
	v6 =	vsub.f32 v31, v32  }
0x298: {  	v43 =	vmul.f32 v41, v2;
	v44 =	vmul.f32 v42, v3;
	v4 =	vadd.f32 v5, v4  }
0x299: {  	v39 =	vmul.f32 v37, v2;
	v40 =	vmul.f32 v38, v3;
	[tilespmem:s2+$0xFFFFFF10] =	vst v6;
	v6 =	vsub.f32 v35, v36  }
0x29a: {  	v46 =	vsub.f32 v43, v44;
	v5 =	vmul.f32 v38, v2;
	[tilespmem:s2+$0xFFFFFF60] =	vst v4;
	v4 =	vmul.f32 v37, v3  }
0x29b: {  	[tilespmem:s2+$0xFFFFFF20] =	vst v6;
	v6 =	vsub.f32 v39, v40;
	v2 =	vmul.f32 v42, v2;
	v3 =	vmul.f32 v41, v3  }
0x29c: {  	[tilespmem:s2+$0xFFFFFF40] =	vst v46;
	v4 =	vadd.f32 v5, v4  }
0x29d: {  	[tilespmem:s2+$0xFFFFFF30] =	vst v6;
	v2 =	vadd.f32 v2, v3  }
0x29e: {  	v47 =	vld [tilespmem:s2+$0xFFFFFF90];
	[tilespmem:s2+$0xFFFFFF70] =	vst v4  }
0x29f: {  	v48 =	vld [tilespmem:s2+$0xFFFFFFD0];
	[tilespmem:s2+$0xFFFFFF80] =	vst v2  }
0x2a0: {  	v2 =	vld.idx.msk [tilespmem:v45+s25+$0x0], $0xffff  }
0x2a1: {  	v3 =	vld.idx.msk [tilespmem:v45+s26+$0x0], $0xffff;
	_ =	sdelay $0x1  }
0x2a2: {  	v51 =	vld [tilespmem:s2+$0xFFFFFFA0]  }
0x2a3: {  	v52 =	vld [tilespmem:s2+$0xFFFFFFE0]  }
0x2a4: {  	v55 =	vld [tilespmem:s2+$0xFFFFFFB0]  }
0x2a5: {  	v59 =	vld [tilespmem:s2+$0xFFFFFFC0];
	v5 =	vmul.f32 v48, v2;
	v4 =	vmul.f32 v47, v3  }
0x2a6: {  	v60 =	vld [tilespmem:s2+$0x0]  }
0x2a7: {  	v56 =	vld [tilespmem:s2+$0xFFFFFFF0];
	v4 =	vadd.f32 v5, v4  }
0x2a8: {  	v49 =	vmul.f32 v47, v2;
	v50 =	vmul.f32 v48, v3  }
0x2a9: {  	v5 =	vmul.f32 v52, v2;
	[tilespmem:s2+$0xFFFFFFD0] =	vst v4;
	v4 =	vmul.f32 v51, v3  }
0x2aa: {  	v53 =	vmul.f32 v51, v2;
	v54 =	vmul.f32 v52, v3;
	v6 =	vsub.f32 v49, v50  }
0x2ab: {  	v61 =	vmul.f32 v59, v2;
	v62 =	vmul.f32 v60, v3;
	v4 =	vadd.f32 v5, v4  }
0x2ac: {  	s29 =	sadd.s32 $0xFFFFFF9D, s9;
	v57 =	vmul.f32 v55, v2;
	v58 =	vmul.f32 v56, v3;
	[tilespmem:s2+$0xFFFFFF90] =	vst v6;
	v6 =	vsub.f32 v53, v54  }
0x2ad: {  	p1 =	slt.u32 s29, $0x5C;
	v63 =	vsub.f32 v61, v62;
	v5 =	vmul.f32 v56, v2;
	[tilespmem:s2+$0xFFFFFFE0] =	vst v4;
	v4 =	vmul.f32 v55, v3  }
.Ltmp5:
0x2ae: {  	[tilespmem:s2+$0xFFFFFFA0] =	vst v6;
	v6 =	vsub.f32 v57, v58;
	v2 =	vmul.f32 v60, v2;
	v3 =	vmul.f32 v59, v3;
	(pc) =	sbr.rel @p1 .LBB2_14-.Ltmp5, $4  }
0x2af: {  	[tilespmem:s2+$0xFFFFFFC0] =	vst v63;
	v4 =	vadd.f32 v5, v4  }
0x2b0: {  	[tilespmem:s2+$0xFFFFFFB0] =	vst v6;
	v2 =	vadd.f32 v2, v3  }
0x2b1: {  	[tilespmem:s2+$0xFFFFFFF0] =	vst v4  }
0x2b2: {  	s9 =	sadd.s32 $0x4, s9;
	[tilespmem:s2+$0x0] =	vst v2;
	s2 =	sadd.s32 $0x200, s2  }
0x2b3: {  	s2 =	smul.u32 $0x180, s19;
	_ =	sdelay $0x1  }
0x2b4: {  	s2 =	sshra.s32 s2, $0x2  }
0x2b5: {  	s22 =	sadd.s32 $0xFFFFFFFC, s13;
	s2 =	sadd.s32 $0x13880, s2  }
0x2b6: {  	[spmem:s1] =	stream.indirect.scatter.add.f32 [tilespmem:s30], [sflag:$0x4], $0x80, s2, s28, $0xb8;
	[tilespmem:$0x1E800] =	vst v63  }
0x2b7: {  	s4 =	sadd.s32 $0xC4, s22;
	_ =	swait.ge [sflag:s21], $0x3000  }
0x2b8: {  	v2 =	vmov s4;
	[sflag:s21] =	ssyncset.done $0x0  }
0x2b9: {  	v2 =	vand.u32 $0xFFFFFFFC, v2;
	[sflag:s21] =	ssyncadd.s32 $0xFFFFD000  }
0x2ba: {  	v2 =	vbroadcast v2, $0x0;
	_ =	swait.ge [sflag:s10], $0x3000  }
0x2bb: {  	[sflag:s10] =	ssyncset.done $0x0  }
0x2bc: {  	s19 =	simm.s32 $0x1B900;
	[sflag:s10] =	ssyncadd.s32 $0xFFFFD000  }
0x2bd: {  	v3 =	vld [tilespmem:s19+$0xFFFFFF70]  }
0x2be: {  	v4 =	vld [tilespmem:s19+$0xFFFFFF40]  }
0x2bf: {  	v5 =	vld [tilespmem:s19+$0xFFFFFF00]  }
0x2c0: {  	v6 =	vld.idx.msk [tilespmem:v2+s25+$0x0], $0xffff  }
0x2c1: {  	v2 =	vld.idx.msk [tilespmem:v2+s26+$0x0], $0xffff  }
0x2c2: {  	v7 =	vld [tilespmem:s19+$0xFFFFFF50]  }
0x2c3: {  	v8 =	vld [tilespmem:s19+$0xFFFFFF30]  }
0x2c4: {  	v9 =	vld [tilespmem:s19+$0xFFFFFF10]  }
0x2c5: {  	v10 =	vld [tilespmem:s19+$0xFFFFFF20]  }
0x2c6: {  	v11 =	vld [tilespmem:s19+$0xFFFFFF60];
	v12 =	vmul.f32 v5, v6  }
0x2c7: {  	v14 =	vmul.f32 v4, v6;
	v4 =	vmul.f32 v4, v2  }
0x2c8: {  	v15 =	vmul.f32 v8, v6;
	v16 =	vmul.f32 v3, v2  }
0x2c9: {  	s24 =	sadd.s32 $0xC5, s22;
	v17 =	vmul.f32 v7, v2;
	v46 =	vmul.f32 v9, v6  }
0x2ca: {  	v13 =	vmov s24;
	v18 =	vmul.f32 v10, v6;
	v5 =	vmul.f32 v5, v2  }
0x2cb: {  	v47 =	vmul.f32 v11, v2;
	v11 =	vmul.f32 v11, v6;
	v4 =	vsub.f32 v12, v4  }
0x2cc: {  	v9 =	vmul.f32 v9, v2;
	v10 =	vmul.f32 v10, v2;
	v15 =	vsub.f32 v15, v16  }
0x2cd: {  	v3 =	vmul.f32 v3, v6;
	v2 =	vmul.f32 v8, v2;
	v5 =	vadd.f32 v14, v5;
	[tilespmem:s19+$0xFFFFFF00] =	vst v4  }
0x2ce: {  	v13 =	vand.u32 $0xFFFFFFFD, v13;
	v7 =	vmul.f32 v7, v6;
	v6 =	vadd.f32 v11, v10;
	[tilespmem:s19+$0xFFFFFF30] =	vst v15  }
0x2cf: {  	v48 =	vbroadcast v13, $0x0;
	v2 =	vadd.f32 v3, v2;
	[tilespmem:s19+$0xFFFFFF40] =	vst v5  }
0x2d0: {  	v4 =	vsub.f32 v46, v17;
	[tilespmem:s19+$0xFFFFFF60] =	vst v6  }
0x2d1: {  	v49 =	vld [tilespmem:s19+$0xFFFFFF90];
	v5 =	vadd.f32 v7, v9;
	[tilespmem:s19+$0xFFFFFF70] =	vst v2  }
0x2d2: {  	v50 =	vld [tilespmem:s19+$0xFFFFFFE0];
	[tilespmem:s19+$0xFFFFFF10] =	vst v4;
	v4 =	vsub.f32 v18, v47  }
0x2d3: {  	v8 =	vld [tilespmem:s19+$0xFFFFFF80];
	[tilespmem:s19+$0xFFFFFF50] =	vst v5  }
0x2d4: {  	v6 =	vld [tilespmem:s19+$0xFFFFFFC0];
	[tilespmem:s19+$0xFFFFFF20] =	vst v4  }
0x2d5: {  	v5 =	vld.idx.msk [tilespmem:v48+s25+$0x0], $0xffff  }
0x2d6: {  	v7 =	vld.idx.msk [tilespmem:v48+s26+$0x0], $0xffff  }
0x2d7: {  	s29 =	sadd.s32 $0xC6, s22;
	v4 =	vld [tilespmem:s19+$0xFFFFFFD0]  }
0x2d8: {  	v53 =	vmov s29;
	v3 =	vld [tilespmem:s19+$0xFFFFFFA0]  }
0x2d9: {  	v13 =	vand.u32 $0xFFFFFFFE, v53;
	v52 =	vld [tilespmem:s19+$0xFFFFFFB0]  }
0x2da: {  	v63 =	vbroadcast v13, $0x0;
	v2 =	vld [tilespmem:s19+$0xFFFFFFF0]  }
0x2db: {  	v51 =	vmul.f32 v6, v5;
	v55 =	vmul.f32 v8, v7  }
0x2dc: {  	v56 =	vmul.f32 v4, v5;
	v57 =	vmul.f32 v49, v7  }
0x2dd: {  	v58 =	vmul.f32 v50, v5;
	v59 =	vmul.f32 v3, v7;
	v11 =	vadd.f32 v51, v55  }
0x2de: {  	v8 =	vmul.f32 v8, v5;
	v6 =	vmul.f32 v6, v7;
	v16 =	vadd.f32 v56, v57  }
0x2df: {  	v54 =	vmul.f32 v2, v5;
	v61 =	vmul.f32 v52, v7;
	v60 =	vadd.f32 v58, v59;
	[tilespmem:s19+$0xFFFFFFC0] =	vst v11  }
0x2e0: {  	v4 =	vmul.f32 v4, v7;
	v6 =	vsub.f32 v8, v6;
	v8 =	vmul.f32 v49, v5;
	[tilespmem:s19+$0xFFFFFFD0] =	vst v16  }
0x2e1: {  	v12 =	vmul.f32 v52, v5;
	v2 =	vmul.f32 v2, v7;
	v62 =	vadd.f32 v54, v61;
	[tilespmem:s19+$0xFFFFFFE0] =	vst v60  }
0x2e2: {  	v7 =	vmul.f32 v50, v7;
	v5 =	vmul.f32 v3, v5;
	[tilespmem:s19+$0xFFFFFF80] =	vst v6;
	v4 =	vsub.f32 v8, v4  }
0x2e3: {  	v3 =	vld [tilespmem:s19+$0x40];
	v6 =	vsub.f32 v12, v2;
	[tilespmem:s19+$0xFFFFFFF0] =	vst v62  }
0x2e4: {  	v2 =	vld [tilespmem:s19+$0x60];
	v5 =	vsub.f32 v5, v7;
	[tilespmem:s19+$0xFFFFFF90] =	vst v4  }
0x2e5: {  	v7 =	vld [tilespmem:s19+$0x0];
	[tilespmem:s19+$0xFFFFFFB0] =	vst v6  }
0x2e6: {  	[tilespmem:s19+$0xFFFFFFA0] =	vst v5;
	v6 =	vld [tilespmem:s19+$0x20]  }
0x2e7: {  	v4 =	vld.idx.msk [tilespmem:v63+s25+$0x0], $0xffff  }
0x2e8: {  	s9 =	simm.s32 $0x0;
	s17 =	simm.s32 $0x1B900;
	s2 =	sadd.s32 $0xC7, s22;
	v5 =	vld.idx.msk [tilespmem:v63+s26+$0x0], $0xffff  }
.LBB2_16:
0x2e9: {  	s19 =	sadd.s32 $0x200, s19;
	s22 =	smov.u32 s9;
	s9 =	sadd.s32 $0x4, s9  }
0x2ea: {  	p1 =	slt.u32 s9, $0x2C;
	v8 =	vld [tilespmem:s17+$0x10]  }
0x2eb: {  	v9 =	vld [tilespmem:s17+$0x70]  }
0x2ec: {  	v10 =	vld [tilespmem:s17+$0x50]  }
0x2ed: {  	v11 =	vmul.f32 v7, v4;
	v12 =	vmul.f32 v6, v4;
	v13 =	vld [tilespmem:s17+$0x30]  }
0x2ee: {  	v15 =	vmul.f32 v2, v4;
	v14 =	vmul.f32 v3, v5  }
0x2ef: {  	v7 =	vmul.f32 v7, v5;
	v16 =	vmul.f32 v8, v4  }
0x2f0: {  	v6 =	vmul.f32 v6, v5;
	v11 =	vsub.f32 v11, v14;
	v8 =	vmul.f32 v8, v5  }
0x2f1: {  	v17 =	vmul.f32 v9, v5;
	v14 =	vmul.f32 v10, v5  }
0x2f2: {  	v3 =	vmul.f32 v3, v4;
	[tilespmem:s17+$0x0] =	vst v11;
	v11 =	vmul.f32 v13, v5  }
0x2f3: {  	v2 =	vmul.f32 v2, v5;
	v5 =	vmul.f32 v13, v4  }
0x2f4: {  	v3 =	vadd.f32 v3, v7;
	v10 =	vmul.f32 v10, v4;
	v7 =	vsub.f32 v16, v14  }
0x2f5: {  	v12 =	vsub.f32 v12, v2;
	v4 =	vmul.f32 v9, v4;
	v2 =	vsub.f32 v5, v17  }
0x2f6: {  	v6 =	vadd.f32 v15, v6;
	v5 =	vadd.f32 v10, v8;
	[tilespmem:s17+$0x40] =	vst v3  }
0x2f7: {  	v4 =	vadd.f32 v4, v11;
	[tilespmem:s17+$0x30] =	vst v2;
	v8 =	vld [tilespmem:s17+$0x80]  }
0x2f8: {  	v3 =	vld [tilespmem:s19+$0x40];
	[tilespmem:s17+$0x60] =	vst v6;
	v6 =	vmov s2  }
0x2f9: {  	v2 =	vld [tilespmem:s19+$0x60];
	[tilespmem:s17+$0x70] =	vst v4  }
0x2fa: {  	[tilespmem:s17+$0x10] =	vst v7;
	v4 =	vld [tilespmem:s17+$0xD0]  }
0x2fb: {  	[tilespmem:s17+$0x50] =	vst v5;
	v5 =	vld [tilespmem:s17+$0xC0]  }
0x2fc: {  	[tilespmem:s17+$0x20] =	vst v12;
	v7 =	vld [tilespmem:s17+$0xA0]  }
0x2fd: {  	v9 =	vld.idx.msk [tilespmem:v6+s25+$0x0], $0xffff  }
0x2fe: {  	v6 =	vld.idx.msk [tilespmem:v6+s26+$0x0], $0xffff  }
0x2ff: {  	v10 =	vld [tilespmem:s17+$0xF0]  }
0x300: {  	v11 =	vld [tilespmem:s17+$0x90];
	_ =	sdelay $0x1  }
0x301: {  	v12 =	vld [tilespmem:s17+$0xB0]  }
0x302: {  	v13 =	vmul.f32 v8, v9;
	v15 =	vmul.f32 v7, v9;
	v14 =	vld [tilespmem:s17+$0xE0]  }
0x303: {  	v16 =	vmul.f32 v5, v6;
	v17 =	vmul.f32 v10, v6  }
0x304: {  	v19 =	vmul.f32 v4, v6;
	v18 =	vmul.f32 v11, v9  }
0x305: {  	v8 =	vmul.f32 v8, v6;
	v4 =	vmul.f32 v4, v9;
	v13 =	vsub.f32 v13, v16  }
0x306: {  	v11 =	vmul.f32 v11, v6;
	v16 =	vsub.f32 v18, v19;
	v18 =	vmul.f32 v12, v6  }
0x307: {  	s2 =	sadd.s32 s22, s13;
	v5 =	vmul.f32 v5, v9;
	[tilespmem:s17+$0x80] =	vst v13;
	v13 =	vmul.f32 v14, v6  }
0x308: {  	s4 =	sadd.s32 $0xC4, s2;
	s22 =	sadd.s32 $0xC5, s2;
	s24 =	sadd.s32 $0xC6, s2;
	v4 =	vadd.f32 v4, v11;
	v11 =	vmul.f32 v14, v9;
	v6 =	vmul.f32 v7, v6  }
0x309: {  	s2 =	sadd.s32 $0xC7, s2;
	v12 =	vmul.f32 v12, v9;
	v7 =	vmov s4;
	v13 =	vsub.f32 v15, v13  }
0x30a: {  	v9 =	vmul.f32 v10, v9;
	v7 =	vand.u32 $0xFFFFFFFC, v7;
	v6 =	vadd.f32 v11, v6;
	[tilespmem:s17+$0x90] =	vst v16  }
0x30b: {  	v5 =	vadd.f32 v5, v8;
	v7 =	vbroadcast v7, $0x0;
	[tilespmem:s17+$0xD0] =	vst v4;
	v4 =	vsub.f32 v12, v17  }
0x30c: {  	v8 =	vmov s22;
	v10 =	vmov s24;
	[tilespmem:s17+$0xE0] =	vst v6;
	v6 =	vadd.f32 v9, v18  }
0x30d: {  	v8 =	vand.u32 $0xFFFFFFFD, v8;
	v10 =	vand.u32 $0xFFFFFFFE, v10;
	v9 =	vld [tilespmem:s19+$0xFFFFFF60];
	[tilespmem:s17+$0xC0] =	vst v5  }
0x30e: {  	v5 =	vld [tilespmem:s19+$0xFFFFFF70];
	[tilespmem:s17+$0xF0] =	vst v6  }
0x30f: {  	v6 =	vld [tilespmem:s19+$0xFFFFFF40];
	[tilespmem:s17+$0xB0] =	vst v4  }
0x310: {  	v4 =	vld [tilespmem:s19+$0xFFFFFF00];
	[tilespmem:s17+$0xA0] =	vst v13;
	s17 =	smov.u32 s19  }
0x311: {  	v11 =	vld.idx.msk [tilespmem:v7+s25+$0x0], $0xffff  }
0x312: {  	v7 =	vld.idx.msk [tilespmem:v7+s26+$0x0], $0xffff  }
0x313: {  	v12 =	vld [tilespmem:s19+$0xFFFFFF20]  }
0x314: {  	v13 =	vld [tilespmem:s19+$0xFFFFFF50]  }
0x315: {  	v14 =	vld [tilespmem:s19+$0xFFFFFF30]  }
0x316: {  	v15 =	vld [tilespmem:s19+$0xFFFFFF10]  }
0x317: {  	v16 =	vmul.f32 v4, v11;
	v17 =	vmul.f32 v6, v11  }
0x318: {  	v6 =	vmul.f32 v6, v7;
	v18 =	vmul.f32 v12, v11  }
0x319: {  	v19 =	vmul.f32 v13, v7;
	v13 =	vmul.f32 v13, v11  }
0x31a: {  	v20 =	vmul.f32 v5, v7;
	v6 =	vsub.f32 v16, v6;
	v16 =	vmul.f32 v14, v11  }
0x31b: {  	v22 =	vmul.f32 v9, v11;
	v21 =	vmul.f32 v15, v11  }
0x31c: {  	v4 =	vmul.f32 v4, v7;
	[tilespmem:s19+$0xFFFFFF00] =	vst v6;
	v6 =	vmul.f32 v15, v7;
	v15 =	vsub.f32 v16, v20  }
0x31d: {  	v9 =	vmul.f32 v9, v7;
	v12 =	vmul.f32 v12, v7;
	v16 =	vsub.f32 v21, v19  }
0x31e: {  	v5 =	vmul.f32 v5, v11;
	v4 =	vadd.f32 v17, v4;
	v7 =	vmul.f32 v14, v7;
	[tilespmem:s19+$0xFFFFFF30] =	vst v15  }
0x31f: {  	v8 =	vbroadcast v8, $0x0;
	v9 =	vsub.f32 v18, v9;
	v11 =	vadd.f32 v22, v12;
	[tilespmem:s19+$0xFFFFFF10] =	vst v16  }
0x320: {  	v5 =	vadd.f32 v5, v7;
	[tilespmem:s19+$0xFFFFFF40] =	vst v4;
	v4 =	vadd.f32 v13, v6  }
0x321: {  	[tilespmem:s19+$0xFFFFFF20] =	vst v9;
	v6 =	vld [tilespmem:s19+$0xFFFFFFE0]  }
0x322: {  	[tilespmem:s19+$0xFFFFFF50] =	vst v4;
	v4 =	vld [tilespmem:s19+$0xFFFFFFA0]  }
0x323: {  	[tilespmem:s19+$0xFFFFFF60] =	vst v11;
	v7 =	vld [tilespmem:s19+$0xFFFFFFD0]  }
0x324: {  	[tilespmem:s19+$0xFFFFFF70] =	vst v5;
	v5 =	vld [tilespmem:s19+$0xFFFFFFF0]  }
0x325: {  	v9 =	vld.idx.msk [tilespmem:v8+s25+$0x0], $0xffff  }
0x326: {  	v11 =	vld [tilespmem:s19+$0xFFFFFFC0]  }
0x327: {  	v8 =	vld.idx.msk [tilespmem:v8+s26+$0x0], $0xffff  }
0x328: {  	v12 =	vld [tilespmem:s19+$0xFFFFFF80]  }
0x329: {  	v13 =	vld [tilespmem:s19+$0xFFFFFF90];
	_ =	sdelay $0x1  }
0x32a: {  	v15 =	vmul.f32 v5, v9;
	v14 =	vmul.f32 v11, v9  }
0x32b: {  	v16 =	vmul.f32 v7, v9;
	v17 =	vmul.f32 v4, v9;
	v18 =	vld [tilespmem:s19+$0xFFFFFFB0]  }
0x32c: {  	v19 =	vmul.f32 v12, v9;
	v12 =	vmul.f32 v12, v8  }
0x32d: {  	v21 =	vmul.f32 v6, v8;
	v20 =	vmul.f32 v13, v8  }
0x32e: {  	v7 =	vmul.f32 v7, v8;
	v6 =	vmul.f32 v6, v9;
	v12 =	vadd.f32 v14, v12  }
0x32f: {  	v11 =	vmul.f32 v11, v8;
	v4 =	vmul.f32 v4, v8;
	v14 =	vadd.f32 v16, v20  }
0x330: {  	v5 =	vmul.f32 v5, v8;
	[tilespmem:s19+$0xFFFFFFC0] =	vst v12;
	v12 =	vmul.f32 v18, v9  }
0x331: {  	v4 =	vadd.f32 v6, v4;
	v11 =	vsub.f32 v19, v11;
	v6 =	vmul.f32 v18, v8;
	[tilespmem:s19+$0xFFFFFFD0] =	vst v14  }
0x332: {  	v8 =	vmul.f32 v13, v9;
	v9 =	vsub.f32 v17, v21;
	v5 =	vsub.f32 v12, v5  }
0x333: {  	v10 =	vbroadcast v10, $0x0;
	[tilespmem:s19+$0xFFFFFFE0] =	vst v4;
	v4 =	vadd.f32 v15, v6  }
0x334: {  	v6 =	vsub.f32 v8, v7;
	[tilespmem:s19+$0xFFFFFF80] =	vst v11  }
0x335: {  	[tilespmem:s19+$0xFFFFFFF0] =	vst v4  }
.Ltmp6:
0x336: {  	[tilespmem:s19+$0xFFFFFF90] =	vst v6;
	(pc) =	sbr.rel @p1 .LBB2_16-.Ltmp6, $4  }
0x337: {  	[tilespmem:s19+$0xFFFFFFB0] =	vst v5;
	v7 =	vld [tilespmem:s19+$0x0]  }
0x338: {  	[tilespmem:s19+$0xFFFFFFA0] =	vst v9;
	v6 =	vld [tilespmem:s19+$0x20]  }
0x339: {  	v4 =	vld.idx.msk [tilespmem:v10+s25+$0x0], $0xffff  }
0x33a: {  	v5 =	vld.idx.msk [tilespmem:v10+s26+$0x0], $0xffff  }
0x33b: {  	_ =	sdelay $0x1  }
0x33c: {  	v8 =	vld [tilespmem:s17+$0x70]  }
0x33d: {  	v9 =	vld [tilespmem:s17+$0x30];
	v11 =	vmul.f32 v7, v4  }
0x33e: {  	v10 =	vld [tilespmem:s17+$0x10];
	v13 =	vmul.f32 v6, v4;
	v14 =	vmul.f32 v3, v5  }
0x33f: {  	v12 =	vld [tilespmem:s17+$0x50];
	v34 =	vmul.f32 v7, v5;
	v3 =	vmul.f32 v3, v4  }
0x340: {  	v16 =	vmul.f32 v2, v4;
	v2 =	vmul.f32 v2, v5;
	v11 =	vsub.f32 v11, v14  }
0x341: {  	v36 =	vmul.f32 v6, v5;
	v35 =	vmul.f32 v8, v5;
	v3 =	vadd.f32 v3, v34  }
0x342: {  	v15 =	vmul.f32 v9, v4;
	v37 =	vmul.f32 v9, v5;
	v2 =	vsub.f32 v13, v2;
	[tilespmem:s17+$0x0] =	vst v11  }
0x343: {  	v8 =	vmul.f32 v8, v4;
	v39 =	vmul.f32 v10, v4;
	[tilespmem:s17+$0x40] =	vst v3;
	v3 =	vadd.f32 v16, v36  }
0x344: {  	v40 =	vmul.f32 v12, v5;
	v41 =	vmul.f32 v10, v5;
	v38 =	vsub.f32 v15, v35;
	[tilespmem:s17+$0x20] =	vst v2  }
0x345: {  	v42 =	vmul.f32 v12, v4;
	v7 =	vadd.f32 v8, v37;
	[tilespmem:s17+$0x60] =	vst v3;
	v3 =	vmov s2  }
0x346: {  	v44 =	vsub.f32 v39, v40;
	[tilespmem:s17+$0x30] =	vst v38  }
0x347: {  	v43 =	vld [tilespmem:s17+$0x80];
	v4 =	vadd.f32 v42, v41;
	[tilespmem:s17+$0x70] =	vst v7  }
0x348: {  	v45 =	vld [tilespmem:s17+$0xD0];
	[tilespmem:s17+$0x10] =	vst v44  }
0x349: {  	v46 =	vld [tilespmem:s17+$0xC0];
	[tilespmem:s17+$0x50] =	vst v4  }
0x34a: {  	v2 =	vld.idx.msk [tilespmem:v3+s25+$0x0], $0xffff  }
0x34b: {  	v3 =	vld.idx.msk [tilespmem:v3+s26+$0x0], $0xffff  }
0x34c: {  	v47 =	vld [tilespmem:s17+$0x90]  }
0x34d: {  	v48 =	vld [tilespmem:s17+$0xA0]  }
0x34e: {  	v49 =	vld [tilespmem:s17+$0xE0]  }
0x34f: {  	v50 =	vld [tilespmem:s17+$0xF0]  }
0x350: {  	v51 =	vld [tilespmem:s17+$0xB0];
	v52 =	vmul.f32 v43, v2;
	v53 =	vmul.f32 v46, v3  }
0x351: {  	v54 =	vmul.f32 v47, v2;
	v55 =	vmul.f32 v45, v3  }
0x352: {  	v5 =	vmul.f32 v45, v2;
	v6 =	vmul.f32 v47, v3;
	v12 =	vsub.f32 v52, v53  }
0x353: {  	v57 =	vmul.f32 v49, v2;
	v58 =	vmul.f32 v48, v3;
	v56 =	vsub.f32 v54, v55  }
0x354: {  	v8 =	vmul.f32 v43, v3;
	v4 =	vmul.f32 v46, v2;
	v5 =	vadd.f32 v5, v6;
	[tilespmem:s17+$0x80] =	vst v12  }
0x355: {  	v59 =	vmul.f32 v51, v3;
	v61 =	vmul.f32 v50, v2;
	v60 =	vadd.f32 v57, v58;
	[tilespmem:s17+$0x90] =	vst v56  }
0x356: {  	v10 =	vmul.f32 v50, v3;
	v11 =	vmul.f32 v51, v2;
	v4 =	vadd.f32 v4, v8;
	[tilespmem:s17+$0xD0] =	vst v5  }
0x357: {  	v2 =	vmul.f32 v48, v2;
	v3 =	vmul.f32 v49, v3;
	v62 =	vadd.f32 v61, v59;
	[tilespmem:s17+$0xE0] =	vst v60  }
0x358: {  	v63 =	vsub.f32 v11, v10;
	[tilespmem:s17+$0xC0] =	vst v4  }
0x359: {  	v2 =	vsub.f32 v2, v3;
	[tilespmem:s17+$0xF0] =	vst v62  }
0x35a: {  	[tilespmem:s17+$0xB0] =	vst v63  }
0x35b: {  	s4 =	simm.s32 @!p0 $0x60;
	s9 =	simm.s32 @!p0 $0x18800;
	s2 =	sadd.s32 @!p0 $0x141E0, s18;
	[tilespmem:s17+$0xA0] =	vst v2  }
0x35c: {  	[tilespmem:s9], [sflag:$0x2] =	stream.indirect.gather @!p0 [hbm4b:s8+s4], $0x80, s2, s4, $0xb8;
	[tilespmem:$0x1E800] =	vst v63  }
0x35d: {  	s9 =	simm.s32 $0xF3;
	s2 =	simm.s32 $0x1D1F0  }
.LBB2_18:
0x35e: {  	s17 =	sadd.s32 s9, s13  }
0x35f: {  	s4 =	sadd.s32 $0xFFFFFFFD, s17  }
0x360: {  	v2 =	vmov s4  }
0x361: {  	v2 =	vand.u32 $0xFFFFFFFC, v2  }
0x362: {  	v2 =	vbroadcast v2, $0x0;
	_ =	sdelay $0x3  }
0x363: {  	v4 =	vld [tilespmem:s2+$0xFFFFFE10]  }
0x364: {  	v5 =	vld [tilespmem:s2+$0xFFFFFE50]  }
0x365: {  	v3 =	vld.idx.msk [tilespmem:v2+s25+$0x0], $0xffff  }
0x366: {  	v2 =	vld.idx.msk [tilespmem:v2+s26+$0x0], $0xffff  }
0x367: {  	v52 =	vld [tilespmem:s2+$0xFFFFFE20]  }
0x368: {  	v53 =	vld [tilespmem:s2+$0xFFFFFE60]  }
0x369: {  	v56 =	vld [tilespmem:s2+$0xFFFFFE30]  }
0x36a: {  	v57 =	vld [tilespmem:s2+$0xFFFFFE70]  }
0x36b: {  	v6 =	vmul.f32 v4, v3;
	v7 =	vmul.f32 v5, v2  }
0x36c: {  	v5 =	vmul.f32 v5, v3;
	v4 =	vmul.f32 v4, v2  }
0x36d: {  	v60 =	vld [tilespmem:s2+$0xFFFFFE40];
	v54 =	vmul.f32 v52, v3;
	v55 =	vmul.f32 v53, v2;
	v6 =	vsub.f32 v6, v7  }
0x36e: {  	v61 =	vld [tilespmem:s2+$0xFFFFFE80];
	v4 =	vadd.f32 v5, v4  }
0x36f: {  	v58 =	vmul.f32 v56, v3;
	v59 =	vmul.f32 v57, v2;
	[tilespmem:s2+$0xFFFFFE10] =	vst v6;
	v6 =	vsub.f32 v54, v55  }
0x370: {  	v5 =	vmul.f32 v53, v3;
	[tilespmem:s2+$0xFFFFFE50] =	vst v4;
	v4 =	vmul.f32 v52, v2  }
0x371: {  	s22 =	sadd.s32 $0xFFFFFFFE, s17;
	[tilespmem:s2+$0xFFFFFE20] =	vst v6;
	v6 =	vsub.f32 v58, v59  }
0x372: {  	v62 =	vmov s22;
	v63 =	vmul.f32 v60, v3;
	v4 =	vadd.f32 v5, v4  }
0x373: {  	v8 =	vmul.f32 v61, v2;
	v5 =	vmul.f32 v57, v3;
	[tilespmem:s2+$0xFFFFFE30] =	vst v6;
	v6 =	vand.u32 $0xFFFFFFFD, v62  }
0x374: {  	[tilespmem:s2+$0xFFFFFE60] =	vst v4;
	v4 =	vmul.f32 v56, v2;
	v6 =	vbroadcast v6, $0x0  }
0x375: {  	v10 =	vsub.f32 v63, v8;
	v3 =	vmul.f32 v61, v3;
	v2 =	vmul.f32 v60, v2  }
0x376: {  	v4 =	vadd.f32 v5, v4  }
0x377: {  	[tilespmem:s2+$0xFFFFFE40] =	vst v10;
	v2 =	vadd.f32 v3, v2  }
0x378: {  	v11 =	vld [tilespmem:s2+$0xFFFFFE90];
	[tilespmem:s2+$0xFFFFFE70] =	vst v4  }
0x379: {  	v12 =	vld [tilespmem:s2+$0xFFFFFED0];
	[tilespmem:s2+$0xFFFFFE80] =	vst v2  }
0x37a: {  	v2 =	vld.idx.msk [tilespmem:v6+s25+$0x0], $0xffff  }
0x37b: {  	v3 =	vld.idx.msk [tilespmem:v6+s26+$0x0], $0xffff  }
0x37c: {  	v15 =	vld [tilespmem:s2+$0xFFFFFEA0]  }
0x37d: {  	v16 =	vld [tilespmem:s2+$0xFFFFFEE0]  }
0x37e: {  	v19 =	vld [tilespmem:s2+$0xFFFFFEB0]  }
0x37f: {  	v20 =	vld [tilespmem:s2+$0xFFFFFEF0]  }
0x380: {  	v13 =	vmul.f32 v11, v2;
	v14 =	vmul.f32 v12, v3  }
0x381: {  	v5 =	vmul.f32 v12, v2;
	v4 =	vmul.f32 v11, v3  }
0x382: {  	v23 =	vld [tilespmem:s2+$0xFFFFFEC0];
	v17 =	vmul.f32 v15, v2;
	v18 =	vmul.f32 v16, v3;
	v6 =	vsub.f32 v13, v14  }
0x383: {  	v24 =	vld [tilespmem:s2+$0xFFFFFF00];
	v4 =	vadd.f32 v5, v4  }
0x384: {  	v21 =	vmul.f32 v19, v2;
	v22 =	vmul.f32 v20, v3;
	[tilespmem:s2+$0xFFFFFE90] =	vst v6;
	v6 =	vsub.f32 v17, v18  }
0x385: {  	v5 =	vmul.f32 v16, v2;
	[tilespmem:s2+$0xFFFFFED0] =	vst v4;
	v4 =	vmul.f32 v15, v3  }
0x386: {  	s24 =	sadd.s32 $0xFFFFFFFF, s17;
	[tilespmem:s2+$0xFFFFFEA0] =	vst v6;
	v6 =	vsub.f32 v21, v22  }
0x387: {  	v25 =	vmov s24;
	v26 =	vmul.f32 v23, v2;
	v4 =	vadd.f32 v5, v4  }
0x388: {  	v27 =	vmul.f32 v24, v3;
	v5 =	vmul.f32 v20, v2;
	[tilespmem:s2+$0xFFFFFEB0] =	vst v6;
	v6 =	vand.u32 $0xFFFFFFFE, v25  }
0x389: {  	[tilespmem:s2+$0xFFFFFEE0] =	vst v4;
	v4 =	vmul.f32 v19, v3;
	v6 =	vbroadcast v6, $0x0  }
0x38a: {  	v28 =	vsub.f32 v26, v27;
	v2 =	vmul.f32 v24, v2;
	v3 =	vmul.f32 v23, v3  }
0x38b: {  	v4 =	vadd.f32 v5, v4  }
0x38c: {  	[tilespmem:s2+$0xFFFFFEC0] =	vst v28;
	v2 =	vadd.f32 v2, v3  }
0x38d: {  	v29 =	vld [tilespmem:s2+$0xFFFFFF10];
	[tilespmem:s2+$0xFFFFFEF0] =	vst v4  }
0x38e: {  	v30 =	vld [tilespmem:s2+$0xFFFFFF50];
	[tilespmem:s2+$0xFFFFFF00] =	vst v2  }
0x38f: {  	v2 =	vld.idx.msk [tilespmem:v6+s25+$0x0], $0xffff  }
0x390: {  	v3 =	vld.idx.msk [tilespmem:v6+s26+$0x0], $0xffff;
	_ =	sdelay $0x1  }
0x391: {  	v33 =	vld [tilespmem:s2+$0xFFFFFF20]  }
0x392: {  	v34 =	vld [tilespmem:s2+$0xFFFFFF60]  }
0x393: {  	v37 =	vld [tilespmem:s2+$0xFFFFFF30]  }
0x394: {  	v41 =	vld [tilespmem:s2+$0xFFFFFF40];
	v5 =	vmul.f32 v30, v2;
	v4 =	vmul.f32 v29, v3  }
0x395: {  	v42 =	vld [tilespmem:s2+$0xFFFFFF80]  }
0x396: {  	v38 =	vld [tilespmem:s2+$0xFFFFFF70];
	v4 =	vadd.f32 v5, v4  }
0x397: {  	v31 =	vmul.f32 v29, v2;
	v32 =	vmul.f32 v30, v3  }
0x398: {  	v45 =	vmov s17;
	v5 =	vmul.f32 v34, v2;
	[tilespmem:s2+$0xFFFFFF50] =	vst v4;
	v4 =	vmul.f32 v33, v3  }
0x399: {  	v35 =	vmul.f32 v33, v2;
	v36 =	vmul.f32 v34, v3;
	v6 =	vsub.f32 v31, v32  }
0x39a: {  	v43 =	vmul.f32 v41, v2;
	v44 =	vmul.f32 v42, v3;
	v4 =	vadd.f32 v5, v4  }
0x39b: {  	v39 =	vmul.f32 v37, v2;
	v40 =	vmul.f32 v38, v3;
	[tilespmem:s2+$0xFFFFFF10] =	vst v6;
	v6 =	vsub.f32 v35, v36  }
0x39c: {  	v46 =	vsub.f32 v43, v44;
	v5 =	vmul.f32 v38, v2;
	[tilespmem:s2+$0xFFFFFF60] =	vst v4;
	v4 =	vmul.f32 v37, v3  }
0x39d: {  	[tilespmem:s2+$0xFFFFFF20] =	vst v6;
	v6 =	vsub.f32 v39, v40;
	v2 =	vmul.f32 v42, v2;
	v3 =	vmul.f32 v41, v3  }
0x39e: {  	[tilespmem:s2+$0xFFFFFF40] =	vst v46;
	v4 =	vadd.f32 v5, v4  }
0x39f: {  	[tilespmem:s2+$0xFFFFFF30] =	vst v6;
	v2 =	vadd.f32 v2, v3  }
0x3a0: {  	v47 =	vld [tilespmem:s2+$0xFFFFFF90];
	[tilespmem:s2+$0xFFFFFF70] =	vst v4  }
0x3a1: {  	v48 =	vld [tilespmem:s2+$0xFFFFFFD0];
	[tilespmem:s2+$0xFFFFFF80] =	vst v2  }
0x3a2: {  	v2 =	vld.idx.msk [tilespmem:v45+s25+$0x0], $0xffff  }
0x3a3: {  	v3 =	vld.idx.msk [tilespmem:v45+s26+$0x0], $0xffff;
	_ =	sdelay $0x1  }
0x3a4: {  	v51 =	vld [tilespmem:s2+$0xFFFFFFA0]  }
0x3a5: {  	v52 =	vld [tilespmem:s2+$0xFFFFFFE0]  }
0x3a6: {  	v55 =	vld [tilespmem:s2+$0xFFFFFFB0]  }
0x3a7: {  	v59 =	vld [tilespmem:s2+$0xFFFFFFC0];
	v5 =	vmul.f32 v48, v2;
	v4 =	vmul.f32 v47, v3  }
0x3a8: {  	v60 =	vld [tilespmem:s2+$0x0]  }
0x3a9: {  	v56 =	vld [tilespmem:s2+$0xFFFFFFF0];
	v4 =	vadd.f32 v5, v4  }
0x3aa: {  	v49 =	vmul.f32 v47, v2;
	v50 =	vmul.f32 v48, v3  }
0x3ab: {  	v5 =	vmul.f32 v52, v2;
	[tilespmem:s2+$0xFFFFFFD0] =	vst v4;
	v4 =	vmul.f32 v51, v3  }
0x3ac: {  	v53 =	vmul.f32 v51, v2;
	v54 =	vmul.f32 v52, v3;
	v6 =	vsub.f32 v49, v50  }
0x3ad: {  	v61 =	vmul.f32 v59, v2;
	v62 =	vmul.f32 v60, v3;
	v4 =	vadd.f32 v5, v4  }
0x3ae: {  	s29 =	sadd.s32 $0xFFFFFF3D, s9;
	v57 =	vmul.f32 v55, v2;
	v58 =	vmul.f32 v56, v3;
	[tilespmem:s2+$0xFFFFFF90] =	vst v6;
	v6 =	vsub.f32 v53, v54  }
0x3af: {  	p0 =	slt.u32 s29, $0x5C;
	v63 =	vsub.f32 v61, v62;
	v5 =	vmul.f32 v56, v2;
	[tilespmem:s2+$0xFFFFFFE0] =	vst v4;
	v4 =	vmul.f32 v55, v3  }
.Ltmp7:
0x3b0: {  	[tilespmem:s2+$0xFFFFFFA0] =	vst v6;
	v6 =	vsub.f32 v57, v58;
	v2 =	vmul.f32 v60, v2;
	v3 =	vmul.f32 v59, v3;
	(pc) =	sbr.rel @p0 .LBB2_18-.Ltmp7, $4  }
0x3b1: {  	[tilespmem:s2+$0xFFFFFFC0] =	vst v63;
	v4 =	vadd.f32 v5, v4  }
0x3b2: {  	[tilespmem:s2+$0xFFFFFFB0] =	vst v6;
	v2 =	vadd.f32 v2, v3  }
0x3b3: {  	[tilespmem:s2+$0xFFFFFFF0] =	vst v4  }
0x3b4: {  	s9 =	sadd.s32 $0x4, s9;
	[tilespmem:s2+$0x0] =	vst v2;
	s2 =	sadd.s32 $0x200, s2  }
0x3b5: {  	s14 =	sadd.s32 $0x1, s14  }
0x3b6: {  	p0 =	sne.s32 s14, $0x7  }
.Ltmp8:
0x3b7: {  	s2 =	sadd.s32 $0x13880, s15;
	(pc) =	sbr.rel @p0 .LBB2_7-.Ltmp8, $4  }
0x3b8: {  	[spmem:s1] =	stream.indirect.scatter.add.f32 [tilespmem:s0], [sflag:$0x4], $0x80, s2, s28, $0xb8;
	[tilespmem:$0x1E800] =	vst v63  }
0x3b9: {  	_ =	swait.ge [sflag:s21], $0x3000  }
0x3ba: {  	[sflag:s21] =	ssyncset.done $0x0  }
0x3bb: {  	s13 =	sadd.s32 $0x120, s13;
	[sflag:s21] =	ssyncadd.s32 $0xFFFFD000  }
0x3bc: {  	s12 =	sadd.s32 $0x1, s12  }
0x3bd: {  	p0 =	sne.s32 s12, $0xA  }
.Ltmp9:
0x3be: {  	_ = 	snop;
	(pc) =	sbr.rel @p0 .LBB2_4-.Ltmp9, $1  }
0x3bf: {  	_ =	sdelay $0x3  }
0x3c0: {  	s2 =	stileid.u32;
	[bflag:$0x0] =	sbarrier.arrive $0xFFFF  }
0x3c1: {  	s11 =	simm.s32 $0x10;
	s2 =	sshll.u32 s2, $0x6;
	s12 =	rddreg [dreg:$0x6]  }
0x3c2: {  	s9 =	rddreg [dreg:$0xd];
	s2 =	sor.u32 $0x1C04, s2;
	s4 =	sshrl.u32 s12, $0x3  }
0x3c3: {  	[hbm:s9@s11], [sflag:s2] =	dma.strided [spmem:s4@s11], $0x1388, s31, $0x8   }
0x3c4: {  	_ =	swait.ge [sflag:s21], $0x1388  }
0x3c5: {  	[sflag:s21] =	ssyncset.done $0x0;
	s19 =	rddreg [dreg:$0xe]  }
0x3c6: {  	s22 =	rddreg [dreg:$0x10];
	[sflag:s21] =	ssyncadd.s32 $0xFFFFEC78  }
0x3c7: {  	[hbm:s19@s11], [sflag:s2] =	dma.strided [spmem:s22@s11], $0x1388, s31, $0x8   }
0x3c8: {  	_ =	swait.ge [sflag:s21], $0x1388  }
0x3c9: {  	s24 =	rddreg [dreg:$0x4]  }
0x3ca: {  	s29 =	rddreg [dreg:$0xf];
	s4 =	sadd.s32 $0x1, s24  }
0x3cb: {  	p0 =	sne.s32 s4, s29  }
.Ltmp10:
0x3cc: {  	_ = 	snop;
	(pc) =	sbr.rel @p0 .LBB2_1-.Ltmp10, $3  }
0x3cd: {  	_ =	sdelay $0x1  }
0x3ce: {  	[sflag:s21] =	ssyncset.done $0x0  }
0x3cf: {  	[sflag:s21] =	ssyncadd.s32 $0xFFFFEC78  }
0x3d0: {  	_ =	sfence.sel $0x180000  }
0x3d1: {  	[bflag:$0x0] =	sbarrier.arrive $0xFFFF  }
0x3d2: {  	_ =	strace $0x90000047  }
0x3d3: {  	s0 =	stileid.u32;
	[bflag:$0x2] =	sbarrier.arrive $0xFFFF  }
0x3d4: {  	p0 =	sne.s32 s0, $0x0;
	s0 =	rddreg [dreg:$0x3]  }
0x3d5: {  	s0 =	sadd.s32 @!p0 $0x100000, s0  }
0x3d6: {  	[sflag:s0] =	ssyncadd.tile.s32 @!p0 $0x1;
	_ =	shalt  }
.Lfunc_end2:
_tile_overlayer_lowered:
.L_overlay_start_2:
0x3d7: {  	(tag) =	ssettag $0x2  }
0x3d8: {  	s0 =	rddreg [dreg:$0x0];
	s2 =	stileid.u32  }
0x3d9: {  	s1 =	rddreg [dreg:$0x1];
	p0 =	sne.s32 s2, $0x0  }
0x3da: {  	s3 =	rddreg [dreg:$0x2];
	[bflag:$0x3] =	sbarrier.arrive $0xFFFF;
	s2 =	simm.s32 @!p0 $0x1C04  }
0x3db: {  	[timem:s3], [sflag:s2] =	dma.local @!p0 [hbm:s0], s1  }
0x3dc: {  	s0 =	simm.s32 @!p0 $0x4  }
0x3dd: {  	_ =	swait.ge @!p0 [sflag:s0], s1  }
0x3de: {  	s1 =	ssub.s32 @!p0 $0x0, s1;
	[sflag:s0] =	ssyncset.done @!p0 $0x0  }
0x3df: {  	[sflag:s0] =	ssyncadd.s32 @!p0 s1  }
0x3e0: {  	[bflag:$0x3] =	sbarrier.arrive $0xFFFF  }
0x3e1: {  	_ =	shalt  }

</sc_bundles>
